<compile_context>
chip_gen: v7x
topology: tpu7x:2x2x1
jax: 0.10.2.dev20260603
libtpu: 0.0.44.dev20260713+nightly
codegen_flags: <defaults>
</compile_context>

<pallas_src>
import jax
import jax.numpy as jnp
from jax import lax
from jax.experimental import pallas as pl
from jax.experimental.pallas import tpu as pltpu
from jax.experimental.pallas import tpu_sc as plsc

N = 10000
E = 320000
IN_DIM = 128
HID = 256
OUT = 256
HALF = 128

CHUNK = 125
NCHUNK = E // CHUNK
CPT = NCHUNK // 16
SB = CPT // 8
IBLK = 32

_mesh = plsc.VectorSubcoreMesh(core_axis_name="c", subcore_axis_name="s")


def _fill(ref, nrows, value):
    v = jnp.full((16,), value, dtype=jnp.float32)
    cols = ref.shape[1] // 16

    def body(j, _):
        r = j // cols
        c = j % cols
        ref[r, pl.ds(c * 16, 16)] = v
        return 0

    lax.fori_loop(0, nrows * cols, body, 0)


def _tile_rows(sid):
    return sid * 624


def _deg_body(edges_d, out_deg, edbuf, buf, dacc, isem, ssem):
    cid = lax.axis_index("c")
    sid = lax.axis_index("s")
    base = _tile_rows(sid)
    cbase = sid * CPT

    pltpu.async_copy(edges_d.at[pl.ds(cbase, CPT)], edbuf, isem)
    _fill(buf, CHUNK, 0.0)
    for k in range(5):
        pltpu.sync_copy(buf.at[pl.ds(0, 120)], dacc.at[pl.ds(base + 120 * k, 120)])

    @pl.when(sid < 15)
    def _():
        pltpu.sync_copy(buf.at[pl.ds(0, 24)], dacc.at[pl.ds(base + 600, 24)])

    @pl.when(sid == 15)
    def _():
        pltpu.sync_copy(buf.at[pl.ds(0, 40)], dacc.at[pl.ds(base + 600, 40)])

    _fill(buf, CHUNK, 1.0)
    pltpu.make_async_copy(edges_d.at[pl.ds(cbase, CPT)], edbuf, isem).wait()
    plsc.subcore_barrier()

    def body(b, _):
        for j in range(8):
            pltpu.async_copy(buf, dacc.at[edbuf.at[b * 8 + j]], ssem, add=True)
        for j in range(8):
            pltpu.make_async_copy(buf, dacc.at[edbuf.at[0]], ssem).wait()
        return 0

    lax.fori_loop(0, SB, body, 0)
    plsc.subcore_barrier()

    @pl.when(cid == 0)
    def _():
        for k in range(5):
            pltpu.sync_copy(dacc.at[pl.ds(base + 120 * k, 120)],
                            out_deg.at[pl.ds(base + 120 * k, 120)])

        @pl.when(sid < 15)
        def _():
            pltpu.sync_copy(dacc.at[pl.ds(base + 600, 24)],
                            out_deg.at[pl.ds(base + 600, 24)])

        @pl.when(sid == 15)
        def _():
            pltpu.sync_copy(dacc.at[pl.ds(base + 600, 40)],
                            out_deg.at[pl.ds(base + 600, 40)])


_deg_call = pl.kernel(
    _deg_body,
    out_type=jax.ShapeDtypeStruct((N, 16), jnp.float32),
    mesh=_mesh,
    scratch_types=[
        pltpu.VMEM((CPT, CHUNK), jnp.int32),
        pltpu.VMEM((CHUNK, 16), jnp.float32),
        pltpu.VMEM_SHARED((N, 16), jnp.float32),
        pltpu.SemaphoreType.DMA,
        pltpu.SemaphoreType.DMA,
    ],
)


def _agg_body(edges_s, edges_d, gs_lo, gs_hi, out_lo, out_hi,
              esbuf, edbuf, rows0, rows1, acc,
              gsem0, gsem1, ssem0, ssem1):
    cid = lax.axis_index("c")
    sid = lax.axis_index("s")
    base = _tile_rows(sid)
    cbase = sid * CPT

    def run(gs_ref, out_ref):
        _fill(rows0, CHUNK, 0.0)
        for k in range(5):
            pltpu.sync_copy(rows0.at[pl.ds(0, 120)],
                            acc.at[pl.ds(base + 120 * k, 120)])

        @pl.when(sid < 15)
        def _():
            pltpu.sync_copy(rows0.at[pl.ds(0, 24)], acc.at[pl.ds(base + 600, 24)])

        @pl.when(sid == 15)
        def _():
            pltpu.sync_copy(rows0.at[pl.ds(0, 40)], acc.at[pl.ds(base + 600, 40)])

        plsc.subcore_barrier()

        rows = (rows0, rows1)
        gsem = (gsem0, gsem1)
        ssem = (ssem0, ssem1)

        def g_start(j, b):
            pltpu.async_copy(gs_ref.at[esbuf.at[j]], rows[b], gsem[b])

        def g_wait(b):
            pltpu.make_async_copy(gs_ref.at[esbuf.at[0]], rows[b], gsem[b]).wait()

        def s_start(j, b):
            pltpu.async_copy(rows[b], acc.at[edbuf.at[j]], ssem[b], add=True)

        def s_wait(b):
            pltpu.make_async_copy(rows[b], acc.at[edbuf.at[0]], ssem[b]).wait()

        def blk(bi, _):
            pltpu.sync_copy(edges_s.at[pl.ds(cbase + IBLK * bi, IBLK)], esbuf)
            pltpu.sync_copy(edges_d.at[pl.ds(cbase + IBLK * bi, IBLK)], edbuf)
            g_start(0, 0)
            g_start(1, 1)
            g_wait(0)
            s_start(0, 0)

            def body(i, _):
                j = 2 * i
                s_wait(0)
                g_start(j, 0)
                g_wait(1)
                s_start(j - 1, 1)
                s_wait(1)
                g_start(j + 1, 1)
                g_wait(0)
                s_start(j, 0)
                return 0

            lax.fori_loop(1, IBLK // 2, body, 0)
            g_wait(1)
            s_start(IBLK - 1, 1)
            s_wait(0)
            s_wait(1)
            return 0

        lax.fori_loop(0, CPT // IBLK, blk, 0)
        plsc.subcore_barrier()

        for k in range(5):
            pltpu.sync_copy(acc.at[pl.ds(base + 120 * k, 120)],
                            out_ref.at[pl.ds(base + 120 * k, 120)])

        @pl.when(sid < 15)
        def _():
            pltpu.sync_copy(acc.at[pl.ds(base + 600, 24)],
                            out_ref.at[pl.ds(base + 600, 24)])

        @pl.when(sid == 15)
        def _():
            pltpu.sync_copy(acc.at[pl.ds(base + 600, 40)],
                            out_ref.at[pl.ds(base + 600, 40)])

    @pl.when(cid == 0)
    def _():
        run(gs_lo, out_lo)

    @pl.when(cid == 1)
    def _():
        run(gs_hi, out_hi)


_agg_call = pl.kernel(
    _agg_body,
    out_type=[jax.ShapeDtypeStruct((N, HALF), jnp.float32),
              jax.ShapeDtypeStruct((N, HALF), jnp.float32)],
    mesh=_mesh,
    scratch_types=[
        pltpu.VMEM((IBLK, CHUNK), jnp.int32),
        pltpu.VMEM((IBLK, CHUNK), jnp.int32),
        pltpu.VMEM((CHUNK, HALF), jnp.float32),
        pltpu.VMEM((CHUNK, HALF), jnp.float32),
        pltpu.VMEM_SHARED((N, HALF), jnp.float32),
        pltpu.SemaphoreType.DMA,
        pltpu.SemaphoreType.DMA,
        pltpu.SemaphoreType.DMA,
        pltpu.SemaphoreType.DMA,
    ],
)


BM = 2000


def _stage_b1_body(x_ref, w1t, b1, a_ref, w2t, g1_ref):
    a = a_ref[0]
    h0 = jnp.dot(x_ref[...], w1t[...], preferred_element_type=jnp.float32)
    h0 = h0 + b1[...]
    h0 = jnp.where(h0 >= 0, h0, a * h0)
    g1_ref[...] = jnp.dot(h0, w2t[...], preferred_element_type=jnp.float32)


def _stage_b2_body(g1_ref, deg_ref, lo_ref, hi_ref):
    dinv = lax.rsqrt(deg_ref[:, 0:1] + 1.0)
    gs = g1_ref[...] * dinv
    lo_ref[...] = gs[:, :HALF]
    hi_ref[...] = gs[:, HALF:]


def _stage_d_body(lo_in, hi_in, g_in, b_ref, a_ref, wt, deg_ref,
                  g2_ref, lo_ref, hi_ref):
    a = a_ref[0]
    dinv = lax.rsqrt(deg_ref[:, 0:1] + 1.0)
    scat = jnp.concatenate([lo_in[...], hi_in[...]], axis=1)
    pre = scat * dinv + g_in[...] * (dinv * dinv) + b_ref[...]
    h = jnp.where(pre >= 0, pre, a * pre)
    g2 = jnp.dot(h, wt[...], preferred_element_type=jnp.float32)
    gs = g2 * dinv
    g2_ref[...] = g2
    lo_ref[...] = gs[:, :HALF]
    hi_ref[...] = gs[:, HALF:]


def _stage_f_body(lo_in, hi_in, g_in, b_ref, a_ref, deg_ref, out_ref):
    a = a_ref[0]
    dinv = lax.rsqrt(deg_ref[:, 0:1] + 1.0)
    scat = jnp.concatenate([lo_in[...], hi_in[...]], axis=1)
    pre = scat * dinv + g_in[...] * (dinv * dinv) + b_ref[...]
    out_ref[...] = jnp.where(pre >= 0, pre, a * pre)


def _row_spec(d):
    return pl.BlockSpec((BM, d), lambda i: (i, 0))


def _full_spec(r, c):
    return pl.BlockSpec((r, c), lambda i: (0, 0))


_SMEM = pl.BlockSpec(memory_space=pltpu.SMEM)

_stage_b1 = pl.pallas_call(
    _stage_b1_body,
    grid=(N // BM,),
    in_specs=[_row_spec(IN_DIM), _full_spec(IN_DIM, HID), _full_spec(1, HID),
              _SMEM, _full_spec(HID, OUT)],
    out_specs=_row_spec(OUT),
    out_shape=jax.ShapeDtypeStruct((N, OUT), jnp.float32),
)

_stage_b2 = pl.pallas_call(
    _stage_b2_body,
    grid=(N // BM,),
    in_specs=[_row_spec(OUT), _row_spec(16)],
    out_specs=[_row_spec(HALF), _row_spec(HALF)],
    out_shape=[jax.ShapeDtypeStruct((N, HALF), jnp.float32),
               jax.ShapeDtypeStruct((N, HALF), jnp.float32)],
)

_stage_d = pl.pallas_call(
    _stage_d_body,
    grid=(N // BM,),
    in_specs=[_row_spec(HALF), _row_spec(HALF), _row_spec(OUT),
              _full_spec(1, OUT), _SMEM, _full_spec(OUT, OUT), _row_spec(16)],
    out_specs=[_row_spec(OUT), _row_spec(HALF), _row_spec(HALF)],
    out_shape=[jax.ShapeDtypeStruct((N, OUT), jnp.float32),
               jax.ShapeDtypeStruct((N, HALF), jnp.float32),
               jax.ShapeDtypeStruct((N, HALF), jnp.float32)],
)

_stage_f = pl.pallas_call(
    _stage_f_body,
    grid=(N // BM,),
    in_specs=[_row_spec(HALF), _row_spec(HALF), _row_spec(OUT),
              _full_spec(1, OUT), _SMEM, _row_spec(16)],
    out_specs=_row_spec(OUT),
    out_shape=jax.ShapeDtypeStruct((N, OUT), jnp.float32),
)


def kernel(x, edge_index, lin_W, lin_b, prelu_a, conv1_W, conv1_b,
           conv2_W, conv2_b):
    edges_s = edge_index[0].reshape(NCHUNK, CHUNK)
    edges_d = edge_index[1].reshape(NCHUNK, CHUNK)
    a = prelu_a.reshape(1)

    deg = _deg_call(edges_d)
    g1 = _stage_b1(x, lin_W.T, lin_b[None], a, conv1_W.T)
    gs1lo, gs1hi = _stage_b2(g1, deg)
    agg1lo, agg1hi = _agg_call(edges_s, edges_d, gs1lo, gs1hi)
    g2, gs2lo, gs2hi = _stage_d(agg1lo, agg1hi, g1, conv1_b[None], a,
                                conv2_W.T, deg)
    agg2lo, agg2hi = _agg_call(edges_s, edges_d, gs2lo, gs2hi)
    return _stage_f(agg2lo, agg2hi, g2, conv2_b[None], a, deg)

# --- scband reference (transcript-rebuilt; emitter-appended) ---
"""Pipeline reference for scband-embedding-layer-27401891349086 (READ-ONLY COPY).

The authoritative reference and input builder live on the scoring server;
editing this copy changes nothing except your own understanding.
"""

import jax, jax.numpy as jnp
import numpy as np

N = 10000
E = 320000
IN_DIM = 128
HID = 256
OUT = 256


def prelu(x, a):
    return jnp.where(x >= 0, x, a * x)


def gcn_conv(x, src, dst, W, b):
    # PyG GCNConv: h = x @ W.T; add self loops; sym-normalized scatter-add; + bias
    h = x @ W.T
    loop = jnp.arange(N, dtype=src.dtype)
    s = jnp.concatenate([src, loop])
    d = jnp.concatenate([dst, loop])
    deg = jnp.zeros((N,), dtype=x.dtype).at[d].add(1.0)
    dinv = jnp.where(deg > 0, 1.0 / jnp.sqrt(deg), 0.0)
    norm = dinv[s] * dinv[d]
    msg = h[s] * norm[:, None]
    out = jnp.zeros((N, W.shape[0]), dtype=x.dtype).at[d].add(msg)
    return out + b


def setup_inputs(seed: int = 0) -> dict:
    key = jax.random.key(seed)
    ks = jax.random.split(key, 9)
    x = jax.random.normal(ks[0], (N, IN_DIM), dtype=jnp.float32)
    edge_index = jax.random.randint(ks[1], (2, E), 0, N, dtype=jnp.int32)
    lin_W = jax.random.normal(ks[2], (HID, IN_DIM), dtype=jnp.float32) * (1.0 / np.sqrt(IN_DIM))
    lin_b = jnp.zeros((HID,), dtype=jnp.float32)
    prelu_a = jnp.asarray(0.25, dtype=jnp.float32)
    conv1_W = jax.random.normal(ks[3], (OUT, HID), dtype=jnp.float32) * (1.0 / np.sqrt(HID))
    conv1_b = jnp.zeros((OUT,), dtype=jnp.float32)
    conv2_W = jax.random.normal(ks[4], (OUT, OUT), dtype=jnp.float32) * (1.0 / np.sqrt(OUT))
    conv2_b = jnp.zeros((OUT,), dtype=jnp.float32)
    return {
        "x": x,
        "edge_index": edge_index,
        "lin_W": lin_W,
        "lin_b": lin_b,
        "prelu_a": prelu_a,
        "conv1_W": conv1_W,
        "conv1_b": conv1_b,
        "conv2_W": conv2_W,
        "conv2_b": conv2_b,
    }


def reference(x, edge_index, lin_W, lin_b, prelu_a, conv1_W, conv1_b, conv2_W, conv2_b):
    src = edge_index[0]
    dst = edge_index[1]
    h = prelu(x @ lin_W.T + lin_b, prelu_a)
    h = prelu(gcn_conv(h, src, dst, conv1_W, conv1_b), prelu_a)
    h = prelu(gcn_conv(h, src, dst, conv2_W, conv2_b), prelu_a)
    return h

if __name__ == "__main__":
    import jax
    _d = setup_inputs()
    print(jax.jit(kernel)(*tuple(_d.values())))

</pallas_src>

<mosaic_0001>
#map = affine_map<(d0, d1) -> (0, 0)>
module attributes {stable_mosaic.version = 14 : i64} {
  func.func @_deg_body(%arg0: i32, %arg1: i32, %arg2: memref<2560x125xi32, #tpu.memory_space<hbm>>, %arg3: memref<10000x16xf32, #tpu.memory_space<hbm>>, %arg4: memref<160x125xi32, #tpu.memory_space<vmem>>, %arg5: memref<125x16xf32, #tpu.memory_space<vmem>>, %arg6: memref<10000x16xf32, #tpu.memory_space<vmem_shared>>, %arg7: memref<!tpu.dma_semaphore, #tpu.memory_space<semaphore_mem>>, %arg8: memref<!tpu.dma_semaphore, #tpu.memory_space<semaphore_mem>>) attributes {dimension_semantics = [#tpu.dimension_semantics<core_parallel>, #tpu.dimension_semantics<subcore_parallel>], iteration_bounds = array<i64: 2, 16>, scalar_prefetch = 0 : i64, scratch_operands = 5 : i64, tpu.core_type = #tpu.core_type<sc_vector_subcore>, window_params = [{transform_indices = #map}, {transform_indices = #map}]} {
    %mul3A = arith.constant 624 : i32
    %mul3A_0 = arith.muli %arg1, %mul3A : i32
    %mul3A_1 = arith.constant 160 : i32
    %mul3A_2 = arith.muli %arg1, %mul3A_1 : i32
    %dma_start3A = arith.constant 0 : i32
    %dma_start3A_3 = tpu.memref_slice %arg2[%mul3A_2, %dma_start3A] : memref<2560x125xi32, #tpu.memory_space<hbm>> -> memref<160x125xi32, #tpu.memory_space<hbm>>
    %dma_start3A_4 = arith.constant 0 : i32
    %dma_start3A_5 = tpu.memref_slice %arg2[%mul3A_2, %dma_start3A_4] : memref<2560x125xi32, #tpu.memory_space<hbm>> -> memref<160x125xi32, #tpu.memory_space<hbm>>
    tpu.enqueue_dma source(%dma_start3A_5 : memref<160x125xi32, #tpu.memory_space<hbm>>) target(%arg4 : memref<160x125xi32, #tpu.memory_space<vmem>>) target_semaphore(%arg7 : memref<!tpu.dma_semaphore, #tpu.memory_space<semaphore_mem>>)
    %broadcast_in_dim3A = arith.constant 0.000000e+00 : f32
    %broadcast_in_dim3A_6 = vector.broadcast %broadcast_in_dim3A : f32 to vector<16xf32>
    %scan3A = arith.constant 0 : i32
    %scan3A_7 = arith.constant 0 : i32
    %scan3A_8 = arith.constant 125 : i32
    %scan3A_9 = arith.addi %scan3A_7, %scan3A_8 : i32
    %scan3A_10 = arith.constant 1 : i32
    %scan3A_11 = scf.for %scan3A_53 = %scan3A_7 to %scan3A_9 step %scan3A_10 iter_args(%scan3A_54 = %scan3A) -> (i32)  : i32 {
      %jit3A = arith.constant 1 : i32
      %div3A = arith.divsi %scan3A_53, %jit3A : i32
      %sign3A = arith.constant 0 : i32
      %sign3A_55 = arith.cmpi sgt, %scan3A_53, %sign3A : i32
      %sign3A_56 = arith.extui %sign3A_55 : i1 to i32
      %sign3A_57 = arith.constant 0 : i32
      %sign3A_58 = arith.cmpi slt, %scan3A_53, %sign3A_57 : i32
      %sign3A_59 = arith.extui %sign3A_58 : i1 to i32
      %sign3A_60 = arith.subi %sign3A_56, %sign3A_59 : i32
      %sign3A_61 = arith.constant 0 : i32
      %sign3A_62 = arith.cmpi sgt, %jit3A, %sign3A_61 : i32
      %sign3A_63 = arith.extui %sign3A_62 : i1 to i32
      %sign3A_64 = arith.constant 0 : i32
      %sign3A_65 = arith.cmpi slt, %jit3A, %sign3A_64 : i32
      %sign3A_66 = arith.extui %sign3A_65 : i1 to i32
      %sign3A_67 = arith.subi %sign3A_63, %sign3A_66 : i32
      %ne3A = arith.cmpi ne, %sign3A_60, %sign3A_67 : i32
      %rem3A = arith.remsi %scan3A_53, %jit3A : i32
      %ne3A_68 = arith.constant 0 : i32
      %ne3A_69 = arith.cmpi ne, %rem3A, %ne3A_68 : i32
      %and3A = arith.andi %ne3A, %ne3A_69 : i1
      %sub3A = arith.constant 1 : i32
      %sub3A_70 = arith.subi %div3A, %sub3A : i32
      %select_n3A = arith.select %and3A, %sub3A_70, %div3A : i32
      %jit3A_71 = arith.constant 1 : i32
      %eq3A_72 = arith.constant 0 : i32
      %eq3A_73 = arith.cmpi eq, %jit3A_71, %eq3A_72 : i32
      %jit3A_74 = arith.constant 1 : i32
      %select_n3A_75 = arith.select %eq3A_73, %jit3A_74, %jit3A_71 : i32
      %rem3A_76 = arith.remsi %scan3A_53, %select_n3A_75 : i32
      %ne3A_77 = arith.constant 0 : i32
      %ne3A_78 = arith.cmpi ne, %rem3A_76, %ne3A_77 : i32
      %lt3A_79 = arith.constant 0 : i32
      %lt3A_80 = arith.cmpi slt, %rem3A_76, %lt3A_79 : i32
      %lt3A_81 = arith.constant 0 : i32
      %lt3A_82 = arith.cmpi slt, %select_n3A_75, %lt3A_81 : i32
      %ne3A_83 = arith.xori %lt3A_80, %lt3A_82 : i1
      %and3A_84 = arith.andi %ne3A_83, %ne3A_78 : i1
      %add3A_85 = arith.addi %rem3A_76, %select_n3A_75 : i32
      %select_n3A_86 = arith.select %and3A_84, %add3A_85, %rem3A_76 : i32
      %mul3A_87 = arith.constant 16 : i32
      %mul3A_88 = arith.muli %select_n3A_86, %mul3A_87 : i32
      %swap3A = arith.index_cast %select_n3A : i32 to index
      %swap3A_89 = arith.index_cast %mul3A_88 : i32 to index
      %swap3A_90 = tpu.vector_load %arg5[%swap3A, %swap3A_89] {strides = array<i32>} : memref<125x16xf32, #tpu.memory_space<vmem>>, vector<1x16xf32>,
      %swap3A_91 = vector.shape_cast %swap3A_90 : vector<1x16xf32> to vector<16xf32>
      %swap3A_92 = vector.shape_cast %broadcast_in_dim3A_6 : vector<16xf32> to vector<1x16xf32>
      tpu.vector_store %arg5[%swap3A, %swap3A_89], %swap3A_92 {strides = array<i32>} : memref<125x16xf32, #tpu.memory_space<vmem>>, vector<1x16xf32>,
      %scan3A_93 = arith.constant 0 : i32
      scf.yield %scan3A_93 : i32
    }
    %scan3A_12 = arith.constant 125 : i32
    %add3A = arith.constant 0 : i32
    %add3A_13 = arith.addi %mul3A_0, %add3A : i32
    "tpu.region"() ({
      %run_scoped3A = tpu.sem_alloc : memref<!tpu.dma_semaphore, #tpu.memory_space<semaphore_mem>>
      %dma_start3A_53 = arith.constant 0 : i32
      %dma_start3A_54 = arith.constant 0 : i32
      %dma_start3A_55 = tpu.memref_slice %arg5[%dma_start3A_53, %dma_start3A_54] : memref<125x16xf32, #tpu.memory_space<vmem>> -> memref<120x16xf32, #tpu.memory_space<vmem>>
      %dma_start3A_56 = arith.constant 0 : i32
      %dma_start3A_57 = tpu.memref_slice %arg6[%add3A_13, %dma_start3A_56] : memref<10000x16xf32, #tpu.memory_space<vmem_shared>> -> memref<120x16xf32, #tpu.memory_space<vmem_shared>>
      %dma_start3A_58 = arith.constant 0 : i32
      %dma_start3A_59 = tpu.memref_slice %arg6[%add3A_13, %dma_start3A_58] : memref<10000x16xf32, #tpu.memory_space<vmem_shared>> -> memref<120x16xf32, #tpu.memory_space<vmem_shared>>
      %dma_start3A_60 = arith.constant 0 : i32
      %dma_start3A_61 = arith.constant 0 : i32
      %dma_start3A_62 = tpu.memref_slice %arg5[%dma_start3A_60, %dma_start3A_61] : memref<125x16xf32, #tpu.memory_space<vmem>> -> memref<120x16xf32, #tpu.memory_space<vmem>>
      tpu.enqueue_dma source(%dma_start3A_62 : memref<120x16xf32, #tpu.memory_space<vmem>>) target(%dma_start3A_59 : memref<120x16xf32, #tpu.memory_space<vmem_shared>>) target_semaphore(%run_scoped3A : memref<!tpu.dma_semaphore, #tpu.memory_space<semaphore_mem>>)
      %dma_wait3A_63 = arith.constant 0 : i32
      %dma_wait3A_64 = arith.constant 0 : i32
      %dma_wait3A_65 = tpu.memref_slice %arg5[%dma_wait3A_63, %dma_wait3A_64] : memref<125x16xf32, #tpu.memory_space<vmem>> -> memref<120x16xf32, #tpu.memory_space<vmem>>
      %dma_wait3A_66 = arith.constant 0 : i32
      %dma_wait3A_67 = tpu.memref_slice %arg6[%add3A_13, %dma_wait3A_66] : memref<10000x16xf32, #tpu.memory_space<vmem_shared>> -> memref<120x16xf32, #tpu.memory_space<vmem_shared>>
      %dma_wait3A_68 = arith.constant 0 : i32
      %dma_wait3A_69 = tpu.memref_slice %arg6[%add3A_13, %dma_wait3A_68] : memref<10000x16xf32, #tpu.memory_space<vmem_shared>> -> memref<120x16xf32, #tpu.memory_space<vmem_shared>>
      %dma_wait3A_70 = arith.constant 0 : i32
      %dma_wait3A_71 = arith.constant 0 : i32
      %dma_wait3A_72 = tpu.memref_slice %arg5[%dma_wait3A_70, %dma_wait3A_71] : memref<125x16xf32, #tpu.memory_space<vmem>> -> memref<120x16xf32, #tpu.memory_space<vmem>>
      tpu.wait_dma2 semaphore(%run_scoped3A : memref<!tpu.dma_semaphore, #tpu.memory_space<semaphore_mem>>) src(%dma_wait3A_72 : memref<120x16xf32, #tpu.memory_space<vmem>>) dst(%dma_wait3A_69 : memref<120x16xf32, #tpu.memory_space<vmem_shared>>)
      tpu.yield
    }) : () -> ()
    %add3A_14 = arith.constant 120 : i32
    %add3A_15 = arith.addi %mul3A_0, %add3A_14 : i32
    "tpu.region"() ({
      %run_scoped3A = tpu.sem_alloc : memref<!tpu.dma_semaphore, #tpu.memory_space<semaphore_mem>>
      %dma_start3A_53 = arith.constant 0 : i32
      %dma_start3A_54 = arith.constant 0 : i32
      %dma_start3A_55 = tpu.memref_slice %arg5[%dma_start3A_53, %dma_start3A_54] : memref<125x16xf32, #tpu.memory_space<vmem>> -> memref<120x16xf32, #tpu.memory_space<vmem>>
      %dma_start3A_56 = arith.constant 0 : i32
      %dma_start3A_57 = tpu.memref_slice %arg6[%add3A_15, %dma_start3A_56] : memref<10000x16xf32, #tpu.memory_space<vmem_shared>> -> memref<120x16xf32, #tpu.memory_space<vmem_shared>>
      %dma_start3A_58 = arith.constant 0 : i32
      %dma_start3A_59 = tpu.memref_slice %arg6[%add3A_15, %dma_start3A_58] : memref<10000x16xf32, #tpu.memory_space<vmem_shared>> -> memref<120x16xf32, #tpu.memory_space<vmem_shared>>
      %dma_start3A_60 = arith.constant 0 : i32
      %dma_start3A_61 = arith.constant 0 : i32
      %dma_start3A_62 = tpu.memref_slice %arg5[%dma_start3A_60, %dma_start3A_61] : memref<125x16xf32, #tpu.memory_space<vmem>> -> memref<120x16xf32, #tpu.memory_space<vmem>>
      tpu.enqueue_dma source(%dma_start3A_62 : memref<120x16xf32, #tpu.memory_space<vmem>>) target(%dma_start3A_59 : memref<120x16xf32, #tpu.memory_space<vmem_shared>>) target_semaphore(%run_scoped3A : memref<!tpu.dma_semaphore, #tpu.memory_space<semaphore_mem>>)
      %dma_wait3A_63 = arith.constant 0 : i32
      %dma_wait3A_64 = arith.constant 0 : i32
      %dma_wait3A_65 = tpu.memref_slice %arg5[%dma_wait3A_63, %dma_wait3A_64] : memref<125x16xf32, #tpu.memory_space<vmem>> -> memref<120x16xf32, #tpu.memory_space<vmem>>
      %dma_wait3A_66 = arith.constant 0 : i32
      %dma_wait3A_67 = tpu.memref_slice %arg6[%add3A_15, %dma_wait3A_66] : memref<10000x16xf32, #tpu.memory_space<vmem_shared>> -> memref<120x16xf32, #tpu.memory_space<vmem_shared>>
      %dma_wait3A_68 = arith.constant 0 : i32
      %dma_wait3A_69 = tpu.memref_slice %arg6[%add3A_15, %dma_wait3A_68] : memref<10000x16xf32, #tpu.memory_space<vmem_shared>> -> memref<120x16xf32, #tpu.memory_space<vmem_shared>>
      %dma_wait3A_70 = arith.constant 0 : i32
      %dma_wait3A_71 = arith.constant 0 : i32
      %dma_wait3A_72 = tpu.memref_slice %arg5[%dma_wait3A_70, %dma_wait3A_71] : memref<125x16xf32, #tpu.memory_space<vmem>> -> memref<120x16xf32, #tpu.memory_space<vmem>>
      tpu.wait_dma2 semaphore(%run_scoped3A : memref<!tpu.dma_semaphore, #tpu.memory_space<semaphore_mem>>) src(%dma_wait3A_72 : memref<120x16xf32, #tpu.memory_space<vmem>>) dst(%dma_wait3A_69 : memref<120x16xf32, #tpu.memory_space<vmem_shared>>)
      tpu.yield
    }) : () -> ()
    %add3A_16 = arith.constant 240 : i32
    %add3A_17 = arith.addi %mul3A_0, %add3A_16 : i32
    "tpu.region"() ({
      %run_scoped3A = tpu.sem_alloc : memref<!tpu.dma_semaphore, #tpu.memory_space<semaphore_mem>>
      %dma_start3A_53 = arith.constant 0 : i32
      %dma_start3A_54 = arith.constant 0 : i32
      %dma_start3A_55 = tpu.memref_slice %arg5[%dma_start3A_53, %dma_start3A_54] : memref<125x16xf32, #tpu.memory_space<vmem>> -> memref<120x16xf32, #tpu.memory_space<vmem>>
      %dma_start3A_56 = arith.constant 0 : i32
      %dma_start3A_57 = tpu.memref_slice %arg6[%add3A_17, %dma_start3A_56] : memref<10000x16xf32, #tpu.memory_space<vmem_shared>> -> memref<120x16xf32, #tpu.memory_space<vmem_shared>>
      %dma_start3A_58 = arith.constant 0 : i32
      %dma_start3A_59 = tpu.memref_slice %arg6[%add3A_17, %dma_start3A_58] : memref<10000x16xf32, #tpu.memory_space<vmem_shared>> -> memref<120x16xf32, #tpu.memory_space<vmem_shared>>
      %dma_start3A_60 = arith.constant 0 : i32
      %dma_start3A_61 = arith.constant 0 : i32
      %dma_start3A_62 = tpu.memref_slice %arg5[%dma_start3A_60, %dma_start3A_61] : memref<125x16xf32, #tpu.memory_space<vmem>> -> memref<120x16xf32, #tpu.memory_space<vmem>>
      tpu.enqueue_dma source(%dma_start3A_62 : memref<120x16xf32, #tpu.memory_space<vmem>>) target(%dma_start3A_59 : memref<120x16xf32, #tpu.memory_space<vmem_shared>>) target_semaphore(%run_scoped3A : memref<!tpu.dma_semaphore, #tpu.memory_space<semaphore_mem>>)
      %dma_wait3A_63 = arith.constant 0 : i32
      %dma_wait3A_64 = arith.constant 0 : i32
      %dma_wait3A_65 = tpu.memref_slice %arg5[%dma_wait3A_63, %dma_wait3A_64] : memref<125x16xf32, #tpu.memory_space<vmem>> -> memref<120x16xf32, #tpu.memory_space<vmem>>
      %dma_wait3A_66 = arith.constant 0 : i32
      %dma_wait3A_67 = tpu.memref_slice %arg6[%add3A_17, %dma_wait3A_66] : memref<10000x16xf32, #tpu.memory_space<vmem_shared>> -> memref<120x16xf32, #tpu.memory_space<vmem_shared>>
      %dma_wait3A_68 = arith.constant 0 : i32
      %dma_wait3A_69 = tpu.memref_slice %arg6[%add3A_17, %dma_wait3A_68] : memref<10000x16xf32, #tpu.memory_space<vmem_shared>> -> memref<120x16xf32, #tpu.memory_space<vmem_shared>>
      %dma_wait3A_70 = arith.constant 0 : i32
      %dma_wait3A_71 = arith.constant 0 : i32
      %dma_wait3A_72 = tpu.memref_slice %arg5[%dma_wait3A_70, %dma_wait3A_71] : memref<125x16xf32, #tpu.memory_space<vmem>> -> memref<120x16xf32, #tpu.memory_space<vmem>>
      tpu.wait_dma2 semaphore(%run_scoped3A : memref<!tpu.dma_semaphore, #tpu.memory_space<semaphore_mem>>) src(%dma_wait3A_72 : memref<120x16xf32, #tpu.memory_space<vmem>>) dst(%dma_wait3A_69 : memref<120x16xf32, #tpu.memory_space<vmem_shared>>)
      tpu.yield
    }) : () -> ()
    %add3A_18 = arith.constant 360 : i32
    %add3A_19 = arith.addi %mul3A_0, %add3A_18 : i32
    "tpu.region"() ({
      %run_scoped3A = tpu.sem_alloc : memref<!tpu.dma_semaphore, #tpu.memory_space<semaphore_mem>>
      %dma_start3A_53 = arith.constant 0 : i32
      %dma_start3A_54 = arith.constant 0 : i32
      %dma_start3A_55 = tpu.memref_slice %arg5[%dma_start3A_53, %dma_start3A_54] : memref<125x16xf32, #tpu.memory_space<vmem>> -> memref<120x16xf32, #tpu.memory_space<vmem>>
      %dma_start3A_56 = arith.constant 0 : i32
      %dma_start3A_57 = tpu.memref_slice %arg6[%add3A_19, %dma_start3A_56] : memref<10000x16xf32, #tpu.memory_space<vmem_shared>> -> memref<120x16xf32, #tpu.memory_space<vmem_shared>>
      %dma_start3A_58 = arith.constant 0 : i32
      %dma_start3A_59 = tpu.memref_slice %arg6[%add3A_19, %dma_start3A_58] : memref<10000x16xf32, #tpu.memory_space<vmem_shared>> -> memref<120x16xf32, #tpu.memory_space<vmem_shared>>
      %dma_start3A_60 = arith.constant 0 : i32
      %dma_start3A_61 = arith.constant 0 : i32
      %dma_start3A_62 = tpu.memref_slice %arg5[%dma_start3A_60, %dma_start3A_61] : memref<125x16xf32, #tpu.memory_space<vmem>> -> memref<120x16xf32, #tpu.memory_space<vmem>>
      tpu.enqueue_dma source(%dma_start3A_62 : memref<120x16xf32, #tpu.memory_space<vmem>>) target(%dma_start3A_59 : memref<120x16xf32, #tpu.memory_space<vmem_shared>>) target_semaphore(%run_scoped3A : memref<!tpu.dma_semaphore, #tpu.memory_space<semaphore_mem>>)
      %dma_wait3A_63 = arith.constant 0 : i32
      %dma_wait3A_64 = arith.constant 0 : i32
      %dma_wait3A_65 = tpu.memref_slice %arg5[%dma_wait3A_63, %dma_wait3A_64] : memref<125x16xf32, #tpu.memory_space<vmem>> -> memref<120x16xf32, #tpu.memory_space<vmem>>
      %dma_wait3A_66 = arith.constant 0 : i32
      %dma_wait3A_67 = tpu.memref_slice %arg6[%add3A_19, %dma_wait3A_66] : memref<10000x16xf32, #tpu.memory_space<vmem_shared>> -> memref<120x16xf32, #tpu.memory_space<vmem_shared>>
      %dma_wait3A_68 = arith.constant 0 : i32
      %dma_wait3A_69 = tpu.memref_slice %arg6[%add3A_19, %dma_wait3A_68] : memref<10000x16xf32, #tpu.memory_space<vmem_shared>> -> memref<120x16xf32, #tpu.memory_space<vmem_shared>>
      %dma_wait3A_70 = arith.constant 0 : i32
      %dma_wait3A_71 = arith.constant 0 : i32
      %dma_wait3A_72 = tpu.memref_slice %arg5[%dma_wait3A_70, %dma_wait3A_71] : memref<125x16xf32, #tpu.memory_space<vmem>> -> memref<120x16xf32, #tpu.memory_space<vmem>>
      tpu.wait_dma2 semaphore(%run_scoped3A : memref<!tpu.dma_semaphore, #tpu.memory_space<semaphore_mem>>) src(%dma_wait3A_72 : memref<120x16xf32, #tpu.memory_space<vmem>>) dst(%dma_wait3A_69 : memref<120x16xf32, #tpu.memory_space<vmem_shared>>)
      tpu.yield
    }) : () -> ()
    %add3A_20 = arith.constant 480 : i32
    %add3A_21 = arith.addi %mul3A_0, %add3A_20 : i32
    "tpu.region"() ({
      %run_scoped3A = tpu.sem_alloc : memref<!tpu.dma_semaphore, #tpu.memory_space<semaphore_mem>>
      %dma_start3A_53 = arith.constant 0 : i32
      %dma_start3A_54 = arith.constant 0 : i32
      %dma_start3A_55 = tpu.memref_slice %arg5[%dma_start3A_53, %dma_start3A_54] : memref<125x16xf32, #tpu.memory_space<vmem>> -> memref<120x16xf32, #tpu.memory_space<vmem>>
      %dma_start3A_56 = arith.constant 0 : i32
      %dma_start3A_57 = tpu.memref_slice %arg6[%add3A_21, %dma_start3A_56] : memref<10000x16xf32, #tpu.memory_space<vmem_shared>> -> memref<120x16xf32, #tpu.memory_space<vmem_shared>>
      %dma_start3A_58 = arith.constant 0 : i32
      %dma_start3A_59 = tpu.memref_slice %arg6[%add3A_21, %dma_start3A_58] : memref<10000x16xf32, #tpu.memory_space<vmem_shared>> -> memref<120x16xf32, #tpu.memory_space<vmem_shared>>
      %dma_start3A_60 = arith.constant 0 : i32
      %dma_start3A_61 = arith.constant 0 : i32
      %dma_start3A_62 = tpu.memref_slice %arg5[%dma_start3A_60, %dma_start3A_61] : memref<125x16xf32, #tpu.memory_space<vmem>> -> memref<120x16xf32, #tpu.memory_space<vmem>>
      tpu.enqueue_dma source(%dma_start3A_62 : memref<120x16xf32, #tpu.memory_space<vmem>>) target(%dma_start3A_59 : memref<120x16xf32, #tpu.memory_space<vmem_shared>>) target_semaphore(%run_scoped3A : memref<!tpu.dma_semaphore, #tpu.memory_space<semaphore_mem>>)
      %dma_wait3A_63 = arith.constant 0 : i32
      %dma_wait3A_64 = arith.constant 0 : i32
      %dma_wait3A_65 = tpu.memref_slice %arg5[%dma_wait3A_63, %dma_wait3A_64] : memref<125x16xf32, #tpu.memory_space<vmem>> -> memref<120x16xf32, #tpu.memory_space<vmem>>
      %dma_wait3A_66 = arith.constant 0 : i32
      %dma_wait3A_67 = tpu.memref_slice %arg6[%add3A_21, %dma_wait3A_66] : memref<10000x16xf32, #tpu.memory_space<vmem_shared>> -> memref<120x16xf32, #tpu.memory_space<vmem_shared>>
      %dma_wait3A_68 = arith.constant 0 : i32
      %dma_wait3A_69 = tpu.memref_slice %arg6[%add3A_21, %dma_wait3A_68] : memref<10000x16xf32, #tpu.memory_space<vmem_shared>> -> memref<120x16xf32, #tpu.memory_space<vmem_shared>>
      %dma_wait3A_70 = arith.constant 0 : i32
      %dma_wait3A_71 = arith.constant 0 : i32
      %dma_wait3A_72 = tpu.memref_slice %arg5[%dma_wait3A_70, %dma_wait3A_71] : memref<125x16xf32, #tpu.memory_space<vmem>> -> memref<120x16xf32, #tpu.memory_space<vmem>>
      tpu.wait_dma2 semaphore(%run_scoped3A : memref<!tpu.dma_semaphore, #tpu.memory_space<semaphore_mem>>) src(%dma_wait3A_72 : memref<120x16xf32, #tpu.memory_space<vmem>>) dst(%dma_wait3A_69 : memref<120x16xf32, #tpu.memory_space<vmem_shared>>)
      tpu.yield
    }) : () -> ()
    %lt3A = arith.constant 15 : i32
    %lt3A_22 = arith.cmpi slt, %arg1, %lt3A : i32
    %convert_element_type3A = arith.extui %lt3A_22 : i1 to i32
    %cond3A = arith.constant 0 : i32
    %cond3A_23 = arith.cmpi ne, %convert_element_type3A, %cond3A : i32
    scf.if %cond3A_23 {
      %add3A_53 = arith.constant 600 : i32
      %add3A_54 = arith.addi %mul3A_0, %add3A_53 : i32
      "tpu.region"() ({
        %run_scoped3A = tpu.sem_alloc : memref<!tpu.dma_semaphore, #tpu.memory_space<semaphore_mem>>
        %dma_start3A_55 = arith.constant 0 : i32
        %dma_start3A_56 = arith.constant 0 : i32
        %dma_start3A_57 = tpu.memref_slice %arg5[%dma_start3A_55, %dma_start3A_56] : memref<125x16xf32, #tpu.memory_space<vmem>> -> memref<24x16xf32, #tpu.memory_space<vmem>>
        %dma_start3A_58 = arith.constant 0 : i32
        %dma_start3A_59 = tpu.memref_slice %arg6[%add3A_54, %dma_start3A_58] : memref<10000x16xf32, #tpu.memory_space<vmem_shared>> -> memref<24x16xf32, #tpu.memory_space<vmem_shared>>
        %dma_start3A_60 = arith.constant 0 : i32
        %dma_start3A_61 = tpu.memref_slice %arg6[%add3A_54, %dma_start3A_60] : memref<10000x16xf32, #tpu.memory_space<vmem_shared>> -> memref<24x16xf32, #tpu.memory_space<vmem_shared>>
        %dma_start3A_62 = arith.constant 0 : i32
        %dma_start3A_63 = arith.constant 0 : i32
        %dma_start3A_64 = tpu.memref_slice %arg5[%dma_start3A_62, %dma_start3A_63] : memref<125x16xf32, #tpu.memory_space<vmem>> -> memref<24x16xf32, #tpu.memory_space<vmem>>
        tpu.enqueue_dma source(%dma_start3A_64 : memref<24x16xf32, #tpu.memory_space<vmem>>) target(%dma_start3A_61 : memref<24x16xf32, #tpu.memory_space<vmem_shared>>) target_semaphore(%run_scoped3A : memref<!tpu.dma_semaphore, #tpu.memory_space<semaphore_mem>>)
        %dma_wait3A_65 = arith.constant 0 : i32
        %dma_wait3A_66 = arith.constant 0 : i32
        %dma_wait3A_67 = tpu.memref_slice %arg5[%dma_wait3A_65, %dma_wait3A_66] : memref<125x16xf32, #tpu.memory_space<vmem>> -> memref<24x16xf32, #tpu.memory_space<vmem>>
        %dma_wait3A_68 = arith.constant 0 : i32
        %dma_wait3A_69 = tpu.memref_slice %arg6[%add3A_54, %dma_wait3A_68] : memref<10000x16xf32, #tpu.memory_space<vmem_shared>> -> memref<24x16xf32, #tpu.memory_space<vmem_shared>>
        %dma_wait3A_70 = arith.constant 0 : i32
        %dma_wait3A_71 = tpu.memref_slice %arg6[%add3A_54, %dma_wait3A_70] : memref<10000x16xf32, #tpu.memory_space<vmem_shared>> -> memref<24x16xf32, #tpu.memory_space<vmem_shared>>
        %dma_wait3A_72 = arith.constant 0 : i32
        %dma_wait3A_73 = arith.constant 0 : i32
        %dma_wait3A_74 = tpu.memref_slice %arg5[%dma_wait3A_72, %dma_wait3A_73] : memref<125x16xf32, #tpu.memory_space<vmem>> -> memref<24x16xf32, #tpu.memory_space<vmem>>
        tpu.wait_dma2 semaphore(%run_scoped3A : memref<!tpu.dma_semaphore, #tpu.memory_space<semaphore_mem>>) src(%dma_wait3A_74 : memref<24x16xf32, #tpu.memory_space<vmem>>) dst(%dma_wait3A_71 : memref<24x16xf32, #tpu.memory_space<vmem_shared>>)
        tpu.yield
      }) : () -> ()
    } else {
    }
    %eq3A = arith.constant 15 : i32
    %eq3A_24 = arith.cmpi eq, %arg1, %eq3A : i32
    %convert_element_type3A_25 = arith.extui %eq3A_24 : i1 to i32
    %cond3A_26 = arith.constant 0 : i32
    %cond3A_27 = arith.cmpi ne, %convert_element_type3A_25, %cond3A_26 : i32
    scf.if %cond3A_27 {
      %add3A_53 = arith.constant 600 : i32
      %add3A_54 = arith.addi %mul3A_0, %add3A_53 : i32
      "tpu.region"() ({
        %run_scoped3A = tpu.sem_alloc : memref<!tpu.dma_semaphore, #tpu.memory_space<semaphore_mem>>
        %dma_start3A_55 = arith.constant 0 : i32
        %dma_start3A_56 = arith.constant 0 : i32
        %dma_start3A_57 = tpu.memref_slice %arg5[%dma_start3A_55, %dma_start3A_56] : memref<125x16xf32, #tpu.memory_space<vmem>> -> memref<40x16xf32, #tpu.memory_space<vmem>>
        %dma_start3A_58 = arith.constant 0 : i32
        %dma_start3A_59 = tpu.memref_slice %arg6[%add3A_54, %dma_start3A_58] : memref<10000x16xf32, #tpu.memory_space<vmem_shared>> -> memref<40x16xf32, #tpu.memory_space<vmem_shared>>
        %dma_start3A_60 = arith.constant 0 : i32
        %dma_start3A_61 = tpu.memref_slice %arg6[%add3A_54, %dma_start3A_60] : memref<10000x16xf32, #tpu.memory_space<vmem_shared>> -> memref<40x16xf32, #tpu.memory_space<vmem_shared>>
        %dma_start3A_62 = arith.constant 0 : i32
        %dma_start3A_63 = arith.constant 0 : i32
        %dma_start3A_64 = tpu.memref_slice %arg5[%dma_start3A_62, %dma_start3A_63] : memref<125x16xf32, #tpu.memory_space<vmem>> -> memref<40x16xf32, #tpu.memory_space<vmem>>
        tpu.enqueue_dma source(%dma_start3A_64 : memref<40x16xf32, #tpu.memory_space<vmem>>) target(%dma_start3A_61 : memref<40x16xf32, #tpu.memory_space<vmem_shared>>) target_semaphore(%run_scoped3A : memref<!tpu.dma_semaphore, #tpu.memory_space<semaphore_mem>>)
        %dma_wait3A_65 = arith.constant 0 : i32
        %dma_wait3A_66 = arith.constant 0 : i32
        %dma_wait3A_67 = tpu.memref_slice %arg5[%dma_wait3A_65, %dma_wait3A_66] : memref<125x16xf32, #tpu.memory_space<vmem>> -> memref<40x16xf32, #tpu.memory_space<vmem>>
        %dma_wait3A_68 = arith.constant 0 : i32
        %dma_wait3A_69 = tpu.memref_slice %arg6[%add3A_54, %dma_wait3A_68] : memref<10000x16xf32, #tpu.memory_space<vmem_shared>> -> memref<40x16xf32, #tpu.memory_space<vmem_shared>>
        %dma_wait3A_70 = arith.constant 0 : i32
        %dma_wait3A_71 = tpu.memref_slice %arg6[%add3A_54, %dma_wait3A_70] : memref<10000x16xf32, #tpu.memory_space<vmem_shared>> -> memref<40x16xf32, #tpu.memory_space<vmem_shared>>
        %dma_wait3A_72 = arith.constant 0 : i32
        %dma_wait3A_73 = arith.constant 0 : i32
        %dma_wait3A_74 = tpu.memref_slice %arg5[%dma_wait3A_72, %dma_wait3A_73] : memref<125x16xf32, #tpu.memory_space<vmem>> -> memref<40x16xf32, #tpu.memory_space<vmem>>
        tpu.wait_dma2 semaphore(%run_scoped3A : memref<!tpu.dma_semaphore, #tpu.memory_space<semaphore_mem>>) src(%dma_wait3A_74 : memref<40x16xf32, #tpu.memory_space<vmem>>) dst(%dma_wait3A_71 : memref<40x16xf32, #tpu.memory_space<vmem_shared>>)
        tpu.yield
      }) : () -> ()
    } else {
    }
    %broadcast_in_dim3A_28 = arith.constant 1.000000e+00 : f32
    %broadcast_in_dim3A_29 = vector.broadcast %broadcast_in_dim3A_28 : f32 to vector<16xf32>
    %scan3A_30 = arith.constant 0 : i32
    %scan3A_31 = arith.constant 0 : i32
    %scan3A_32 = arith.constant 125 : i32
    %scan3A_33 = arith.addi %scan3A_31, %scan3A_32 : i32
    %scan3A_34 = arith.constant 1 : i32
    %scan3A_35 = scf.for %scan3A_53 = %scan3A_31 to %scan3A_33 step %scan3A_34 iter_args(%scan3A_54 = %scan3A_30) -> (i32)  : i32 {
      %jit3A = arith.constant 1 : i32
      %div3A = arith.divsi %scan3A_53, %jit3A : i32
      %sign3A = arith.constant 0 : i32
      %sign3A_55 = arith.cmpi sgt, %scan3A_53, %sign3A : i32
      %sign3A_56 = arith.extui %sign3A_55 : i1 to i32
      %sign3A_57 = arith.constant 0 : i32
      %sign3A_58 = arith.cmpi slt, %scan3A_53, %sign3A_57 : i32
      %sign3A_59 = arith.extui %sign3A_58 : i1 to i32
      %sign3A_60 = arith.subi %sign3A_56, %sign3A_59 : i32
      %sign3A_61 = arith.constant 0 : i32
      %sign3A_62 = arith.cmpi sgt, %jit3A, %sign3A_61 : i32
      %sign3A_63 = arith.extui %sign3A_62 : i1 to i32
      %sign3A_64 = arith.constant 0 : i32
      %sign3A_65 = arith.cmpi slt, %jit3A, %sign3A_64 : i32
      %sign3A_66 = arith.extui %sign3A_65 : i1 to i32
      %sign3A_67 = arith.subi %sign3A_63, %sign3A_66 : i32
      %ne3A = arith.cmpi ne, %sign3A_60, %sign3A_67 : i32
      %rem3A = arith.remsi %scan3A_53, %jit3A : i32
      %ne3A_68 = arith.constant 0 : i32
      %ne3A_69 = arith.cmpi ne, %rem3A, %ne3A_68 : i32
      %and3A = arith.andi %ne3A, %ne3A_69 : i1
      %sub3A = arith.constant 1 : i32
      %sub3A_70 = arith.subi %div3A, %sub3A : i32
      %select_n3A = arith.select %and3A, %sub3A_70, %div3A : i32
      %jit3A_71 = arith.constant 1 : i32
      %eq3A_72 = arith.constant 0 : i32
      %eq3A_73 = arith.cmpi eq, %jit3A_71, %eq3A_72 : i32
      %jit3A_74 = arith.constant 1 : i32
      %select_n3A_75 = arith.select %eq3A_73, %jit3A_74, %jit3A_71 : i32
      %rem3A_76 = arith.remsi %scan3A_53, %select_n3A_75 : i32
      %ne3A_77 = arith.constant 0 : i32
      %ne3A_78 = arith.cmpi ne, %rem3A_76, %ne3A_77 : i32
      %lt3A_79 = arith.constant 0 : i32
      %lt3A_80 = arith.cmpi slt, %rem3A_76, %lt3A_79 : i32
      %lt3A_81 = arith.constant 0 : i32
      %lt3A_82 = arith.cmpi slt, %select_n3A_75, %lt3A_81 : i32
      %ne3A_83 = arith.xori %lt3A_80, %lt3A_82 : i1
      %and3A_84 = arith.andi %ne3A_83, %ne3A_78 : i1
      %add3A_85 = arith.addi %rem3A_76, %select_n3A_75 : i32
      %select_n3A_86 = arith.select %and3A_84, %add3A_85, %rem3A_76 : i32
      %mul3A_87 = arith.constant 16 : i32
      %mul3A_88 = arith.muli %select_n3A_86, %mul3A_87 : i32
      %swap3A = arith.index_cast %select_n3A : i32 to index
      %swap3A_89 = arith.index_cast %mul3A_88 : i32 to index
      %swap3A_90 = tpu.vector_load %arg5[%swap3A, %swap3A_89] {strides = array<i32>} : memref<125x16xf32, #tpu.memory_space<vmem>>, vector<1x16xf32>,
      %swap3A_91 = vector.shape_cast %swap3A_90 : vector<1x16xf32> to vector<16xf32>
      %swap3A_92 = vector.shape_cast %broadcast_in_dim3A_29 : vector<16xf32> to vector<1x16xf32>
      tpu.vector_store %arg5[%swap3A, %swap3A_89], %swap3A_92 {strides = array<i32>} : memref<125x16xf32, #tpu.memory_space<vmem>>, vector<1x16xf32>,
      %scan3A_93 = arith.constant 0 : i32
      scf.yield %scan3A_93 : i32
    }
    %scan3A_36 = arith.constant 125 : i32
    %dma_wait3A = arith.constant 0 : i32
    %dma_wait3A_37 = tpu.memref_slice %arg2[%mul3A_2, %dma_wait3A] : memref<2560x125xi32, #tpu.memory_space<hbm>> -> memref<160x125xi32, #tpu.memory_space<hbm>>
    %dma_wait3A_38 = arith.constant 0 : i32
    %dma_wait3A_39 = tpu.memref_slice %arg2[%mul3A_2, %dma_wait3A_38] : memref<2560x125xi32, #tpu.memory_space<hbm>> -> memref<160x125xi32, #tpu.memory_space<hbm>>
    tpu.wait_dma2 semaphore(%arg7 : memref<!tpu.dma_semaphore, #tpu.memory_space<semaphore_mem>>) src(%dma_wait3A_39 : memref<160x125xi32, #tpu.memory_space<hbm>>) dst(%arg4 : memref<160x125xi32, #tpu.memory_space<vmem>>)
    %barrier3A = arith.constant 0 : index
    tpu.barrier barrier_id(%barrier3A)
    %scan3A_40 = arith.constant 0 : i32
    %scan3A_41 = arith.constant 0 : i32
    %scan3A_42 = arith.constant 20 : i32
    %scan3A_43 = arith.addi %scan3A_41, %scan3A_42 : i32
    %scan3A_44 = arith.constant 1 : i32
    %scan3A_45 = scf.for %scan3A_53 = %scan3A_41 to %scan3A_43 step %scan3A_44 iter_args(%scan3A_54 = %scan3A_40) -> (i32)  : i32 {
      %mul3A_55 = arith.constant 8 : i32
      %mul3A_56 = arith.muli %scan3A_53, %mul3A_55 : i32
      %add3A_57 = arith.constant 0 : i32
      %add3A_58 = arith.addi %mul3A_56, %add3A_57 : i32
      %dma_start3A_59 = arith.constant 0 : i32
      %dma_start3A_60 = tpu.memref_slice %arg4[%add3A_58, %dma_start3A_59] : memref<160x125xi32, #tpu.memory_space<vmem>> -> memref<1x125xi32, #tpu.memory_space<vmem>>
      %dma_start3A_61 = tpu.memref_squeeze %dma_start3A_60 : memref<1x125xi32, #tpu.memory_space<vmem>> -> memref<125xi32, #tpu.memory_space<vmem>>
      %dma_start3A_62 = arith.constant 0 : i32
      %dma_start3A_63 = arith.constant 0 : i32
      %dma_start3A_64 = tpu.memref_slice %arg6[%dma_start3A_62, %dma_start3A_63] : memref<10000x16xf32, #tpu.memory_space<vmem_shared>> -> memref<10000x16xf32, #tpu.memory_space<vmem_shared>>
      tpu.enqueue_indirect_dma source(%arg5 : memref<125x16xf32, #tpu.memory_space<vmem>>) target(%dma_start3A_64 : memref<10000x16xf32, #tpu.memory_space<vmem_shared>>) offsets(%dma_start3A_61 : memref<125xi32, #tpu.memory_space<vmem>>) semaphore(%arg8 : memref<!tpu.dma_semaphore, #tpu.memory_space<semaphore_mem>>) {add = true}
      %mul3A_65 = arith.constant 8 : i32
      %mul3A_66 = arith.muli %scan3A_53, %mul3A_65 : i32
      %add3A_67 = arith.constant 1 : i32
      %add3A_68 = arith.addi %mul3A_66, %add3A_67 : i32
      %dma_start3A_69 = arith.constant 0 : i32
      %dma_start3A_70 = tpu.memref_slice %arg4[%add3A_68, %dma_start3A_69] : memref<160x125xi32, #tpu.memory_space<vmem>> -> memref<1x125xi32, #tpu.memory_space<vmem>>
      %dma_start3A_71 = tpu.memref_squeeze %dma_start3A_70 : memref<1x125xi32, #tpu.memory_space<vmem>> -> memref<125xi32, #tpu.memory_space<vmem>>
      %dma_start3A_72 = arith.constant 0 : i32
      %dma_start3A_73 = arith.constant 0 : i32
      %dma_start3A_74 = tpu.memref_slice %arg6[%dma_start3A_72, %dma_start3A_73] : memref<10000x16xf32, #tpu.memory_space<vmem_shared>> -> memref<10000x16xf32, #tpu.memory_space<vmem_shared>>
      tpu.enqueue_indirect_dma source(%arg5 : memref<125x16xf32, #tpu.memory_space<vmem>>) target(%dma_start3A_74 : memref<10000x16xf32, #tpu.memory_space<vmem_shared>>) offsets(%dma_start3A_71 : memref<125xi32, #tpu.memory_space<vmem>>) semaphore(%arg8 : memref<!tpu.dma_semaphore, #tpu.memory_space<semaphore_mem>>) {add = true}
      %mul3A_75 = arith.constant 8 : i32
      %mul3A_76 = arith.muli %scan3A_53, %mul3A_75 : i32
      %add3A_77 = arith.constant 2 : i32
      %add3A_78 = arith.addi %mul3A_76, %add3A_77 : i32
      %dma_start3A_79 = arith.constant 0 : i32
      %dma_start3A_80 = tpu.memref_slice %arg4[%add3A_78, %dma_start3A_79] : memref<160x125xi32, #tpu.memory_space<vmem>> -> memref<1x125xi32, #tpu.memory_space<vmem>>
      %dma_start3A_81 = tpu.memref_squeeze %dma_start3A_80 : memref<1x125xi32, #tpu.memory_space<vmem>> -> memref<125xi32, #tpu.memory_space<vmem>>
      %dma_start3A_82 = arith.constant 0 : i32
      %dma_start3A_83 = arith.constant 0 : i32
      %dma_start3A_84 = tpu.memref_slice %arg6[%dma_start3A_82, %dma_start3A_83] : memref<10000x16xf32, #tpu.memory_space<vmem_shared>> -> memref<10000x16xf32, #tpu.memory_space<vmem_shared>>
      tpu.enqueue_indirect_dma source(%arg5 : memref<125x16xf32, #tpu.memory_space<vmem>>) target(%dma_start3A_84 : memref<10000x16xf32, #tpu.memory_space<vmem_shared>>) offsets(%dma_start3A_81 : memref<125xi32, #tpu.memory_space<vmem>>) semaphore(%arg8 : memref<!tpu.dma_semaphore, #tpu.memory_space<semaphore_mem>>) {add = true}
      %mul3A_85 = arith.constant 8 : i32
      %mul3A_86 = arith.muli %scan3A_53, %mul3A_85 : i32
      %add3A_87 = arith.constant 3 : i32
      %add3A_88 = arith.addi %mul3A_86, %add3A_87 : i32
      %dma_start3A_89 = arith.constant 0 : i32
      %dma_start3A_90 = tpu.memref_slice %arg4[%add3A_88, %dma_start3A_89] : memref<160x125xi32, #tpu.memory_space<vmem>> -> memref<1x125xi32, #tpu.memory_space<vmem>>
      %dma_start3A_91 = tpu.memref_squeeze %dma_start3A_90 : memref<1x125xi32, #tpu.memory_space<vmem>> -> memref<125xi32, #tpu.memory_space<vmem>>
      %dma_start3A_92 = arith.constant 0 : i32
      %dma_start3A_93 = arith.constant 0 : i32
      %dma_start3A_94 = tpu.memref_slice %arg6[%dma_start3A_92, %dma_start3A_93] : memref<10000x16xf32, #tpu.memory_space<vmem_shared>> -> memref<10000x16xf32, #tpu.memory_space<vmem_shared>>
      tpu.enqueue_indirect_dma source(%arg5 : memref<125x16xf32, #tpu.memory_space<vmem>>) target(%dma_start3A_94 : memref<10000x16xf32, #tpu.memory_space<vmem_shared>>) offsets(%dma_start3A_91 : memref<125xi32, #tpu.memory_space<vmem>>) semaphore(%arg8 : memref<!tpu.dma_semaphore, #tpu.memory_space<semaphore_mem>>) {add = true}
      %mul3A_95 = arith.constant 8 : i32
      %mul3A_96 = arith.muli %scan3A_53, %mul3A_95 : i32
      %add3A_97 = arith.constant 4 : i32
      %add3A_98 = arith.addi %mul3A_96, %add3A_97 : i32
      %dma_start3A_99 = arith.constant 0 : i32
      %dma_start3A_100 = tpu.memref_slice %arg4[%add3A_98, %dma_start3A_99] : memref<160x125xi32, #tpu.memory_space<vmem>> -> memref<1x125xi32, #tpu.memory_space<vmem>>
      %dma_start3A_101 = tpu.memref_squeeze %dma_start3A_100 : memref<1x125xi32, #tpu.memory_space<vmem>> -> memref<125xi32, #tpu.memory_space<vmem>>
      %dma_start3A_102 = arith.constant 0 : i32
      %dma_start3A_103 = arith.constant 0 : i32
      %dma_start3A_104 = tpu.memref_slice %arg6[%dma_start3A_102, %dma_start3A_103] : memref<10000x16xf32, #tpu.memory_space<vmem_shared>> -> memref<10000x16xf32, #tpu.memory_space<vmem_shared>>
      tpu.enqueue_indirect_dma source(%arg5 : memref<125x16xf32, #tpu.memory_space<vmem>>) target(%dma_start3A_104 : memref<10000x16xf32, #tpu.memory_space<vmem_shared>>) offsets(%dma_start3A_101 : memref<125xi32, #tpu.memory_space<vmem>>) semaphore(%arg8 : memref<!tpu.dma_semaphore, #tpu.memory_space<semaphore_mem>>) {add = true}
      %mul3A_105 = arith.constant 8 : i32
      %mul3A_106 = arith.muli %scan3A_53, %mul3A_105 : i32
      %add3A_107 = arith.constant 5 : i32
      %add3A_108 = arith.addi %mul3A_106, %add3A_107 : i32
      %dma_start3A_109 = arith.constant 0 : i32
      %dma_start3A_110 = tpu.memref_slice %arg4[%add3A_108, %dma_start3A_109] : memref<160x125xi32, #tpu.memory_space<vmem>> -> memref<1x125xi32, #tpu.memory_space<vmem>>
      %dma_start3A_111 = tpu.memref_squeeze %dma_start3A_110 : memref<1x125xi32, #tpu.memory_space<vmem>> -> memref<125xi32, #tpu.memory_space<vmem>>
      %dma_start3A_112 = arith.constant 0 : i32
      %dma_start3A_113 = arith.constant 0 : i32
      %dma_start3A_114 = tpu.memref_slice %arg6[%dma_start3A_112, %dma_start3A_113] : memref<10000x16xf32, #tpu.memory_space<vmem_shared>> -> memref<10000x16xf32, #tpu.memory_space<vmem_shared>>
      tpu.enqueue_indirect_dma source(%arg5 : memref<125x16xf32, #tpu.memory_space<vmem>>) target(%dma_start3A_114 : memref<10000x16xf32, #tpu.memory_space<vmem_shared>>) offsets(%dma_start3A_111 : memref<125xi32, #tpu.memory_space<vmem>>) semaphore(%arg8 : memref<!tpu.dma_semaphore, #tpu.memory_space<semaphore_mem>>) {add = true}
      %mul3A_115 = arith.constant 8 : i32
      %mul3A_116 = arith.muli %scan3A_53, %mul3A_115 : i32
      %add3A_117 = arith.constant 6 : i32
      %add3A_118 = arith.addi %mul3A_116, %add3A_117 : i32
      %dma_start3A_119 = arith.constant 0 : i32
      %dma_start3A_120 = tpu.memref_slice %arg4[%add3A_118, %dma_start3A_119] : memref<160x125xi32, #tpu.memory_space<vmem>> -> memref<1x125xi32, #tpu.memory_space<vmem>>
      %dma_start3A_121 = tpu.memref_squeeze %dma_start3A_120 : memref<1x125xi32, #tpu.memory_space<vmem>> -> memref<125xi32, #tpu.memory_space<vmem>>
      %dma_start3A_122 = arith.constant 0 : i32
      %dma_start3A_123 = arith.constant 0 : i32
      %dma_start3A_124 = tpu.memref_slice %arg6[%dma_start3A_122, %dma_start3A_123] : memref<10000x16xf32, #tpu.memory_space<vmem_shared>> -> memref<10000x16xf32, #tpu.memory_space<vmem_shared>>
      tpu.enqueue_indirect_dma source(%arg5 : memref<125x16xf32, #tpu.memory_space<vmem>>) target(%dma_start3A_124 : memref<10000x16xf32, #tpu.memory_space<vmem_shared>>) offsets(%dma_start3A_121 : memref<125xi32, #tpu.memory_space<vmem>>) semaphore(%arg8 : memref<!tpu.dma_semaphore, #tpu.memory_space<semaphore_mem>>) {add = true}
      %mul3A_125 = arith.constant 8 : i32
      %mul3A_126 = arith.muli %scan3A_53, %mul3A_125 : i32
      %add3A_127 = arith.constant 7 : i32
      %add3A_128 = arith.addi %mul3A_126, %add3A_127 : i32
      %dma_start3A_129 = arith.constant 0 : i32
      %dma_start3A_130 = tpu.memref_slice %arg4[%add3A_128, %dma_start3A_129] : memref<160x125xi32, #tpu.memory_space<vmem>> -> memref<1x125xi32, #tpu.memory_space<vmem>>
      %dma_start3A_131 = tpu.memref_squeeze %dma_start3A_130 : memref<1x125xi32, #tpu.memory_space<vmem>> -> memref<125xi32, #tpu.memory_space<vmem>>
      %dma_start3A_132 = arith.constant 0 : i32
      %dma_start3A_133 = arith.constant 0 : i32
      %dma_start3A_134 = tpu.memref_slice %arg6[%dma_start3A_132, %dma_start3A_133] : memref<10000x16xf32, #tpu.memory_space<vmem_shared>> -> memref<10000x16xf32, #tpu.memory_space<vmem_shared>>
      tpu.enqueue_indirect_dma source(%arg5 : memref<125x16xf32, #tpu.memory_space<vmem>>) target(%dma_start3A_134 : memref<10000x16xf32, #tpu.memory_space<vmem_shared>>) offsets(%dma_start3A_131 : memref<125xi32, #tpu.memory_space<vmem>>) semaphore(%arg8 : memref<!tpu.dma_semaphore, #tpu.memory_space<semaphore_mem>>) {add = true}
      %dma_wait3A_135 = arith.constant 0 : i32
      %dma_wait3A_136 = arith.constant 0 : i32
      %dma_wait3A_137 = tpu.memref_slice %arg4[%dma_wait3A_135, %dma_wait3A_136] : memref<160x125xi32, #tpu.memory_space<vmem>> -> memref<1x125xi32, #tpu.memory_space<vmem>>
      %dma_wait3A_138 = tpu.memref_squeeze %dma_wait3A_137 : memref<1x125xi32, #tpu.memory_space<vmem>> -> memref<125xi32, #tpu.memory_space<vmem>>
      %dma_wait3A_139 = arith.constant 0 : i32
      %dma_wait3A_140 = arith.constant 0 : i32
      %dma_wait3A_141 = tpu.memref_slice %arg6[%dma_wait3A_139, %dma_wait3A_140] : memref<10000x16xf32, #tpu.memory_space<vmem_shared>> -> memref<10000x16xf32, #tpu.memory_space<vmem_shared>>
      tpu.wait_indirect_dma semaphore(%arg8 : memref<!tpu.dma_semaphore, #tpu.memory_space<semaphore_mem>>) src(%arg5 : memref<125x16xf32, #tpu.memory_space<vmem>>) dst(%dma_wait3A_141 : memref<10000x16xf32, #tpu.memory_space<vmem_shared>>)
      %dma_wait3A_142 = arith.constant 0 : i32
      %dma_wait3A_143 = arith.constant 0 : i32
      %dma_wait3A_144 = tpu.memref_slice %arg4[%dma_wait3A_142, %dma_wait3A_143] : memref<160x125xi32, #tpu.memory_space<vmem>> -> memref<1x125xi32, #tpu.memory_space<vmem>>
      %dma_wait3A_145 = tpu.memref_squeeze %dma_wait3A_144 : memref<1x125xi32, #tpu.memory_space<vmem>> -> memref<125xi32, #tpu.memory_space<vmem>>
      %dma_wait3A_146 = arith.constant 0 : i32
      %dma_wait3A_147 = arith.constant 0 : i32
      %dma_wait3A_148 = tpu.memref_slice %arg6[%dma_wait3A_146, %dma_wait3A_147] : memref<10000x16xf32, #tpu.memory_space<vmem_shared>> -> memref<10000x16xf32, #tpu.memory_space<vmem_shared>>
      tpu.wait_indirect_dma semaphore(%arg8 : memref<!tpu.dma_semaphore, #tpu.memory_space<semaphore_mem>>) src(%arg5 : memref<125x16xf32, #tpu.memory_space<vmem>>) dst(%dma_wait3A_148 : memref<10000x16xf32, #tpu.memory_space<vmem_shared>>)
      %dma_wait3A_149 = arith.constant 0 : i32
      %dma_wait3A_150 = arith.constant 0 : i32
      %dma_wait3A_151 = tpu.memref_slice %arg4[%dma_wait3A_149, %dma_wait3A_150] : memref<160x125xi32, #tpu.memory_space<vmem>> -> memref<1x125xi32, #tpu.memory_space<vmem>>
      %dma_wait3A_152 = tpu.memref_squeeze %dma_wait3A_151 : memref<1x125xi32, #tpu.memory_space<vmem>> -> memref<125xi32, #tpu.memory_space<vmem>>
      %dma_wait3A_153 = arith.constant 0 : i32
      %dma_wait3A_154 = arith.constant 0 : i32
      %dma_wait3A_155 = tpu.memref_slice %arg6[%dma_wait3A_153, %dma_wait3A_154] : memref<10000x16xf32, #tpu.memory_space<vmem_shared>> -> memref<10000x16xf32, #tpu.memory_space<vmem_shared>>
      tpu.wait_indirect_dma semaphore(%arg8 : memref<!tpu.dma_semaphore, #tpu.memory_space<semaphore_mem>>) src(%arg5 : memref<125x16xf32, #tpu.memory_space<vmem>>) dst(%dma_wait3A_155 : memref<10000x16xf32, #tpu.memory_space<vmem_shared>>)
      %dma_wait3A_156 = arith.constant 0 : i32
      %dma_wait3A_157 = arith.constant 0 : i32
      %dma_wait3A_158 = tpu.memref_slice %arg4[%dma_wait3A_156, %dma_wait3A_157] : memref<160x125xi32, #tpu.memory_space<vmem>> -> memref<1x125xi32, #tpu.memory_space<vmem>>
      %dma_wait3A_159 = tpu.memref_squeeze %dma_wait3A_158 : memref<1x125xi32, #tpu.memory_space<vmem>> -> memref<125xi32, #tpu.memory_space<vmem>>
      %dma_wait3A_160 = arith.constant 0 : i32
      %dma_wait3A_161 = arith.constant 0 : i32
      %dma_wait3A_162 = tpu.memref_slice %arg6[%dma_wait3A_160, %dma_wait3A_161] : memref<10000x16xf32, #tpu.memory_space<vmem_shared>> -> memref<10000x16xf32, #tpu.memory_space<vmem_shared>>
      tpu.wait_indirect_dma semaphore(%arg8 : memref<!tpu.dma_semaphore, #tpu.memory_space<semaphore_mem>>) src(%arg5 : memref<125x16xf32, #tpu.memory_space<vmem>>) dst(%dma_wait3A_162 : memref<10000x16xf32, #tpu.memory_space<vmem_shared>>)
      %dma_wait3A_163 = arith.constant 0 : i32
      %dma_wait3A_164 = arith.constant 0 : i32
      %dma_wait3A_165 = tpu.memref_slice %arg4[%dma_wait3A_163, %dma_wait3A_164] : memref<160x125xi32, #tpu.memory_space<vmem>> -> memref<1x125xi32, #tpu.memory_space<vmem>>
      %dma_wait3A_166 = tpu.memref_squeeze %dma_wait3A_165 : memref<1x125xi32, #tpu.memory_space<vmem>> -> memref<125xi32, #tpu.memory_space<vmem>>
      %dma_wait3A_167 = arith.constant 0 : i32
      %dma_wait3A_168 = arith.constant 0 : i32
      %dma_wait3A_169 = tpu.memref_slice %arg6[%dma_wait3A_167, %dma_wait3A_168] : memref<10000x16xf32, #tpu.memory_space<vmem_shared>> -> memref<10000x16xf32, #tpu.memory_space<vmem_shared>>
      tpu.wait_indirect_dma semaphore(%arg8 : memref<!tpu.dma_semaphore, #tpu.memory_space<semaphore_mem>>) src(%arg5 : memref<125x16xf32, #tpu.memory_space<vmem>>) dst(%dma_wait3A_169 : memref<10000x16xf32, #tpu.memory_space<vmem_shared>>)
      %dma_wait3A_170 = arith.constant 0 : i32
      %dma_wait3A_171 = arith.constant 0 : i32
      %dma_wait3A_172 = tpu.memref_slice %arg4[%dma_wait3A_170, %dma_wait3A_171] : memref<160x125xi32, #tpu.memory_space<vmem>> -> memref<1x125xi32, #tpu.memory_space<vmem>>
      %dma_wait3A_173 = tpu.memref_squeeze %dma_wait3A_172 : memref<1x125xi32, #tpu.memory_space<vmem>> -> memref<125xi32, #tpu.memory_space<vmem>>
      %dma_wait3A_174 = arith.constant 0 : i32
      %dma_wait3A_175 = arith.constant 0 : i32
      %dma_wait3A_176 = tpu.memref_slice %arg6[%dma_wait3A_174, %dma_wait3A_175] : memref<10000x16xf32, #tpu.memory_space<vmem_shared>> -> memref<10000x16xf32, #tpu.memory_space<vmem_shared>>
      tpu.wait_indirect_dma semaphore(%arg8 : memref<!tpu.dma_semaphore, #tpu.memory_space<semaphore_mem>>) src(%arg5 : memref<125x16xf32, #tpu.memory_space<vmem>>) dst(%dma_wait3A_176 : memref<10000x16xf32, #tpu.memory_space<vmem_shared>>)
      %dma_wait3A_177 = arith.constant 0 : i32
      %dma_wait3A_178 = arith.constant 0 : i32
      %dma_wait3A_179 = tpu.memref_slice %arg4[%dma_wait3A_177, %dma_wait3A_178] : memref<160x125xi32, #tpu.memory_space<vmem>> -> memref<1x125xi32, #tpu.memory_space<vmem>>
      %dma_wait3A_180 = tpu.memref_squeeze %dma_wait3A_179 : memref<1x125xi32, #tpu.memory_space<vmem>> -> memref<125xi32, #tpu.memory_space<vmem>>
      %dma_wait3A_181 = arith.constant 0 : i32
      %dma_wait3A_182 = arith.constant 0 : i32
      %dma_wait3A_183 = tpu.memref_slice %arg6[%dma_wait3A_181, %dma_wait3A_182] : memref<10000x16xf32, #tpu.memory_space<vmem_shared>> -> memref<10000x16xf32, #tpu.memory_space<vmem_shared>>
      tpu.wait_indirect_dma semaphore(%arg8 : memref<!tpu.dma_semaphore, #tpu.memory_space<semaphore_mem>>) src(%arg5 : memref<125x16xf32, #tpu.memory_space<vmem>>) dst(%dma_wait3A_183 : memref<10000x16xf32, #tpu.memory_space<vmem_shared>>)
      %dma_wait3A_184 = arith.constant 0 : i32
      %dma_wait3A_185 = arith.constant 0 : i32
      %dma_wait3A_186 = tpu.memref_slice %arg4[%dma_wait3A_184, %dma_wait3A_185] : memref<160x125xi32, #tpu.memory_space<vmem>> -> memref<1x125xi32, #tpu.memory_space<vmem>>
      %dma_wait3A_187 = tpu.memref_squeeze %dma_wait3A_186 : memref<1x125xi32, #tpu.memory_space<vmem>> -> memref<125xi32, #tpu.memory_space<vmem>>
      %dma_wait3A_188 = arith.constant 0 : i32
      %dma_wait3A_189 = arith.constant 0 : i32
      %dma_wait3A_190 = tpu.memref_slice %arg6[%dma_wait3A_188, %dma_wait3A_189] : memref<10000x16xf32, #tpu.memory_space<vmem_shared>> -> memref<10000x16xf32, #tpu.memory_space<vmem_shared>>
      tpu.wait_indirect_dma semaphore(%arg8 : memref<!tpu.dma_semaphore, #tpu.memory_space<semaphore_mem>>) src(%arg5 : memref<125x16xf32, #tpu.memory_space<vmem>>) dst(%dma_wait3A_190 : memref<10000x16xf32, #tpu.memory_space<vmem_shared>>)
      %scan3A_191 = arith.constant 0 : i32
      scf.yield %scan3A_191 : i32
    }
    %scan3A_46 = arith.constant 20 : i32
    %barrier3A_47 = arith.constant 0 : index
    tpu.barrier barrier_id(%barrier3A_47)
    %eq3A_48 = arith.constant 0 : i32
    %eq3A_49 = arith.cmpi eq, %arg0, %eq3A_48 : i32
    %convert_element_type3A_50 = arith.extui %eq3A_49 : i1 to i32
    %cond3A_51 = arith.constant 0 : i32
    %cond3A_52 = arith.cmpi ne, %convert_element_type3A_50, %cond3A_51 : i32
    scf.if %cond3A_52 {
      %add3A_53 = arith.constant 0 : i32
      %add3A_54 = arith.addi %mul3A_0, %add3A_53 : i32
      %add3A_55 = arith.constant 0 : i32
      %add3A_56 = arith.addi %mul3A_0, %add3A_55 : i32
      "tpu.region"() ({
        %run_scoped3A = tpu.sem_alloc : memref<!tpu.dma_semaphore, #tpu.memory_space<semaphore_mem>>
        %dma_start3A_83 = arith.constant 0 : i32
        %dma_start3A_84 = tpu.memref_slice %arg3[%add3A_56, %dma_start3A_83] : memref<10000x16xf32, #tpu.memory_space<hbm>> -> memref<120x16xf32, #tpu.memory_space<hbm>>
        %dma_start3A_85 = arith.constant 0 : i32
        %dma_start3A_86 = tpu.memref_slice %arg6[%add3A_54, %dma_start3A_85] : memref<10000x16xf32, #tpu.memory_space<vmem_shared>> -> memref<120x16xf32, #tpu.memory_space<vmem_shared>>
        tpu.enqueue_dma source(%dma_start3A_86 : memref<120x16xf32, #tpu.memory_space<vmem_shared>>) target(%dma_start3A_84 : memref<120x16xf32, #tpu.memory_space<hbm>>) target_semaphore(%run_scoped3A : memref<!tpu.dma_semaphore, #tpu.memory_space<semaphore_mem>>)
        %dma_wait3A_87 = arith.constant 0 : i32
        %dma_wait3A_88 = tpu.memref_slice %arg3[%add3A_56, %dma_wait3A_87] : memref<10000x16xf32, #tpu.memory_space<hbm>> -> memref<120x16xf32, #tpu.memory_space<hbm>>
        %dma_wait3A_89 = arith.constant 0 : i32
        %dma_wait3A_90 = tpu.memref_slice %arg6[%add3A_54, %dma_wait3A_89] : memref<10000x16xf32, #tpu.memory_space<vmem_shared>> -> memref<120x16xf32, #tpu.memory_space<vmem_shared>>
        tpu.wait_dma2 semaphore(%run_scoped3A : memref<!tpu.dma_semaphore, #tpu.memory_space<semaphore_mem>>) src(%dma_wait3A_90 : memref<120x16xf32, #tpu.memory_space<vmem_shared>>) dst(%dma_wait3A_88 : memref<120x16xf32, #tpu.memory_space<hbm>>)
        tpu.yield
      }) : () -> ()
      %add3A_57 = arith.constant 120 : i32
      %add3A_58 = arith.addi %mul3A_0, %add3A_57 : i32
      %add3A_59 = arith.constant 120 : i32
      %add3A_60 = arith.addi %mul3A_0, %add3A_59 : i32
      "tpu.region"() ({
        %run_scoped3A = tpu.sem_alloc : memref<!tpu.dma_semaphore, #tpu.memory_space<semaphore_mem>>
        %dma_start3A_83 = arith.constant 0 : i32
        %dma_start3A_84 = tpu.memref_slice %arg3[%add3A_60, %dma_start3A_83] : memref<10000x16xf32, #tpu.memory_space<hbm>> -> memref<120x16xf32, #tpu.memory_space<hbm>>
        %dma_start3A_85 = arith.constant 0 : i32
        %dma_start3A_86 = tpu.memref_slice %arg6[%add3A_58, %dma_start3A_85] : memref<10000x16xf32, #tpu.memory_space<vmem_shared>> -> memref<120x16xf32, #tpu.memory_space<vmem_shared>>
        tpu.enqueue_dma source(%dma_start3A_86 : memref<120x16xf32, #tpu.memory_space<vmem_shared>>) target(%dma_start3A_84 : memref<120x16xf32, #tpu.memory_space<hbm>>) target_semaphore(%run_scoped3A : memref<!tpu.dma_semaphore, #tpu.memory_space<semaphore_mem>>)
        %dma_wait3A_87 = arith.constant 0 : i32
        %dma_wait3A_88 = tpu.memref_slice %arg3[%add3A_60, %dma_wait3A_87] : memref<10000x16xf32, #tpu.memory_space<hbm>> -> memref<120x16xf32, #tpu.memory_space<hbm>>
        %dma_wait3A_89 = arith.constant 0 : i32
        %dma_wait3A_90 = tpu.memref_slice %arg6[%add3A_58, %dma_wait3A_89] : memref<10000x16xf32, #tpu.memory_space<vmem_shared>> -> memref<120x16xf32, #tpu.memory_space<vmem_shared>>
        tpu.wait_dma2 semaphore(%run_scoped3A : memref<!tpu.dma_semaphore, #tpu.memory_space<semaphore_mem>>) src(%dma_wait3A_90 : memref<120x16xf32, #tpu.memory_space<vmem_shared>>) dst(%dma_wait3A_88 : memref<120x16xf32, #tpu.memory_space<hbm>>)
        tpu.yield
      }) : () -> ()
      %add3A_61 = arith.constant 240 : i32
      %add3A_62 = arith.addi %mul3A_0, %add3A_61 : i32
      %add3A_63 = arith.constant 240 : i32
      %add3A_64 = arith.addi %mul3A_0, %add3A_63 : i32
      "tpu.region"() ({
        %run_scoped3A = tpu.sem_alloc : memref<!tpu.dma_semaphore, #tpu.memory_space<semaphore_mem>>
        %dma_start3A_83 = arith.constant 0 : i32
        %dma_start3A_84 = tpu.memref_slice %arg3[%add3A_64, %dma_start3A_83] : memref<10000x16xf32, #tpu.memory_space<hbm>> -> memref<120x16xf32, #tpu.memory_space<hbm>>
        %dma_start3A_85 = arith.constant 0 : i32
        %dma_start3A_86 = tpu.memref_slice %arg6[%add3A_62, %dma_start3A_85] : memref<10000x16xf32, #tpu.memory_space<vmem_shared>> -> memref<120x16xf32, #tpu.memory_space<vmem_shared>>
        tpu.enqueue_dma source(%dma_start3A_86 : memref<120x16xf32, #tpu.memory_space<vmem_shared>>) target(%dma_start3A_84 : memref<120x16xf32, #tpu.memory_space<hbm>>) target_semaphore(%run_scoped3A : memref<!tpu.dma_semaphore, #tpu.memory_space<semaphore_mem>>)
        %dma_wait3A_87 = arith.constant 0 : i32
        %dma_wait3A_88 = tpu.memref_slice %arg3[%add3A_64, %dma_wait3A_87] : memref<10000x16xf32, #tpu.memory_space<hbm>> -> memref<120x16xf32, #tpu.memory_space<hbm>>
        %dma_wait3A_89 = arith.constant 0 : i32
        %dma_wait3A_90 = tpu.memref_slice %arg6[%add3A_62, %dma_wait3A_89] : memref<10000x16xf32, #tpu.memory_space<vmem_shared>> -> memref<120x16xf32, #tpu.memory_space<vmem_shared>>
        tpu.wait_dma2 semaphore(%run_scoped3A : memref<!tpu.dma_semaphore, #tpu.memory_space<semaphore_mem>>) src(%dma_wait3A_90 : memref<120x16xf32, #tpu.memory_space<vmem_shared>>) dst(%dma_wait3A_88 : memref<120x16xf32, #tpu.memory_space<hbm>>)
        tpu.yield
      }) : () -> ()
      %add3A_65 = arith.constant 360 : i32
      %add3A_66 = arith.addi %mul3A_0, %add3A_65 : i32
      %add3A_67 = arith.constant 360 : i32
      %add3A_68 = arith.addi %mul3A_0, %add3A_67 : i32
      "tpu.region"() ({
        %run_scoped3A = tpu.sem_alloc : memref<!tpu.dma_semaphore, #tpu.memory_space<semaphore_mem>>
        %dma_start3A_83 = arith.constant 0 : i32
        %dma_start3A_84 = tpu.memref_slice %arg3[%add3A_68, %dma_start3A_83] : memref<10000x16xf32, #tpu.memory_space<hbm>> -> memref<120x16xf32, #tpu.memory_space<hbm>>
        %dma_start3A_85 = arith.constant 0 : i32
        %dma_start3A_86 = tpu.memref_slice %arg6[%add3A_66, %dma_start3A_85] : memref<10000x16xf32, #tpu.memory_space<vmem_shared>> -> memref<120x16xf32, #tpu.memory_space<vmem_shared>>
        tpu.enqueue_dma source(%dma_start3A_86 : memref<120x16xf32, #tpu.memory_space<vmem_shared>>) target(%dma_start3A_84 : memref<120x16xf32, #tpu.memory_space<hbm>>) target_semaphore(%run_scoped3A : memref<!tpu.dma_semaphore, #tpu.memory_space<semaphore_mem>>)
        %dma_wait3A_87 = arith.constant 0 : i32
        %dma_wait3A_88 = tpu.memref_slice %arg3[%add3A_68, %dma_wait3A_87] : memref<10000x16xf32, #tpu.memory_space<hbm>> -> memref<120x16xf32, #tpu.memory_space<hbm>>
        %dma_wait3A_89 = arith.constant 0 : i32
        %dma_wait3A_90 = tpu.memref_slice %arg6[%add3A_66, %dma_wait3A_89] : memref<10000x16xf32, #tpu.memory_space<vmem_shared>> -> memref<120x16xf32, #tpu.memory_space<vmem_shared>>
        tpu.wait_dma2 semaphore(%run_scoped3A : memref<!tpu.dma_semaphore, #tpu.memory_space<semaphore_mem>>) src(%dma_wait3A_90 : memref<120x16xf32, #tpu.memory_space<vmem_shared>>) dst(%dma_wait3A_88 : memref<120x16xf32, #tpu.memory_space<hbm>>)
        tpu.yield
      }) : () -> ()
      %add3A_69 = arith.constant 480 : i32
      %add3A_70 = arith.addi %mul3A_0, %add3A_69 : i32
      %add3A_71 = arith.constant 480 : i32
      %add3A_72 = arith.addi %mul3A_0, %add3A_71 : i32
      "tpu.region"() ({
        %run_scoped3A = tpu.sem_alloc : memref<!tpu.dma_semaphore, #tpu.memory_space<semaphore_mem>>
        %dma_start3A_83 = arith.constant 0 : i32
        %dma_start3A_84 = tpu.memref_slice %arg3[%add3A_72, %dma_start3A_83] : memref<10000x16xf32, #tpu.memory_space<hbm>> -> memref<120x16xf32, #tpu.memory_space<hbm>>
        %dma_start3A_85 = arith.constant 0 : i32
        %dma_start3A_86 = tpu.memref_slice %arg6[%add3A_70, %dma_start3A_85] : memref<10000x16xf32, #tpu.memory_space<vmem_shared>> -> memref<120x16xf32, #tpu.memory_space<vmem_shared>>
        tpu.enqueue_dma source(%dma_start3A_86 : memref<120x16xf32, #tpu.memory_space<vmem_shared>>) target(%dma_start3A_84 : memref<120x16xf32, #tpu.memory_space<hbm>>) target_semaphore(%run_scoped3A : memref<!tpu.dma_semaphore, #tpu.memory_space<semaphore_mem>>)
        %dma_wait3A_87 = arith.constant 0 : i32
        %dma_wait3A_88 = tpu.memref_slice %arg3[%add3A_72, %dma_wait3A_87] : memref<10000x16xf32, #tpu.memory_space<hbm>> -> memref<120x16xf32, #tpu.memory_space<hbm>>
        %dma_wait3A_89 = arith.constant 0 : i32
        %dma_wait3A_90 = tpu.memref_slice %arg6[%add3A_70, %dma_wait3A_89] : memref<10000x16xf32, #tpu.memory_space<vmem_shared>> -> memref<120x16xf32, #tpu.memory_space<vmem_shared>>
        tpu.wait_dma2 semaphore(%run_scoped3A : memref<!tpu.dma_semaphore, #tpu.memory_space<semaphore_mem>>) src(%dma_wait3A_90 : memref<120x16xf32, #tpu.memory_space<vmem_shared>>) dst(%dma_wait3A_88 : memref<120x16xf32, #tpu.memory_space<hbm>>)
        tpu.yield
      }) : () -> ()
      %lt3A_73 = arith.constant 15 : i32
      %lt3A_74 = arith.cmpi slt, %arg1, %lt3A_73 : i32
      %convert_element_type3A_75 = arith.extui %lt3A_74 : i1 to i32
      %cond3A_76 = arith.constant 0 : i32
      %cond3A_77 = arith.cmpi ne, %convert_element_type3A_75, %cond3A_76 : i32
      scf.if %cond3A_77 {
        %add3A_83 = arith.constant 600 : i32
        %add3A_84 = arith.addi %mul3A_0, %add3A_83 : i32
        %add3A_85 = arith.constant 600 : i32
        %add3A_86 = arith.addi %mul3A_0, %add3A_85 : i32
        "tpu.region"() ({
          %run_scoped3A = tpu.sem_alloc : memref<!tpu.dma_semaphore, #tpu.memory_space<semaphore_mem>>
          %dma_start3A_87 = arith.constant 0 : i32
          %dma_start3A_88 = tpu.memref_slice %arg3[%add3A_86, %dma_start3A_87] : memref<10000x16xf32, #tpu.memory_space<hbm>> -> memref<24x16xf32, #tpu.memory_space<hbm>>
          %dma_start3A_89 = arith.constant 0 : i32
          %dma_start3A_90 = tpu.memref_slice %arg6[%add3A_84, %dma_start3A_89] : memref<10000x16xf32, #tpu.memory_space<vmem_shared>> -> memref<24x16xf32, #tpu.memory_space<vmem_shared>>
          tpu.enqueue_dma source(%dma_start3A_90 : memref<24x16xf32, #tpu.memory_space<vmem_shared>>) target(%dma_start3A_88 : memref<24x16xf32, #tpu.memory_space<hbm>>) target_semaphore(%run_scoped3A : memref<!tpu.dma_semaphore, #tpu.memory_space<semaphore_mem>>)
          %dma_wait3A_91 = arith.constant 0 : i32
          %dma_wait3A_92 = tpu.memref_slice %arg3[%add3A_86, %dma_wait3A_91] : memref<10000x16xf32, #tpu.memory_space<hbm>> -> memref<24x16xf32, #tpu.memory_space<hbm>>
          %dma_wait3A_93 = arith.constant 0 : i32
          %dma_wait3A_94 = tpu.memref_slice %arg6[%add3A_84, %dma_wait3A_93] : memref<10000x16xf32, #tpu.memory_space<vmem_shared>> -> memref<24x16xf32, #tpu.memory_space<vmem_shared>>
          tpu.wait_dma2 semaphore(%run_scoped3A : memref<!tpu.dma_semaphore, #tpu.memory_space<semaphore_mem>>) src(%dma_wait3A_94 : memref<24x16xf32, #tpu.memory_space<vmem_shared>>) dst(%dma_wait3A_92 : memref<24x16xf32, #tpu.memory_space<hbm>>)
          tpu.yield
        }) : () -> ()
      } else {
      }
      %eq3A_78 = arith.constant 15 : i32
      %eq3A_79 = arith.cmpi eq, %arg1, %eq3A_78 : i32
      %convert_element_type3A_80 = arith.extui %eq3A_79 : i1 to i32
      %cond3A_81 = arith.constant 0 : i32
      %cond3A_82 = arith.cmpi ne, %convert_element_type3A_80, %cond3A_81 : i32
      scf.if %cond3A_82 {
        %add3A_83 = arith.constant 600 : i32
        %add3A_84 = arith.addi %mul3A_0, %add3A_83 : i32
        %add3A_85 = arith.constant 600 : i32
        %add3A_86 = arith.addi %mul3A_0, %add3A_85 : i32
        "tpu.region"() ({
          %run_scoped3A = tpu.sem_alloc : memref<!tpu.dma_semaphore, #tpu.memory_space<semaphore_mem>>
          %dma_start3A_87 = arith.constant 0 : i32
          %dma_start3A_88 = tpu.memref_slice %arg3[%add3A_86, %dma_start3A_87] : memref<10000x16xf32, #tpu.memory_space<hbm>> -> memref<40x16xf32, #tpu.memory_space<hbm>>
          %dma_start3A_89 = arith.constant 0 : i32
          %dma_start3A_90 = tpu.memref_slice %arg6[%add3A_84, %dma_start3A_89] : memref<10000x16xf32, #tpu.memory_space<vmem_shared>> -> memref<40x16xf32, #tpu.memory_space<vmem_shared>>
          tpu.enqueue_dma source(%dma_start3A_90 : memref<40x16xf32, #tpu.memory_space<vmem_shared>>) target(%dma_start3A_88 : memref<40x16xf32, #tpu.memory_space<hbm>>) target_semaphore(%run_scoped3A : memref<!tpu.dma_semaphore, #tpu.memory_space<semaphore_mem>>)
          %dma_wait3A_91 = arith.constant 0 : i32
          %dma_wait3A_92 = tpu.memref_slice %arg3[%add3A_86, %dma_wait3A_91] : memref<10000x16xf32, #tpu.memory_space<hbm>> -> memref<40x16xf32, #tpu.memory_space<hbm>>
          %dma_wait3A_93 = arith.constant 0 : i32
          %dma_wait3A_94 = tpu.memref_slice %arg6[%add3A_84, %dma_wait3A_93] : memref<10000x16xf32, #tpu.memory_space<vmem_shared>> -> memref<40x16xf32, #tpu.memory_space<vmem_shared>>
          tpu.wait_dma2 semaphore(%run_scoped3A : memref<!tpu.dma_semaphore, #tpu.memory_space<semaphore_mem>>) src(%dma_wait3A_94 : memref<40x16xf32, #tpu.memory_space<vmem_shared>>) dst(%dma_wait3A_92 : memref<40x16xf32, #tpu.memory_space<hbm>>)
          tpu.yield
        }) : () -> ()
      } else {
      }
    } else {
    }
    return
  }
}

#map = affine_map<(d0, d1) -> (0, 0)>
module attributes {stable_mosaic.version = 14 : i64} {
  func.func @_agg_body(%arg0: i32, %arg1: i32, %arg2: memref<2560x125xi32, #tpu.memory_space<hbm>>, %arg3: memref<2560x125xi32, #tpu.memory_space<hbm>>, %arg4: memref<10000x128xf32, #tpu.memory_space<hbm>>, %arg5: memref<10000x128xf32, #tpu.memory_space<hbm>>, %arg6: memref<10000x128xf32, #tpu.memory_space<hbm>>, %arg7: memref<10000x128xf32, #tpu.memory_space<hbm>>, %arg8: memref<32x125xi32, #tpu.memory_space<vmem>>, %arg9: memref<32x125xi32, #tpu.memory_space<vmem>>, %arg10: memref<125x128xf32, #tpu.memory_space<vmem>>, %arg11: memref<125x128xf32, #tpu.memory_space<vmem>>, %arg12: memref<10000x128xf32, #tpu.memory_space<vmem_shared>>, %arg13: memref<!tpu.dma_semaphore, #tpu.memory_space<semaphore_mem>>, %arg14: memref<!tpu.dma_semaphore, #tpu.memory_space<semaphore_mem>>, %arg15: memref<!tpu.dma_semaphore, #tpu.memory_space<semaphore_mem>>, %arg16: memref<!tpu.dma_semaphore, #tpu.memory_space<semaphore_mem>>) attributes {dimension_semantics = [#tpu.dimension_semantics<core_parallel>, #tpu.dimension_semantics<subcore_parallel>], iteration_bounds = array<i64: 2, 16>, scalar_prefetch = 0 : i64, scratch_operands = 9 : i64, tpu.core_type = #tpu.core_type<sc_vector_subcore>, window_params = [{transform_indices = #map}, {transform_indices = #map}, {transform_indices = #map}, {transform_indices = #map}, {transform_indices = #map}, {transform_indices = #map}]} {
    %mul3A = arith.constant 624 : i32
    %mul3A_0 = arith.muli %arg1, %mul3A : i32
    %mul3A_1 = arith.constant 160 : i32
    %mul3A_2 = arith.muli %arg1, %mul3A_1 : i32
    %eq3A = arith.constant 0 : i32
    %eq3A_3 = arith.cmpi eq, %arg0, %eq3A : i32
    %convert_element_type3A = arith.extui %eq3A_3 : i1 to i32
    %cond3A = arith.constant 0 : i32
    %cond3A_4 = arith.cmpi ne, %convert_element_type3A, %cond3A : i32
    scf.if %cond3A_4 {
      %broadcast_in_dim3A = arith.constant 0.000000e+00 : f32
      %broadcast_in_dim3A_10 = vector.broadcast %broadcast_in_dim3A : f32 to vector<16xf32>
      %scan3A = arith.constant 0 : i32
      %scan3A_11 = arith.constant 0 : i32
      %scan3A_12 = arith.constant 1000 : i32
      %scan3A_13 = arith.addi %scan3A_11, %scan3A_12 : i32
      %scan3A_14 = arith.constant 1 : i32
      %scan3A_15 = scf.for %scan3A_73 = %scan3A_11 to %scan3A_13 step %scan3A_14 iter_args(%scan3A_74 = %scan3A) -> (i32)  : i32 {
        %jit3A = arith.constant 8 : i32
        %div3A = arith.divsi %scan3A_73, %jit3A : i32
        %sign3A = arith.constant 0 : i32
        %sign3A_75 = arith.cmpi sgt, %scan3A_73, %sign3A : i32
        %sign3A_76 = arith.extui %sign3A_75 : i1 to i32
        %sign3A_77 = arith.constant 0 : i32
        %sign3A_78 = arith.cmpi slt, %scan3A_73, %sign3A_77 : i32
        %sign3A_79 = arith.extui %sign3A_78 : i1 to i32
        %sign3A_80 = arith.subi %sign3A_76, %sign3A_79 : i32
        %sign3A_81 = arith.constant 0 : i32
        %sign3A_82 = arith.cmpi sgt, %jit3A, %sign3A_81 : i32
        %sign3A_83 = arith.extui %sign3A_82 : i1 to i32
        %sign3A_84 = arith.constant 0 : i32
        %sign3A_85 = arith.cmpi slt, %jit3A, %sign3A_84 : i32
        %sign3A_86 = arith.extui %sign3A_85 : i1 to i32
        %sign3A_87 = arith.subi %sign3A_83, %sign3A_86 : i32
        %ne3A = arith.cmpi ne, %sign3A_80, %sign3A_87 : i32
        %rem3A = arith.remsi %scan3A_73, %jit3A : i32
        %ne3A_88 = arith.constant 0 : i32
        %ne3A_89 = arith.cmpi ne, %rem3A, %ne3A_88 : i32
        %and3A = arith.andi %ne3A, %ne3A_89 : i1
        %sub3A = arith.constant 1 : i32
        %sub3A_90 = arith.subi %div3A, %sub3A : i32
        %select_n3A = arith.select %and3A, %sub3A_90, %div3A : i32
        %jit3A_91 = arith.constant 8 : i32
        %eq3A_92 = arith.constant 0 : i32
        %eq3A_93 = arith.cmpi eq, %jit3A_91, %eq3A_92 : i32
        %jit3A_94 = arith.constant 1 : i32
        %select_n3A_95 = arith.select %eq3A_93, %jit3A_94, %jit3A_91 : i32
        %rem3A_96 = arith.remsi %scan3A_73, %select_n3A_95 : i32
        %ne3A_97 = arith.constant 0 : i32
        %ne3A_98 = arith.cmpi ne, %rem3A_96, %ne3A_97 : i32
        %lt3A_99 = arith.constant 0 : i32
        %lt3A_100 = arith.cmpi slt, %rem3A_96, %lt3A_99 : i32
        %lt3A_101 = arith.constant 0 : i32
        %lt3A_102 = arith.cmpi slt, %select_n3A_95, %lt3A_101 : i32
        %ne3A_103 = arith.xori %lt3A_100, %lt3A_102 : i1
        %and3A_104 = arith.andi %ne3A_103, %ne3A_98 : i1
        %add3A_105 = arith.addi %rem3A_96, %select_n3A_95 : i32
        %select_n3A_106 = arith.select %and3A_104, %add3A_105, %rem3A_96 : i32
        %mul3A_107 = arith.constant 16 : i32
        %mul3A_108 = arith.muli %select_n3A_106, %mul3A_107 : i32
        %swap3A = arith.index_cast %select_n3A : i32 to index
        %swap3A_109 = arith.index_cast %mul3A_108 : i32 to index
        %swap3A_110 = tpu.vector_load %arg10[%swap3A, %swap3A_109] {strides = array<i32>} : memref<125x128xf32, #tpu.memory_space<vmem>>, vector<1x16xf32>,
        %swap3A_111 = vector.shape_cast %swap3A_110 : vector<1x16xf32> to vector<16xf32>
        %swap3A_112 = vector.shape_cast %broadcast_in_dim3A_10 : vector<16xf32> to vector<1x16xf32>
        tpu.vector_store %arg10[%swap3A, %swap3A_109], %swap3A_112 {strides = array<i32>} : memref<125x128xf32, #tpu.memory_space<vmem>>, vector<1x16xf32>,
        %scan3A_113 = arith.constant 0 : i32
        scf.yield %scan3A_113 : i32
      }
      %scan3A_16 = arith.constant 1000 : i32
      %add3A = arith.constant 0 : i32
      %add3A_17 = arith.addi %mul3A_0, %add3A : i32
      "tpu.region"() ({
        %run_scoped3A = tpu.sem_alloc : memref<!tpu.dma_semaphore, #tpu.memory_space<semaphore_mem>>
        %dma_start3A = arith.constant 0 : i32
        %dma_start3A_73 = arith.constant 0 : i32
        %dma_start3A_74 = tpu.memref_slice %arg10[%dma_start3A, %dma_start3A_73] : memref<125x128xf32, #tpu.memory_space<vmem>> -> memref<120x128xf32, #tpu.memory_space<vmem>>
        %dma_start3A_75 = arith.constant 0 : i32
        %dma_start3A_76 = tpu.memref_slice %arg12[%add3A_17, %dma_start3A_75] : memref<10000x128xf32, #tpu.memory_space<vmem_shared>> -> memref<120x128xf32, #tpu.memory_space<vmem_shared>>
        %dma_start3A_77 = arith.constant 0 : i32
        %dma_start3A_78 = tpu.memref_slice %arg12[%add3A_17, %dma_start3A_77] : memref<10000x128xf32, #tpu.memory_space<vmem_shared>> -> memref<120x128xf32, #tpu.memory_space<vmem_shared>>
        %dma_start3A_79 = arith.constant 0 : i32
        %dma_start3A_80 = arith.constant 0 : i32
        %dma_start3A_81 = tpu.memref_slice %arg10[%dma_start3A_79, %dma_start3A_80] : memref<125x128xf32, #tpu.memory_space<vmem>> -> memref<120x128xf32, #tpu.memory_space<vmem>>
        tpu.enqueue_dma source(%dma_start3A_81 : memref<120x128xf32, #tpu.memory_space<vmem>>) target(%dma_start3A_78 : memref<120x128xf32, #tpu.memory_space<vmem_shared>>) target_semaphore(%run_scoped3A : memref<!tpu.dma_semaphore, #tpu.memory_space<semaphore_mem>>)
        %dma_wait3A = arith.constant 0 : i32
        %dma_wait3A_82 = arith.constant 0 : i32
        %dma_wait3A_83 = tpu.memref_slice %arg10[%dma_wait3A, %dma_wait3A_82] : memref<125x128xf32, #tpu.memory_space<vmem>> -> memref<120x128xf32, #tpu.memory_space<vmem>>
        %dma_wait3A_84 = arith.constant 0 : i32
        %dma_wait3A_85 = tpu.memref_slice %arg12[%add3A_17, %dma_wait3A_84] : memref<10000x128xf32, #tpu.memory_space<vmem_shared>> -> memref<120x128xf32, #tpu.memory_space<vmem_shared>>
        %dma_wait3A_86 = arith.constant 0 : i32
        %dma_wait3A_87 = tpu.memref_slice %arg12[%add3A_17, %dma_wait3A_86] : memref<10000x128xf32, #tpu.memory_space<vmem_shared>> -> memref<120x128xf32, #tpu.memory_space<vmem_shared>>
        %dma_wait3A_88 = arith.constant 0 : i32
        %dma_wait3A_89 = arith.constant 0 : i32
        %dma_wait3A_90 = tpu.memref_slice %arg10[%dma_wait3A_88, %dma_wait3A_89] : memref<125x128xf32, #tpu.memory_space<vmem>> -> memref<120x128xf32, #tpu.memory_space<vmem>>
        tpu.wait_dma2 semaphore(%run_scoped3A : memref<!tpu.dma_semaphore, #tpu.memory_space<semaphore_mem>>) src(%dma_wait3A_90 : memref<120x128xf32, #tpu.memory_space<vmem>>) dst(%dma_wait3A_87 : memref<120x128xf32, #tpu.memory_space<vmem_shared>>)
        tpu.yield
      }) : () -> ()
      %add3A_18 = arith.constant 120 : i32
      %add3A_19 = arith.addi %mul3A_0, %add3A_18 : i32
      "tpu.region"() ({
        %run_scoped3A = tpu.sem_alloc : memref<!tpu.dma_semaphore, #tpu.memory_space<semaphore_mem>>
        %dma_start3A = arith.constant 0 : i32
        %dma_start3A_73 = arith.constant 0 : i32
        %dma_start3A_74 = tpu.memref_slice %arg10[%dma_start3A, %dma_start3A_73] : memref<125x128xf32, #tpu.memory_space<vmem>> -> memref<120x128xf32, #tpu.memory_space<vmem>>
        %dma_start3A_75 = arith.constant 0 : i32
        %dma_start3A_76 = tpu.memref_slice %arg12[%add3A_19, %dma_start3A_75] : memref<10000x128xf32, #tpu.memory_space<vmem_shared>> -> memref<120x128xf32, #tpu.memory_space<vmem_shared>>
        %dma_start3A_77 = arith.constant 0 : i32
        %dma_start3A_78 = tpu.memref_slice %arg12[%add3A_19, %dma_start3A_77] : memref<10000x128xf32, #tpu.memory_space<vmem_shared>> -> memref<120x128xf32, #tpu.memory_space<vmem_shared>>
        %dma_start3A_79 = arith.constant 0 : i32
        %dma_start3A_80 = arith.constant 0 : i32
        %dma_start3A_81 = tpu.memref_slice %arg10[%dma_start3A_79, %dma_start3A_80] : memref<125x128xf32, #tpu.memory_space<vmem>> -> memref<120x128xf32, #tpu.memory_space<vmem>>
        tpu.enqueue_dma source(%dma_start3A_81 : memref<120x128xf32, #tpu.memory_space<vmem>>) target(%dma_start3A_78 : memref<120x128xf32, #tpu.memory_space<vmem_shared>>) target_semaphore(%run_scoped3A : memref<!tpu.dma_semaphore, #tpu.memory_space<semaphore_mem>>)
        %dma_wait3A = arith.constant 0 : i32
        %dma_wait3A_82 = arith.constant 0 : i32
        %dma_wait3A_83 = tpu.memref_slice %arg10[%dma_wait3A, %dma_wait3A_82] : memref<125x128xf32, #tpu.memory_space<vmem>> -> memref<120x128xf32, #tpu.memory_space<vmem>>
        %dma_wait3A_84 = arith.constant 0 : i32
        %dma_wait3A_85 = tpu.memref_slice %arg12[%add3A_19, %dma_wait3A_84] : memref<10000x128xf32, #tpu.memory_space<vmem_shared>> -> memref<120x128xf32, #tpu.memory_space<vmem_shared>>
        %dma_wait3A_86 = arith.constant 0 : i32
        %dma_wait3A_87 = tpu.memref_slice %arg12[%add3A_19, %dma_wait3A_86] : memref<10000x128xf32, #tpu.memory_space<vmem_shared>> -> memref<120x128xf32, #tpu.memory_space<vmem_shared>>
        %dma_wait3A_88 = arith.constant 0 : i32
        %dma_wait3A_89 = arith.constant 0 : i32
        %dma_wait3A_90 = tpu.memref_slice %arg10[%dma_wait3A_88, %dma_wait3A_89] : memref<125x128xf32, #tpu.memory_space<vmem>> -> memref<120x128xf32, #tpu.memory_space<vmem>>
        tpu.wait_dma2 semaphore(%run_scoped3A : memref<!tpu.dma_semaphore, #tpu.memory_space<semaphore_mem>>) src(%dma_wait3A_90 : memref<120x128xf32, #tpu.memory_space<vmem>>) dst(%dma_wait3A_87 : memref<120x128xf32, #tpu.memory_space<vmem_shared>>)
        tpu.yield
      }) : () -> ()
      %add3A_20 = arith.constant 240 : i32
      %add3A_21 = arith.addi %mul3A_0, %add3A_20 : i32
      "tpu.region"() ({
        %run_scoped3A = tpu.sem_alloc : memref<!tpu.dma_semaphore, #tpu.memory_space<semaphore_mem>>
        %dma_start3A = arith.constant 0 : i32
        %dma_start3A_73 = arith.constant 0 : i32
        %dma_start3A_74 = tpu.memref_slice %arg10[%dma_start3A, %dma_start3A_73] : memref<125x128xf32, #tpu.memory_space<vmem>> -> memref<120x128xf32, #tpu.memory_space<vmem>>
        %dma_start3A_75 = arith.constant 0 : i32
        %dma_start3A_76 = tpu.memref_slice %arg12[%add3A_21, %dma_start3A_75] : memref<10000x128xf32, #tpu.memory_space<vmem_shared>> -> memref<120x128xf32, #tpu.memory_space<vmem_shared>>
        %dma_start3A_77 = arith.constant 0 : i32
        %dma_start3A_78 = tpu.memref_slice %arg12[%add3A_21, %dma_start3A_77] : memref<10000x128xf32, #tpu.memory_space<vmem_shared>> -> memref<120x128xf32, #tpu.memory_space<vmem_shared>>
        %dma_start3A_79 = arith.constant 0 : i32
        %dma_start3A_80 = arith.constant 0 : i32
        %dma_start3A_81 = tpu.memref_slice %arg10[%dma_start3A_79, %dma_start3A_80] : memref<125x128xf32, #tpu.memory_space<vmem>> -> memref<120x128xf32, #tpu.memory_space<vmem>>
        tpu.enqueue_dma source(%dma_start3A_81 : memref<120x128xf32, #tpu.memory_space<vmem>>) target(%dma_start3A_78 : memref<120x128xf32, #tpu.memory_space<vmem_shared>>) target_semaphore(%run_scoped3A : memref<!tpu.dma_semaphore, #tpu.memory_space<semaphore_mem>>)
        %dma_wait3A = arith.constant 0 : i32
        %dma_wait3A_82 = arith.constant 0 : i32
        %dma_wait3A_83 = tpu.memref_slice %arg10[%dma_wait3A, %dma_wait3A_82] : memref<125x128xf32, #tpu.memory_space<vmem>> -> memref<120x128xf32, #tpu.memory_space<vmem>>
        %dma_wait3A_84 = arith.constant 0 : i32
        %dma_wait3A_85 = tpu.memref_slice %arg12[%add3A_21, %dma_wait3A_84] : memref<10000x128xf32, #tpu.memory_space<vmem_shared>> -> memref<120x128xf32, #tpu.memory_space<vmem_shared>>
        %dma_wait3A_86 = arith.constant 0 : i32
        %dma_wait3A_87 = tpu.memref_slice %arg12[%add3A_21, %dma_wait3A_86] : memref<10000x128xf32, #tpu.memory_space<vmem_shared>> -> memref<120x128xf32, #tpu.memory_space<vmem_shared>>
        %dma_wait3A_88 = arith.constant 0 : i32
        %dma_wait3A_89 = arith.constant 0 : i32
        %dma_wait3A_90 = tpu.memref_slice %arg10[%dma_wait3A_88, %dma_wait3A_89] : memref<125x128xf32, #tpu.memory_space<vmem>> -> memref<120x128xf32, #tpu.memory_space<vmem>>
        tpu.wait_dma2 semaphore(%run_scoped3A : memref<!tpu.dma_semaphore, #tpu.memory_space<semaphore_mem>>) src(%dma_wait3A_90 : memref<120x128xf32, #tpu.memory_space<vmem>>) dst(%dma_wait3A_87 : memref<120x128xf32, #tpu.memory_space<vmem_shared>>)
        tpu.yield
      }) : () -> ()
      %add3A_22 = arith.constant 360 : i32
      %add3A_23 = arith.addi %mul3A_0, %add3A_22 : i32
      "tpu.region"() ({
        %run_scoped3A = tpu.sem_alloc : memref<!tpu.dma_semaphore, #tpu.memory_space<semaphore_mem>>
        %dma_start3A = arith.constant 0 : i32
        %dma_start3A_73 = arith.constant 0 : i32
        %dma_start3A_74 = tpu.memref_slice %arg10[%dma_start3A, %dma_start3A_73] : memref<125x128xf32, #tpu.memory_space<vmem>> -> memref<120x128xf32, #tpu.memory_space<vmem>>
        %dma_start3A_75 = arith.constant 0 : i32
        %dma_start3A_76 = tpu.memref_slice %arg12[%add3A_23, %dma_start3A_75] : memref<10000x128xf32, #tpu.memory_space<vmem_shared>> -> memref<120x128xf32, #tpu.memory_space<vmem_shared>>
        %dma_start3A_77 = arith.constant 0 : i32
        %dma_start3A_78 = tpu.memref_slice %arg12[%add3A_23, %dma_start3A_77] : memref<10000x128xf32, #tpu.memory_space<vmem_shared>> -> memref<120x128xf32, #tpu.memory_space<vmem_shared>>
        %dma_start3A_79 = arith.constant 0 : i32
        %dma_start3A_80 = arith.constant 0 : i32
        %dma_start3A_81 = tpu.memref_slice %arg10[%dma_start3A_79, %dma_start3A_80] : memref<125x128xf32, #tpu.memory_space<vmem>> -> memref<120x128xf32, #tpu.memory_space<vmem>>
        tpu.enqueue_dma source(%dma_start3A_81 : memref<120x128xf32, #tpu.memory_space<vmem>>) target(%dma_start3A_78 : memref<120x128xf32, #tpu.memory_space<vmem_shared>>) target_semaphore(%run_scoped3A : memref<!tpu.dma_semaphore, #tpu.memory_space<semaphore_mem>>)
        %dma_wait3A = arith.constant 0 : i32
        %dma_wait3A_82 = arith.constant 0 : i32
        %dma_wait3A_83 = tpu.memref_slice %arg10[%dma_wait3A, %dma_wait3A_82] : memref<125x128xf32, #tpu.memory_space<vmem>> -> memref<120x128xf32, #tpu.memory_space<vmem>>
        %dma_wait3A_84 = arith.constant 0 : i32
        %dma_wait3A_85 = tpu.memref_slice %arg12[%add3A_23, %dma_wait3A_84] : memref<10000x128xf32, #tpu.memory_space<vmem_shared>> -> memref<120x128xf32, #tpu.memory_space<vmem_shared>>
        %dma_wait3A_86 = arith.constant 0 : i32
        %dma_wait3A_87 = tpu.memref_slice %arg12[%add3A_23, %dma_wait3A_86] : memref<10000x128xf32, #tpu.memory_space<vmem_shared>> -> memref<120x128xf32, #tpu.memory_space<vmem_shared>>
        %dma_wait3A_88 = arith.constant 0 : i32
        %dma_wait3A_89 = arith.constant 0 : i32
        %dma_wait3A_90 = tpu.memref_slice %arg10[%dma_wait3A_88, %dma_wait3A_89] : memref<125x128xf32, #tpu.memory_space<vmem>> -> memref<120x128xf32, #tpu.memory_space<vmem>>
        tpu.wait_dma2 semaphore(%run_scoped3A : memref<!tpu.dma_semaphore, #tpu.memory_space<semaphore_mem>>) src(%dma_wait3A_90 : memref<120x128xf32, #tpu.memory_space<vmem>>) dst(%dma_wait3A_87 : memref<120x128xf32, #tpu.memory_space<vmem_shared>>)
        tpu.yield
      }) : () -> ()
      %add3A_24 = arith.constant 480 : i32
      %add3A_25 = arith.addi %mul3A_0, %add3A_24 : i32
      "tpu.region"() ({
        %run_scoped3A = tpu.sem_alloc : memref<!tpu.dma_semaphore, #tpu.memory_space<semaphore_mem>>
        %dma_start3A = arith.constant 0 : i32
        %dma_start3A_73 = arith.constant 0 : i32
        %dma_start3A_74 = tpu.memref_slice %arg10[%dma_start3A, %dma_start3A_73] : memref<125x128xf32, #tpu.memory_space<vmem>> -> memref<120x128xf32, #tpu.memory_space<vmem>>
        %dma_start3A_75 = arith.constant 0 : i32
        %dma_start3A_76 = tpu.memref_slice %arg12[%add3A_25, %dma_start3A_75] : memref<10000x128xf32, #tpu.memory_space<vmem_shared>> -> memref<120x128xf32, #tpu.memory_space<vmem_shared>>
        %dma_start3A_77 = arith.constant 0 : i32
        %dma_start3A_78 = tpu.memref_slice %arg12[%add3A_25, %dma_start3A_77] : memref<10000x128xf32, #tpu.memory_space<vmem_shared>> -> memref<120x128xf32, #tpu.memory_space<vmem_shared>>
        %dma_start3A_79 = arith.constant 0 : i32
        %dma_start3A_80 = arith.constant 0 : i32
        %dma_start3A_81 = tpu.memref_slice %arg10[%dma_start3A_79, %dma_start3A_80] : memref<125x128xf32, #tpu.memory_space<vmem>> -> memref<120x128xf32, #tpu.memory_space<vmem>>
        tpu.enqueue_dma source(%dma_start3A_81 : memref<120x128xf32, #tpu.memory_space<vmem>>) target(%dma_start3A_78 : memref<120x128xf32, #tpu.memory_space<vmem_shared>>) target_semaphore(%run_scoped3A : memref<!tpu.dma_semaphore, #tpu.memory_space<semaphore_mem>>)
        %dma_wait3A = arith.constant 0 : i32
        %dma_wait3A_82 = arith.constant 0 : i32
        %dma_wait3A_83 = tpu.memref_slice %arg10[%dma_wait3A, %dma_wait3A_82] : memref<125x128xf32, #tpu.memory_space<vmem>> -> memref<120x128xf32, #tpu.memory_space<vmem>>
        %dma_wait3A_84 = arith.constant 0 : i32
        %dma_wait3A_85 = tpu.memref_slice %arg12[%add3A_25, %dma_wait3A_84] : memref<10000x128xf32, #tpu.memory_space<vmem_shared>> -> memref<120x128xf32, #tpu.memory_space<vmem_shared>>
        %dma_wait3A_86 = arith.constant 0 : i32
        %dma_wait3A_87 = tpu.memref_slice %arg12[%add3A_25, %dma_wait3A_86] : memref<10000x128xf32, #tpu.memory_space<vmem_shared>> -> memref<120x128xf32, #tpu.memory_space<vmem_shared>>
        %dma_wait3A_88 = arith.constant 0 : i32
        %dma_wait3A_89 = arith.constant 0 : i32
        %dma_wait3A_90 = tpu.memref_slice %arg10[%dma_wait3A_88, %dma_wait3A_89] : memref<125x128xf32, #tpu.memory_space<vmem>> -> memref<120x128xf32, #tpu.memory_space<vmem>>
        tpu.wait_dma2 semaphore(%run_scoped3A : memref<!tpu.dma_semaphore, #tpu.memory_space<semaphore_mem>>) src(%dma_wait3A_90 : memref<120x128xf32, #tpu.memory_space<vmem>>) dst(%dma_wait3A_87 : memref<120x128xf32, #tpu.memory_space<vmem_shared>>)
        tpu.yield
      }) : () -> ()
      %lt3A = arith.constant 15 : i32
      %lt3A_26 = arith.cmpi slt, %arg1, %lt3A : i32
      %convert_element_type3A_27 = arith.extui %lt3A_26 : i1 to i32
      %cond3A_28 = arith.constant 0 : i32
      %cond3A_29 = arith.cmpi ne, %convert_element_type3A_27, %cond3A_28 : i32
      scf.if %cond3A_29 {
        %add3A_73 = arith.constant 600 : i32
        %add3A_74 = arith.addi %mul3A_0, %add3A_73 : i32
        "tpu.region"() ({
          %run_scoped3A = tpu.sem_alloc : memref<!tpu.dma_semaphore, #tpu.memory_space<semaphore_mem>>
          %dma_start3A = arith.constant 0 : i32
          %dma_start3A_75 = arith.constant 0 : i32
          %dma_start3A_76 = tpu.memref_slice %arg10[%dma_start3A, %dma_start3A_75] : memref<125x128xf32, #tpu.memory_space<vmem>> -> memref<24x128xf32, #tpu.memory_space<vmem>>
          %dma_start3A_77 = arith.constant 0 : i32
          %dma_start3A_78 = tpu.memref_slice %arg12[%add3A_74, %dma_start3A_77] : memref<10000x128xf32, #tpu.memory_space<vmem_shared>> -> memref<24x128xf32, #tpu.memory_space<vmem_shared>>
          %dma_start3A_79 = arith.constant 0 : i32
          %dma_start3A_80 = tpu.memref_slice %arg12[%add3A_74, %dma_start3A_79] : memref<10000x128xf32, #tpu.memory_space<vmem_shared>> -> memref<24x128xf32, #tpu.memory_space<vmem_shared>>
          %dma_start3A_81 = arith.constant 0 : i32
          %dma_start3A_82 = arith.constant 0 : i32
          %dma_start3A_83 = tpu.memref_slice %arg10[%dma_start3A_81, %dma_start3A_82] : memref<125x128xf32, #tpu.memory_space<vmem>> -> memref<24x128xf32, #tpu.memory_space<vmem>>
          tpu.enqueue_dma source(%dma_start3A_83 : memref<24x128xf32, #tpu.memory_space<vmem>>) target(%dma_start3A_80 : memref<24x128xf32, #tpu.memory_space<vmem_shared>>) target_semaphore(%run_scoped3A : memref<!tpu.dma_semaphore, #tpu.memory_space<semaphore_mem>>)
          %dma_wait3A = arith.constant 0 : i32
          %dma_wait3A_84 = arith.constant 0 : i32
          %dma_wait3A_85 = tpu.memref_slice %arg10[%dma_wait3A, %dma_wait3A_84] : memref<125x128xf32, #tpu.memory_space<vmem>> -> memref<24x128xf32, #tpu.memory_space<vmem>>
          %dma_wait3A_86 = arith.constant 0 : i32
          %dma_wait3A_87 = tpu.memref_slice %arg12[%add3A_74, %dma_wait3A_86] : memref<10000x128xf32, #tpu.memory_space<vmem_shared>> -> memref<24x128xf32, #tpu.memory_space<vmem_shared>>
          %dma_wait3A_88 = arith.constant 0 : i32
          %dma_wait3A_89 = tpu.memref_slice %arg12[%add3A_74, %dma_wait3A_88] : memref<10000x128xf32, #tpu.memory_space<vmem_shared>> -> memref<24x128xf32, #tpu.memory_space<vmem_shared>>
          %dma_wait3A_90 = arith.constant 0 : i32
          %dma_wait3A_91 = arith.constant 0 : i32
          %dma_wait3A_92 = tpu.memref_slice %arg10[%dma_wait3A_90, %dma_wait3A_91] : memref<125x128xf32, #tpu.memory_space<vmem>> -> memref<24x128xf32, #tpu.memory_space<vmem>>
          tpu.wait_dma2 semaphore(%run_scoped3A : memref<!tpu.dma_semaphore, #tpu.memory_space<semaphore_mem>>) src(%dma_wait3A_92 : memref<24x128xf32, #tpu.memory_space<vmem>>) dst(%dma_wait3A_89 : memref<24x128xf32, #tpu.memory_space<vmem_shared>>)
          tpu.yield
        }) : () -> ()
      } else {
      }
      %eq3A_30 = arith.constant 15 : i32
      %eq3A_31 = arith.cmpi eq, %arg1, %eq3A_30 : i32
      %convert_element_type3A_32 = arith.extui %eq3A_31 : i1 to i32
      %cond3A_33 = arith.constant 0 : i32
      %cond3A_34 = arith.cmpi ne, %convert_element_type3A_32, %cond3A_33 : i32
      scf.if %cond3A_34 {
        %add3A_73 = arith.constant 600 : i32
        %add3A_74 = arith.addi %mul3A_0, %add3A_73 : i32
        "tpu.region"() ({
          %run_scoped3A = tpu.sem_alloc : memref<!tpu.dma_semaphore, #tpu.memory_space<semaphore_mem>>
          %dma_start3A = arith.constant 0 : i32
          %dma_start3A_75 = arith.constant 0 : i32
          %dma_start3A_76 = tpu.memref_slice %arg10[%dma_start3A, %dma_start3A_75] : memref<125x128xf32, #tpu.memory_space<vmem>> -> memref<40x128xf32, #tpu.memory_space<vmem>>
          %dma_start3A_77 = arith.constant 0 : i32
          %dma_start3A_78 = tpu.memref_slice %arg12[%add3A_74, %dma_start3A_77] : memref<10000x128xf32, #tpu.memory_space<vmem_shared>> -> memref<40x128xf32, #tpu.memory_space<vmem_shared>>
          %dma_start3A_79 = arith.constant 0 : i32
          %dma_start3A_80 = tpu.memref_slice %arg12[%add3A_74, %dma_start3A_79] : memref<10000x128xf32, #tpu.memory_space<vmem_shared>> -> memref<40x128xf32, #tpu.memory_space<vmem_shared>>
          %dma_start3A_81 = arith.constant 0 : i32
          %dma_start3A_82 = arith.constant 0 : i32
          %dma_start3A_83 = tpu.memref_slice %arg10[%dma_start3A_81, %dma_start3A_82] : memref<125x128xf32, #tpu.memory_space<vmem>> -> memref<40x128xf32, #tpu.memory_space<vmem>>
          tpu.enqueue_dma source(%dma_start3A_83 : memref<40x128xf32, #tpu.memory_space<vmem>>) target(%dma_start3A_80 : memref<40x128xf32, #tpu.memory_space<vmem_shared>>) target_semaphore(%run_scoped3A : memref<!tpu.dma_semaphore, #tpu.memory_space<semaphore_mem>>)
          %dma_wait3A = arith.constant 0 : i32
          %dma_wait3A_84 = arith.constant 0 : i32
          %dma_wait3A_85 = tpu.memref_slice %arg10[%dma_wait3A, %dma_wait3A_84] : memref<125x128xf32, #tpu.memory_space<vmem>> -> memref<40x128xf32, #tpu.memory_space<vmem>>
          %dma_wait3A_86 = arith.constant 0 : i32
          %dma_wait3A_87 = tpu.memref_slice %arg12[%add3A_74, %dma_wait3A_86] : memref<10000x128xf32, #tpu.memory_space<vmem_shared>> -> memref<40x128xf32, #tpu.memory_space<vmem_shared>>
          %dma_wait3A_88 = arith.constant 0 : i32
          %dma_wait3A_89 = tpu.memref_slice %arg12[%add3A_74, %dma_wait3A_88] : memref<10000x128xf32, #tpu.memory_space<vmem_shared>> -> memref<40x128xf32, #tpu.memory_space<vmem_shared>>
          %dma_wait3A_90 = arith.constant 0 : i32
          %dma_wait3A_91 = arith.constant 0 : i32
          %dma_wait3A_92 = tpu.memref_slice %arg10[%dma_wait3A_90, %dma_wait3A_91] : memref<125x128xf32, #tpu.memory_space<vmem>> -> memref<40x128xf32, #tpu.memory_space<vmem>>
          tpu.wait_dma2 semaphore(%run_scoped3A : memref<!tpu.dma_semaphore, #tpu.memory_space<semaphore_mem>>) src(%dma_wait3A_92 : memref<40x128xf32, #tpu.memory_space<vmem>>) dst(%dma_wait3A_89 : memref<40x128xf32, #tpu.memory_space<vmem_shared>>)
          tpu.yield
        }) : () -> ()
      } else {
      }
      %barrier3A = arith.constant 0 : index
      tpu.barrier barrier_id(%barrier3A)
      %scan3A_35 = arith.constant 0 : i32
      %scan3A_36 = arith.constant 0 : i32
      %scan3A_37 = arith.constant 5 : i32
      %scan3A_38 = arith.addi %scan3A_36, %scan3A_37 : i32
      %scan3A_39 = arith.constant 1 : i32
      %scan3A_40 = scf.for %scan3A_73 = %scan3A_36 to %scan3A_38 step %scan3A_39 iter_args(%scan3A_74 = %scan3A_35) -> (i32)  : i32 {
        %mul3A_75 = arith.constant 32 : i32
        %mul3A_76 = arith.muli %mul3A_75, %scan3A_73 : i32
        %add3A_77 = arith.addi %mul3A_2, %mul3A_76 : i32
        "tpu.region"() ({
          %run_scoped3A = tpu.sem_alloc : memref<!tpu.dma_semaphore, #tpu.memory_space<semaphore_mem>>
          %dma_start3A_143 = arith.constant 0 : i32
          %dma_start3A_144 = tpu.memref_slice %arg2[%add3A_77, %dma_start3A_143] : memref<2560x125xi32, #tpu.memory_space<hbm>> -> memref<32x125xi32, #tpu.memory_space<hbm>>
          %dma_start3A_145 = arith.constant 0 : i32
          %dma_start3A_146 = tpu.memref_slice %arg2[%add3A_77, %dma_start3A_145] : memref<2560x125xi32, #tpu.memory_space<hbm>> -> memref<32x125xi32, #tpu.memory_space<hbm>>
          tpu.enqueue_dma source(%dma_start3A_146 : memref<32x125xi32, #tpu.memory_space<hbm>>) target(%arg8 : memref<32x125xi32, #tpu.memory_space<vmem>>) target_semaphore(%run_scoped3A : memref<!tpu.dma_semaphore, #tpu.memory_space<semaphore_mem>>)
          %dma_wait3A_147 = arith.constant 0 : i32
          %dma_wait3A_148 = tpu.memref_slice %arg2[%add3A_77, %dma_wait3A_147] : memref<2560x125xi32, #tpu.memory_space<hbm>> -> memref<32x125xi32, #tpu.memory_space<hbm>>
          %dma_wait3A_149 = arith.constant 0 : i32
          %dma_wait3A_150 = tpu.memref_slice %arg2[%add3A_77, %dma_wait3A_149] : memref<2560x125xi32, #tpu.memory_space<hbm>> -> memref<32x125xi32, #tpu.memory_space<hbm>>
          tpu.wait_dma2 semaphore(%run_scoped3A : memref<!tpu.dma_semaphore, #tpu.memory_space<semaphore_mem>>) src(%dma_wait3A_150 : memref<32x125xi32, #tpu.memory_space<hbm>>) dst(%arg8 : memref<32x125xi32, #tpu.memory_space<vmem>>)
          tpu.yield
        }) : () -> ()
        %mul3A_78 = arith.constant 32 : i32
        %mul3A_79 = arith.muli %mul3A_78, %scan3A_73 : i32
        %add3A_80 = arith.addi %mul3A_2, %mul3A_79 : i32
        "tpu.region"() ({
          %run_scoped3A = tpu.sem_alloc : memref<!tpu.dma_semaphore, #tpu.memory_space<semaphore_mem>>
          %dma_start3A_143 = arith.constant 0 : i32
          %dma_start3A_144 = tpu.memref_slice %arg3[%add3A_80, %dma_start3A_143] : memref<2560x125xi32, #tpu.memory_space<hbm>> -> memref<32x125xi32, #tpu.memory_space<hbm>>
          %dma_start3A_145 = arith.constant 0 : i32
          %dma_start3A_146 = tpu.memref_slice %arg3[%add3A_80, %dma_start3A_145] : memref<2560x125xi32, #tpu.memory_space<hbm>> -> memref<32x125xi32, #tpu.memory_space<hbm>>
          tpu.enqueue_dma source(%dma_start3A_146 : memref<32x125xi32, #tpu.memory_space<hbm>>) target(%arg9 : memref<32x125xi32, #tpu.memory_space<vmem>>) target_semaphore(%run_scoped3A : memref<!tpu.dma_semaphore, #tpu.memory_space<semaphore_mem>>)
          %dma_wait3A_147 = arith.constant 0 : i32
          %dma_wait3A_148 = tpu.memref_slice %arg3[%add3A_80, %dma_wait3A_147] : memref<2560x125xi32, #tpu.memory_space<hbm>> -> memref<32x125xi32, #tpu.memory_space<hbm>>
          %dma_wait3A_149 = arith.constant 0 : i32
          %dma_wait3A_150 = tpu.memref_slice %arg3[%add3A_80, %dma_wait3A_149] : memref<2560x125xi32, #tpu.memory_space<hbm>> -> memref<32x125xi32, #tpu.memory_space<hbm>>
          tpu.wait_dma2 semaphore(%run_scoped3A : memref<!tpu.dma_semaphore, #tpu.memory_space<semaphore_mem>>) src(%dma_wait3A_150 : memref<32x125xi32, #tpu.memory_space<hbm>>) dst(%arg9 : memref<32x125xi32, #tpu.memory_space<vmem>>)
          tpu.yield
        }) : () -> ()
        %dma_start3A = arith.constant 0 : i32
        %dma_start3A_81 = arith.constant 0 : i32
        %dma_start3A_82 = tpu.memref_slice %arg8[%dma_start3A, %dma_start3A_81] : memref<32x125xi32, #tpu.memory_space<vmem>> -> memref<1x125xi32, #tpu.memory_space<vmem>>
        %dma_start3A_83 = tpu.memref_squeeze %dma_start3A_82 : memref<1x125xi32, #tpu.memory_space<vmem>> -> memref<125xi32, #tpu.memory_space<vmem>>
        %dma_start3A_84 = arith.constant 0 : i32
        %dma_start3A_85 = arith.constant 0 : i32
        %dma_start3A_86 = tpu.memref_slice %arg4[%dma_start3A_84, %dma_start3A_85] : memref<10000x128xf32, #tpu.memory_space<hbm>> -> memref<10000x128xf32, #tpu.memory_space<hbm>>
        tpu.enqueue_indirect_dma source(%dma_start3A_86 : memref<10000x128xf32, #tpu.memory_space<hbm>>) target(%arg10 : memref<125x128xf32, #tpu.memory_space<vmem>>) offsets(%dma_start3A_83 : memref<125xi32, #tpu.memory_space<vmem>>) semaphore(%arg13 : memref<!tpu.dma_semaphore, #tpu.memory_space<semaphore_mem>>)
        %dma_start3A_87 = arith.constant 1 : i32
        %dma_start3A_88 = arith.constant 0 : i32
        %dma_start3A_89 = tpu.memref_slice %arg8[%dma_start3A_87, %dma_start3A_88] : memref<32x125xi32, #tpu.memory_space<vmem>> -> memref<1x125xi32, #tpu.memory_space<vmem>>
        %dma_start3A_90 = tpu.memref_squeeze %dma_start3A_89 : memref<1x125xi32, #tpu.memory_space<vmem>> -> memref<125xi32, #tpu.memory_space<vmem>>
        %dma_start3A_91 = arith.constant 0 : i32
        %dma_start3A_92 = arith.constant 0 : i32
        %dma_start3A_93 = tpu.memref_slice %arg4[%dma_start3A_91, %dma_start3A_92] : memref<10000x128xf32, #tpu.memory_space<hbm>> -> memref<10000x128xf32, #tpu.memory_space<hbm>>
        tpu.enqueue_indirect_dma source(%dma_start3A_93 : memref<10000x128xf32, #tpu.memory_space<hbm>>) target(%arg11 : memref<125x128xf32, #tpu.memory_space<vmem>>) offsets(%dma_start3A_90 : memref<125xi32, #tpu.memory_space<vmem>>) semaphore(%arg14 : memref<!tpu.dma_semaphore, #tpu.memory_space<semaphore_mem>>)
        %dma_wait3A = arith.constant 0 : i32
        %dma_wait3A_94 = arith.constant 0 : i32
        %dma_wait3A_95 = tpu.memref_slice %arg8[%dma_wait3A, %dma_wait3A_94] : memref<32x125xi32, #tpu.memory_space<vmem>> -> memref<1x125xi32, #tpu.memory_space<vmem>>
        %dma_wait3A_96 = tpu.memref_squeeze %dma_wait3A_95 : memref<1x125xi32, #tpu.memory_space<vmem>> -> memref<125xi32, #tpu.memory_space<vmem>>
        %dma_wait3A_97 = arith.constant 0 : i32
        %dma_wait3A_98 = arith.constant 0 : i32
        %dma_wait3A_99 = tpu.memref_slice %arg4[%dma_wait3A_97, %dma_wait3A_98] : memref<10000x128xf32, #tpu.memory_space<hbm>> -> memref<10000x128xf32, #tpu.memory_space<hbm>>
        tpu.wait_indirect_dma semaphore(%arg13 : memref<!tpu.dma_semaphore, #tpu.memory_space<semaphore_mem>>) src(%dma_wait3A_99 : memref<10000x128xf32, #tpu.memory_space<hbm>>) dst(%arg10 : memref<125x128xf32, #tpu.memory_space<vmem>>)
        %dma_start3A_100 = arith.constant 0 : i32
        %dma_start3A_101 = arith.constant 0 : i32
        %dma_start3A_102 = tpu.memref_slice %arg9[%dma_start3A_100, %dma_start3A_101] : memref<32x125xi32, #tpu.memory_space<vmem>> -> memref<1x125xi32, #tpu.memory_space<vmem>>
        %dma_start3A_103 = tpu.memref_squeeze %dma_start3A_102 : memref<1x125xi32, #tpu.memory_space<vmem>> -> memref<125xi32, #tpu.memory_space<vmem>>
        %dma_start3A_104 = arith.constant 0 : i32
        %dma_start3A_105 = arith.constant 0 : i32
        %dma_start3A_106 = tpu.memref_slice %arg12[%dma_start3A_104, %dma_start3A_105] : memref<10000x128xf32, #tpu.memory_space<vmem_shared>> -> memref<10000x128xf32, #tpu.memory_space<vmem_shared>>
        tpu.enqueue_indirect_dma source(%arg10 : memref<125x128xf32, #tpu.memory_space<vmem>>) target(%dma_start3A_106 : memref<10000x128xf32, #tpu.memory_space<vmem_shared>>) offsets(%dma_start3A_103 : memref<125xi32, #tpu.memory_space<vmem>>) semaphore(%arg15 : memref<!tpu.dma_semaphore, #tpu.memory_space<semaphore_mem>>) {add = true}
        %scan3A_107 = arith.constant 0 : i32
        %scan3A_108 = arith.constant 1 : i32
        %scan3A_109 = arith.constant 15 : i32
        %scan3A_110 = arith.addi %scan3A_108, %scan3A_109 : i32
        %scan3A_111 = arith.constant 1 : i32
        %scan3A_112 = scf.for %scan3A_143 = %scan3A_108 to %scan3A_110 step %scan3A_111 iter_args(%scan3A_144 = %scan3A_107) -> (i32)  : i32 {
          %mul3A_145 = arith.constant 2 : i32
          %mul3A_146 = arith.muli %mul3A_145, %scan3A_143 : i32
          %dma_wait3A_147 = arith.constant 0 : i32
          %dma_wait3A_148 = arith.constant 0 : i32
          %dma_wait3A_149 = tpu.memref_slice %arg9[%dma_wait3A_147, %dma_wait3A_148] : memref<32x125xi32, #tpu.memory_space<vmem>> -> memref<1x125xi32, #tpu.memory_space<vmem>>
          %dma_wait3A_150 = tpu.memref_squeeze %dma_wait3A_149 : memref<1x125xi32, #tpu.memory_space<vmem>> -> memref<125xi32, #tpu.memory_space<vmem>>
          %dma_wait3A_151 = arith.constant 0 : i32
          %dma_wait3A_152 = arith.constant 0 : i32
          %dma_wait3A_153 = tpu.memref_slice %arg12[%dma_wait3A_151, %dma_wait3A_152] : memref<10000x128xf32, #tpu.memory_space<vmem_shared>> -> memref<10000x128xf32, #tpu.memory_space<vmem_shared>>
          tpu.wait_indirect_dma semaphore(%arg15 : memref<!tpu.dma_semaphore, #tpu.memory_space<semaphore_mem>>) src(%arg10 : memref<125x128xf32, #tpu.memory_space<vmem>>) dst(%dma_wait3A_153 : memref<10000x128xf32, #tpu.memory_space<vmem_shared>>)
          %dma_start3A_154 = arith.constant 0 : i32
          %dma_start3A_155 = tpu.memref_slice %arg8[%mul3A_146, %dma_start3A_154] : memref<32x125xi32, #tpu.memory_space<vmem>> -> memref<1x125xi32, #tpu.memory_space<vmem>>
          %dma_start3A_156 = tpu.memref_squeeze %dma_start3A_155 : memref<1x125xi32, #tpu.memory_space<vmem>> -> memref<125xi32, #tpu.memory_space<vmem>>
          %dma_start3A_157 = arith.constant 0 : i32
          %dma_start3A_158 = arith.constant 0 : i32
          %dma_start3A_159 = tpu.memref_slice %arg4[%dma_start3A_157, %dma_start3A_158] : memref<10000x128xf32, #tpu.memory_space<hbm>> -> memref<10000x128xf32, #tpu.memory_space<hbm>>
          tpu.enqueue_indirect_dma source(%dma_start3A_159 : memref<10000x128xf32, #tpu.memory_space<hbm>>) target(%arg10 : memref<125x128xf32, #tpu.memory_space<vmem>>) offsets(%dma_start3A_156 : memref<125xi32, #tpu.memory_space<vmem>>) semaphore(%arg13 : memref<!tpu.dma_semaphore, #tpu.memory_space<semaphore_mem>>)
          %dma_wait3A_160 = arith.constant 0 : i32
          %dma_wait3A_161 = arith.constant 0 : i32
          %dma_wait3A_162 = tpu.memref_slice %arg8[%dma_wait3A_160, %dma_wait3A_161] : memref<32x125xi32, #tpu.memory_space<vmem>> -> memref<1x125xi32, #tpu.memory_space<vmem>>
          %dma_wait3A_163 = tpu.memref_squeeze %dma_wait3A_162 : memref<1x125xi32, #tpu.memory_space<vmem>> -> memref<125xi32, #tpu.memory_space<vmem>>
          %dma_wait3A_164 = arith.constant 0 : i32
          %dma_wait3A_165 = arith.constant 0 : i32
          %dma_wait3A_166 = tpu.memref_slice %arg4[%dma_wait3A_164, %dma_wait3A_165] : memref<10000x128xf32, #tpu.memory_space<hbm>> -> memref<10000x128xf32, #tpu.memory_space<hbm>>
          tpu.wait_indirect_dma semaphore(%arg14 : memref<!tpu.dma_semaphore, #tpu.memory_space<semaphore_mem>>) src(%dma_wait3A_166 : memref<10000x128xf32, #tpu.memory_space<hbm>>) dst(%arg11 : memref<125x128xf32, #tpu.memory_space<vmem>>)
          %sub3A = arith.constant 1 : i32
          %sub3A_167 = arith.subi %mul3A_146, %sub3A : i32
          %dma_start3A_168 = arith.constant 0 : i32
          %dma_start3A_169 = tpu.memref_slice %arg9[%sub3A_167, %dma_start3A_168] : memref<32x125xi32, #tpu.memory_space<vmem>> -> memref<1x125xi32, #tpu.memory_space<vmem>>
          %dma_start3A_170 = tpu.memref_squeeze %dma_start3A_169 : memref<1x125xi32, #tpu.memory_space<vmem>> -> memref<125xi32, #tpu.memory_space<vmem>>
          %dma_start3A_171 = arith.constant 0 : i32
          %dma_start3A_172 = arith.constant 0 : i32
          %dma_start3A_173 = tpu.memref_slice %arg12[%dma_start3A_171, %dma_start3A_172] : memref<10000x128xf32, #tpu.memory_space<vmem_shared>> -> memref<10000x128xf32, #tpu.memory_space<vmem_shared>>
          tpu.enqueue_indirect_dma source(%arg11 : memref<125x128xf32, #tpu.memory_space<vmem>>) target(%dma_start3A_173 : memref<10000x128xf32, #tpu.memory_space<vmem_shared>>) offsets(%dma_start3A_170 : memref<125xi32, #tpu.memory_space<vmem>>) semaphore(%arg16 : memref<!tpu.dma_semaphore, #tpu.memory_space<semaphore_mem>>) {add = true}
          %dma_wait3A_174 = arith.constant 0 : i32
          %dma_wait3A_175 = arith.constant 0 : i32
          %dma_wait3A_176 = tpu.memref_slice %arg9[%dma_wait3A_174, %dma_wait3A_175] : memref<32x125xi32, #tpu.memory_space<vmem>> -> memref<1x125xi32, #tpu.memory_space<vmem>>
          %dma_wait3A_177 = tpu.memref_squeeze %dma_wait3A_176 : memref<1x125xi32, #tpu.memory_space<vmem>> -> memref<125xi32, #tpu.memory_space<vmem>>
          %dma_wait3A_178 = arith.constant 0 : i32
          %dma_wait3A_179 = arith.constant 0 : i32
          %dma_wait3A_180 = tpu.memref_slice %arg12[%dma_wait3A_178, %dma_wait3A_179] : memref<10000x128xf32, #tpu.memory_space<vmem_shared>> -> memref<10000x128xf32, #tpu.memory_space<vmem_shared>>
          tpu.wait_indirect_dma semaphore(%arg16 : memref<!tpu.dma_semaphore, #tpu.memory_space<semaphore_mem>>) src(%arg11 : memref<125x128xf32, #tpu.memory_space<vmem>>) dst(%dma_wait3A_180 : memref<10000x128xf32, #tpu.memory_space<vmem_shared>>)
          %add3A_181 = arith.constant 1 : i32
          %add3A_182 = arith.addi %mul3A_146, %add3A_181 : i32
          %dma_start3A_183 = arith.constant 0 : i32
          %dma_start3A_184 = tpu.memref_slice %arg8[%add3A_182, %dma_start3A_183] : memref<32x125xi32, #tpu.memory_space<vmem>> -> memref<1x125xi32, #tpu.memory_space<vmem>>
          %dma_start3A_185 = tpu.memref_squeeze %dma_start3A_184 : memref<1x125xi32, #tpu.memory_space<vmem>> -> memref<125xi32, #tpu.memory_space<vmem>>
          %dma_start3A_186 = arith.constant 0 : i32
          %dma_start3A_187 = arith.constant 0 : i32
          %dma_start3A_188 = tpu.memref_slice %arg4[%dma_start3A_186, %dma_start3A_187] : memref<10000x128xf32, #tpu.memory_space<hbm>> -> memref<10000x128xf32, #tpu.memory_space<hbm>>
          tpu.enqueue_indirect_dma source(%dma_start3A_188 : memref<10000x128xf32, #tpu.memory_space<hbm>>) target(%arg11 : memref<125x128xf32, #tpu.memory_space<vmem>>) offsets(%dma_start3A_185 : memref<125xi32, #tpu.memory_space<vmem>>) semaphore(%arg14 : memref<!tpu.dma_semaphore, #tpu.memory_space<semaphore_mem>>)
          %dma_wait3A_189 = arith.constant 0 : i32
          %dma_wait3A_190 = arith.constant 0 : i32
          %dma_wait3A_191 = tpu.memref_slice %arg8[%dma_wait3A_189, %dma_wait3A_190] : memref<32x125xi32, #tpu.memory_space<vmem>> -> memref<1x125xi32, #tpu.memory_space<vmem>>
          %dma_wait3A_192 = tpu.memref_squeeze %dma_wait3A_191 : memref<1x125xi32, #tpu.memory_space<vmem>> -> memref<125xi32, #tpu.memory_space<vmem>>
          %dma_wait3A_193 = arith.constant 0 : i32
          %dma_wait3A_194 = arith.constant 0 : i32
          %dma_wait3A_195 = tpu.memref_slice %arg4[%dma_wait3A_193, %dma_wait3A_194] : memref<10000x128xf32, #tpu.memory_space<hbm>> -> memref<10000x128xf32, #tpu.memory_space<hbm>>
          tpu.wait_indirect_dma semaphore(%arg13 : memref<!tpu.dma_semaphore, #tpu.memory_space<semaphore_mem>>) src(%dma_wait3A_195 : memref<10000x128xf32, #tpu.memory_space<hbm>>) dst(%arg10 : memref<125x128xf32, #tpu.memory_space<vmem>>)
          %dma_start3A_196 = arith.constant 0 : i32
          %dma_start3A_197 = tpu.memref_slice %arg9[%mul3A_146, %dma_start3A_196] : memref<32x125xi32, #tpu.memory_space<vmem>> -> memref<1x125xi32, #tpu.memory_space<vmem>>
          %dma_start3A_198 = tpu.memref_squeeze %dma_start3A_197 : memref<1x125xi32, #tpu.memory_space<vmem>> -> memref<125xi32, #tpu.memory_space<vmem>>
          %dma_start3A_199 = arith.constant 0 : i32
          %dma_start3A_200 = arith.constant 0 : i32
          %dma_start3A_201 = tpu.memref_slice %arg12[%dma_start3A_199, %dma_start3A_200] : memref<10000x128xf32, #tpu.memory_space<vmem_shared>> -> memref<10000x128xf32, #tpu.memory_space<vmem_shared>>
          tpu.enqueue_indirect_dma source(%arg10 : memref<125x128xf32, #tpu.memory_space<vmem>>) target(%dma_start3A_201 : memref<10000x128xf32, #tpu.memory_space<vmem_shared>>) offsets(%dma_start3A_198 : memref<125xi32, #tpu.memory_space<vmem>>) semaphore(%arg15 : memref<!tpu.dma_semaphore, #tpu.memory_space<semaphore_mem>>) {add = true}
          %scan3A_202 = arith.constant 0 : i32
          scf.yield %scan3A_202 : i32
        }
        %scan3A_113 = arith.constant 15 : i32
        %dma_wait3A_114 = arith.constant 0 : i32
        %dma_wait3A_115 = arith.constant 0 : i32
        %dma_wait3A_116 = tpu.memref_slice %arg8[%dma_wait3A_114, %dma_wait3A_115] : memref<32x125xi32, #tpu.memory_space<vmem>> -> memref<1x125xi32, #tpu.memory_space<vmem>>
        %dma_wait3A_117 = tpu.memref_squeeze %dma_wait3A_116 : memref<1x125xi32, #tpu.memory_space<vmem>> -> memref<125xi32, #tpu.memory_space<vmem>>
        %dma_wait3A_118 = arith.constant 0 : i32
        %dma_wait3A_119 = arith.constant 0 : i32
        %dma_wait3A_120 = tpu.memref_slice %arg4[%dma_wait3A_118, %dma_wait3A_119] : memref<10000x128xf32, #tpu.memory_space<hbm>> -> memref<10000x128xf32, #tpu.memory_space<hbm>>
        tpu.wait_indirect_dma semaphore(%arg14 : memref<!tpu.dma_semaphore, #tpu.memory_space<semaphore_mem>>) src(%dma_wait3A_120 : memref<10000x128xf32, #tpu.memory_space<hbm>>) dst(%arg11 : memref<125x128xf32, #tpu.memory_space<vmem>>)
        %dma_start3A_121 = arith.constant 31 : i32
        %dma_start3A_122 = arith.constant 0 : i32
        %dma_start3A_123 = tpu.memref_slice %arg9[%dma_start3A_121, %dma_start3A_122] : memref<32x125xi32, #tpu.memory_space<vmem>> -> memref<1x125xi32, #tpu.memory_space<vmem>>
        %dma_start3A_124 = tpu.memref_squeeze %dma_start3A_123 : memref<1x125xi32, #tpu.memory_space<vmem>> -> memref<125xi32, #tpu.memory_space<vmem>>
        %dma_start3A_125 = arith.constant 0 : i32
        %dma_start3A_126 = arith.constant 0 : i32
        %dma_start3A_127 = tpu.memref_slice %arg12[%dma_start3A_125, %dma_start3A_126] : memref<10000x128xf32, #tpu.memory_space<vmem_shared>> -> memref<10000x128xf32, #tpu.memory_space<vmem_shared>>
        tpu.enqueue_indirect_dma source(%arg11 : memref<125x128xf32, #tpu.memory_space<vmem>>) target(%dma_start3A_127 : memref<10000x128xf32, #tpu.memory_space<vmem_shared>>) offsets(%dma_start3A_124 : memref<125xi32, #tpu.memory_space<vmem>>) semaphore(%arg16 : memref<!tpu.dma_semaphore, #tpu.memory_space<semaphore_mem>>) {add = true}
        %dma_wait3A_128 = arith.constant 0 : i32
        %dma_wait3A_129 = arith.constant 0 : i32
        %dma_wait3A_130 = tpu.memref_slice %arg9[%dma_wait3A_128, %dma_wait3A_129] : memref<32x125xi32, #tpu.memory_space<vmem>> -> memref<1x125xi32, #tpu.memory_space<vmem>>
        %dma_wait3A_131 = tpu.memref_squeeze %dma_wait3A_130 : memref<1x125xi32, #tpu.memory_space<vmem>> -> memref<125xi32, #tpu.memory_space<vmem>>
        %dma_wait3A_132 = arith.constant 0 : i32
        %dma_wait3A_133 = arith.constant 0 : i32
        %dma_wait3A_134 = tpu.memref_slice %arg12[%dma_wait3A_132, %dma_wait3A_133] : memref<10000x128xf32, #tpu.memory_space<vmem_shared>> -> memref<10000x128xf32, #tpu.memory_space<vmem_shared>>
        tpu.wait_indirect_dma semaphore(%arg15 : memref<!tpu.dma_semaphore, #tpu.memory_space<semaphore_mem>>) src(%arg10 : memref<125x128xf32, #tpu.memory_space<vmem>>) dst(%dma_wait3A_134 : memref<10000x128xf32, #tpu.memory_space<vmem_shared>>)
        %dma_wait3A_135 = arith.constant 0 : i32
        %dma_wait3A_136 = arith.constant 0 : i32
        %dma_wait3A_137 = tpu.memref_slice %arg9[%dma_wait3A_135, %dma_wait3A_136] : memref<32x125xi32, #tpu.memory_space<vmem>> -> memref<1x125xi32, #tpu.memory_space<vmem>>
        %dma_wait3A_138 = tpu.memref_squeeze %dma_wait3A_137 : memref<1x125xi32, #tpu.memory_space<vmem>> -> memref<125xi32, #tpu.memory_space<vmem>>
        %dma_wait3A_139 = arith.constant 0 : i32
        %dma_wait3A_140 = arith.constant 0 : i32
        %dma_wait3A_141 = tpu.memref_slice %arg12[%dma_wait3A_139, %dma_wait3A_140] : memref<10000x128xf32, #tpu.memory_space<vmem_shared>> -> memref<10000x128xf32, #tpu.memory_space<vmem_shared>>
        tpu.wait_indirect_dma semaphore(%arg16 : memref<!tpu.dma_semaphore, #tpu.memory_space<semaphore_mem>>) src(%arg11 : memref<125x128xf32, #tpu.memory_space<vmem>>) dst(%dma_wait3A_141 : memref<10000x128xf32, #tpu.memory_space<vmem_shared>>)
        %scan3A_142 = arith.constant 0 : i32
        scf.yield %scan3A_142 : i32
      }
      %scan3A_41 = arith.constant 5 : i32
      %barrier3A_42 = arith.constant 0 : index
      tpu.barrier barrier_id(%barrier3A_42)
      %add3A_43 = arith.constant 0 : i32
      %add3A_44 = arith.addi %mul3A_0, %add3A_43 : i32
      %add3A_45 = arith.constant 0 : i32
      %add3A_46 = arith.addi %mul3A_0, %add3A_45 : i32
      "tpu.region"() ({
        %run_scoped3A = tpu.sem_alloc : memref<!tpu.dma_semaphore, #tpu.memory_space<semaphore_mem>>
        %dma_start3A = arith.constant 0 : i32
        %dma_start3A_73 = tpu.memref_slice %arg6[%add3A_46, %dma_start3A] : memref<10000x128xf32, #tpu.memory_space<hbm>> -> memref<120x128xf32, #tpu.memory_space<hbm>>
        %dma_start3A_74 = arith.constant 0 : i32
        %dma_start3A_75 = tpu.memref_slice %arg12[%add3A_44, %dma_start3A_74] : memref<10000x128xf32, #tpu.memory_space<vmem_shared>> -> memref<120x128xf32, #tpu.memory_space<vmem_shared>>
        tpu.enqueue_dma source(%dma_start3A_75 : memref<120x128xf32, #tpu.memory_space<vmem_shared>>) target(%dma_start3A_73 : memref<120x128xf32, #tpu.memory_space<hbm>>) target_semaphore(%run_scoped3A : memref<!tpu.dma_semaphore, #tpu.memory_space<semaphore_mem>>)
        %dma_wait3A = arith.constant 0 : i32
        %dma_wait3A_76 = tpu.memref_slice %arg6[%add3A_46, %dma_wait3A] : memref<10000x128xf32, #tpu.memory_space<hbm>> -> memref<120x128xf32, #tpu.memory_space<hbm>>
        %dma_wait3A_77 = arith.constant 0 : i32
        %dma_wait3A_78 = tpu.memref_slice %arg12[%add3A_44, %dma_wait3A_77] : memref<10000x128xf32, #tpu.memory_space<vmem_shared>> -> memref<120x128xf32, #tpu.memory_space<vmem_shared>>
        tpu.wait_dma2 semaphore(%run_scoped3A : memref<!tpu.dma_semaphore, #tpu.memory_space<semaphore_mem>>) src(%dma_wait3A_78 : memref<120x128xf32, #tpu.memory_space<vmem_shared>>) dst(%dma_wait3A_76 : memref<120x128xf32, #tpu.memory_space<hbm>>)
        tpu.yield
      }) : () -> ()
      %add3A_47 = arith.constant 120 : i32
      %add3A_48 = arith.addi %mul3A_0, %add3A_47 : i32
      %add3A_49 = arith.constant 120 : i32
      %add3A_50 = arith.addi %mul3A_0, %add3A_49 : i32
      "tpu.region"() ({
        %run_scoped3A = tpu.sem_alloc : memref<!tpu.dma_semaphore, #tpu.memory_space<semaphore_mem>>
        %dma_start3A = arith.constant 0 : i32
        %dma_start3A_73 = tpu.memref_slice %arg6[%add3A_50, %dma_start3A] : memref<10000x128xf32, #tpu.memory_space<hbm>> -> memref<120x128xf32, #tpu.memory_space<hbm>>
        %dma_start3A_74 = arith.constant 0 : i32
        %dma_start3A_75 = tpu.memref_slice %arg12[%add3A_48, %dma_start3A_74] : memref<10000x128xf32, #tpu.memory_space<vmem_shared>> -> memref<120x128xf32, #tpu.memory_space<vmem_shared>>
        tpu.enqueue_dma source(%dma_start3A_75 : memref<120x128xf32, #tpu.memory_space<vmem_shared>>) target(%dma_start3A_73 : memref<120x128xf32, #tpu.memory_space<hbm>>) target_semaphore(%run_scoped3A : memref<!tpu.dma_semaphore, #tpu.memory_space<semaphore_mem>>)
        %dma_wait3A = arith.constant 0 : i32
        %dma_wait3A_76 = tpu.memref_slice %arg6[%add3A_50, %dma_wait3A] : memref<10000x128xf32, #tpu.memory_space<hbm>> -> memref<120x128xf32, #tpu.memory_space<hbm>>
        %dma_wait3A_77 = arith.constant 0 : i32
        %dma_wait3A_78 = tpu.memref_slice %arg12[%add3A_48, %dma_wait3A_77] : memref<10000x128xf32, #tpu.memory_space<vmem_shared>> -> memref<120x128xf32, #tpu.memory_space<vmem_shared>>
        tpu.wait_dma2 semaphore(%run_scoped3A : memref<!tpu.dma_semaphore, #tpu.memory_space<semaphore_mem>>) src(%dma_wait3A_78 : memref<120x128xf32, #tpu.memory_space<vmem_shared>>) dst(%dma_wait3A_76 : memref<120x128xf32, #tpu.memory_space<hbm>>)
        tpu.yield
      }) : () -> ()
      %add3A_51 = arith.constant 240 : i32
      %add3A_52 = arith.addi %mul3A_0, %add3A_51 : i32
      %add3A_53 = arith.constant 240 : i32
      %add3A_54 = arith.addi %mul3A_0, %add3A_53 : i32
      "tpu.region"() ({
        %run_scoped3A = tpu.sem_alloc : memref<!tpu.dma_semaphore, #tpu.memory_space<semaphore_mem>>
        %dma_start3A = arith.constant 0 : i32
        %dma_start3A_73 = tpu.memref_slice %arg6[%add3A_54, %dma_start3A] : memref<10000x128xf32, #tpu.memory_space<hbm>> -> memref<120x128xf32, #tpu.memory_space<hbm>>
        %dma_start3A_74 = arith.constant 0 : i32
        %dma_start3A_75 = tpu.memref_slice %arg12[%add3A_52, %dma_start3A_74] : memref<10000x128xf32, #tpu.memory_space<vmem_shared>> -> memref<120x128xf32, #tpu.memory_space<vmem_shared>>
        tpu.enqueue_dma source(%dma_start3A_75 : memref<120x128xf32, #tpu.memory_space<vmem_shared>>) target(%dma_start3A_73 : memref<120x128xf32, #tpu.memory_space<hbm>>) target_semaphore(%run_scoped3A : memref<!tpu.dma_semaphore, #tpu.memory_space<semaphore_mem>>)
        %dma_wait3A = arith.constant 0 : i32
        %dma_wait3A_76 = tpu.memref_slice %arg6[%add3A_54, %dma_wait3A] : memref<10000x128xf32, #tpu.memory_space<hbm>> -> memref<120x128xf32, #tpu.memory_space<hbm>>
        %dma_wait3A_77 = arith.constant 0 : i32
        %dma_wait3A_78 = tpu.memref_slice %arg12[%add3A_52, %dma_wait3A_77] : memref<10000x128xf32, #tpu.memory_space<vmem_shared>> -> memref<120x128xf32, #tpu.memory_space<vmem_shared>>
        tpu.wait_dma2 semaphore(%run_scoped3A : memref<!tpu.dma_semaphore, #tpu.memory_space<semaphore_mem>>) src(%dma_wait3A_78 : memref<120x128xf32, #tpu.memory_space<vmem_shared>>) dst(%dma_wait3A_76 : memref<120x128xf32, #tpu.memory_space<hbm>>)
        tpu.yield
      }) : () -> ()
      %add3A_55 = arith.constant 360 : i32
      %add3A_56 = arith.addi %mul3A_0, %add3A_55 : i32
      %add3A_57 = arith.constant 360 : i32
      %add3A_58 = arith.addi %mul3A_0, %add3A_57 : i32
      "tpu.region"() ({
        %run_scoped3A = tpu.sem_alloc : memref<!tpu.dma_semaphore, #tpu.memory_space<semaphore_mem>>
        %dma_start3A = arith.constant 0 : i32
        %dma_start3A_73 = tpu.memref_slice %arg6[%add3A_58, %dma_start3A] : memref<10000x128xf32, #tpu.memory_space<hbm>> -> memref<120x128xf32, #tpu.memory_space<hbm>>
        %dma_start3A_74 = arith.constant 0 : i32
        %dma_start3A_75 = tpu.memref_slice %arg12[%add3A_56, %dma_start3A_74] : memref<10000x128xf32, #tpu.memory_space<vmem_shared>> -> memref<120x128xf32, #tpu.memory_space<vmem_shared>>
        tpu.enqueue_dma source(%dma_start3A_75 : memref<120x128xf32, #tpu.memory_space<vmem_shared>>) target(%dma_start3A_73 : memref<120x128xf32, #tpu.memory_space<hbm>>) target_semaphore(%run_scoped3A : memref<!tpu.dma_semaphore, #tpu.memory_space<semaphore_mem>>)
        %dma_wait3A = arith.constant 0 : i32
        %dma_wait3A_76 = tpu.memref_slice %arg6[%add3A_58, %dma_wait3A] : memref<10000x128xf32, #tpu.memory_space<hbm>> -> memref<120x128xf32, #tpu.memory_space<hbm>>
        %dma_wait3A_77 = arith.constant 0 : i32
        %dma_wait3A_78 = tpu.memref_slice %arg12[%add3A_56, %dma_wait3A_77] : memref<10000x128xf32, #tpu.memory_space<vmem_shared>> -> memref<120x128xf32, #tpu.memory_space<vmem_shared>>
        tpu.wait_dma2 semaphore(%run_scoped3A : memref<!tpu.dma_semaphore, #tpu.memory_space<semaphore_mem>>) src(%dma_wait3A_78 : memref<120x128xf32, #tpu.memory_space<vmem_shared>>) dst(%dma_wait3A_76 : memref<120x128xf32, #tpu.memory_space<hbm>>)
        tpu.yield
      }) : () -> ()
      %add3A_59 = arith.constant 480 : i32
      %add3A_60 = arith.addi %mul3A_0, %add3A_59 : i32
      %add3A_61 = arith.constant 480 : i32
      %add3A_62 = arith.addi %mul3A_0, %add3A_61 : i32
      "tpu.region"() ({
        %run_scoped3A = tpu.sem_alloc : memref<!tpu.dma_semaphore, #tpu.memory_space<semaphore_mem>>
        %dma_start3A = arith.constant 0 : i32
        %dma_start3A_73 = tpu.memref_slice %arg6[%add3A_62, %dma_start3A] : memref<10000x128xf32, #tpu.memory_space<hbm>> -> memref<120x128xf32, #tpu.memory_space<hbm>>
        %dma_start3A_74 = arith.constant 0 : i32
        %dma_start3A_75 = tpu.memref_slice %arg12[%add3A_60, %dma_start3A_74] : memref<10000x128xf32, #tpu.memory_space<vmem_shared>> -> memref<120x128xf32, #tpu.memory_space<vmem_shared>>
        tpu.enqueue_dma source(%dma_start3A_75 : memref<120x128xf32, #tpu.memory_space<vmem_shared>>) target(%dma_start3A_73 : memref<120x128xf32, #tpu.memory_space<hbm>>) target_semaphore(%run_scoped3A : memref<!tpu.dma_semaphore, #tpu.memory_space<semaphore_mem>>)
        %dma_wait3A = arith.constant 0 : i32
        %dma_wait3A_76 = tpu.memref_slice %arg6[%add3A_62, %dma_wait3A] : memref<10000x128xf32, #tpu.memory_space<hbm>> -> memref<120x128xf32, #tpu.memory_space<hbm>>
        %dma_wait3A_77 = arith.constant 0 : i32
        %dma_wait3A_78 = tpu.memref_slice %arg12[%add3A_60, %dma_wait3A_77] : memref<10000x128xf32, #tpu.memory_space<vmem_shared>> -> memref<120x128xf32, #tpu.memory_space<vmem_shared>>
        tpu.wait_dma2 semaphore(%run_scoped3A : memref<!tpu.dma_semaphore, #tpu.memory_space<semaphore_mem>>) src(%dma_wait3A_78 : memref<120x128xf32, #tpu.memory_space<vmem_shared>>) dst(%dma_wait3A_76 : memref<120x128xf32, #tpu.memory_space<hbm>>)
        tpu.yield
      }) : () -> ()
      %lt3A_63 = arith.constant 15 : i32
      %lt3A_64 = arith.cmpi slt, %arg1, %lt3A_63 : i32
      %convert_element_type3A_65 = arith.extui %lt3A_64 : i1 to i32
      %cond3A_66 = arith.constant 0 : i32
      %cond3A_67 = arith.cmpi ne, %convert_element_type3A_65, %cond3A_66 : i32
      scf.if %cond3A_67 {
        %add3A_73 = arith.constant 600 : i32
        %add3A_74 = arith.addi %mul3A_0, %add3A_73 : i32
        %add3A_75 = arith.constant 600 : i32
        %add3A_76 = arith.addi %mul3A_0, %add3A_75 : i32
        "tpu.region"() ({
          %run_scoped3A = tpu.sem_alloc : memref<!tpu.dma_semaphore, #tpu.memory_space<semaphore_mem>>
          %dma_start3A = arith.constant 0 : i32
          %dma_start3A_77 = tpu.memref_slice %arg6[%add3A_76, %dma_start3A] : memref<10000x128xf32, #tpu.memory_space<hbm>> -> memref<24x128xf32, #tpu.memory_space<hbm>>
          %dma_start3A_78 = arith.constant 0 : i32
          %dma_start3A_79 = tpu.memref_slice %arg12[%add3A_74, %dma_start3A_78] : memref<10000x128xf32, #tpu.memory_space<vmem_shared>> -> memref<24x128xf32, #tpu.memory_space<vmem_shared>>
          tpu.enqueue_dma source(%dma_start3A_79 : memref<24x128xf32, #tpu.memory_space<vmem_shared>>) target(%dma_start3A_77 : memref<24x128xf32, #tpu.memory_space<hbm>>) target_semaphore(%run_scoped3A : memref<!tpu.dma_semaphore, #tpu.memory_space<semaphore_mem>>)
          %dma_wait3A = arith.constant 0 : i32
          %dma_wait3A_80 = tpu.memref_slice %arg6[%add3A_76, %dma_wait3A] : memref<10000x128xf32, #tpu.memory_space<hbm>> -> memref<24x128xf32, #tpu.memory_space<hbm>>
          %dma_wait3A_81 = arith.constant 0 : i32
          %dma_wait3A_82 = tpu.memref_slice %arg12[%add3A_74, %dma_wait3A_81] : memref<10000x128xf32, #tpu.memory_space<vmem_shared>> -> memref<24x128xf32, #tpu.memory_space<vmem_shared>>
          tpu.wait_dma2 semaphore(%run_scoped3A : memref<!tpu.dma_semaphore, #tpu.memory_space<semaphore_mem>>) src(%dma_wait3A_82 : memref<24x128xf32, #tpu.memory_space<vmem_shared>>) dst(%dma_wait3A_80 : memref<24x128xf32, #tpu.memory_space<hbm>>)
          tpu.yield
        }) : () -> ()
      } else {
      }
      %eq3A_68 = arith.constant 15 : i32
      %eq3A_69 = arith.cmpi eq, %arg1, %eq3A_68 : i32
      %convert_element_type3A_70 = arith.extui %eq3A_69 : i1 to i32
      %cond3A_71 = arith.constant 0 : i32
      %cond3A_72 = arith.cmpi ne, %convert_element_type3A_70, %cond3A_71 : i32
      scf.if %cond3A_72 {
        %add3A_73 = arith.constant 600 : i32
        %add3A_74 = arith.addi %mul3A_0, %add3A_73 : i32
        %add3A_75 = arith.constant 600 : i32
        %add3A_76 = arith.addi %mul3A_0, %add3A_75 : i32
        "tpu.region"() ({
          %run_scoped3A = tpu.sem_alloc : memref<!tpu.dma_semaphore, #tpu.memory_space<semaphore_mem>>
          %dma_start3A = arith.constant 0 : i32
          %dma_start3A_77 = tpu.memref_slice %arg6[%add3A_76, %dma_start3A] : memref<10000x128xf32, #tpu.memory_space<hbm>> -> memref<40x128xf32, #tpu.memory_space<hbm>>
          %dma_start3A_78 = arith.constant 0 : i32
          %dma_start3A_79 = tpu.memref_slice %arg12[%add3A_74, %dma_start3A_78] : memref<10000x128xf32, #tpu.memory_space<vmem_shared>> -> memref<40x128xf32, #tpu.memory_space<vmem_shared>>
          tpu.enqueue_dma source(%dma_start3A_79 : memref<40x128xf32, #tpu.memory_space<vmem_shared>>) target(%dma_start3A_77 : memref<40x128xf32, #tpu.memory_space<hbm>>) target_semaphore(%run_scoped3A : memref<!tpu.dma_semaphore, #tpu.memory_space<semaphore_mem>>)
          %dma_wait3A = arith.constant 0 : i32
          %dma_wait3A_80 = tpu.memref_slice %arg6[%add3A_76, %dma_wait3A] : memref<10000x128xf32, #tpu.memory_space<hbm>> -> memref<40x128xf32, #tpu.memory_space<hbm>>
          %dma_wait3A_81 = arith.constant 0 : i32
          %dma_wait3A_82 = tpu.memref_slice %arg12[%add3A_74, %dma_wait3A_81] : memref<10000x128xf32, #tpu.memory_space<vmem_shared>> -> memref<40x128xf32, #tpu.memory_space<vmem_shared>>
          tpu.wait_dma2 semaphore(%run_scoped3A : memref<!tpu.dma_semaphore, #tpu.memory_space<semaphore_mem>>) src(%dma_wait3A_82 : memref<40x128xf32, #tpu.memory_space<vmem_shared>>) dst(%dma_wait3A_80 : memref<40x128xf32, #tpu.memory_space<hbm>>)
          tpu.yield
        }) : () -> ()
      } else {
      }
    } else {
    }
    %eq3A_5 = arith.constant 1 : i32
    %eq3A_6 = arith.cmpi eq, %arg0, %eq3A_5 : i32
    %convert_element_type3A_7 = arith.extui %eq3A_6 : i1 to i32
    %cond3A_8 = arith.constant 0 : i32
    %cond3A_9 = arith.cmpi ne, %convert_element_type3A_7, %cond3A_8 : i32
    scf.if %cond3A_9 {
      %broadcast_in_dim3A = arith.constant 0.000000e+00 : f32
      %broadcast_in_dim3A_10 = vector.broadcast %broadcast_in_dim3A : f32 to vector<16xf32>
      %scan3A = arith.constant 0 : i32
      %scan3A_11 = arith.constant 0 : i32
      %scan3A_12 = arith.constant 1000 : i32
      %scan3A_13 = arith.addi %scan3A_11, %scan3A_12 : i32
      %scan3A_14 = arith.constant 1 : i32
      %scan3A_15 = scf.for %scan3A_73 = %scan3A_11 to %scan3A_13 step %scan3A_14 iter_args(%scan3A_74 = %scan3A) -> (i32)  : i32 {
        %jit3A = arith.constant 8 : i32
        %div3A = arith.divsi %scan3A_73, %jit3A : i32
        %sign3A = arith.constant 0 : i32
        %sign3A_75 = arith.cmpi sgt, %scan3A_73, %sign3A : i32
        %sign3A_76 = arith.extui %sign3A_75 : i1 to i32
        %sign3A_77 = arith.constant 0 : i32
        %sign3A_78 = arith.cmpi slt, %scan3A_73, %sign3A_77 : i32
        %sign3A_79 = arith.extui %sign3A_78 : i1 to i32
        %sign3A_80 = arith.subi %sign3A_76, %sign3A_79 : i32
        %sign3A_81 = arith.constant 0 : i32
        %sign3A_82 = arith.cmpi sgt, %jit3A, %sign3A_81 : i32
        %sign3A_83 = arith.extui %sign3A_82 : i1 to i32
        %sign3A_84 = arith.constant 0 : i32
        %sign3A_85 = arith.cmpi slt, %jit3A, %sign3A_84 : i32
        %sign3A_86 = arith.extui %sign3A_85 : i1 to i32
        %sign3A_87 = arith.subi %sign3A_83, %sign3A_86 : i32
        %ne3A = arith.cmpi ne, %sign3A_80, %sign3A_87 : i32
        %rem3A = arith.remsi %scan3A_73, %jit3A : i32
        %ne3A_88 = arith.constant 0 : i32
        %ne3A_89 = arith.cmpi ne, %rem3A, %ne3A_88 : i32
        %and3A = arith.andi %ne3A, %ne3A_89 : i1
        %sub3A = arith.constant 1 : i32
        %sub3A_90 = arith.subi %div3A, %sub3A : i32
        %select_n3A = arith.select %and3A, %sub3A_90, %div3A : i32
        %jit3A_91 = arith.constant 8 : i32
        %eq3A_92 = arith.constant 0 : i32
        %eq3A_93 = arith.cmpi eq, %jit3A_91, %eq3A_92 : i32
        %jit3A_94 = arith.constant 1 : i32
        %select_n3A_95 = arith.select %eq3A_93, %jit3A_94, %jit3A_91 : i32
        %rem3A_96 = arith.remsi %scan3A_73, %select_n3A_95 : i32
        %ne3A_97 = arith.constant 0 : i32
        %ne3A_98 = arith.cmpi ne, %rem3A_96, %ne3A_97 : i32
        %lt3A_99 = arith.constant 0 : i32
        %lt3A_100 = arith.cmpi slt, %rem3A_96, %lt3A_99 : i32
        %lt3A_101 = arith.constant 0 : i32
        %lt3A_102 = arith.cmpi slt, %select_n3A_95, %lt3A_101 : i32
        %ne3A_103 = arith.xori %lt3A_100, %lt3A_102 : i1
        %and3A_104 = arith.andi %ne3A_103, %ne3A_98 : i1
        %add3A_105 = arith.addi %rem3A_96, %select_n3A_95 : i32
        %select_n3A_106 = arith.select %and3A_104, %add3A_105, %rem3A_96 : i32
        %mul3A_107 = arith.constant 16 : i32
        %mul3A_108 = arith.muli %select_n3A_106, %mul3A_107 : i32
        %swap3A = arith.index_cast %select_n3A : i32 to index
        %swap3A_109 = arith.index_cast %mul3A_108 : i32 to index
        %swap3A_110 = tpu.vector_load %arg10[%swap3A, %swap3A_109] {strides = array<i32>} : memref<125x128xf32, #tpu.memory_space<vmem>>, vector<1x16xf32>,
        %swap3A_111 = vector.shape_cast %swap3A_110 : vector<1x16xf32> to vector<16xf32>
        %swap3A_112 = vector.shape_cast %broadcast_in_dim3A_10 : vector<16xf32> to vector<1x16xf32>
        tpu.vector_store %arg10[%swap3A, %swap3A_109], %swap3A_112 {strides = array<i32>} : memref<125x128xf32, #tpu.memory_space<vmem>>, vector<1x16xf32>,
        %scan3A_113 = arith.constant 0 : i32
        scf.yield %scan3A_113 : i32
      }
      %scan3A_16 = arith.constant 1000 : i32
      %add3A = arith.constant 0 : i32
      %add3A_17 = arith.addi %mul3A_0, %add3A : i32
      "tpu.region"() ({
        %run_scoped3A = tpu.sem_alloc : memref<!tpu.dma_semaphore, #tpu.memory_space<semaphore_mem>>
        %dma_start3A = arith.constant 0 : i32
        %dma_start3A_73 = arith.constant 0 : i32
        %dma_start3A_74 = tpu.memref_slice %arg10[%dma_start3A, %dma_start3A_73] : memref<125x128xf32, #tpu.memory_space<vmem>> -> memref<120x128xf32, #tpu.memory_space<vmem>>
        %dma_start3A_75 = arith.constant 0 : i32
        %dma_start3A_76 = tpu.memref_slice %arg12[%add3A_17, %dma_start3A_75] : memref<10000x128xf32, #tpu.memory_space<vmem_shared>> -> memref<120x128xf32, #tpu.memory_space<vmem_shared>>
        %dma_start3A_77 = arith.constant 0 : i32
        %dma_start3A_78 = tpu.memref_slice %arg12[%add3A_17, %dma_start3A_77] : memref<10000x128xf32, #tpu.memory_space<vmem_shared>> -> memref<120x128xf32, #tpu.memory_space<vmem_shared>>
        %dma_start3A_79 = arith.constant 0 : i32
        %dma_start3A_80 = arith.constant 0 : i32
        %dma_start3A_81 = tpu.memref_slice %arg10[%dma_start3A_79, %dma_start3A_80] : memref<125x128xf32, #tpu.memory_space<vmem>> -> memref<120x128xf32, #tpu.memory_space<vmem>>
        tpu.enqueue_dma source(%dma_start3A_81 : memref<120x128xf32, #tpu.memory_space<vmem>>) target(%dma_start3A_78 : memref<120x128xf32, #tpu.memory_space<vmem_shared>>) target_semaphore(%run_scoped3A : memref<!tpu.dma_semaphore, #tpu.memory_space<semaphore_mem>>)
        %dma_wait3A = arith.constant 0 : i32
        %dma_wait3A_82 = arith.constant 0 : i32
        %dma_wait3A_83 = tpu.memref_slice %arg10[%dma_wait3A, %dma_wait3A_82] : memref<125x128xf32, #tpu.memory_space<vmem>> -> memref<120x128xf32, #tpu.memory_space<vmem>>
        %dma_wait3A_84 = arith.constant 0 : i32
        %dma_wait3A_85 = tpu.memref_slice %arg12[%add3A_17, %dma_wait3A_84] : memref<10000x128xf32, #tpu.memory_space<vmem_shared>> -> memref<120x128xf32, #tpu.memory_space<vmem_shared>>
        %dma_wait3A_86 = arith.constant 0 : i32
        %dma_wait3A_87 = tpu.memref_slice %arg12[%add3A_17, %dma_wait3A_86] : memref<10000x128xf32, #tpu.memory_space<vmem_shared>> -> memref<120x128xf32, #tpu.memory_space<vmem_shared>>
        %dma_wait3A_88 = arith.constant 0 : i32
        %dma_wait3A_89 = arith.constant 0 : i32
        %dma_wait3A_90 = tpu.memref_slice %arg10[%dma_wait3A_88, %dma_wait3A_89] : memref<125x128xf32, #tpu.memory_space<vmem>> -> memref<120x128xf32, #tpu.memory_space<vmem>>
        tpu.wait_dma2 semaphore(%run_scoped3A : memref<!tpu.dma_semaphore, #tpu.memory_space<semaphore_mem>>) src(%dma_wait3A_90 : memref<120x128xf32, #tpu.memory_space<vmem>>) dst(%dma_wait3A_87 : memref<120x128xf32, #tpu.memory_space<vmem_shared>>)
        tpu.yield
      }) : () -> ()
      %add3A_18 = arith.constant 120 : i32
      %add3A_19 = arith.addi %mul3A_0, %add3A_18 : i32
      "tpu.region"() ({
        %run_scoped3A = tpu.sem_alloc : memref<!tpu.dma_semaphore, #tpu.memory_space<semaphore_mem>>
        %dma_start3A = arith.constant 0 : i32
        %dma_start3A_73 = arith.constant 0 : i32
        %dma_start3A_74 = tpu.memref_slice %arg10[%dma_start3A, %dma_start3A_73] : memref<125x128xf32, #tpu.memory_space<vmem>> -> memref<120x128xf32, #tpu.memory_space<vmem>>
        %dma_start3A_75 = arith.constant 0 : i32
        %dma_start3A_76 = tpu.memref_slice %arg12[%add3A_19, %dma_start3A_75] : memref<10000x128xf32, #tpu.memory_space<vmem_shared>> -> memref<120x128xf32, #tpu.memory_space<vmem_shared>>
        %dma_start3A_77 = arith.constant 0 : i32
        %dma_start3A_78 = tpu.memref_slice %arg12[%add3A_19, %dma_start3A_77] : memref<10000x128xf32, #tpu.memory_space<vmem_shared>> -> memref<120x128xf32, #tpu.memory_space<vmem_shared>>
        %dma_start3A_79 = arith.constant 0 : i32
        %dma_start3A_80 = arith.constant 0 : i32
        %dma_start3A_81 = tpu.memref_slice %arg10[%dma_start3A_79, %dma_start3A_80] : memref<125x128xf32, #tpu.memory_space<vmem>> -> memref<120x128xf32, #tpu.memory_space<vmem>>
        tpu.enqueue_dma source(%dma_start3A_81 : memref<120x128xf32, #tpu.memory_space<vmem>>) target(%dma_start3A_78 : memref<120x128xf32, #tpu.memory_space<vmem_shared>>) target_semaphore(%run_scoped3A : memref<!tpu.dma_semaphore, #tpu.memory_space<semaphore_mem>>)
        %dma_wait3A = arith.constant 0 : i32
        %dma_wait3A_82 = arith.constant 0 : i32
        %dma_wait3A_83 = tpu.memref_slice %arg10[%dma_wait3A, %dma_wait3A_82] : memref<125x128xf32, #tpu.memory_space<vmem>> -> memref<120x128xf32, #tpu.memory_space<vmem>>
        %dma_wait3A_84 = arith.constant 0 : i32
        %dma_wait3A_85 = tpu.memref_slice %arg12[%add3A_19, %dma_wait3A_84] : memref<10000x128xf32, #tpu.memory_space<vmem_shared>> -> memref<120x128xf32, #tpu.memory_space<vmem_shared>>
        %dma_wait3A_86 = arith.constant 0 : i32
        %dma_wait3A_87 = tpu.memref_slice %arg12[%add3A_19, %dma_wait3A_86] : memref<10000x128xf32, #tpu.memory_space<vmem_shared>> -> memref<120x128xf32, #tpu.memory_space<vmem_shared>>
        %dma_wait3A_88 = arith.constant 0 : i32
        %dma_wait3A_89 = arith.constant 0 : i32
        %dma_wait3A_90 = tpu.memref_slice %arg10[%dma_wait3A_88, %dma_wait3A_89] : memref<125x128xf32, #tpu.memory_space<vmem>> -> memref<120x128xf32, #tpu.memory_space<vmem>>
        tpu.wait_dma2 semaphore(%run_scoped3A : memref<!tpu.dma_semaphore, #tpu.memory_space<semaphore_mem>>) src(%dma_wait3A_90 : memref<120x128xf32, #tpu.memory_space<vmem>>) dst(%dma_wait3A_87 : memref<120x128xf32, #tpu.memory_space<vmem_shared>>)
        tpu.yield
      }) : () -> ()
      %add3A_20 = arith.constant 240 : i32
      %add3A_21 = arith.addi %mul3A_0, %add3A_20 : i32
      "tpu.region"() ({
        %run_scoped3A = tpu.sem_alloc : memref<!tpu.dma_semaphore, #tpu.memory_space<semaphore_mem>>
        %dma_start3A = arith.constant 0 : i32
        %dma_start3A_73 = arith.constant 0 : i32
        %dma_start3A_74 = tpu.memref_slice %arg10[%dma_start3A, %dma_start3A_73] : memref<125x128xf32, #tpu.memory_space<vmem>> -> memref<120x128xf32, #tpu.memory_space<vmem>>
        %dma_start3A_75 = arith.constant 0 : i32
        %dma_start3A_76 = tpu.memref_slice %arg12[%add3A_21, %dma_start3A_75] : memref<10000x128xf32, #tpu.memory_space<vmem_shared>> -> memref<120x128xf32, #tpu.memory_space<vmem_shared>>
        %dma_start3A_77 = arith.constant 0 : i32
        %dma_start3A_78 = tpu.memref_slice %arg12[%add3A_21, %dma_start3A_77] : memref<10000x128xf32, #tpu.memory_space<vmem_shared>> -> memref<120x128xf32, #tpu.memory_space<vmem_shared>>
        %dma_start3A_79 = arith.constant 0 : i32
        %dma_start3A_80 = arith.constant 0 : i32
        %dma_start3A_81 = tpu.memref_slice %arg10[%dma_start3A_79, %dma_start3A_80] : memref<125x128xf32, #tpu.memory_space<vmem>> -> memref<120x128xf32, #tpu.memory_space<vmem>>
        tpu.enqueue_dma source(%dma_start3A_81 : memref<120x128xf32, #tpu.memory_space<vmem>>) target(%dma_start3A_78 : memref<120x128xf32, #tpu.memory_space<vmem_shared>>) target_semaphore(%run_scoped3A : memref<!tpu.dma_semaphore, #tpu.memory_space<semaphore_mem>>)
        %dma_wait3A = arith.constant 0 : i32
        %dma_wait3A_82 = arith.constant 0 : i32
        %dma_wait3A_83 = tpu.memref_slice %arg10[%dma_wait3A, %dma_wait3A_82] : memref<125x128xf32, #tpu.memory_space<vmem>> -> memref<120x128xf32, #tpu.memory_space<vmem>>
        %dma_wait3A_84 = arith.constant 0 : i32
        %dma_wait3A_85 = tpu.memref_slice %arg12[%add3A_21, %dma_wait3A_84] : memref<10000x128xf32, #tpu.memory_space<vmem_shared>> -> memref<120x128xf32, #tpu.memory_space<vmem_shared>>
        %dma_wait3A_86 = arith.constant 0 : i32
        %dma_wait3A_87 = tpu.memref_slice %arg12[%add3A_21, %dma_wait3A_86] : memref<10000x128xf32, #tpu.memory_space<vmem_shared>> -> memref<120x128xf32, #tpu.memory_space<vmem_shared>>
        %dma_wait3A_88 = arith.constant 0 : i32
        %dma_wait3A_89 = arith.constant 0 : i32
        %dma_wait3A_90 = tpu.memref_slice %arg10[%dma_wait3A_88, %dma_wait3A_89] : memref<125x128xf32, #tpu.memory_space<vmem>> -> memref<120x128xf32, #tpu.memory_space<vmem>>
        tpu.wait_dma2 semaphore(%run_scoped3A : memref<!tpu.dma_semaphore, #tpu.memory_space<semaphore_mem>>) src(%dma_wait3A_90 : memref<120x128xf32, #tpu.memory_space<vmem>>) dst(%dma_wait3A_87 : memref<120x128xf32, #tpu.memory_space<vmem_shared>>)
        tpu.yield
      }) : () -> ()
      %add3A_22 = arith.constant 360 : i32
      %add3A_23 = arith.addi %mul3A_0, %add3A_22 : i32
      "tpu.region"() ({
        %run_scoped3A = tpu.sem_alloc : memref<!tpu.dma_semaphore, #tpu.memory_space<semaphore_mem>>
        %dma_start3A = arith.constant 0 : i32
        %dma_start3A_73 = arith.constant 0 : i32
        %dma_start3A_74 = tpu.memref_slice %arg10[%dma_start3A, %dma_start3A_73] : memref<125x128xf32, #tpu.memory_space<vmem>> -> memref<120x128xf32, #tpu.memory_space<vmem>>
        %dma_start3A_75 = arith.constant 0 : i32
        %dma_start3A_76 = tpu.memref_slice %arg12[%add3A_23, %dma_start3A_75] : memref<10000x128xf32, #tpu.memory_space<vmem_shared>> -> memref<120x128xf32, #tpu.memory_space<vmem_shared>>
        %dma_start3A_77 = arith.constant 0 : i32
        %dma_start3A_78 = tpu.memref_slice %arg12[%add3A_23, %dma_start3A_77] : memref<10000x128xf32, #tpu.memory_space<vmem_shared>> -> memref<120x128xf32, #tpu.memory_space<vmem_shared>>
        %dma_start3A_79 = arith.constant 0 : i32
        %dma_start3A_80 = arith.constant 0 : i32
        %dma_start3A_81 = tpu.memref_slice %arg10[%dma_start3A_79, %dma_start3A_80] : memref<125x128xf32, #tpu.memory_space<vmem>> -> memref<120x128xf32, #tpu.memory_space<vmem>>
        tpu.enqueue_dma source(%dma_start3A_81 : memref<120x128xf32, #tpu.memory_space<vmem>>) target(%dma_start3A_78 : memref<120x128xf32, #tpu.memory_space<vmem_shared>>) target_semaphore(%run_scoped3A : memref<!tpu.dma_semaphore, #tpu.memory_space<semaphore_mem>>)
        %dma_wait3A = arith.constant 0 : i32
        %dma_wait3A_82 = arith.constant 0 : i32
        %dma_wait3A_83 = tpu.memref_slice %arg10[%dma_wait3A, %dma_wait3A_82] : memref<125x128xf32, #tpu.memory_space<vmem>> -> memref<120x128xf32, #tpu.memory_space<vmem>>
        %dma_wait3A_84 = arith.constant 0 : i32
        %dma_wait3A_85 = tpu.memref_slice %arg12[%add3A_23, %dma_wait3A_84] : memref<10000x128xf32, #tpu.memory_space<vmem_shared>> -> memref<120x128xf32, #tpu.memory_space<vmem_shared>>
        %dma_wait3A_86 = arith.constant 0 : i32
        %dma_wait3A_87 = tpu.memref_slice %arg12[%add3A_23, %dma_wait3A_86] : memref<10000x128xf32, #tpu.memory_space<vmem_shared>> -> memref<120x128xf32, #tpu.memory_space<vmem_shared>>
        %dma_wait3A_88 = arith.constant 0 : i32
        %dma_wait3A_89 = arith.constant 0 : i32
        %dma_wait3A_90 = tpu.memref_slice %arg10[%dma_wait3A_88, %dma_wait3A_89] : memref<125x128xf32, #tpu.memory_space<vmem>> -> memref<120x128xf32, #tpu.memory_space<vmem>>
        tpu.wait_dma2 semaphore(%run_scoped3A : memref<!tpu.dma_semaphore, #tpu.memory_space<semaphore_mem>>) src(%dma_wait3A_90 : memref<120x128xf32, #tpu.memory_space<vmem>>) dst(%dma_wait3A_87 : memref<120x128xf32, #tpu.memory_space<vmem_shared>>)
        tpu.yield
      }) : () -> ()
      %add3A_24 = arith.constant 480 : i32
      %add3A_25 = arith.addi %mul3A_0, %add3A_24 : i32
      "tpu.region"() ({
        %run_scoped3A = tpu.sem_alloc : memref<!tpu.dma_semaphore, #tpu.memory_space<semaphore_mem>>
        %dma_start3A = arith.constant 0 : i32
        %dma_start3A_73 = arith.constant 0 : i32
        %dma_start3A_74 = tpu.memref_slice %arg10[%dma_start3A, %dma_start3A_73] : memref<125x128xf32, #tpu.memory_space<vmem>> -> memref<120x128xf32, #tpu.memory_space<vmem>>
        %dma_start3A_75 = arith.constant 0 : i32
        %dma_start3A_76 = tpu.memref_slice %arg12[%add3A_25, %dma_start3A_75] : memref<10000x128xf32, #tpu.memory_space<vmem_shared>> -> memref<120x128xf32, #tpu.memory_space<vmem_shared>>
        %dma_start3A_77 = arith.constant 0 : i32
        %dma_start3A_78 = tpu.memref_slice %arg12[%add3A_25, %dma_start3A_77] : memref<10000x128xf32, #tpu.memory_space<vmem_shared>> -> memref<120x128xf32, #tpu.memory_space<vmem_shared>>
        %dma_start3A_79 = arith.constant 0 : i32
        %dma_start3A_80 = arith.constant 0 : i32
        %dma_start3A_81 = tpu.memref_slice %arg10[%dma_start3A_79, %dma_start3A_80] : memref<125x128xf32, #tpu.memory_space<vmem>> -> memref<120x128xf32, #tpu.memory_space<vmem>>
        tpu.enqueue_dma source(%dma_start3A_81 : memref<120x128xf32, #tpu.memory_space<vmem>>) target(%dma_start3A_78 : memref<120x128xf32, #tpu.memory_space<vmem_shared>>) target_semaphore(%run_scoped3A : memref<!tpu.dma_semaphore, #tpu.memory_space<semaphore_mem>>)
        %dma_wait3A = arith.constant 0 : i32
        %dma_wait3A_82 = arith.constant 0 : i32
        %dma_wait3A_83 = tpu.memref_slice %arg10[%dma_wait3A, %dma_wait3A_82] : memref<125x128xf32, #tpu.memory_space<vmem>> -> memref<120x128xf32, #tpu.memory_space<vmem>>
        %dma_wait3A_84 = arith.constant 0 : i32
        %dma_wait3A_85 = tpu.memref_slice %arg12[%add3A_25, %dma_wait3A_84] : memref<10000x128xf32, #tpu.memory_space<vmem_shared>> -> memref<120x128xf32, #tpu.memory_space<vmem_shared>>
        %dma_wait3A_86 = arith.constant 0 : i32
        %dma_wait3A_87 = tpu.memref_slice %arg12[%add3A_25, %dma_wait3A_86] : memref<10000x128xf32, #tpu.memory_space<vmem_shared>> -> memref<120x128xf32, #tpu.memory_space<vmem_shared>>
        %dma_wait3A_88 = arith.constant 0 : i32
        %dma_wait3A_89 = arith.constant 0 : i32
        %dma_wait3A_90 = tpu.memref_slice %arg10[%dma_wait3A_88, %dma_wait3A_89] : memref<125x128xf32, #tpu.memory_space<vmem>> -> memref<120x128xf32, #tpu.memory_space<vmem>>
        tpu.wait_dma2 semaphore(%run_scoped3A : memref<!tpu.dma_semaphore, #tpu.memory_space<semaphore_mem>>) src(%dma_wait3A_90 : memref<120x128xf32, #tpu.memory_space<vmem>>) dst(%dma_wait3A_87 : memref<120x128xf32, #tpu.memory_space<vmem_shared>>)
        tpu.yield
      }) : () -> ()
      %lt3A = arith.constant 15 : i32
      %lt3A_26 = arith.cmpi slt, %arg1, %lt3A : i32
      %convert_element_type3A_27 = arith.extui %lt3A_26 : i1 to i32
      %cond3A_28 = arith.constant 0 : i32
      %cond3A_29 = arith.cmpi ne, %convert_element_type3A_27, %cond3A_28 : i32
      scf.if %cond3A_29 {
        %add3A_73 = arith.constant 600 : i32
        %add3A_74 = arith.addi %mul3A_0, %add3A_73 : i32
        "tpu.region"() ({
          %run_scoped3A = tpu.sem_alloc : memref<!tpu.dma_semaphore, #tpu.memory_space<semaphore_mem>>
          %dma_start3A = arith.constant 0 : i32
          %dma_start3A_75 = arith.constant 0 : i32
          %dma_start3A_76 = tpu.memref_slice %arg10[%dma_start3A, %dma_start3A_75] : memref<125x128xf32, #tpu.memory_space<vmem>> -> memref<24x128xf32, #tpu.memory_space<vmem>>
          %dma_start3A_77 = arith.constant 0 : i32
          %dma_start3A_78 = tpu.memref_slice %arg12[%add3A_74, %dma_start3A_77] : memref<10000x128xf32, #tpu.memory_space<vmem_shared>> -> memref<24x128xf32, #tpu.memory_space<vmem_shared>>
          %dma_start3A_79 = arith.constant 0 : i32
          %dma_start3A_80 = tpu.memref_slice %arg12[%add3A_74, %dma_start3A_79] : memref<10000x128xf32, #tpu.memory_space<vmem_shared>> -> memref<24x128xf32, #tpu.memory_space<vmem_shared>>
          %dma_start3A_81 = arith.constant 0 : i32
          %dma_start3A_82 = arith.constant 0 : i32
          %dma_start3A_83 = tpu.memref_slice %arg10[%dma_start3A_81, %dma_start3A_82] : memref<125x128xf32, #tpu.memory_space<vmem>> -> memref<24x128xf32, #tpu.memory_space<vmem>>
          tpu.enqueue_dma source(%dma_start3A_83 : memref<24x128xf32, #tpu.memory_space<vmem>>) target(%dma_start3A_80 : memref<24x128xf32, #tpu.memory_space<vmem_shared>>) target_semaphore(%run_scoped3A : memref<!tpu.dma_semaphore, #tpu.memory_space<semaphore_mem>>)
          %dma_wait3A = arith.constant 0 : i32
          %dma_wait3A_84 = arith.constant 0 : i32
          %dma_wait3A_85 = tpu.memref_slice %arg10[%dma_wait3A, %dma_wait3A_84] : memref<125x128xf32, #tpu.memory_space<vmem>> -> memref<24x128xf32, #tpu.memory_space<vmem>>
          %dma_wait3A_86 = arith.constant 0 : i32
          %dma_wait3A_87 = tpu.memref_slice %arg12[%add3A_74, %dma_wait3A_86] : memref<10000x128xf32, #tpu.memory_space<vmem_shared>> -> memref<24x128xf32, #tpu.memory_space<vmem_shared>>
          %dma_wait3A_88 = arith.constant 0 : i32
          %dma_wait3A_89 = tpu.memref_slice %arg12[%add3A_74, %dma_wait3A_88] : memref<10000x128xf32, #tpu.memory_space<vmem_shared>> -> memref<24x128xf32, #tpu.memory_space<vmem_shared>>
          %dma_wait3A_90 = arith.constant 0 : i32
          %dma_wait3A_91 = arith.constant 0 : i32
          %dma_wait3A_92 = tpu.memref_slice %arg10[%dma_wait3A_90, %dma_wait3A_91] : memref<125x128xf32, #tpu.memory_space<vmem>> -> memref<24x128xf32, #tpu.memory_space<vmem>>
          tpu.wait_dma2 semaphore(%run_scoped3A : memref<!tpu.dma_semaphore, #tpu.memory_space<semaphore_mem>>) src(%dma_wait3A_92 : memref<24x128xf32, #tpu.memory_space<vmem>>) dst(%dma_wait3A_89 : memref<24x128xf32, #tpu.memory_space<vmem_shared>>)
          tpu.yield
        }) : () -> ()
      } else {
      }
      %eq3A_30 = arith.constant 15 : i32
      %eq3A_31 = arith.cmpi eq, %arg1, %eq3A_30 : i32
      %convert_element_type3A_32 = arith.extui %eq3A_31 : i1 to i32
      %cond3A_33 = arith.constant 0 : i32
      %cond3A_34 = arith.cmpi ne, %convert_element_type3A_32, %cond3A_33 : i32
      scf.if %cond3A_34 {
        %add3A_73 = arith.constant 600 : i32
        %add3A_74 = arith.addi %mul3A_0, %add3A_73 : i32
        "tpu.region"() ({
          %run_scoped3A = tpu.sem_alloc : memref<!tpu.dma_semaphore, #tpu.memory_space<semaphore_mem>>
          %dma_start3A = arith.constant 0 : i32
          %dma_start3A_75 = arith.constant 0 : i32
          %dma_start3A_76 = tpu.memref_slice %arg10[%dma_start3A, %dma_start3A_75] : memref<125x128xf32, #tpu.memory_space<vmem>> -> memref<40x128xf32, #tpu.memory_space<vmem>>
          %dma_start3A_77 = arith.constant 0 : i32
          %dma_start3A_78 = tpu.memref_slice %arg12[%add3A_74, %dma_start3A_77] : memref<10000x128xf32, #tpu.memory_space<vmem_shared>> -> memref<40x128xf32, #tpu.memory_space<vmem_shared>>
          %dma_start3A_79 = arith.constant 0 : i32
          %dma_start3A_80 = tpu.memref_slice %arg12[%add3A_74, %dma_start3A_79] : memref<10000x128xf32, #tpu.memory_space<vmem_shared>> -> memref<40x128xf32, #tpu.memory_space<vmem_shared>>
          %dma_start3A_81 = arith.constant 0 : i32
          %dma_start3A_82 = arith.constant 0 : i32
          %dma_start3A_83 = tpu.memref_slice %arg10[%dma_start3A_81, %dma_start3A_82] : memref<125x128xf32, #tpu.memory_space<vmem>> -> memref<40x128xf32, #tpu.memory_space<vmem>>
          tpu.enqueue_dma source(%dma_start3A_83 : memref<40x128xf32, #tpu.memory_space<vmem>>) target(%dma_start3A_80 : memref<40x128xf32, #tpu.memory_space<vmem_shared>>) target_semaphore(%run_scoped3A : memref<!tpu.dma_semaphore, #tpu.memory_space<semaphore_mem>>)
          %dma_wait3A = arith.constant 0 : i32
          %dma_wait3A_84 = arith.constant 0 : i32
          %dma_wait3A_85 = tpu.memref_slice %arg10[%dma_wait3A, %dma_wait3A_84] : memref<125x128xf32, #tpu.memory_space<vmem>> -> memref<40x128xf32, #tpu.memory_space<vmem>>
          %dma_wait3A_86 = arith.constant 0 : i32
          %dma_wait3A_87 = tpu.memref_slice %arg12[%add3A_74, %dma_wait3A_86] : memref<10000x128xf32, #tpu.memory_space<vmem_shared>> -> memref<40x128xf32, #tpu.memory_space<vmem_shared>>
          %dma_wait3A_88 = arith.constant 0 : i32
          %dma_wait3A_89 = tpu.memref_slice %arg12[%add3A_74, %dma_wait3A_88] : memref<10000x128xf32, #tpu.memory_space<vmem_shared>> -> memref<40x128xf32, #tpu.memory_space<vmem_shared>>
          %dma_wait3A_90 = arith.constant 0 : i32
          %dma_wait3A_91 = arith.constant 0 : i32
          %dma_wait3A_92 = tpu.memref_slice %arg10[%dma_wait3A_90, %dma_wait3A_91] : memref<125x128xf32, #tpu.memory_space<vmem>> -> memref<40x128xf32, #tpu.memory_space<vmem>>
          tpu.wait_dma2 semaphore(%run_scoped3A : memref<!tpu.dma_semaphore, #tpu.memory_space<semaphore_mem>>) src(%dma_wait3A_92 : memref<40x128xf32, #tpu.memory_space<vmem>>) dst(%dma_wait3A_89 : memref<40x128xf32, #tpu.memory_space<vmem_shared>>)
          tpu.yield
        }) : () -> ()
      } else {
      }
      %barrier3A = arith.constant 0 : index
      tpu.barrier barrier_id(%barrier3A)
      %scan3A_35 = arith.constant 0 : i32
      %scan3A_36 = arith.constant 0 : i32
      %scan3A_37 = arith.constant 5 : i32
      %scan3A_38 = arith.addi %scan3A_36, %scan3A_37 : i32
      %scan3A_39 = arith.constant 1 : i32
      %scan3A_40 = scf.for %scan3A_73 = %scan3A_36 to %scan3A_38 step %scan3A_39 iter_args(%scan3A_74 = %scan3A_35) -> (i32)  : i32 {
        %mul3A_75 = arith.constant 32 : i32
        %mul3A_76 = arith.muli %mul3A_75, %scan3A_73 : i32
        %add3A_77 = arith.addi %mul3A_2, %mul3A_76 : i32
        "tpu.region"() ({
          %run_scoped3A = tpu.sem_alloc : memref<!tpu.dma_semaphore, #tpu.memory_space<semaphore_mem>>
          %dma_start3A_143 = arith.constant 0 : i32
          %dma_start3A_144 = tpu.memref_slice %arg2[%add3A_77, %dma_start3A_143] : memref<2560x125xi32, #tpu.memory_space<hbm>> -> memref<32x125xi32, #tpu.memory_space<hbm>>
          %dma_start3A_145 = arith.constant 0 : i32
          %dma_start3A_146 = tpu.memref_slice %arg2[%add3A_77, %dma_start3A_145] : memref<2560x125xi32, #tpu.memory_space<hbm>> -> memref<32x125xi32, #tpu.memory_space<hbm>>
          tpu.enqueue_dma source(%dma_start3A_146 : memref<32x125xi32, #tpu.memory_space<hbm>>) target(%arg8 : memref<32x125xi32, #tpu.memory_space<vmem>>) target_semaphore(%run_scoped3A : memref<!tpu.dma_semaphore, #tpu.memory_space<semaphore_mem>>)
          %dma_wait3A_147 = arith.constant 0 : i32
          %dma_wait3A_148 = tpu.memref_slice %arg2[%add3A_77, %dma_wait3A_147] : memref<2560x125xi32, #tpu.memory_space<hbm>> -> memref<32x125xi32, #tpu.memory_space<hbm>>
          %dma_wait3A_149 = arith.constant 0 : i32
          %dma_wait3A_150 = tpu.memref_slice %arg2[%add3A_77, %dma_wait3A_149] : memref<2560x125xi32, #tpu.memory_space<hbm>> -> memref<32x125xi32, #tpu.memory_space<hbm>>
          tpu.wait_dma2 semaphore(%run_scoped3A : memref<!tpu.dma_semaphore, #tpu.memory_space<semaphore_mem>>) src(%dma_wait3A_150 : memref<32x125xi32, #tpu.memory_space<hbm>>) dst(%arg8 : memref<32x125xi32, #tpu.memory_space<vmem>>)
          tpu.yield
        }) : () -> ()
        %mul3A_78 = arith.constant 32 : i32
        %mul3A_79 = arith.muli %mul3A_78, %scan3A_73 : i32
        %add3A_80 = arith.addi %mul3A_2, %mul3A_79 : i32
        "tpu.region"() ({
          %run_scoped3A = tpu.sem_alloc : memref<!tpu.dma_semaphore, #tpu.memory_space<semaphore_mem>>
          %dma_start3A_143 = arith.constant 0 : i32
          %dma_start3A_144 = tpu.memref_slice %arg3[%add3A_80, %dma_start3A_143] : memref<2560x125xi32, #tpu.memory_space<hbm>> -> memref<32x125xi32, #tpu.memory_space<hbm>>
          %dma_start3A_145 = arith.constant 0 : i32
          %dma_start3A_146 = tpu.memref_slice %arg3[%add3A_80, %dma_start3A_145] : memref<2560x125xi32, #tpu.memory_space<hbm>> -> memref<32x125xi32, #tpu.memory_space<hbm>>
          tpu.enqueue_dma source(%dma_start3A_146 : memref<32x125xi32, #tpu.memory_space<hbm>>) target(%arg9 : memref<32x125xi32, #tpu.memory_space<vmem>>) target_semaphore(%run_scoped3A : memref<!tpu.dma_semaphore, #tpu.memory_space<semaphore_mem>>)
          %dma_wait3A_147 = arith.constant 0 : i32
          %dma_wait3A_148 = tpu.memref_slice %arg3[%add3A_80, %dma_wait3A_147] : memref<2560x125xi32, #tpu.memory_space<hbm>> -> memref<32x125xi32, #tpu.memory_space<hbm>>
          %dma_wait3A_149 = arith.constant 0 : i32
          %dma_wait3A_150 = tpu.memref_slice %arg3[%add3A_80, %dma_wait3A_149] : memref<2560x125xi32, #tpu.memory_space<hbm>> -> memref<32x125xi32, #tpu.memory_space<hbm>>
          tpu.wait_dma2 semaphore(%run_scoped3A : memref<!tpu.dma_semaphore, #tpu.memory_space<semaphore_mem>>) src(%dma_wait3A_150 : memref<32x125xi32, #tpu.memory_space<hbm>>) dst(%arg9 : memref<32x125xi32, #tpu.memory_space<vmem>>)
          tpu.yield
        }) : () -> ()
        %dma_start3A = arith.constant 0 : i32
        %dma_start3A_81 = arith.constant 0 : i32
        %dma_start3A_82 = tpu.memref_slice %arg8[%dma_start3A, %dma_start3A_81] : memref<32x125xi32, #tpu.memory_space<vmem>> -> memref<1x125xi32, #tpu.memory_space<vmem>>
        %dma_start3A_83 = tpu.memref_squeeze %dma_start3A_82 : memref<1x125xi32, #tpu.memory_space<vmem>> -> memref<125xi32, #tpu.memory_space<vmem>>
        %dma_start3A_84 = arith.constant 0 : i32
        %dma_start3A_85 = arith.constant 0 : i32
        %dma_start3A_86 = tpu.memref_slice %arg5[%dma_start3A_84, %dma_start3A_85] : memref<10000x128xf32, #tpu.memory_space<hbm>> -> memref<10000x128xf32, #tpu.memory_space<hbm>>
        tpu.enqueue_indirect_dma source(%dma_start3A_86 : memref<10000x128xf32, #tpu.memory_space<hbm>>) target(%arg10 : memref<125x128xf32, #tpu.memory_space<vmem>>) offsets(%dma_start3A_83 : memref<125xi32, #tpu.memory_space<vmem>>) semaphore(%arg13 : memref<!tpu.dma_semaphore, #tpu.memory_space<semaphore_mem>>)
        %dma_start3A_87 = arith.constant 1 : i32
        %dma_start3A_88 = arith.constant 0 : i32
        %dma_start3A_89 = tpu.memref_slice %arg8[%dma_start3A_87, %dma_start3A_88] : memref<32x125xi32, #tpu.memory_space<vmem>> -> memref<1x125xi32, #tpu.memory_space<vmem>>
        %dma_start3A_90 = tpu.memref_squeeze %dma_start3A_89 : memref<1x125xi32, #tpu.memory_space<vmem>> -> memref<125xi32, #tpu.memory_space<vmem>>
        %dma_start3A_91 = arith.constant 0 : i32
        %dma_start3A_92 = arith.constant 0 : i32
        %dma_start3A_93 = tpu.memref_slice %arg5[%dma_start3A_91, %dma_start3A_92] : memref<10000x128xf32, #tpu.memory_space<hbm>> -> memref<10000x128xf32, #tpu.memory_space<hbm>>
        tpu.enqueue_indirect_dma source(%dma_start3A_93 : memref<10000x128xf32, #tpu.memory_space<hbm>>) target(%arg11 : memref<125x128xf32, #tpu.memory_space<vmem>>) offsets(%dma_start3A_90 : memref<125xi32, #tpu.memory_space<vmem>>) semaphore(%arg14 : memref<!tpu.dma_semaphore, #tpu.memory_space<semaphore_mem>>)
        %dma_wait3A = arith.constant 0 : i32
        %dma_wait3A_94 = arith.constant 0 : i32
        %dma_wait3A_95 = tpu.memref_slice %arg8[%dma_wait3A, %dma_wait3A_94] : memref<32x125xi32, #tpu.memory_space<vmem>> -> memref<1x125xi32, #tpu.memory_space<vmem>>
        %dma_wait3A_96 = tpu.memref_squeeze %dma_wait3A_95 : memref<1x125xi32, #tpu.memory_space<vmem>> -> memref<125xi32, #tpu.memory_space<vmem>>
        %dma_wait3A_97 = arith.constant 0 : i32
        %dma_wait3A_98 = arith.constant 0 : i32
        %dma_wait3A_99 = tpu.memref_slice %arg5[%dma_wait3A_97, %dma_wait3A_98] : memref<10000x128xf32, #tpu.memory_space<hbm>> -> memref<10000x128xf32, #tpu.memory_space<hbm>>
        tpu.wait_indirect_dma semaphore(%arg13 : memref<!tpu.dma_semaphore, #tpu.memory_space<semaphore_mem>>) src(%dma_wait3A_99 : memref<10000x128xf32, #tpu.memory_space<hbm>>) dst(%arg10 : memref<125x128xf32, #tpu.memory_space<vmem>>)
        %dma_start3A_100 = arith.constant 0 : i32
        %dma_start3A_101 = arith.constant 0 : i32
        %dma_start3A_102 = tpu.memref_slice %arg9[%dma_start3A_100, %dma_start3A_101] : memref<32x125xi32, #tpu.memory_space<vmem>> -> memref<1x125xi32, #tpu.memory_space<vmem>>
        %dma_start3A_103 = tpu.memref_squeeze %dma_start3A_102 : memref<1x125xi32, #tpu.memory_space<vmem>> -> memref<125xi32, #tpu.memory_space<vmem>>
        %dma_start3A_104 = arith.constant 0 : i32
        %dma_start3A_105 = arith.constant 0 : i32
        %dma_start3A_106 = tpu.memref_slice %arg12[%dma_start3A_104, %dma_start3A_105] : memref<10000x128xf32, #tpu.memory_space<vmem_shared>> -> memref<10000x128xf32, #tpu.memory_space<vmem_shared>>
        tpu.enqueue_indirect_dma source(%arg10 : memref<125x128xf32, #tpu.memory_space<vmem>>) target(%dma_start3A_106 : memref<10000x128xf32, #tpu.memory_space<vmem_shared>>) offsets(%dma_start3A_103 : memref<125xi32, #tpu.memory_space<vmem>>) semaphore(%arg15 : memref<!tpu.dma_semaphore, #tpu.memory_space<semaphore_mem>>) {add = true}
        %scan3A_107 = arith.constant 0 : i32
        %scan3A_108 = arith.constant 1 : i32
        %scan3A_109 = arith.constant 15 : i32
        %scan3A_110 = arith.addi %scan3A_108, %scan3A_109 : i32
        %scan3A_111 = arith.constant 1 : i32
        %scan3A_112 = scf.for %scan3A_143 = %scan3A_108 to %scan3A_110 step %scan3A_111 iter_args(%scan3A_144 = %scan3A_107) -> (i32)  : i32 {
          %mul3A_145 = arith.constant 2 : i32
          %mul3A_146 = arith.muli %mul3A_145, %scan3A_143 : i32
          %dma_wait3A_147 = arith.constant 0 : i32
          %dma_wait3A_148 = arith.constant 0 : i32
          %dma_wait3A_149 = tpu.memref_slice %arg9[%dma_wait3A_147, %dma_wait3A_148] : memref<32x125xi32, #tpu.memory_space<vmem>> -> memref<1x125xi32, #tpu.memory_space<vmem>>
          %dma_wait3A_150 = tpu.memref_squeeze %dma_wait3A_149 : memref<1x125xi32, #tpu.memory_space<vmem>> -> memref<125xi32, #tpu.memory_space<vmem>>
          %dma_wait3A_151 = arith.constant 0 : i32
          %dma_wait3A_152 = arith.constant 0 : i32
          %dma_wait3A_153 = tpu.memref_slice %arg12[%dma_wait3A_151, %dma_wait3A_152] : memref<10000x128xf32, #tpu.memory_space<vmem_shared>> -> memref<10000x128xf32, #tpu.memory_space<vmem_shared>>
          tpu.wait_indirect_dma semaphore(%arg15 : memref<!tpu.dma_semaphore, #tpu.memory_space<semaphore_mem>>) src(%arg10 : memref<125x128xf32, #tpu.memory_space<vmem>>) dst(%dma_wait3A_153 : memref<10000x128xf32, #tpu.memory_space<vmem_shared>>)
          %dma_start3A_154 = arith.constant 0 : i32
          %dma_start3A_155 = tpu.memref_slice %arg8[%mul3A_146, %dma_start3A_154] : memref<32x125xi32, #tpu.memory_space<vmem>> -> memref<1x125xi32, #tpu.memory_space<vmem>>
          %dma_start3A_156 = tpu.memref_squeeze %dma_start3A_155 : memref<1x125xi32, #tpu.memory_space<vmem>> -> memref<125xi32, #tpu.memory_space<vmem>>
          %dma_start3A_157 = arith.constant 0 : i32
          %dma_start3A_158 = arith.constant 0 : i32
          %dma_start3A_159 = tpu.memref_slice %arg5[%dma_start3A_157, %dma_start3A_158] : memref<10000x128xf32, #tpu.memory_space<hbm>> -> memref<10000x128xf32, #tpu.memory_space<hbm>>
          tpu.enqueue_indirect_dma source(%dma_start3A_159 : memref<10000x128xf32, #tpu.memory_space<hbm>>) target(%arg10 : memref<125x128xf32, #tpu.memory_space<vmem>>) offsets(%dma_start3A_156 : memref<125xi32, #tpu.memory_space<vmem>>) semaphore(%arg13 : memref<!tpu.dma_semaphore, #tpu.memory_space<semaphore_mem>>)
          %dma_wait3A_160 = arith.constant 0 : i32
          %dma_wait3A_161 = arith.constant 0 : i32
          %dma_wait3A_162 = tpu.memref_slice %arg8[%dma_wait3A_160, %dma_wait3A_161] : memref<32x125xi32, #tpu.memory_space<vmem>> -> memref<1x125xi32, #tpu.memory_space<vmem>>
          %dma_wait3A_163 = tpu.memref_squeeze %dma_wait3A_162 : memref<1x125xi32, #tpu.memory_space<vmem>> -> memref<125xi32, #tpu.memory_space<vmem>>
          %dma_wait3A_164 = arith.constant 0 : i32
          %dma_wait3A_165 = arith.constant 0 : i32
          %dma_wait3A_166 = tpu.memref_slice %arg5[%dma_wait3A_164, %dma_wait3A_165] : memref<10000x128xf32, #tpu.memory_space<hbm>> -> memref<10000x128xf32, #tpu.memory_space<hbm>>
          tpu.wait_indirect_dma semaphore(%arg14 : memref<!tpu.dma_semaphore, #tpu.memory_space<semaphore_mem>>) src(%dma_wait3A_166 : memref<10000x128xf32, #tpu.memory_space<hbm>>) dst(%arg11 : memref<125x128xf32, #tpu.memory_space<vmem>>)
          %sub3A = arith.constant 1 : i32
          %sub3A_167 = arith.subi %mul3A_146, %sub3A : i32
          %dma_start3A_168 = arith.constant 0 : i32
          %dma_start3A_169 = tpu.memref_slice %arg9[%sub3A_167, %dma_start3A_168] : memref<32x125xi32, #tpu.memory_space<vmem>> -> memref<1x125xi32, #tpu.memory_space<vmem>>
          %dma_start3A_170 = tpu.memref_squeeze %dma_start3A_169 : memref<1x125xi32, #tpu.memory_space<vmem>> -> memref<125xi32, #tpu.memory_space<vmem>>
          %dma_start3A_171 = arith.constant 0 : i32
          %dma_start3A_172 = arith.constant 0 : i32
          %dma_start3A_173 = tpu.memref_slice %arg12[%dma_start3A_171, %dma_start3A_172] : memref<10000x128xf32, #tpu.memory_space<vmem_shared>> -> memref<10000x128xf32, #tpu.memory_space<vmem_shared>>
          tpu.enqueue_indirect_dma source(%arg11 : memref<125x128xf32, #tpu.memory_space<vmem>>) target(%dma_start3A_173 : memref<10000x128xf32, #tpu.memory_space<vmem_shared>>) offsets(%dma_start3A_170 : memref<125xi32, #tpu.memory_space<vmem>>) semaphore(%arg16 : memref<!tpu.dma_semaphore, #tpu.memory_space<semaphore_mem>>) {add = true}
          %dma_wait3A_174 = arith.constant 0 : i32
          %dma_wait3A_175 = arith.constant 0 : i32
          %dma_wait3A_176 = tpu.memref_slice %arg9[%dma_wait3A_174, %dma_wait3A_175] : memref<32x125xi32, #tpu.memory_space<vmem>> -> memref<1x125xi32, #tpu.memory_space<vmem>>
          %dma_wait3A_177 = tpu.memref_squeeze %dma_wait3A_176 : memref<1x125xi32, #tpu.memory_space<vmem>> -> memref<125xi32, #tpu.memory_space<vmem>>
          %dma_wait3A_178 = arith.constant 0 : i32
          %dma_wait3A_179 = arith.constant 0 : i32
          %dma_wait3A_180 = tpu.memref_slice %arg12[%dma_wait3A_178, %dma_wait3A_179] : memref<10000x128xf32, #tpu.memory_space<vmem_shared>> -> memref<10000x128xf32, #tpu.memory_space<vmem_shared>>
          tpu.wait_indirect_dma semaphore(%arg16 : memref<!tpu.dma_semaphore, #tpu.memory_space<semaphore_mem>>) src(%arg11 : memref<125x128xf32, #tpu.memory_space<vmem>>) dst(%dma_wait3A_180 : memref<10000x128xf32, #tpu.memory_space<vmem_shared>>)
          %add3A_181 = arith.constant 1 : i32
          %add3A_182 = arith.addi %mul3A_146, %add3A_181 : i32
          %dma_start3A_183 = arith.constant 0 : i32
          %dma_start3A_184 = tpu.memref_slice %arg8[%add3A_182, %dma_start3A_183] : memref<32x125xi32, #tpu.memory_space<vmem>> -> memref<1x125xi32, #tpu.memory_space<vmem>>
          %dma_start3A_185 = tpu.memref_squeeze %dma_start3A_184 : memref<1x125xi32, #tpu.memory_space<vmem>> -> memref<125xi32, #tpu.memory_space<vmem>>
          %dma_start3A_186 = arith.constant 0 : i32
          %dma_start3A_187 = arith.constant 0 : i32
          %dma_start3A_188 = tpu.memref_slice %arg5[%dma_start3A_186, %dma_start3A_187] : memref<10000x128xf32, #tpu.memory_space<hbm>> -> memref<10000x128xf32, #tpu.memory_space<hbm>>
          tpu.enqueue_indirect_dma source(%dma_start3A_188 : memref<10000x128xf32, #tpu.memory_space<hbm>>) target(%arg11 : memref<125x128xf32, #tpu.memory_space<vmem>>) offsets(%dma_start3A_185 : memref<125xi32, #tpu.memory_space<vmem>>) semaphore(%arg14 : memref<!tpu.dma_semaphore, #tpu.memory_space<semaphore_mem>>)
          %dma_wait3A_189 = arith.constant 0 : i32
          %dma_wait3A_190 = arith.constant 0 : i32
          %dma_wait3A_191 = tpu.memref_slice %arg8[%dma_wait3A_189, %dma_wait3A_190] : memref<32x125xi32, #tpu.memory_space<vmem>> -> memref<1x125xi32, #tpu.memory_space<vmem>>
          %dma_wait3A_192 = tpu.memref_squeeze %dma_wait3A_191 : memref<1x125xi32, #tpu.memory_space<vmem>> -> memref<125xi32, #tpu.memory_space<vmem>>
          %dma_wait3A_193 = arith.constant 0 : i32
          %dma_wait3A_194 = arith.constant 0 : i32
          %dma_wait3A_195 = tpu.memref_slice %arg5[%dma_wait3A_193, %dma_wait3A_194] : memref<10000x128xf32, #tpu.memory_space<hbm>> -> memref<10000x128xf32, #tpu.memory_space<hbm>>
          tpu.wait_indirect_dma semaphore(%arg13 : memref<!tpu.dma_semaphore, #tpu.memory_space<semaphore_mem>>) src(%dma_wait3A_195 : memref<10000x128xf32, #tpu.memory_space<hbm>>) dst(%arg10 : memref<125x128xf32, #tpu.memory_space<vmem>>)
          %dma_start3A_196 = arith.constant 0 : i32
          %dma_start3A_197 = tpu.memref_slice %arg9[%mul3A_146, %dma_start3A_196] : memref<32x125xi32, #tpu.memory_space<vmem>> -> memref<1x125xi32, #tpu.memory_space<vmem>>
          %dma_start3A_198 = tpu.memref_squeeze %dma_start3A_197 : memref<1x125xi32, #tpu.memory_space<vmem>> -> memref<125xi32, #tpu.memory_space<vmem>>
          %dma_start3A_199 = arith.constant 0 : i32
          %dma_start3A_200 = arith.constant 0 : i32
          %dma_start3A_201 = tpu.memref_slice %arg12[%dma_start3A_199, %dma_start3A_200] : memref<10000x128xf32, #tpu.memory_space<vmem_shared>> -> memref<10000x128xf32, #tpu.memory_space<vmem_shared>>
          tpu.enqueue_indirect_dma source(%arg10 : memref<125x128xf32, #tpu.memory_space<vmem>>) target(%dma_start3A_201 : memref<10000x128xf32, #tpu.memory_space<vmem_shared>>) offsets(%dma_start3A_198 : memref<125xi32, #tpu.memory_space<vmem>>) semaphore(%arg15 : memref<!tpu.dma_semaphore, #tpu.memory_space<semaphore_mem>>) {add = true}
          %scan3A_202 = arith.constant 0 : i32
          scf.yield %scan3A_202 : i32
        }
        %scan3A_113 = arith.constant 15 : i32
        %dma_wait3A_114 = arith.constant 0 : i32
        %dma_wait3A_115 = arith.constant 0 : i32
        %dma_wait3A_116 = tpu.memref_slice %arg8[%dma_wait3A_114, %dma_wait3A_115] : memref<32x125xi32, #tpu.memory_space<vmem>> -> memref<1x125xi32, #tpu.memory_space<vmem>>
        %dma_wait3A_117 = tpu.memref_squeeze %dma_wait3A_116 : memref<1x125xi32, #tpu.memory_space<vmem>> -> memref<125xi32, #tpu.memory_space<vmem>>
        %dma_wait3A_118 = arith.constant 0 : i32
        %dma_wait3A_119 = arith.constant 0 : i32
        %dma_wait3A_120 = tpu.memref_slice %arg5[%dma_wait3A_118, %dma_wait3A_119] : memref<10000x128xf32, #tpu.memory_space<hbm>> -> memref<10000x128xf32, #tpu.memory_space<hbm>>
        tpu.wait_indirect_dma semaphore(%arg14 : memref<!tpu.dma_semaphore, #tpu.memory_space<semaphore_mem>>) src(%dma_wait3A_120 : memref<10000x128xf32, #tpu.memory_space<hbm>>) dst(%arg11 : memref<125x128xf32, #tpu.memory_space<vmem>>)
        %dma_start3A_121 = arith.constant 31 : i32
        %dma_start3A_122 = arith.constant 0 : i32
        %dma_start3A_123 = tpu.memref_slice %arg9[%dma_start3A_121, %dma_start3A_122] : memref<32x125xi32, #tpu.memory_space<vmem>> -> memref<1x125xi32, #tpu.memory_space<vmem>>
        %dma_start3A_124 = tpu.memref_squeeze %dma_start3A_123 : memref<1x125xi32, #tpu.memory_space<vmem>> -> memref<125xi32, #tpu.memory_space<vmem>>
        %dma_start3A_125 = arith.constant 0 : i32
        %dma_start3A_126 = arith.constant 0 : i32
        %dma_start3A_127 = tpu.memref_slice %arg12[%dma_start3A_125, %dma_start3A_126] : memref<10000x128xf32, #tpu.memory_space<vmem_shared>> -> memref<10000x128xf32, #tpu.memory_space<vmem_shared>>
        tpu.enqueue_indirect_dma source(%arg11 : memref<125x128xf32, #tpu.memory_space<vmem>>) target(%dma_start3A_127 : memref<10000x128xf32, #tpu.memory_space<vmem_shared>>) offsets(%dma_start3A_124 : memref<125xi32, #tpu.memory_space<vmem>>) semaphore(%arg16 : memref<!tpu.dma_semaphore, #tpu.memory_space<semaphore_mem>>) {add = true}
        %dma_wait3A_128 = arith.constant 0 : i32
        %dma_wait3A_129 = arith.constant 0 : i32
        %dma_wait3A_130 = tpu.memref_slice %arg9[%dma_wait3A_128, %dma_wait3A_129] : memref<32x125xi32, #tpu.memory_space<vmem>> -> memref<1x125xi32, #tpu.memory_space<vmem>>
        %dma_wait3A_131 = tpu.memref_squeeze %dma_wait3A_130 : memref<1x125xi32, #tpu.memory_space<vmem>> -> memref<125xi32, #tpu.memory_space<vmem>>
        %dma_wait3A_132 = arith.constant 0 : i32
        %dma_wait3A_133 = arith.constant 0 : i32
        %dma_wait3A_134 = tpu.memref_slice %arg12[%dma_wait3A_132, %dma_wait3A_133] : memref<10000x128xf32, #tpu.memory_space<vmem_shared>> -> memref<10000x128xf32, #tpu.memory_space<vmem_shared>>
        tpu.wait_indirect_dma semaphore(%arg15 : memref<!tpu.dma_semaphore, #tpu.memory_space<semaphore_mem>>) src(%arg10 : memref<125x128xf32, #tpu.memory_space<vmem>>) dst(%dma_wait3A_134 : memref<10000x128xf32, #tpu.memory_space<vmem_shared>>)
        %dma_wait3A_135 = arith.constant 0 : i32
        %dma_wait3A_136 = arith.constant 0 : i32
        %dma_wait3A_137 = tpu.memref_slice %arg9[%dma_wait3A_135, %dma_wait3A_136] : memref<32x125xi32, #tpu.memory_space<vmem>> -> memref<1x125xi32, #tpu.memory_space<vmem>>
        %dma_wait3A_138 = tpu.memref_squeeze %dma_wait3A_137 : memref<1x125xi32, #tpu.memory_space<vmem>> -> memref<125xi32, #tpu.memory_space<vmem>>
        %dma_wait3A_139 = arith.constant 0 : i32
        %dma_wait3A_140 = arith.constant 0 : i32
        %dma_wait3A_141 = tpu.memref_slice %arg12[%dma_wait3A_139, %dma_wait3A_140] : memref<10000x128xf32, #tpu.memory_space<vmem_shared>> -> memref<10000x128xf32, #tpu.memory_space<vmem_shared>>
        tpu.wait_indirect_dma semaphore(%arg16 : memref<!tpu.dma_semaphore, #tpu.memory_space<semaphore_mem>>) src(%arg11 : memref<125x128xf32, #tpu.memory_space<vmem>>) dst(%dma_wait3A_141 : memref<10000x128xf32, #tpu.memory_space<vmem_shared>>)
        %scan3A_142 = arith.constant 0 : i32
        scf.yield %scan3A_142 : i32
      }
      %scan3A_41 = arith.constant 5 : i32
      %barrier3A_42 = arith.constant 0 : index
      tpu.barrier barrier_id(%barrier3A_42)
      %add3A_43 = arith.constant 0 : i32
      %add3A_44 = arith.addi %mul3A_0, %add3A_43 : i32
      %add3A_45 = arith.constant 0 : i32
      %add3A_46 = arith.addi %mul3A_0, %add3A_45 : i32
      "tpu.region"() ({
        %run_scoped3A = tpu.sem_alloc : memref<!tpu.dma_semaphore, #tpu.memory_space<semaphore_mem>>
        %dma_start3A = arith.constant 0 : i32
        %dma_start3A_73 = tpu.memref_slice %arg7[%add3A_46, %dma_start3A] : memref<10000x128xf32, #tpu.memory_space<hbm>> -> memref<120x128xf32, #tpu.memory_space<hbm>>
        %dma_start3A_74 = arith.constant 0 : i32
        %dma_start3A_75 = tpu.memref_slice %arg12[%add3A_44, %dma_start3A_74] : memref<10000x128xf32, #tpu.memory_space<vmem_shared>> -> memref<120x128xf32, #tpu.memory_space<vmem_shared>>
        tpu.enqueue_dma source(%dma_start3A_75 : memref<120x128xf32, #tpu.memory_space<vmem_shared>>) target(%dma_start3A_73 : memref<120x128xf32, #tpu.memory_space<hbm>>) target_semaphore(%run_scoped3A : memref<!tpu.dma_semaphore, #tpu.memory_space<semaphore_mem>>)
        %dma_wait3A = arith.constant 0 : i32
        %dma_wait3A_76 = tpu.memref_slice %arg7[%add3A_46, %dma_wait3A] : memref<10000x128xf32, #tpu.memory_space<hbm>> -> memref<120x128xf32, #tpu.memory_space<hbm>>
        %dma_wait3A_77 = arith.constant 0 : i32
        %dma_wait3A_78 = tpu.memref_slice %arg12[%add3A_44, %dma_wait3A_77] : memref<10000x128xf32, #tpu.memory_space<vmem_shared>> -> memref<120x128xf32, #tpu.memory_space<vmem_shared>>
        tpu.wait_dma2 semaphore(%run_scoped3A : memref<!tpu.dma_semaphore, #tpu.memory_space<semaphore_mem>>) src(%dma_wait3A_78 : memref<120x128xf32, #tpu.memory_space<vmem_shared>>) dst(%dma_wait3A_76 : memref<120x128xf32, #tpu.memory_space<hbm>>)
        tpu.yield
      }) : () -> ()
      %add3A_47 = arith.constant 120 : i32
      %add3A_48 = arith.addi %mul3A_0, %add3A_47 : i32
      %add3A_49 = arith.constant 120 : i32
      %add3A_50 = arith.addi %mul3A_0, %add3A_49 : i32
      "tpu.region"() ({
        %run_scoped3A = tpu.sem_alloc : memref<!tpu.dma_semaphore, #tpu.memory_space<semaphore_mem>>
        %dma_start3A = arith.constant 0 : i32
        %dma_start3A_73 = tpu.memref_slice %arg7[%add3A_50, %dma_start3A] : memref<10000x128xf32, #tpu.memory_space<hbm>> -> memref<120x128xf32, #tpu.memory_space<hbm>>
        %dma_start3A_74 = arith.constant 0 : i32
        %dma_start3A_75 = tpu.memref_slice %arg12[%add3A_48, %dma_start3A_74] : memref<10000x128xf32, #tpu.memory_space<vmem_shared>> -> memref<120x128xf32, #tpu.memory_space<vmem_shared>>
        tpu.enqueue_dma source(%dma_start3A_75 : memref<120x128xf32, #tpu.memory_space<vmem_shared>>) target(%dma_start3A_73 : memref<120x128xf32, #tpu.memory_space<hbm>>) target_semaphore(%run_scoped3A : memref<!tpu.dma_semaphore, #tpu.memory_space<semaphore_mem>>)
        %dma_wait3A = arith.constant 0 : i32
        %dma_wait3A_76 = tpu.memref_slice %arg7[%add3A_50, %dma_wait3A] : memref<10000x128xf32, #tpu.memory_space<hbm>> -> memref<120x128xf32, #tpu.memory_space<hbm>>
        %dma_wait3A_77 = arith.constant 0 : i32
        %dma_wait3A_78 = tpu.memref_slice %arg12[%add3A_48, %dma_wait3A_77] : memref<10000x128xf32, #tpu.memory_space<vmem_shared>> -> memref<120x128xf32, #tpu.memory_space<vmem_shared>>
        tpu.wait_dma2 semaphore(%run_scoped3A : memref<!tpu.dma_semaphore, #tpu.memory_space<semaphore_mem>>) src(%dma_wait3A_78 : memref<120x128xf32, #tpu.memory_space<vmem_shared>>) dst(%dma_wait3A_76 : memref<120x128xf32, #tpu.memory_space<hbm>>)
        tpu.yield
      }) : () -> ()
      %add3A_51 = arith.constant 240 : i32
      %add3A_52 = arith.addi %mul3A_0, %add3A_51 : i32
      %add3A_53 = arith.constant 240 : i32
      %add3A_54 = arith.addi %mul3A_0, %add3A_53 : i32
      "tpu.region"() ({
        %run_scoped3A = tpu.sem_alloc : memref<!tpu.dma_semaphore, #tpu.memory_space<semaphore_mem>>
        %dma_start3A = arith.constant 0 : i32
        %dma_start3A_73 = tpu.memref_slice %arg7[%add3A_54, %dma_start3A] : memref<10000x128xf32, #tpu.memory_space<hbm>> -> memref<120x128xf32, #tpu.memory_space<hbm>>
        %dma_start3A_74 = arith.constant 0 : i32
        %dma_start3A_75 = tpu.memref_slice %arg12[%add3A_52, %dma_start3A_74] : memref<10000x128xf32, #tpu.memory_space<vmem_shared>> -> memref<120x128xf32, #tpu.memory_space<vmem_shared>>
        tpu.enqueue_dma source(%dma_start3A_75 : memref<120x128xf32, #tpu.memory_space<vmem_shared>>) target(%dma_start3A_73 : memref<120x128xf32, #tpu.memory_space<hbm>>) target_semaphore(%run_scoped3A : memref<!tpu.dma_semaphore, #tpu.memory_space<semaphore_mem>>)
        %dma_wait3A = arith.constant 0 : i32
        %dma_wait3A_76 = tpu.memref_slice %arg7[%add3A_54, %dma_wait3A] : memref<10000x128xf32, #tpu.memory_space<hbm>> -> memref<120x128xf32, #tpu.memory_space<hbm>>
        %dma_wait3A_77 = arith.constant 0 : i32
        %dma_wait3A_78 = tpu.memref_slice %arg12[%add3A_52, %dma_wait3A_77] : memref<10000x128xf32, #tpu.memory_space<vmem_shared>> -> memref<120x128xf32, #tpu.memory_space<vmem_shared>>
        tpu.wait_dma2 semaphore(%run_scoped3A : memref<!tpu.dma_semaphore, #tpu.memory_space<semaphore_mem>>) src(%dma_wait3A_78 : memref<120x128xf32, #tpu.memory_space<vmem_shared>>) dst(%dma_wait3A_76 : memref<120x128xf32, #tpu.memory_space<hbm>>)
        tpu.yield
      }) : () -> ()
      %add3A_55 = arith.constant 360 : i32
      %add3A_56 = arith.addi %mul3A_0, %add3A_55 : i32
      %add3A_57 = arith.constant 360 : i32
      %add3A_58 = arith.addi %mul3A_0, %add3A_57 : i32
      "tpu.region"() ({
        %run_scoped3A = tpu.sem_alloc : memref<!tpu.dma_semaphore, #tpu.memory_space<semaphore_mem>>
        %dma_start3A = arith.constant 0 : i32
        %dma_start3A_73 = tpu.memref_slice %arg7[%add3A_58, %dma_start3A] : memref<10000x128xf32, #tpu.memory_space<hbm>> -> memref<120x128xf32, #tpu.memory_space<hbm>>
        %dma_start3A_74 = arith.constant 0 : i32
        %dma_start3A_75 = tpu.memref_slice %arg12[%add3A_56, %dma_start3A_74] : memref<10000x128xf32, #tpu.memory_space<vmem_shared>> -> memref<120x128xf32, #tpu.memory_space<vmem_shared>>
        tpu.enqueue_dma source(%dma_start3A_75 : memref<120x128xf32, #tpu.memory_space<vmem_shared>>) target(%dma_start3A_73 : memref<120x128xf32, #tpu.memory_space<hbm>>) target_semaphore(%run_scoped3A : memref<!tpu.dma_semaphore, #tpu.memory_space<semaphore_mem>>)
        %dma_wait3A = arith.constant 0 : i32
        %dma_wait3A_76 = tpu.memref_slice %arg7[%add3A_58, %dma_wait3A] : memref<10000x128xf32, #tpu.memory_space<hbm>> -> memref<120x128xf32, #tpu.memory_space<hbm>>
        %dma_wait3A_77 = arith.constant 0 : i32
        %dma_wait3A_78 = tpu.memref_slice %arg12[%add3A_56, %dma_wait3A_77] : memref<10000x128xf32, #tpu.memory_space<vmem_shared>> -> memref<120x128xf32, #tpu.memory_space<vmem_shared>>
        tpu.wait_dma2 semaphore(%run_scoped3A : memref<!tpu.dma_semaphore, #tpu.memory_space<semaphore_mem>>) src(%dma_wait3A_78 : memref<120x128xf32, #tpu.memory_space<vmem_shared>>) dst(%dma_wait3A_76 : memref<120x128xf32, #tpu.memory_space<hbm>>)
        tpu.yield
      }) : () -> ()
      %add3A_59 = arith.constant 480 : i32
      %add3A_60 = arith.addi %mul3A_0, %add3A_59 : i32
      %add3A_61 = arith.constant 480 : i32
      %add3A_62 = arith.addi %mul3A_0, %add3A_61 : i32
      "tpu.region"() ({
        %run_scoped3A = tpu.sem_alloc : memref<!tpu.dma_semaphore, #tpu.memory_space<semaphore_mem>>
        %dma_start3A = arith.constant 0 : i32
        %dma_start3A_73 = tpu.memref_slice %arg7[%add3A_62, %dma_start3A] : memref<10000x128xf32, #tpu.memory_space<hbm>> -> memref<120x128xf32, #tpu.memory_space<hbm>>
        %dma_start3A_74 = arith.constant 0 : i32
        %dma_start3A_75 = tpu.memref_slice %arg12[%add3A_60, %dma_start3A_74] : memref<10000x128xf32, #tpu.memory_space<vmem_shared>> -> memref<120x128xf32, #tpu.memory_space<vmem_shared>>
        tpu.enqueue_dma source(%dma_start3A_75 : memref<120x128xf32, #tpu.memory_space<vmem_shared>>) target(%dma_start3A_73 : memref<120x128xf32, #tpu.memory_space<hbm>>) target_semaphore(%run_scoped3A : memref<!tpu.dma_semaphore, #tpu.memory_space<semaphore_mem>>)
        %dma_wait3A = arith.constant 0 : i32
        %dma_wait3A_76 = tpu.memref_slice %arg7[%add3A_62, %dma_wait3A] : memref<10000x128xf32, #tpu.memory_space<hbm>> -> memref<120x128xf32, #tpu.memory_space<hbm>>
        %dma_wait3A_77 = arith.constant 0 : i32
        %dma_wait3A_78 = tpu.memref_slice %arg12[%add3A_60, %dma_wait3A_77] : memref<10000x128xf32, #tpu.memory_space<vmem_shared>> -> memref<120x128xf32, #tpu.memory_space<vmem_shared>>
        tpu.wait_dma2 semaphore(%run_scoped3A : memref<!tpu.dma_semaphore, #tpu.memory_space<semaphore_mem>>) src(%dma_wait3A_78 : memref<120x128xf32, #tpu.memory_space<vmem_shared>>) dst(%dma_wait3A_76 : memref<120x128xf32, #tpu.memory_space<hbm>>)
        tpu.yield
      }) : () -> ()
      %lt3A_63 = arith.constant 15 : i32
      %lt3A_64 = arith.cmpi slt, %arg1, %lt3A_63 : i32
      %convert_element_type3A_65 = arith.extui %lt3A_64 : i1 to i32
      %cond3A_66 = arith.constant 0 : i32
      %cond3A_67 = arith.cmpi ne, %convert_element_type3A_65, %cond3A_66 : i32
      scf.if %cond3A_67 {
        %add3A_73 = arith.constant 600 : i32
        %add3A_74 = arith.addi %mul3A_0, %add3A_73 : i32
        %add3A_75 = arith.constant 600 : i32
        %add3A_76 = arith.addi %mul3A_0, %add3A_75 : i32
        "tpu.region"() ({
          %run_scoped3A = tpu.sem_alloc : memref<!tpu.dma_semaphore, #tpu.memory_space<semaphore_mem>>
          %dma_start3A = arith.constant 0 : i32
          %dma_start3A_77 = tpu.memref_slice %arg7[%add3A_76, %dma_start3A] : memref<10000x128xf32, #tpu.memory_space<hbm>> -> memref<24x128xf32, #tpu.memory_space<hbm>>
          %dma_start3A_78 = arith.constant 0 : i32
          %dma_start3A_79 = tpu.memref_slice %arg12[%add3A_74, %dma_start3A_78] : memref<10000x128xf32, #tpu.memory_space<vmem_shared>> -> memref<24x128xf32, #tpu.memory_space<vmem_shared>>
          tpu.enqueue_dma source(%dma_start3A_79 : memref<24x128xf32, #tpu.memory_space<vmem_shared>>) target(%dma_start3A_77 : memref<24x128xf32, #tpu.memory_space<hbm>>) target_semaphore(%run_scoped3A : memref<!tpu.dma_semaphore, #tpu.memory_space<semaphore_mem>>)
          %dma_wait3A = arith.constant 0 : i32
          %dma_wait3A_80 = tpu.memref_slice %arg7[%add3A_76, %dma_wait3A] : memref<10000x128xf32, #tpu.memory_space<hbm>> -> memref<24x128xf32, #tpu.memory_space<hbm>>
          %dma_wait3A_81 = arith.constant 0 : i32
          %dma_wait3A_82 = tpu.memref_slice %arg12[%add3A_74, %dma_wait3A_81] : memref<10000x128xf32, #tpu.memory_space<vmem_shared>> -> memref<24x128xf32, #tpu.memory_space<vmem_shared>>
          tpu.wait_dma2 semaphore(%run_scoped3A : memref<!tpu.dma_semaphore, #tpu.memory_space<semaphore_mem>>) src(%dma_wait3A_82 : memref<24x128xf32, #tpu.memory_space<vmem_shared>>) dst(%dma_wait3A_80 : memref<24x128xf32, #tpu.memory_space<hbm>>)
          tpu.yield
        }) : () -> ()
      } else {
      }
      %eq3A_68 = arith.constant 15 : i32
      %eq3A_69 = arith.cmpi eq, %arg1, %eq3A_68 : i32
      %convert_element_type3A_70 = arith.extui %eq3A_69 : i1 to i32
      %cond3A_71 = arith.constant 0 : i32
      %cond3A_72 = arith.cmpi ne, %convert_element_type3A_70, %cond3A_71 : i32
      scf.if %cond3A_72 {
        %add3A_73 = arith.constant 600 : i32
        %add3A_74 = arith.addi %mul3A_0, %add3A_73 : i32
        %add3A_75 = arith.constant 600 : i32
        %add3A_76 = arith.addi %mul3A_0, %add3A_75 : i32
        "tpu.region"() ({
          %run_scoped3A = tpu.sem_alloc : memref<!tpu.dma_semaphore, #tpu.memory_space<semaphore_mem>>
          %dma_start3A = arith.constant 0 : i32
          %dma_start3A_77 = tpu.memref_slice %arg7[%add3A_76, %dma_start3A] : memref<10000x128xf32, #tpu.memory_space<hbm>> -> memref<40x128xf32, #tpu.memory_space<hbm>>
          %dma_start3A_78 = arith.constant 0 : i32
          %dma_start3A_79 = tpu.memref_slice %arg12[%add3A_74, %dma_start3A_78] : memref<10000x128xf32, #tpu.memory_space<vmem_shared>> -> memref<40x128xf32, #tpu.memory_space<vmem_shared>>
          tpu.enqueue_dma source(%dma_start3A_79 : memref<40x128xf32, #tpu.memory_space<vmem_shared>>) target(%dma_start3A_77 : memref<40x128xf32, #tpu.memory_space<hbm>>) target_semaphore(%run_scoped3A : memref<!tpu.dma_semaphore, #tpu.memory_space<semaphore_mem>>)
          %dma_wait3A = arith.constant 0 : i32
          %dma_wait3A_80 = tpu.memref_slice %arg7[%add3A_76, %dma_wait3A] : memref<10000x128xf32, #tpu.memory_space<hbm>> -> memref<40x128xf32, #tpu.memory_space<hbm>>
          %dma_wait3A_81 = arith.constant 0 : i32
          %dma_wait3A_82 = tpu.memref_slice %arg12[%add3A_74, %dma_wait3A_81] : memref<10000x128xf32, #tpu.memory_space<vmem_shared>> -> memref<40x128xf32, #tpu.memory_space<vmem_shared>>
          tpu.wait_dma2 semaphore(%run_scoped3A : memref<!tpu.dma_semaphore, #tpu.memory_space<semaphore_mem>>) src(%dma_wait3A_82 : memref<40x128xf32, #tpu.memory_space<vmem_shared>>) dst(%dma_wait3A_80 : memref<40x128xf32, #tpu.memory_space<hbm>>)
          tpu.yield
        }) : () -> ()
      } else {
      }
    } else {
    }
    return
  }
}

#map = affine_map<(d0, d1) -> (0, 0)>
module attributes {stable_mosaic.version = 14 : i64} {
  func.func @_agg_body(%arg0: i32, %arg1: i32, %arg2: memref<2560x125xi32, #tpu.memory_space<hbm>>, %arg3: memref<2560x125xi32, #tpu.memory_space<hbm>>, %arg4: memref<10000x128xf32, #tpu.memory_space<hbm>>, %arg5: memref<10000x128xf32, #tpu.memory_space<hbm>>, %arg6: memref<10000x128xf32, #tpu.memory_space<hbm>>, %arg7: memref<10000x128xf32, #tpu.memory_space<hbm>>, %arg8: memref<32x125xi32, #tpu.memory_space<vmem>>, %arg9: memref<32x125xi32, #tpu.memory_space<vmem>>, %arg10: memref<125x128xf32, #tpu.memory_space<vmem>>, %arg11: memref<125x128xf32, #tpu.memory_space<vmem>>, %arg12: memref<10000x128xf32, #tpu.memory_space<vmem_shared>>, %arg13: memref<!tpu.dma_semaphore, #tpu.memory_space<semaphore_mem>>, %arg14: memref<!tpu.dma_semaphore, #tpu.memory_space<semaphore_mem>>, %arg15: memref<!tpu.dma_semaphore, #tpu.memory_space<semaphore_mem>>, %arg16: memref<!tpu.dma_semaphore, #tpu.memory_space<semaphore_mem>>) attributes {dimension_semantics = [#tpu.dimension_semantics<core_parallel>, #tpu.dimension_semantics<subcore_parallel>], iteration_bounds = array<i64: 2, 16>, scalar_prefetch = 0 : i64, scratch_operands = 9 : i64, tpu.core_type = #tpu.core_type<sc_vector_subcore>, window_params = [{transform_indices = #map}, {transform_indices = #map}, {transform_indices = #map}, {transform_indices = #map}, {transform_indices = #map}, {transform_indices = #map}]} {
    %mul3A = arith.constant 624 : i32
    %mul3A_0 = arith.muli %arg1, %mul3A : i32
    %mul3A_1 = arith.constant 160 : i32
    %mul3A_2 = arith.muli %arg1, %mul3A_1 : i32
    %eq3A = arith.constant 0 : i32
    %eq3A_3 = arith.cmpi eq, %arg0, %eq3A : i32
    %convert_element_type3A = arith.extui %eq3A_3 : i1 to i32
    %cond3A = arith.constant 0 : i32
    %cond3A_4 = arith.cmpi ne, %convert_element_type3A, %cond3A : i32
    scf.if %cond3A_4 {
      %broadcast_in_dim3A = arith.constant 0.000000e+00 : f32
      %broadcast_in_dim3A_10 = vector.broadcast %broadcast_in_dim3A : f32 to vector<16xf32>
      %scan3A = arith.constant 0 : i32
      %scan3A_11 = arith.constant 0 : i32
      %scan3A_12 = arith.constant 1000 : i32
      %scan3A_13 = arith.addi %scan3A_11, %scan3A_12 : i32
      %scan3A_14 = arith.constant 1 : i32
      %scan3A_15 = scf.for %scan3A_73 = %scan3A_11 to %scan3A_13 step %scan3A_14 iter_args(%scan3A_74 = %scan3A) -> (i32)  : i32 {
        %jit3A = arith.constant 8 : i32
        %div3A = arith.divsi %scan3A_73, %jit3A : i32
        %sign3A = arith.constant 0 : i32
        %sign3A_75 = arith.cmpi sgt, %scan3A_73, %sign3A : i32
        %sign3A_76 = arith.extui %sign3A_75 : i1 to i32
        %sign3A_77 = arith.constant 0 : i32
        %sign3A_78 = arith.cmpi slt, %scan3A_73, %sign3A_77 : i32
        %sign3A_79 = arith.extui %sign3A_78 : i1 to i32
        %sign3A_80 = arith.subi %sign3A_76, %sign3A_79 : i32
        %sign3A_81 = arith.constant 0 : i32
        %sign3A_82 = arith.cmpi sgt, %jit3A, %sign3A_81 : i32
        %sign3A_83 = arith.extui %sign3A_82 : i1 to i32
        %sign3A_84 = arith.constant 0 : i32
        %sign3A_85 = arith.cmpi slt, %jit3A, %sign3A_84 : i32
        %sign3A_86 = arith.extui %sign3A_85 : i1 to i32
        %sign3A_87 = arith.subi %sign3A_83, %sign3A_86 : i32
        %ne3A = arith.cmpi ne, %sign3A_80, %sign3A_87 : i32
        %rem3A = arith.remsi %scan3A_73, %jit3A : i32
        %ne3A_88 = arith.constant 0 : i32
        %ne3A_89 = arith.cmpi ne, %rem3A, %ne3A_88 : i32
        %and3A = arith.andi %ne3A, %ne3A_89 : i1
        %sub3A = arith.constant 1 : i32
        %sub3A_90 = arith.subi %div3A, %sub3A : i32
        %select_n3A = arith.select %and3A, %sub3A_90, %div3A : i32
        %jit3A_91 = arith.constant 8 : i32
        %eq3A_92 = arith.constant 0 : i32
        %eq3A_93 = arith.cmpi eq, %jit3A_91, %eq3A_92 : i32
        %jit3A_94 = arith.constant 1 : i32
        %select_n3A_95 = arith.select %eq3A_93, %jit3A_94, %jit3A_91 : i32
        %rem3A_96 = arith.remsi %scan3A_73, %select_n3A_95 : i32
        %ne3A_97 = arith.constant 0 : i32
        %ne3A_98 = arith.cmpi ne, %rem3A_96, %ne3A_97 : i32
        %lt3A_99 = arith.constant 0 : i32
        %lt3A_100 = arith.cmpi slt, %rem3A_96, %lt3A_99 : i32
        %lt3A_101 = arith.constant 0 : i32
        %lt3A_102 = arith.cmpi slt, %select_n3A_95, %lt3A_101 : i32
        %ne3A_103 = arith.xori %lt3A_100, %lt3A_102 : i1
        %and3A_104 = arith.andi %ne3A_103, %ne3A_98 : i1
        %add3A_105 = arith.addi %rem3A_96, %select_n3A_95 : i32
        %select_n3A_106 = arith.select %and3A_104, %add3A_105, %rem3A_96 : i32
        %mul3A_107 = arith.constant 16 : i32
        %mul3A_108 = arith.muli %select_n3A_106, %mul3A_107 : i32
        %swap3A = arith.index_cast %select_n3A : i32 to index
        %swap3A_109 = arith.index_cast %mul3A_108 : i32 to index
        %swap3A_110 = tpu.vector_load %arg10[%swap3A, %swap3A_109] {strides = array<i32>} : memref<125x128xf32, #tpu.memory_space<vmem>>, vector<1x16xf32>,
        %swap3A_111 = vector.shape_cast %swap3A_110 : vector<1x16xf32> to vector<16xf32>
        %swap3A_112 = vector.shape_cast %broadcast_in_dim3A_10 : vector<16xf32> to vector<1x16xf32>
        tpu.vector_store %arg10[%swap3A, %swap3A_109], %swap3A_112 {strides = array<i32>} : memref<125x128xf32, #tpu.memory_space<vmem>>, vector<1x16xf32>,
        %scan3A_113 = arith.constant 0 : i32
        scf.yield %scan3A_113 : i32
      }
      %scan3A_16 = arith.constant 1000 : i32
      %add3A = arith.constant 0 : i32
      %add3A_17 = arith.addi %mul3A_0, %add3A : i32
      "tpu.region"() ({
        %run_scoped3A = tpu.sem_alloc : memref<!tpu.dma_semaphore, #tpu.memory_space<semaphore_mem>>
        %dma_start3A = arith.constant 0 : i32
        %dma_start3A_73 = arith.constant 0 : i32
        %dma_start3A_74 = tpu.memref_slice %arg10[%dma_start3A, %dma_start3A_73] : memref<125x128xf32, #tpu.memory_space<vmem>> -> memref<120x128xf32, #tpu.memory_space<vmem>>
        %dma_start3A_75 = arith.constant 0 : i32
        %dma_start3A_76 = tpu.memref_slice %arg12[%add3A_17, %dma_start3A_75] : memref<10000x128xf32, #tpu.memory_space<vmem_shared>> -> memref<120x128xf32, #tpu.memory_space<vmem_shared>>
        %dma_start3A_77 = arith.constant 0 : i32
        %dma_start3A_78 = tpu.memref_slice %arg12[%add3A_17, %dma_start3A_77] : memref<10000x128xf32, #tpu.memory_space<vmem_shared>> -> memref<120x128xf32, #tpu.memory_space<vmem_shared>>
        %dma_start3A_79 = arith.constant 0 : i32
        %dma_start3A_80 = arith.constant 0 : i32
        %dma_start3A_81 = tpu.memref_slice %arg10[%dma_start3A_79, %dma_start3A_80] : memref<125x128xf32, #tpu.memory_space<vmem>> -> memref<120x128xf32, #tpu.memory_space<vmem>>
        tpu.enqueue_dma source(%dma_start3A_81 : memref<120x128xf32, #tpu.memory_space<vmem>>) target(%dma_start3A_78 : memref<120x128xf32, #tpu.memory_space<vmem_shared>>) target_semaphore(%run_scoped3A : memref<!tpu.dma_semaphore, #tpu.memory_space<semaphore_mem>>)
        %dma_wait3A = arith.constant 0 : i32
        %dma_wait3A_82 = arith.constant 0 : i32
        %dma_wait3A_83 = tpu.memref_slice %arg10[%dma_wait3A, %dma_wait3A_82] : memref<125x128xf32, #tpu.memory_space<vmem>> -> memref<120x128xf32, #tpu.memory_space<vmem>>
        %dma_wait3A_84 = arith.constant 0 : i32
        %dma_wait3A_85 = tpu.memref_slice %arg12[%add3A_17, %dma_wait3A_84] : memref<10000x128xf32, #tpu.memory_space<vmem_shared>> -> memref<120x128xf32, #tpu.memory_space<vmem_shared>>
        %dma_wait3A_86 = arith.constant 0 : i32
        %dma_wait3A_87 = tpu.memref_slice %arg12[%add3A_17, %dma_wait3A_86] : memref<10000x128xf32, #tpu.memory_space<vmem_shared>> -> memref<120x128xf32, #tpu.memory_space<vmem_shared>>
        %dma_wait3A_88 = arith.constant 0 : i32
        %dma_wait3A_89 = arith.constant 0 : i32
        %dma_wait3A_90 = tpu.memref_slice %arg10[%dma_wait3A_88, %dma_wait3A_89] : memref<125x128xf32, #tpu.memory_space<vmem>> -> memref<120x128xf32, #tpu.memory_space<vmem>>
        tpu.wait_dma2 semaphore(%run_scoped3A : memref<!tpu.dma_semaphore, #tpu.memory_space<semaphore_mem>>) src(%dma_wait3A_90 : memref<120x128xf32, #tpu.memory_space<vmem>>) dst(%dma_wait3A_87 : memref<120x128xf32, #tpu.memory_space<vmem_shared>>)
        tpu.yield
      }) : () -> ()
      %add3A_18 = arith.constant 120 : i32
      %add3A_19 = arith.addi %mul3A_0, %add3A_18 : i32
      "tpu.region"() ({
        %run_scoped3A = tpu.sem_alloc : memref<!tpu.dma_semaphore, #tpu.memory_space<semaphore_mem>>
        %dma_start3A = arith.constant 0 : i32
        %dma_start3A_73 = arith.constant 0 : i32
        %dma_start3A_74 = tpu.memref_slice %arg10[%dma_start3A, %dma_start3A_73] : memref<125x128xf32, #tpu.memory_space<vmem>> -> memref<120x128xf32, #tpu.memory_space<vmem>>
        %dma_start3A_75 = arith.constant 0 : i32
        %dma_start3A_76 = tpu.memref_slice %arg12[%add3A_19, %dma_start3A_75] : memref<10000x128xf32, #tpu.memory_space<vmem_shared>> -> memref<120x128xf32, #tpu.memory_space<vmem_shared>>
        %dma_start3A_77 = arith.constant 0 : i32
        %dma_start3A_78 = tpu.memref_slice %arg12[%add3A_19, %dma_start3A_77] : memref<10000x128xf32, #tpu.memory_space<vmem_shared>> -> memref<120x128xf32, #tpu.memory_space<vmem_shared>>
        %dma_start3A_79 = arith.constant 0 : i32
        %dma_start3A_80 = arith.constant 0 : i32
        %dma_start3A_81 = tpu.memref_slice %arg10[%dma_start3A_79, %dma_start3A_80] : memref<125x128xf32, #tpu.memory_space<vmem>> -> memref<120x128xf32, #tpu.memory_space<vmem>>
        tpu.enqueue_dma source(%dma_start3A_81 : memref<120x128xf32, #tpu.memory_space<vmem>>) target(%dma_start3A_78 : memref<120x128xf32, #tpu.memory_space<vmem_shared>>) target_semaphore(%run_scoped3A : memref<!tpu.dma_semaphore, #tpu.memory_space<semaphore_mem>>)
        %dma_wait3A = arith.constant 0 : i32
        %dma_wait3A_82 = arith.constant 0 : i32
        %dma_wait3A_83 = tpu.memref_slice %arg10[%dma_wait3A, %dma_wait3A_82] : memref<125x128xf32, #tpu.memory_space<vmem>> -> memref<120x128xf32, #tpu.memory_space<vmem>>
        %dma_wait3A_84 = arith.constant 0 : i32
        %dma_wait3A_85 = tpu.memref_slice %arg12[%add3A_19, %dma_wait3A_84] : memref<10000x128xf32, #tpu.memory_space<vmem_shared>> -> memref<120x128xf32, #tpu.memory_space<vmem_shared>>
        %dma_wait3A_86 = arith.constant 0 : i32
        %dma_wait3A_87 = tpu.memref_slice %arg12[%add3A_19, %dma_wait3A_86] : memref<10000x128xf32, #tpu.memory_space<vmem_shared>> -> memref<120x128xf32, #tpu.memory_space<vmem_shared>>
        %dma_wait3A_88 = arith.constant 0 : i32
        %dma_wait3A_89 = arith.constant 0 : i32
        %dma_wait3A_90 = tpu.memref_slice %arg10[%dma_wait3A_88, %dma_wait3A_89] : memref<125x128xf32, #tpu.memory_space<vmem>> -> memref<120x128xf32, #tpu.memory_space<vmem>>
        tpu.wait_dma2 semaphore(%run_scoped3A : memref<!tpu.dma_semaphore, #tpu.memory_space<semaphore_mem>>) src(%dma_wait3A_90 : memref<120x128xf32, #tpu.memory_space<vmem>>) dst(%dma_wait3A_87 : memref<120x128xf32, #tpu.memory_space<vmem_shared>>)
        tpu.yield
      }) : () -> ()
      %add3A_20 = arith.constant 240 : i32
      %add3A_21 = arith.addi %mul3A_0, %add3A_20 : i32
      "tpu.region"() ({
        %run_scoped3A = tpu.sem_alloc : memref<!tpu.dma_semaphore, #tpu.memory_space<semaphore_mem>>
        %dma_start3A = arith.constant 0 : i32
        %dma_start3A_73 = arith.constant 0 : i32
        %dma_start3A_74 = tpu.memref_slice %arg10[%dma_start3A, %dma_start3A_73] : memref<125x128xf32, #tpu.memory_space<vmem>> -> memref<120x128xf32, #tpu.memory_space<vmem>>
        %dma_start3A_75 = arith.constant 0 : i32
        %dma_start3A_76 = tpu.memref_slice %arg12[%add3A_21, %dma_start3A_75] : memref<10000x128xf32, #tpu.memory_space<vmem_shared>> -> memref<120x128xf32, #tpu.memory_space<vmem_shared>>
        %dma_start3A_77 = arith.constant 0 : i32
        %dma_start3A_78 = tpu.memref_slice %arg12[%add3A_21, %dma_start3A_77] : memref<10000x128xf32, #tpu.memory_space<vmem_shared>> -> memref<120x128xf32, #tpu.memory_space<vmem_shared>>
        %dma_start3A_79 = arith.constant 0 : i32
        %dma_start3A_80 = arith.constant 0 : i32
        %dma_start3A_81 = tpu.memref_slice %arg10[%dma_start3A_79, %dma_start3A_80] : memref<125x128xf32, #tpu.memory_space<vmem>> -> memref<120x128xf32, #tpu.memory_space<vmem>>
        tpu.enqueue_dma source(%dma_start3A_81 : memref<120x128xf32, #tpu.memory_space<vmem>>) target(%dma_start3A_78 : memref<120x128xf32, #tpu.memory_space<vmem_shared>>) target_semaphore(%run_scoped3A : memref<!tpu.dma_semaphore, #tpu.memory_space<semaphore_mem>>)
        %dma_wait3A = arith.constant 0 : i32
        %dma_wait3A_82 = arith.constant 0 : i32
        %dma_wait3A_83 = tpu.memref_slice %arg10[%dma_wait3A, %dma_wait3A_82] : memref<125x128xf32, #tpu.memory_space<vmem>> -> memref<120x128xf32, #tpu.memory_space<vmem>>
        %dma_wait3A_84 = arith.constant 0 : i32
        %dma_wait3A_85 = tpu.memref_slice %arg12[%add3A_21, %dma_wait3A_84] : memref<10000x128xf32, #tpu.memory_space<vmem_shared>> -> memref<120x128xf32, #tpu.memory_space<vmem_shared>>
        %dma_wait3A_86 = arith.constant 0 : i32
        %dma_wait3A_87 = tpu.memref_slice %arg12[%add3A_21, %dma_wait3A_86] : memref<10000x128xf32, #tpu.memory_space<vmem_shared>> -> memref<120x128xf32, #tpu.memory_space<vmem_shared>>
        %dma_wait3A_88 = arith.constant 0 : i32
        %dma_wait3A_89 = arith.constant 0 : i32
        %dma_wait3A_90 = tpu.memref_slice %arg10[%dma_wait3A_88, %dma_wait3A_89] : memref<125x128xf32, #tpu.memory_space<vmem>> -> memref<120x128xf32, #tpu.memory_space<vmem>>
        tpu.wait_dma2 semaphore(%run_scoped3A : memref<!tpu.dma_semaphore, #tpu.memory_space<semaphore_mem>>) src(%dma_wait3A_90 : memref<120x128xf32, #tpu.memory_space<vmem>>) dst(%dma_wait3A_87 : memref<120x128xf32, #tpu.memory_space<vmem_shared>>)
        tpu.yield
      }) : () -> ()
      %add3A_22 = arith.constant 360 : i32
      %add3A_23 = arith.addi %mul3A_0, %add3A_22 : i32
      "tpu.region"() ({
        %run_scoped3A = tpu.sem_alloc : memref<!tpu.dma_semaphore, #tpu.memory_space<semaphore_mem>>
        %dma_start3A = arith.constant 0 : i32
        %dma_start3A_73 = arith.constant 0 : i32
        %dma_start3A_74 = tpu.memref_slice %arg10[%dma_start3A, %dma_start3A_73] : memref<125x128xf32, #tpu.memory_space<vmem>> -> memref<120x128xf32, #tpu.memory_space<vmem>>
        %dma_start3A_75 = arith.constant 0 : i32
        %dma_start3A_76 = tpu.memref_slice %arg12[%add3A_23, %dma_start3A_75] : memref<10000x128xf32, #tpu.memory_space<vmem_shared>> -> memref<120x128xf32, #tpu.memory_space<vmem_shared>>
        %dma_start3A_77 = arith.constant 0 : i32
        %dma_start3A_78 = tpu.memref_slice %arg12[%add3A_23, %dma_start3A_77] : memref<10000x128xf32, #tpu.memory_space<vmem_shared>> -> memref<120x128xf32, #tpu.memory_space<vmem_shared>>
        %dma_start3A_79 = arith.constant 0 : i32
        %dma_start3A_80 = arith.constant 0 : i32
        %dma_start3A_81 = tpu.memref_slice %arg10[%dma_start3A_79, %dma_start3A_80] : memref<125x128xf32, #tpu.memory_space<vmem>> -> memref<120x128xf32, #tpu.memory_space<vmem>>
        tpu.enqueue_dma source(%dma_start3A_81 : memref<120x128xf32, #tpu.memory_space<vmem>>) target(%dma_start3A_78 : memref<120x128xf32, #tpu.memory_space<vmem_shared>>) target_semaphore(%run_scoped3A : memref<!tpu.dma_semaphore, #tpu.memory_space<semaphore_mem>>)
        %dma_wait3A = arith.constant 0 : i32
        %dma_wait3A_82 = arith.constant 0 : i32
        %dma_wait3A_83 = tpu.memref_slice %arg10[%dma_wait3A, %dma_wait3A_82] : memref<125x128xf32, #tpu.memory_space<vmem>> -> memref<120x128xf32, #tpu.memory_space<vmem>>
        %dma_wait3A_84 = arith.constant 0 : i32
        %dma_wait3A_85 = tpu.memref_slice %arg12[%add3A_23, %dma_wait3A_84] : memref<10000x128xf32, #tpu.memory_space<vmem_shared>> -> memref<120x128xf32, #tpu.memory_space<vmem_shared>>
        %dma_wait3A_86 = arith.constant 0 : i32
        %dma_wait3A_87 = tpu.memref_slice %arg12[%add3A_23, %dma_wait3A_86] : memref<10000x128xf32, #tpu.memory_space<vmem_shared>> -> memref<120x128xf32, #tpu.memory_space<vmem_shared>>
        %dma_wait3A_88 = arith.constant 0 : i32
        %dma_wait3A_89 = arith.constant 0 : i32
        %dma_wait3A_90 = tpu.memref_slice %arg10[%dma_wait3A_88, %dma_wait3A_89] : memref<125x128xf32, #tpu.memory_space<vmem>> -> memref<120x128xf32, #tpu.memory_space<vmem>>
        tpu.wait_dma2 semaphore(%run_scoped3A : memref<!tpu.dma_semaphore, #tpu.memory_space<semaphore_mem>>) src(%dma_wait3A_90 : memref<120x128xf32, #tpu.memory_space<vmem>>) dst(%dma_wait3A_87 : memref<120x128xf32, #tpu.memory_space<vmem_shared>>)
        tpu.yield
      }) : () -> ()
      %add3A_24 = arith.constant 480 : i32
      %add3A_25 = arith.addi %mul3A_0, %add3A_24 : i32
      "tpu.region"() ({
        %run_scoped3A = tpu.sem_alloc : memref<!tpu.dma_semaphore, #tpu.memory_space<semaphore_mem>>
        %dma_start3A = arith.constant 0 : i32
        %dma_start3A_73 = arith.constant 0 : i32
        %dma_start3A_74 = tpu.memref_slice %arg10[%dma_start3A, %dma_start3A_73] : memref<125x128xf32, #tpu.memory_space<vmem>> -> memref<120x128xf32, #tpu.memory_space<vmem>>
        %dma_start3A_75 = arith.constant 0 : i32
        %dma_start3A_76 = tpu.memref_slice %arg12[%add3A_25, %dma_start3A_75] : memref<10000x128xf32, #tpu.memory_space<vmem_shared>> -> memref<120x128xf32, #tpu.memory_space<vmem_shared>>
        %dma_start3A_77 = arith.constant 0 : i32
        %dma_start3A_78 = tpu.memref_slice %arg12[%add3A_25, %dma_start3A_77] : memref<10000x128xf32, #tpu.memory_space<vmem_shared>> -> memref<120x128xf32, #tpu.memory_space<vmem_shared>>
        %dma_start3A_79 = arith.constant 0 : i32
        %dma_start3A_80 = arith.constant 0 : i32
        %dma_start3A_81 = tpu.memref_slice %arg10[%dma_start3A_79, %dma_start3A_80] : memref<125x128xf32, #tpu.memory_space<vmem>> -> memref<120x128xf32, #tpu.memory_space<vmem>>
        tpu.enqueue_dma source(%dma_start3A_81 : memref<120x128xf32, #tpu.memory_space<vmem>>) target(%dma_start3A_78 : memref<120x128xf32, #tpu.memory_space<vmem_shared>>) target_semaphore(%run_scoped3A : memref<!tpu.dma_semaphore, #tpu.memory_space<semaphore_mem>>)
        %dma_wait3A = arith.constant 0 : i32
        %dma_wait3A_82 = arith.constant 0 : i32
        %dma_wait3A_83 = tpu.memref_slice %arg10[%dma_wait3A, %dma_wait3A_82] : memref<125x128xf32, #tpu.memory_space<vmem>> -> memref<120x128xf32, #tpu.memory_space<vmem>>
        %dma_wait3A_84 = arith.constant 0 : i32
        %dma_wait3A_85 = tpu.memref_slice %arg12[%add3A_25, %dma_wait3A_84] : memref<10000x128xf32, #tpu.memory_space<vmem_shared>> -> memref<120x128xf32, #tpu.memory_space<vmem_shared>>
        %dma_wait3A_86 = arith.constant 0 : i32
        %dma_wait3A_87 = tpu.memref_slice %arg12[%add3A_25, %dma_wait3A_86] : memref<10000x128xf32, #tpu.memory_space<vmem_shared>> -> memref<120x128xf32, #tpu.memory_space<vmem_shared>>
        %dma_wait3A_88 = arith.constant 0 : i32
        %dma_wait3A_89 = arith.constant 0 : i32
        %dma_wait3A_90 = tpu.memref_slice %arg10[%dma_wait3A_88, %dma_wait3A_89] : memref<125x128xf32, #tpu.memory_space<vmem>> -> memref<120x128xf32, #tpu.memory_space<vmem>>
        tpu.wait_dma2 semaphore(%run_scoped3A : memref<!tpu.dma_semaphore, #tpu.memory_space<semaphore_mem>>) src(%dma_wait3A_90 : memref<120x128xf32, #tpu.memory_space<vmem>>) dst(%dma_wait3A_87 : memref<120x128xf32, #tpu.memory_space<vmem_shared>>)
        tpu.yield
      }) : () -> ()
      %lt3A = arith.constant 15 : i32
      %lt3A_26 = arith.cmpi slt, %arg1, %lt3A : i32
      %convert_element_type3A_27 = arith.extui %lt3A_26 : i1 to i32
      %cond3A_28 = arith.constant 0 : i32
      %cond3A_29 = arith.cmpi ne, %convert_element_type3A_27, %cond3A_28 : i32
      scf.if %cond3A_29 {
        %add3A_73 = arith.constant 600 : i32
        %add3A_74 = arith.addi %mul3A_0, %add3A_73 : i32
        "tpu.region"() ({
          %run_scoped3A = tpu.sem_alloc : memref<!tpu.dma_semaphore, #tpu.memory_space<semaphore_mem>>
          %dma_start3A = arith.constant 0 : i32
          %dma_start3A_75 = arith.constant 0 : i32
          %dma_start3A_76 = tpu.memref_slice %arg10[%dma_start3A, %dma_start3A_75] : memref<125x128xf32, #tpu.memory_space<vmem>> -> memref<24x128xf32, #tpu.memory_space<vmem>>
          %dma_start3A_77 = arith.constant 0 : i32
          %dma_start3A_78 = tpu.memref_slice %arg12[%add3A_74, %dma_start3A_77] : memref<10000x128xf32, #tpu.memory_space<vmem_shared>> -> memref<24x128xf32, #tpu.memory_space<vmem_shared>>
          %dma_start3A_79 = arith.constant 0 : i32
          %dma_start3A_80 = tpu.memref_slice %arg12[%add3A_74, %dma_start3A_79] : memref<10000x128xf32, #tpu.memory_space<vmem_shared>> -> memref<24x128xf32, #tpu.memory_space<vmem_shared>>
          %dma_start3A_81 = arith.constant 0 : i32
          %dma_start3A_82 = arith.constant 0 : i32
          %dma_start3A_83 = tpu.memref_slice %arg10[%dma_start3A_81, %dma_start3A_82] : memref<125x128xf32, #tpu.memory_space<vmem>> -> memref<24x128xf32, #tpu.memory_space<vmem>>
          tpu.enqueue_dma source(%dma_start3A_83 : memref<24x128xf32, #tpu.memory_space<vmem>>) target(%dma_start3A_80 : memref<24x128xf32, #tpu.memory_space<vmem_shared>>) target_semaphore(%run_scoped3A : memref<!tpu.dma_semaphore, #tpu.memory_space<semaphore_mem>>)
          %dma_wait3A = arith.constant 0 : i32
          %dma_wait3A_84 = arith.constant 0 : i32
          %dma_wait3A_85 = tpu.memref_slice %arg10[%dma_wait3A, %dma_wait3A_84] : memref<125x128xf32, #tpu.memory_space<vmem>> -> memref<24x128xf32, #tpu.memory_space<vmem>>
          %dma_wait3A_86 = arith.constant 0 : i32
          %dma_wait3A_87 = tpu.memref_slice %arg12[%add3A_74, %dma_wait3A_86] : memref<10000x128xf32, #tpu.memory_space<vmem_shared>> -> memref<24x128xf32, #tpu.memory_space<vmem_shared>>
          %dma_wait3A_88 = arith.constant 0 : i32
          %dma_wait3A_89 = tpu.memref_slice %arg12[%add3A_74, %dma_wait3A_88] : memref<10000x128xf32, #tpu.memory_space<vmem_shared>> -> memref<24x128xf32, #tpu.memory_space<vmem_shared>>
          %dma_wait3A_90 = arith.constant 0 : i32
          %dma_wait3A_91 = arith.constant 0 : i32
          %dma_wait3A_92 = tpu.memref_slice %arg10[%dma_wait3A_90, %dma_wait3A_91] : memref<125x128xf32, #tpu.memory_space<vmem>> -> memref<24x128xf32, #tpu.memory_space<vmem>>
          tpu.wait_dma2 semaphore(%run_scoped3A : memref<!tpu.dma_semaphore, #tpu.memory_space<semaphore_mem>>) src(%dma_wait3A_92 : memref<24x128xf32, #tpu.memory_space<vmem>>) dst(%dma_wait3A_89 : memref<24x128xf32, #tpu.memory_space<vmem_shared>>)
          tpu.yield
        }) : () -> ()
      } else {
      }
      %eq3A_30 = arith.constant 15 : i32
      %eq3A_31 = arith.cmpi eq, %arg1, %eq3A_30 : i32
      %convert_element_type3A_32 = arith.extui %eq3A_31 : i1 to i32
      %cond3A_33 = arith.constant 0 : i32
      %cond3A_34 = arith.cmpi ne, %convert_element_type3A_32, %cond3A_33 : i32
      scf.if %cond3A_34 {
        %add3A_73 = arith.constant 600 : i32
        %add3A_74 = arith.addi %mul3A_0, %add3A_73 : i32
        "tpu.region"() ({
          %run_scoped3A = tpu.sem_alloc : memref<!tpu.dma_semaphore, #tpu.memory_space<semaphore_mem>>
          %dma_start3A = arith.constant 0 : i32
          %dma_start3A_75 = arith.constant 0 : i32
          %dma_start3A_76 = tpu.memref_slice %arg10[%dma_start3A, %dma_start3A_75] : memref<125x128xf32, #tpu.memory_space<vmem>> -> memref<40x128xf32, #tpu.memory_space<vmem>>
          %dma_start3A_77 = arith.constant 0 : i32
          %dma_start3A_78 = tpu.memref_slice %arg12[%add3A_74, %dma_start3A_77] : memref<10000x128xf32, #tpu.memory_space<vmem_shared>> -> memref<40x128xf32, #tpu.memory_space<vmem_shared>>
          %dma_start3A_79 = arith.constant 0 : i32
          %dma_start3A_80 = tpu.memref_slice %arg12[%add3A_74, %dma_start3A_79] : memref<10000x128xf32, #tpu.memory_space<vmem_shared>> -> memref<40x128xf32, #tpu.memory_space<vmem_shared>>
          %dma_start3A_81 = arith.constant 0 : i32
          %dma_start3A_82 = arith.constant 0 : i32
          %dma_start3A_83 = tpu.memref_slice %arg10[%dma_start3A_81, %dma_start3A_82] : memref<125x128xf32, #tpu.memory_space<vmem>> -> memref<40x128xf32, #tpu.memory_space<vmem>>
          tpu.enqueue_dma source(%dma_start3A_83 : memref<40x128xf32, #tpu.memory_space<vmem>>) target(%dma_start3A_80 : memref<40x128xf32, #tpu.memory_space<vmem_shared>>) target_semaphore(%run_scoped3A : memref<!tpu.dma_semaphore, #tpu.memory_space<semaphore_mem>>)
          %dma_wait3A = arith.constant 0 : i32
          %dma_wait3A_84 = arith.constant 0 : i32
          %dma_wait3A_85 = tpu.memref_slice %arg10[%dma_wait3A, %dma_wait3A_84] : memref<125x128xf32, #tpu.memory_space<vmem>> -> memref<40x128xf32, #tpu.memory_space<vmem>>
          %dma_wait3A_86 = arith.constant 0 : i32
          %dma_wait3A_87 = tpu.memref_slice %arg12[%add3A_74, %dma_wait3A_86] : memref<10000x128xf32, #tpu.memory_space<vmem_shared>> -> memref<40x128xf32, #tpu.memory_space<vmem_shared>>
          %dma_wait3A_88 = arith.constant 0 : i32
          %dma_wait3A_89 = tpu.memref_slice %arg12[%add3A_74, %dma_wait3A_88] : memref<10000x128xf32, #tpu.memory_space<vmem_shared>> -> memref<40x128xf32, #tpu.memory_space<vmem_shared>>
          %dma_wait3A_90 = arith.constant 0 : i32
          %dma_wait3A_91 = arith.constant 0 : i32
          %dma_wait3A_92 = tpu.memref_slice %arg10[%dma_wait3A_90, %dma_wait3A_91] : memref<125x128xf32, #tpu.memory_space<vmem>> -> memref<40x128xf32, #tpu.memory_space<vmem>>
          tpu.wait_dma2 semaphore(%run_scoped3A : memref<!tpu.dma_semaphore, #tpu.memory_space<semaphore_mem>>) src(%dma_wait3A_92 : memref<40x128xf32, #tpu.memory_space<vmem>>) dst(%dma_wait3A_89 : memref<40x128xf32, #tpu.memory_space<vmem_shared>>)
          tpu.yield
        }) : () -> ()
      } else {
      }
      %barrier3A = arith.constant 0 : index
      tpu.barrier barrier_id(%barrier3A)
      %scan3A_35 = arith.constant 0 : i32
      %scan3A_36 = arith.constant 0 : i32
      %scan3A_37 = arith.constant 5 : i32
      %scan3A_38 = arith.addi %scan3A_36, %scan3A_37 : i32
      %scan3A_39 = arith.constant 1 : i32
      %scan3A_40 = scf.for %scan3A_73 = %scan3A_36 to %scan3A_38 step %scan3A_39 iter_args(%scan3A_74 = %scan3A_35) -> (i32)  : i32 {
        %mul3A_75 = arith.constant 32 : i32
        %mul3A_76 = arith.muli %mul3A_75, %scan3A_73 : i32
        %add3A_77 = arith.addi %mul3A_2, %mul3A_76 : i32
        "tpu.region"() ({
          %run_scoped3A = tpu.sem_alloc : memref<!tpu.dma_semaphore, #tpu.memory_space<semaphore_mem>>
          %dma_start3A_143 = arith.constant 0 : i32
          %dma_start3A_144 = tpu.memref_slice %arg2[%add3A_77, %dma_start3A_143] : memref<2560x125xi32, #tpu.memory_space<hbm>> -> memref<32x125xi32, #tpu.memory_space<hbm>>
          %dma_start3A_145 = arith.constant 0 : i32
          %dma_start3A_146 = tpu.memref_slice %arg2[%add3A_77, %dma_start3A_145] : memref<2560x125xi32, #tpu.memory_space<hbm>> -> memref<32x125xi32, #tpu.memory_space<hbm>>
          tpu.enqueue_dma source(%dma_start3A_146 : memref<32x125xi32, #tpu.memory_space<hbm>>) target(%arg8 : memref<32x125xi32, #tpu.memory_space<vmem>>) target_semaphore(%run_scoped3A : memref<!tpu.dma_semaphore, #tpu.memory_space<semaphore_mem>>)
          %dma_wait3A_147 = arith.constant 0 : i32
          %dma_wait3A_148 = tpu.memref_slice %arg2[%add3A_77, %dma_wait3A_147] : memref<2560x125xi32, #tpu.memory_space<hbm>> -> memref<32x125xi32, #tpu.memory_space<hbm>>
          %dma_wait3A_149 = arith.constant 0 : i32
          %dma_wait3A_150 = tpu.memref_slice %arg2[%add3A_77, %dma_wait3A_149] : memref<2560x125xi32, #tpu.memory_space<hbm>> -> memref<32x125xi32, #tpu.memory_space<hbm>>
          tpu.wait_dma2 semaphore(%run_scoped3A : memref<!tpu.dma_semaphore, #tpu.memory_space<semaphore_mem>>) src(%dma_wait3A_150 : memref<32x125xi32, #tpu.memory_space<hbm>>) dst(%arg8 : memref<32x125xi32, #tpu.memory_space<vmem>>)
          tpu.yield
        }) : () -> ()
        %mul3A_78 = arith.constant 32 : i32
        %mul3A_79 = arith.muli %mul3A_78, %scan3A_73 : i32
        %add3A_80 = arith.addi %mul3A_2, %mul3A_79 : i32
        "tpu.region"() ({
          %run_scoped3A = tpu.sem_alloc : memref<!tpu.dma_semaphore, #tpu.memory_space<semaphore_mem>>
          %dma_start3A_143 = arith.constant 0 : i32
          %dma_start3A_144 = tpu.memref_slice %arg3[%add3A_80, %dma_start3A_143] : memref<2560x125xi32, #tpu.memory_space<hbm>> -> memref<32x125xi32, #tpu.memory_space<hbm>>
          %dma_start3A_145 = arith.constant 0 : i32
          %dma_start3A_146 = tpu.memref_slice %arg3[%add3A_80, %dma_start3A_145] : memref<2560x125xi32, #tpu.memory_space<hbm>> -> memref<32x125xi32, #tpu.memory_space<hbm>>
          tpu.enqueue_dma source(%dma_start3A_146 : memref<32x125xi32, #tpu.memory_space<hbm>>) target(%arg9 : memref<32x125xi32, #tpu.memory_space<vmem>>) target_semaphore(%run_scoped3A : memref<!tpu.dma_semaphore, #tpu.memory_space<semaphore_mem>>)
          %dma_wait3A_147 = arith.constant 0 : i32
          %dma_wait3A_148 = tpu.memref_slice %arg3[%add3A_80, %dma_wait3A_147] : memref<2560x125xi32, #tpu.memory_space<hbm>> -> memref<32x125xi32, #tpu.memory_space<hbm>>
          %dma_wait3A_149 = arith.constant 0 : i32
          %dma_wait3A_150 = tpu.memref_slice %arg3[%add3A_80, %dma_wait3A_149] : memref<2560x125xi32, #tpu.memory_space<hbm>> -> memref<32x125xi32, #tpu.memory_space<hbm>>
          tpu.wait_dma2 semaphore(%run_scoped3A : memref<!tpu.dma_semaphore, #tpu.memory_space<semaphore_mem>>) src(%dma_wait3A_150 : memref<32x125xi32, #tpu.memory_space<hbm>>) dst(%arg9 : memref<32x125xi32, #tpu.memory_space<vmem>>)
          tpu.yield
        }) : () -> ()
        %dma_start3A = arith.constant 0 : i32
        %dma_start3A_81 = arith.constant 0 : i32
        %dma_start3A_82 = tpu.memref_slice %arg8[%dma_start3A, %dma_start3A_81] : memref<32x125xi32, #tpu.memory_space<vmem>> -> memref<1x125xi32, #tpu.memory_space<vmem>>
        %dma_start3A_83 = tpu.memref_squeeze %dma_start3A_82 : memref<1x125xi32, #tpu.memory_space<vmem>> -> memref<125xi32, #tpu.memory_space<vmem>>
        %dma_start3A_84 = arith.constant 0 : i32
        %dma_start3A_85 = arith.constant 0 : i32
        %dma_start3A_86 = tpu.memref_slice %arg4[%dma_start3A_84, %dma_start3A_85] : memref<10000x128xf32, #tpu.memory_space<hbm>> -> memref<10000x128xf32, #tpu.memory_space<hbm>>
        tpu.enqueue_indirect_dma source(%dma_start3A_86 : memref<10000x128xf32, #tpu.memory_space<hbm>>) target(%arg10 : memref<125x128xf32, #tpu.memory_space<vmem>>) offsets(%dma_start3A_83 : memref<125xi32, #tpu.memory_space<vmem>>) semaphore(%arg13 : memref<!tpu.dma_semaphore, #tpu.memory_space<semaphore_mem>>)
        %dma_start3A_87 = arith.constant 1 : i32
        %dma_start3A_88 = arith.constant 0 : i32
        %dma_start3A_89 = tpu.memref_slice %arg8[%dma_start3A_87, %dma_start3A_88] : memref<32x125xi32, #tpu.memory_space<vmem>> -> memref<1x125xi32, #tpu.memory_space<vmem>>
        %dma_start3A_90 = tpu.memref_squeeze %dma_start3A_89 : memref<1x125xi32, #tpu.memory_space<vmem>> -> memref<125xi32, #tpu.memory_space<vmem>>
        %dma_start3A_91 = arith.constant 0 : i32
        %dma_start3A_92 = arith.constant 0 : i32
        %dma_start3A_93 = tpu.memref_slice %arg4[%dma_start3A_91, %dma_start3A_92] : memref<10000x128xf32, #tpu.memory_space<hbm>> -> memref<10000x128xf32, #tpu.memory_space<hbm>>
        tpu.enqueue_indirect_dma source(%dma_start3A_93 : memref<10000x128xf32, #tpu.memory_space<hbm>>) target(%arg11 : memref<125x128xf32, #tpu.memory_space<vmem>>) offsets(%dma_start3A_90 : memref<125xi32, #tpu.memory_space<vmem>>) semaphore(%arg14 : memref<!tpu.dma_semaphore, #tpu.memory_space<semaphore_mem>>)
        %dma_wait3A = arith.constant 0 : i32
        %dma_wait3A_94 = arith.constant 0 : i32
        %dma_wait3A_95 = tpu.memref_slice %arg8[%dma_wait3A, %dma_wait3A_94] : memref<32x125xi32, #tpu.memory_space<vmem>> -> memref<1x125xi32, #tpu.memory_space<vmem>>
        %dma_wait3A_96 = tpu.memref_squeeze %dma_wait3A_95 : memref<1x125xi32, #tpu.memory_space<vmem>> -> memref<125xi32, #tpu.memory_space<vmem>>
        %dma_wait3A_97 = arith.constant 0 : i32
        %dma_wait3A_98 = arith.constant 0 : i32
        %dma_wait3A_99 = tpu.memref_slice %arg4[%dma_wait3A_97, %dma_wait3A_98] : memref<10000x128xf32, #tpu.memory_space<hbm>> -> memref<10000x128xf32, #tpu.memory_space<hbm>>
        tpu.wait_indirect_dma semaphore(%arg13 : memref<!tpu.dma_semaphore, #tpu.memory_space<semaphore_mem>>) src(%dma_wait3A_99 : memref<10000x128xf32, #tpu.memory_space<hbm>>) dst(%arg10 : memref<125x128xf32, #tpu.memory_space<vmem>>)
        %dma_start3A_100 = arith.constant 0 : i32
        %dma_start3A_101 = arith.constant 0 : i32
        %dma_start3A_102 = tpu.memref_slice %arg9[%dma_start3A_100, %dma_start3A_101] : memref<32x125xi32, #tpu.memory_space<vmem>> -> memref<1x125xi32, #tpu.memory_space<vmem>>
        %dma_start3A_103 = tpu.memref_squeeze %dma_start3A_102 : memref<1x125xi32, #tpu.memory_space<vmem>> -> memref<125xi32, #tpu.memory_space<vmem>>
        %dma_start3A_104 = arith.constant 0 : i32
        %dma_start3A_105 = arith.constant 0 : i32
        %dma_start3A_106 = tpu.memref_slice %arg12[%dma_start3A_104, %dma_start3A_105] : memref<10000x128xf32, #tpu.memory_space<vmem_shared>> -> memref<10000x128xf32, #tpu.memory_space<vmem_shared>>
        tpu.enqueue_indirect_dma source(%arg10 : memref<125x128xf32, #tpu.memory_space<vmem>>) target(%dma_start3A_106 : memref<10000x128xf32, #tpu.memory_space<vmem_shared>>) offsets(%dma_start3A_103 : memref<125xi32, #tpu.memory_space<vmem>>) semaphore(%arg15 : memref<!tpu.dma_semaphore, #tpu.memory_space<semaphore_mem>>) {add = true}
        %scan3A_107 = arith.constant 0 : i32
        %scan3A_108 = arith.constant 1 : i32
        %scan3A_109 = arith.constant 15 : i32
        %scan3A_110 = arith.addi %scan3A_108, %scan3A_109 : i32
        %scan3A_111 = arith.constant 1 : i32
        %scan3A_112 = scf.for %scan3A_143 = %scan3A_108 to %scan3A_110 step %scan3A_111 iter_args(%scan3A_144 = %scan3A_107) -> (i32)  : i32 {
          %mul3A_145 = arith.constant 2 : i32
          %mul3A_146 = arith.muli %mul3A_145, %scan3A_143 : i32
          %dma_wait3A_147 = arith.constant 0 : i32
          %dma_wait3A_148 = arith.constant 0 : i32
          %dma_wait3A_149 = tpu.memref_slice %arg9[%dma_wait3A_147, %dma_wait3A_148] : memref<32x125xi32, #tpu.memory_space<vmem>> -> memref<1x125xi32, #tpu.memory_space<vmem>>
          %dma_wait3A_150 = tpu.memref_squeeze %dma_wait3A_149 : memref<1x125xi32, #tpu.memory_space<vmem>> -> memref<125xi32, #tpu.memory_space<vmem>>
          %dma_wait3A_151 = arith.constant 0 : i32
          %dma_wait3A_152 = arith.constant 0 : i32
          %dma_wait3A_153 = tpu.memref_slice %arg12[%dma_wait3A_151, %dma_wait3A_152] : memref<10000x128xf32, #tpu.memory_space<vmem_shared>> -> memref<10000x128xf32, #tpu.memory_space<vmem_shared>>
          tpu.wait_indirect_dma semaphore(%arg15 : memref<!tpu.dma_semaphore, #tpu.memory_space<semaphore_mem>>) src(%arg10 : memref<125x128xf32, #tpu.memory_space<vmem>>) dst(%dma_wait3A_153 : memref<10000x128xf32, #tpu.memory_space<vmem_shared>>)
          %dma_start3A_154 = arith.constant 0 : i32
          %dma_start3A_155 = tpu.memref_slice %arg8[%mul3A_146, %dma_start3A_154] : memref<32x125xi32, #tpu.memory_space<vmem>> -> memref<1x125xi32, #tpu.memory_space<vmem>>
          %dma_start3A_156 = tpu.memref_squeeze %dma_start3A_155 : memref<1x125xi32, #tpu.memory_space<vmem>> -> memref<125xi32, #tpu.memory_space<vmem>>
          %dma_start3A_157 = arith.constant 0 : i32
          %dma_start3A_158 = arith.constant 0 : i32
          %dma_start3A_159 = tpu.memref_slice %arg4[%dma_start3A_157, %dma_start3A_158] : memref<10000x128xf32, #tpu.memory_space<hbm>> -> memref<10000x128xf32, #tpu.memory_space<hbm>>
          tpu.enqueue_indirect_dma source(%dma_start3A_159 : memref<10000x128xf32, #tpu.memory_space<hbm>>) target(%arg10 : memref<125x128xf32, #tpu.memory_space<vmem>>) offsets(%dma_start3A_156 : memref<125xi32, #tpu.memory_space<vmem>>) semaphore(%arg13 : memref<!tpu.dma_semaphore, #tpu.memory_space<semaphore_mem>>)
          %dma_wait3A_160 = arith.constant 0 : i32
          %dma_wait3A_161 = arith.constant 0 : i32
          %dma_wait3A_162 = tpu.memref_slice %arg8[%dma_wait3A_160, %dma_wait3A_161] : memref<32x125xi32, #tpu.memory_space<vmem>> -> memref<1x125xi32, #tpu.memory_space<vmem>>
          %dma_wait3A_163 = tpu.memref_squeeze %dma_wait3A_162 : memref<1x125xi32, #tpu.memory_space<vmem>> -> memref<125xi32, #tpu.memory_space<vmem>>
          %dma_wait3A_164 = arith.constant 0 : i32
          %dma_wait3A_165 = arith.constant 0 : i32
          %dma_wait3A_166 = tpu.memref_slice %arg4[%dma_wait3A_164, %dma_wait3A_165] : memref<10000x128xf32, #tpu.memory_space<hbm>> -> memref<10000x128xf32, #tpu.memory_space<hbm>>
          tpu.wait_indirect_dma semaphore(%arg14 : memref<!tpu.dma_semaphore, #tpu.memory_space<semaphore_mem>>) src(%dma_wait3A_166 : memref<10000x128xf32, #tpu.memory_space<hbm>>) dst(%arg11 : memref<125x128xf32, #tpu.memory_space<vmem>>)
          %sub3A = arith.constant 1 : i32
          %sub3A_167 = arith.subi %mul3A_146, %sub3A : i32
          %dma_start3A_168 = arith.constant 0 : i32
          %dma_start3A_169 = tpu.memref_slice %arg9[%sub3A_167, %dma_start3A_168] : memref<32x125xi32, #tpu.memory_space<vmem>> -> memref<1x125xi32, #tpu.memory_space<vmem>>
          %dma_start3A_170 = tpu.memref_squeeze %dma_start3A_169 : memref<1x125xi32, #tpu.memory_space<vmem>> -> memref<125xi32, #tpu.memory_space<vmem>>
          %dma_start3A_171 = arith.constant 0 : i32
          %dma_start3A_172 = arith.constant 0 : i32
          %dma_start3A_173 = tpu.memref_slice %arg12[%dma_start3A_171, %dma_start3A_172] : memref<10000x128xf32, #tpu.memory_space<vmem_shared>> -> memref<10000x128xf32, #tpu.memory_space<vmem_shared>>
          tpu.enqueue_indirect_dma source(%arg11 : memref<125x128xf32, #tpu.memory_space<vmem>>) target(%dma_start3A_173 : memref<10000x128xf32, #tpu.memory_space<vmem_shared>>) offsets(%dma_start3A_170 : memref<125xi32, #tpu.memory_space<vmem>>) semaphore(%arg16 : memref<!tpu.dma_semaphore, #tpu.memory_space<semaphore_mem>>) {add = true}
          %dma_wait3A_174 = arith.constant 0 : i32
          %dma_wait3A_175 = arith.constant 0 : i32
          %dma_wait3A_176 = tpu.memref_slice %arg9[%dma_wait3A_174, %dma_wait3A_175] : memref<32x125xi32, #tpu.memory_space<vmem>> -> memref<1x125xi32, #tpu.memory_space<vmem>>
          %dma_wait3A_177 = tpu.memref_squeeze %dma_wait3A_176 : memref<1x125xi32, #tpu.memory_space<vmem>> -> memref<125xi32, #tpu.memory_space<vmem>>
          %dma_wait3A_178 = arith.constant 0 : i32
          %dma_wait3A_179 = arith.constant 0 : i32
          %dma_wait3A_180 = tpu.memref_slice %arg12[%dma_wait3A_178, %dma_wait3A_179] : memref<10000x128xf32, #tpu.memory_space<vmem_shared>> -> memref<10000x128xf32, #tpu.memory_space<vmem_shared>>
          tpu.wait_indirect_dma semaphore(%arg16 : memref<!tpu.dma_semaphore, #tpu.memory_space<semaphore_mem>>) src(%arg11 : memref<125x128xf32, #tpu.memory_space<vmem>>) dst(%dma_wait3A_180 : memref<10000x128xf32, #tpu.memory_space<vmem_shared>>)
          %add3A_181 = arith.constant 1 : i32
          %add3A_182 = arith.addi %mul3A_146, %add3A_181 : i32
          %dma_start3A_183 = arith.constant 0 : i32
          %dma_start3A_184 = tpu.memref_slice %arg8[%add3A_182, %dma_start3A_183] : memref<32x125xi32, #tpu.memory_space<vmem>> -> memref<1x125xi32, #tpu.memory_space<vmem>>
          %dma_start3A_185 = tpu.memref_squeeze %dma_start3A_184 : memref<1x125xi32, #tpu.memory_space<vmem>> -> memref<125xi32, #tpu.memory_space<vmem>>
          %dma_start3A_186 = arith.constant 0 : i32
          %dma_start3A_187 = arith.constant 0 : i32
          %dma_start3A_188 = tpu.memref_slice %arg4[%dma_start3A_186, %dma_start3A_187] : memref<10000x128xf32, #tpu.memory_space<hbm>> -> memref<10000x128xf32, #tpu.memory_space<hbm>>
          tpu.enqueue_indirect_dma source(%dma_start3A_188 : memref<10000x128xf32, #tpu.memory_space<hbm>>) target(%arg11 : memref<125x128xf32, #tpu.memory_space<vmem>>) offsets(%dma_start3A_185 : memref<125xi32, #tpu.memory_space<vmem>>) semaphore(%arg14 : memref<!tpu.dma_semaphore, #tpu.memory_space<semaphore_mem>>)
          %dma_wait3A_189 = arith.constant 0 : i32
          %dma_wait3A_190 = arith.constant 0 : i32
          %dma_wait3A_191 = tpu.memref_slice %arg8[%dma_wait3A_189, %dma_wait3A_190] : memref<32x125xi32, #tpu.memory_space<vmem>> -> memref<1x125xi32, #tpu.memory_space<vmem>>
          %dma_wait3A_192 = tpu.memref_squeeze %dma_wait3A_191 : memref<1x125xi32, #tpu.memory_space<vmem>> -> memref<125xi32, #tpu.memory_space<vmem>>
          %dma_wait3A_193 = arith.constant 0 : i32
          %dma_wait3A_194 = arith.constant 0 : i32
          %dma_wait3A_195 = tpu.memref_slice %arg4[%dma_wait3A_193, %dma_wait3A_194] : memref<10000x128xf32, #tpu.memory_space<hbm>> -> memref<10000x128xf32, #tpu.memory_space<hbm>>
          tpu.wait_indirect_dma semaphore(%arg13 : memref<!tpu.dma_semaphore, #tpu.memory_space<semaphore_mem>>) src(%dma_wait3A_195 : memref<10000x128xf32, #tpu.memory_space<hbm>>) dst(%arg10 : memref<125x128xf32, #tpu.memory_space<vmem>>)
          %dma_start3A_196 = arith.constant 0 : i32
          %dma_start3A_197 = tpu.memref_slice %arg9[%mul3A_146, %dma_start3A_196] : memref<32x125xi32, #tpu.memory_space<vmem>> -> memref<1x125xi32, #tpu.memory_space<vmem>>
          %dma_start3A_198 = tpu.memref_squeeze %dma_start3A_197 : memref<1x125xi32, #tpu.memory_space<vmem>> -> memref<125xi32, #tpu.memory_space<vmem>>
          %dma_start3A_199 = arith.constant 0 : i32
          %dma_start3A_200 = arith.constant 0 : i32
          %dma_start3A_201 = tpu.memref_slice %arg12[%dma_start3A_199, %dma_start3A_200] : memref<10000x128xf32, #tpu.memory_space<vmem_shared>> -> memref<10000x128xf32, #tpu.memory_space<vmem_shared>>
          tpu.enqueue_indirect_dma source(%arg10 : memref<125x128xf32, #tpu.memory_space<vmem>>) target(%dma_start3A_201 : memref<10000x128xf32, #tpu.memory_space<vmem_shared>>) offsets(%dma_start3A_198 : memref<125xi32, #tpu.memory_space<vmem>>) semaphore(%arg15 : memref<!tpu.dma_semaphore, #tpu.memory_space<semaphore_mem>>) {add = true}
          %scan3A_202 = arith.constant 0 : i32
          scf.yield %scan3A_202 : i32
        }
        %scan3A_113 = arith.constant 15 : i32
        %dma_wait3A_114 = arith.constant 0 : i32
        %dma_wait3A_115 = arith.constant 0 : i32
        %dma_wait3A_116 = tpu.memref_slice %arg8[%dma_wait3A_114, %dma_wait3A_115] : memref<32x125xi32, #tpu.memory_space<vmem>> -> memref<1x125xi32, #tpu.memory_space<vmem>>
        %dma_wait3A_117 = tpu.memref_squeeze %dma_wait3A_116 : memref<1x125xi32, #tpu.memory_space<vmem>> -> memref<125xi32, #tpu.memory_space<vmem>>
        %dma_wait3A_118 = arith.constant 0 : i32
        %dma_wait3A_119 = arith.constant 0 : i32
        %dma_wait3A_120 = tpu.memref_slice %arg4[%dma_wait3A_118, %dma_wait3A_119] : memref<10000x128xf32, #tpu.memory_space<hbm>> -> memref<10000x128xf32, #tpu.memory_space<hbm>>
        tpu.wait_indirect_dma semaphore(%arg14 : memref<!tpu.dma_semaphore, #tpu.memory_space<semaphore_mem>>) src(%dma_wait3A_120 : memref<10000x128xf32, #tpu.memory_space<hbm>>) dst(%arg11 : memref<125x128xf32, #tpu.memory_space<vmem>>)
        %dma_start3A_121 = arith.constant 31 : i32
        %dma_start3A_122 = arith.constant 0 : i32
        %dma_start3A_123 = tpu.memref_slice %arg9[%dma_start3A_121, %dma_start3A_122] : memref<32x125xi32, #tpu.memory_space<vmem>> -> memref<1x125xi32, #tpu.memory_space<vmem>>
        %dma_start3A_124 = tpu.memref_squeeze %dma_start3A_123 : memref<1x125xi32, #tpu.memory_space<vmem>> -> memref<125xi32, #tpu.memory_space<vmem>>
        %dma_start3A_125 = arith.constant 0 : i32
        %dma_start3A_126 = arith.constant 0 : i32
        %dma_start3A_127 = tpu.memref_slice %arg12[%dma_start3A_125, %dma_start3A_126] : memref<10000x128xf32, #tpu.memory_space<vmem_shared>> -> memref<10000x128xf32, #tpu.memory_space<vmem_shared>>
        tpu.enqueue_indirect_dma source(%arg11 : memref<125x128xf32, #tpu.memory_space<vmem>>) target(%dma_start3A_127 : memref<10000x128xf32, #tpu.memory_space<vmem_shared>>) offsets(%dma_start3A_124 : memref<125xi32, #tpu.memory_space<vmem>>) semaphore(%arg16 : memref<!tpu.dma_semaphore, #tpu.memory_space<semaphore_mem>>) {add = true}
        %dma_wait3A_128 = arith.constant 0 : i32
        %dma_wait3A_129 = arith.constant 0 : i32
        %dma_wait3A_130 = tpu.memref_slice %arg9[%dma_wait3A_128, %dma_wait3A_129] : memref<32x125xi32, #tpu.memory_space<vmem>> -> memref<1x125xi32, #tpu.memory_space<vmem>>
        %dma_wait3A_131 = tpu.memref_squeeze %dma_wait3A_130 : memref<1x125xi32, #tpu.memory_space<vmem>> -> memref<125xi32, #tpu.memory_space<vmem>>
        %dma_wait3A_132 = arith.constant 0 : i32
        %dma_wait3A_133 = arith.constant 0 : i32
        %dma_wait3A_134 = tpu.memref_slice %arg12[%dma_wait3A_132, %dma_wait3A_133] : memref<10000x128xf32, #tpu.memory_space<vmem_shared>> -> memref<10000x128xf32, #tpu.memory_space<vmem_shared>>
        tpu.wait_indirect_dma semaphore(%arg15 : memref<!tpu.dma_semaphore, #tpu.memory_space<semaphore_mem>>) src(%arg10 : memref<125x128xf32, #tpu.memory_space<vmem>>) dst(%dma_wait3A_134 : memref<10000x128xf32, #tpu.memory_space<vmem_shared>>)
        %dma_wait3A_135 = arith.constant 0 : i32
        %dma_wait3A_136 = arith.constant 0 : i32
        %dma_wait3A_137 = tpu.memref_slice %arg9[%dma_wait3A_135, %dma_wait3A_136] : memref<32x125xi32, #tpu.memory_space<vmem>> -> memref<1x125xi32, #tpu.memory_space<vmem>>
        %dma_wait3A_138 = tpu.memref_squeeze %dma_wait3A_137 : memref<1x125xi32, #tpu.memory_space<vmem>> -> memref<125xi32, #tpu.memory_space<vmem>>
        %dma_wait3A_139 = arith.constant 0 : i32
        %dma_wait3A_140 = arith.constant 0 : i32
        %dma_wait3A_141 = tpu.memref_slice %arg12[%dma_wait3A_139, %dma_wait3A_140] : memref<10000x128xf32, #tpu.memory_space<vmem_shared>> -> memref<10000x128xf32, #tpu.memory_space<vmem_shared>>
        tpu.wait_indirect_dma semaphore(%arg16 : memref<!tpu.dma_semaphore, #tpu.memory_space<semaphore_mem>>) src(%arg11 : memref<125x128xf32, #tpu.memory_space<vmem>>) dst(%dma_wait3A_141 : memref<10000x128xf32, #tpu.memory_space<vmem_shared>>)
        %scan3A_142 = arith.constant 0 : i32
        scf.yield %scan3A_142 : i32
      }
      %scan3A_41 = arith.constant 5 : i32
      %barrier3A_42 = arith.constant 0 : index
      tpu.barrier barrier_id(%barrier3A_42)
      %add3A_43 = arith.constant 0 : i32
      %add3A_44 = arith.addi %mul3A_0, %add3A_43 : i32
      %add3A_45 = arith.constant 0 : i32
      %add3A_46 = arith.addi %mul3A_0, %add3A_45 : i32
      "tpu.region"() ({
        %run_scoped3A = tpu.sem_alloc : memref<!tpu.dma_semaphore, #tpu.memory_space<semaphore_mem>>
        %dma_start3A = arith.constant 0 : i32
        %dma_start3A_73 = tpu.memref_slice %arg6[%add3A_46, %dma_start3A] : memref<10000x128xf32, #tpu.memory_space<hbm>> -> memref<120x128xf32, #tpu.memory_space<hbm>>
        %dma_start3A_74 = arith.constant 0 : i32
        %dma_start3A_75 = tpu.memref_slice %arg12[%add3A_44, %dma_start3A_74] : memref<10000x128xf32, #tpu.memory_space<vmem_shared>> -> memref<120x128xf32, #tpu.memory_space<vmem_shared>>
        tpu.enqueue_dma source(%dma_start3A_75 : memref<120x128xf32, #tpu.memory_space<vmem_shared>>) target(%dma_start3A_73 : memref<120x128xf32, #tpu.memory_space<hbm>>) target_semaphore(%run_scoped3A : memref<!tpu.dma_semaphore, #tpu.memory_space<semaphore_mem>>)
        %dma_wait3A = arith.constant 0 : i32
        %dma_wait3A_76 = tpu.memref_slice %arg6[%add3A_46, %dma_wait3A] : memref<10000x128xf32, #tpu.memory_space<hbm>> -> memref<120x128xf32, #tpu.memory_space<hbm>>
        %dma_wait3A_77 = arith.constant 0 : i32
        %dma_wait3A_78 = tpu.memref_slice %arg12[%add3A_44, %dma_wait3A_77] : memref<10000x128xf32, #tpu.memory_space<vmem_shared>> -> memref<120x128xf32, #tpu.memory_space<vmem_shared>>
        tpu.wait_dma2 semaphore(%run_scoped3A : memref<!tpu.dma_semaphore, #tpu.memory_space<semaphore_mem>>) src(%dma_wait3A_78 : memref<120x128xf32, #tpu.memory_space<vmem_shared>>) dst(%dma_wait3A_76 : memref<120x128xf32, #tpu.memory_space<hbm>>)
        tpu.yield
      }) : () -> ()
      %add3A_47 = arith.constant 120 : i32
      %add3A_48 = arith.addi %mul3A_0, %add3A_47 : i32
      %add3A_49 = arith.constant 120 : i32
      %add3A_50 = arith.addi %mul3A_0, %add3A_49 : i32
      "tpu.region"() ({
        %run_scoped3A = tpu.sem_alloc : memref<!tpu.dma_semaphore, #tpu.memory_space<semaphore_mem>>
        %dma_start3A = arith.constant 0 : i32
        %dma_start3A_73 = tpu.memref_slice %arg6[%add3A_50, %dma_start3A] : memref<10000x128xf32, #tpu.memory_space<hbm>> -> memref<120x128xf32, #tpu.memory_space<hbm>>
        %dma_start3A_74 = arith.constant 0 : i32
        %dma_start3A_75 = tpu.memref_slice %arg12[%add3A_48, %dma_start3A_74] : memref<10000x128xf32, #tpu.memory_space<vmem_shared>> -> memref<120x128xf32, #tpu.memory_space<vmem_shared>>
        tpu.enqueue_dma source(%dma_start3A_75 : memref<120x128xf32, #tpu.memory_space<vmem_shared>>) target(%dma_start3A_73 : memref<120x128xf32, #tpu.memory_space<hbm>>) target_semaphore(%run_scoped3A : memref<!tpu.dma_semaphore, #tpu.memory_space<semaphore_mem>>)
        %dma_wait3A = arith.constant 0 : i32
        %dma_wait3A_76 = tpu.memref_slice %arg6[%add3A_50, %dma_wait3A] : memref<10000x128xf32, #tpu.memory_space<hbm>> -> memref<120x128xf32, #tpu.memory_space<hbm>>
        %dma_wait3A_77 = arith.constant 0 : i32
        %dma_wait3A_78 = tpu.memref_slice %arg12[%add3A_48, %dma_wait3A_77] : memref<10000x128xf32, #tpu.memory_space<vmem_shared>> -> memref<120x128xf32, #tpu.memory_space<vmem_shared>>
        tpu.wait_dma2 semaphore(%run_scoped3A : memref<!tpu.dma_semaphore, #tpu.memory_space<semaphore_mem>>) src(%dma_wait3A_78 : memref<120x128xf32, #tpu.memory_space<vmem_shared>>) dst(%dma_wait3A_76 : memref<120x128xf32, #tpu.memory_space<hbm>>)
        tpu.yield
      }) : () -> ()
      %add3A_51 = arith.constant 240 : i32
      %add3A_52 = arith.addi %mul3A_0, %add3A_51 : i32
      %add3A_53 = arith.constant 240 : i32
      %add3A_54 = arith.addi %mul3A_0, %add3A_53 : i32
      "tpu.region"() ({
        %run_scoped3A = tpu.sem_alloc : memref<!tpu.dma_semaphore, #tpu.memory_space<semaphore_mem>>
        %dma_start3A = arith.constant 0 : i32
        %dma_start3A_73 = tpu.memref_slice %arg6[%add3A_54, %dma_start3A] : memref<10000x128xf32, #tpu.memory_space<hbm>> -> memref<120x128xf32, #tpu.memory_space<hbm>>
        %dma_start3A_74 = arith.constant 0 : i32
        %dma_start3A_75 = tpu.memref_slice %arg12[%add3A_52, %dma_start3A_74] : memref<10000x128xf32, #tpu.memory_space<vmem_shared>> -> memref<120x128xf32, #tpu.memory_space<vmem_shared>>
        tpu.enqueue_dma source(%dma_start3A_75 : memref<120x128xf32, #tpu.memory_space<vmem_shared>>) target(%dma_start3A_73 : memref<120x128xf32, #tpu.memory_space<hbm>>) target_semaphore(%run_scoped3A : memref<!tpu.dma_semaphore, #tpu.memory_space<semaphore_mem>>)
        %dma_wait3A = arith.constant 0 : i32
        %dma_wait3A_76 = tpu.memref_slice %arg6[%add3A_54, %dma_wait3A] : memref<10000x128xf32, #tpu.memory_space<hbm>> -> memref<120x128xf32, #tpu.memory_space<hbm>>
        %dma_wait3A_77 = arith.constant 0 : i32
        %dma_wait3A_78 = tpu.memref_slice %arg12[%add3A_52, %dma_wait3A_77] : memref<10000x128xf32, #tpu.memory_space<vmem_shared>> -> memref<120x128xf32, #tpu.memory_space<vmem_shared>>
        tpu.wait_dma2 semaphore(%run_scoped3A : memref<!tpu.dma_semaphore, #tpu.memory_space<semaphore_mem>>) src(%dma_wait3A_78 : memref<120x128xf32, #tpu.memory_space<vmem_shared>>) dst(%dma_wait3A_76 : memref<120x128xf32, #tpu.memory_space<hbm>>)
        tpu.yield
      }) : () -> ()
      %add3A_55 = arith.constant 360 : i32
      %add3A_56 = arith.addi %mul3A_0, %add3A_55 : i32
      %add3A_57 = arith.constant 360 : i32
      %add3A_58 = arith.addi %mul3A_0, %add3A_57 : i32
      "tpu.region"() ({
        %run_scoped3A = tpu.sem_alloc : memref<!tpu.dma_semaphore, #tpu.memory_space<semaphore_mem>>
        %dma_start3A = arith.constant 0 : i32
        %dma_start3A_73 = tpu.memref_slice %arg6[%add3A_58, %dma_start3A] : memref<10000x128xf32, #tpu.memory_space<hbm>> -> memref<120x128xf32, #tpu.memory_space<hbm>>
        %dma_start3A_74 = arith.constant 0 : i32
        %dma_start3A_75 = tpu.memref_slice %arg12[%add3A_56, %dma_start3A_74] : memref<10000x128xf32, #tpu.memory_space<vmem_shared>> -> memref<120x128xf32, #tpu.memory_space<vmem_shared>>
        tpu.enqueue_dma source(%dma_start3A_75 : memref<120x128xf32, #tpu.memory_space<vmem_shared>>) target(%dma_start3A_73 : memref<120x128xf32, #tpu.memory_space<hbm>>) target_semaphore(%run_scoped3A : memref<!tpu.dma_semaphore, #tpu.memory_space<semaphore_mem>>)
        %dma_wait3A = arith.constant 0 : i32
        %dma_wait3A_76 = tpu.memref_slice %arg6[%add3A_58, %dma_wait3A] : memref<10000x128xf32, #tpu.memory_space<hbm>> -> memref<120x128xf32, #tpu.memory_space<hbm>>
        %dma_wait3A_77 = arith.constant 0 : i32
        %dma_wait3A_78 = tpu.memref_slice %arg12[%add3A_56, %dma_wait3A_77] : memref<10000x128xf32, #tpu.memory_space<vmem_shared>> -> memref<120x128xf32, #tpu.memory_space<vmem_shared>>
        tpu.wait_dma2 semaphore(%run_scoped3A : memref<!tpu.dma_semaphore, #tpu.memory_space<semaphore_mem>>) src(%dma_wait3A_78 : memref<120x128xf32, #tpu.memory_space<vmem_shared>>) dst(%dma_wait3A_76 : memref<120x128xf32, #tpu.memory_space<hbm>>)
        tpu.yield
      }) : () -> ()
      %add3A_59 = arith.constant 480 : i32
      %add3A_60 = arith.addi %mul3A_0, %add3A_59 : i32
      %add3A_61 = arith.constant 480 : i32
      %add3A_62 = arith.addi %mul3A_0, %add3A_61 : i32
      "tpu.region"() ({
        %run_scoped3A = tpu.sem_alloc : memref<!tpu.dma_semaphore, #tpu.memory_space<semaphore_mem>>
        %dma_start3A = arith.constant 0 : i32
        %dma_start3A_73 = tpu.memref_slice %arg6[%add3A_62, %dma_start3A] : memref<10000x128xf32, #tpu.memory_space<hbm>> -> memref<120x128xf32, #tpu.memory_space<hbm>>
        %dma_start3A_74 = arith.constant 0 : i32
        %dma_start3A_75 = tpu.memref_slice %arg12[%add3A_60, %dma_start3A_74] : memref<10000x128xf32, #tpu.memory_space<vmem_shared>> -> memref<120x128xf32, #tpu.memory_space<vmem_shared>>
        tpu.enqueue_dma source(%dma_start3A_75 : memref<120x128xf32, #tpu.memory_space<vmem_shared>>) target(%dma_start3A_73 : memref<120x128xf32, #tpu.memory_space<hbm>>) target_semaphore(%run_scoped3A : memref<!tpu.dma_semaphore, #tpu.memory_space<semaphore_mem>>)
        %dma_wait3A = arith.constant 0 : i32
        %dma_wait3A_76 = tpu.memref_slice %arg6[%add3A_62, %dma_wait3A] : memref<10000x128xf32, #tpu.memory_space<hbm>> -> memref<120x128xf32, #tpu.memory_space<hbm>>
        %dma_wait3A_77 = arith.constant 0 : i32
        %dma_wait3A_78 = tpu.memref_slice %arg12[%add3A_60, %dma_wait3A_77] : memref<10000x128xf32, #tpu.memory_space<vmem_shared>> -> memref<120x128xf32, #tpu.memory_space<vmem_shared>>
        tpu.wait_dma2 semaphore(%run_scoped3A : memref<!tpu.dma_semaphore, #tpu.memory_space<semaphore_mem>>) src(%dma_wait3A_78 : memref<120x128xf32, #tpu.memory_space<vmem_shared>>) dst(%dma_wait3A_76 : memref<120x128xf32, #tpu.memory_space<hbm>>)
        tpu.yield
      }) : () -> ()
      %lt3A_63 = arith.constant 15 : i32
      %lt3A_64 = arith.cmpi slt, %arg1, %lt3A_63 : i32
      %convert_element_type3A_65 = arith.extui %lt3A_64 : i1 to i32
      %cond3A_66 = arith.constant 0 : i32
      %cond3A_67 = arith.cmpi ne, %convert_element_type3A_65, %cond3A_66 : i32
      scf.if %cond3A_67 {
        %add3A_73 = arith.constant 600 : i32
        %add3A_74 = arith.addi %mul3A_0, %add3A_73 : i32
        %add3A_75 = arith.constant 600 : i32
        %add3A_76 = arith.addi %mul3A_0, %add3A_75 : i32
        "tpu.region"() ({
          %run_scoped3A = tpu.sem_alloc : memref<!tpu.dma_semaphore, #tpu.memory_space<semaphore_mem>>
          %dma_start3A = arith.constant 0 : i32
          %dma_start3A_77 = tpu.memref_slice %arg6[%add3A_76, %dma_start3A] : memref<10000x128xf32, #tpu.memory_space<hbm>> -> memref<24x128xf32, #tpu.memory_space<hbm>>
          %dma_start3A_78 = arith.constant 0 : i32
          %dma_start3A_79 = tpu.memref_slice %arg12[%add3A_74, %dma_start3A_78] : memref<10000x128xf32, #tpu.memory_space<vmem_shared>> -> memref<24x128xf32, #tpu.memory_space<vmem_shared>>
          tpu.enqueue_dma source(%dma_start3A_79 : memref<24x128xf32, #tpu.memory_space<vmem_shared>>) target(%dma_start3A_77 : memref<24x128xf32, #tpu.memory_space<hbm>>) target_semaphore(%run_scoped3A : memref<!tpu.dma_semaphore, #tpu.memory_space<semaphore_mem>>)
          %dma_wait3A = arith.constant 0 : i32
          %dma_wait3A_80 = tpu.memref_slice %arg6[%add3A_76, %dma_wait3A] : memref<10000x128xf32, #tpu.memory_space<hbm>> -> memref<24x128xf32, #tpu.memory_space<hbm>>
          %dma_wait3A_81 = arith.constant 0 : i32
          %dma_wait3A_82 = tpu.memref_slice %arg12[%add3A_74, %dma_wait3A_81] : memref<10000x128xf32, #tpu.memory_space<vmem_shared>> -> memref<24x128xf32, #tpu.memory_space<vmem_shared>>
          tpu.wait_dma2 semaphore(%run_scoped3A : memref<!tpu.dma_semaphore, #tpu.memory_space<semaphore_mem>>) src(%dma_wait3A_82 : memref<24x128xf32, #tpu.memory_space<vmem_shared>>) dst(%dma_wait3A_80 : memref<24x128xf32, #tpu.memory_space<hbm>>)
          tpu.yield
        }) : () -> ()
      } else {
      }
      %eq3A_68 = arith.constant 15 : i32
      %eq3A_69 = arith.cmpi eq, %arg1, %eq3A_68 : i32
      %convert_element_type3A_70 = arith.extui %eq3A_69 : i1 to i32
      %cond3A_71 = arith.constant 0 : i32
      %cond3A_72 = arith.cmpi ne, %convert_element_type3A_70, %cond3A_71 : i32
      scf.if %cond3A_72 {
        %add3A_73 = arith.constant 600 : i32
        %add3A_74 = arith.addi %mul3A_0, %add3A_73 : i32
        %add3A_75 = arith.constant 600 : i32
        %add3A_76 = arith.addi %mul3A_0, %add3A_75 : i32
        "tpu.region"() ({
          %run_scoped3A = tpu.sem_alloc : memref<!tpu.dma_semaphore, #tpu.memory_space<semaphore_mem>>
          %dma_start3A = arith.constant 0 : i32
          %dma_start3A_77 = tpu.memref_slice %arg6[%add3A_76, %dma_start3A] : memref<10000x128xf32, #tpu.memory_space<hbm>> -> memref<40x128xf32, #tpu.memory_space<hbm>>
          %dma_start3A_78 = arith.constant 0 : i32
          %dma_start3A_79 = tpu.memref_slice %arg12[%add3A_74, %dma_start3A_78] : memref<10000x128xf32, #tpu.memory_space<vmem_shared>> -> memref<40x128xf32, #tpu.memory_space<vmem_shared>>
          tpu.enqueue_dma source(%dma_start3A_79 : memref<40x128xf32, #tpu.memory_space<vmem_shared>>) target(%dma_start3A_77 : memref<40x128xf32, #tpu.memory_space<hbm>>) target_semaphore(%run_scoped3A : memref<!tpu.dma_semaphore, #tpu.memory_space<semaphore_mem>>)
          %dma_wait3A = arith.constant 0 : i32
          %dma_wait3A_80 = tpu.memref_slice %arg6[%add3A_76, %dma_wait3A] : memref<10000x128xf32, #tpu.memory_space<hbm>> -> memref<40x128xf32, #tpu.memory_space<hbm>>
          %dma_wait3A_81 = arith.constant 0 : i32
          %dma_wait3A_82 = tpu.memref_slice %arg12[%add3A_74, %dma_wait3A_81] : memref<10000x128xf32, #tpu.memory_space<vmem_shared>> -> memref<40x128xf32, #tpu.memory_space<vmem_shared>>
          tpu.wait_dma2 semaphore(%run_scoped3A : memref<!tpu.dma_semaphore, #tpu.memory_space<semaphore_mem>>) src(%dma_wait3A_82 : memref<40x128xf32, #tpu.memory_space<vmem_shared>>) dst(%dma_wait3A_80 : memref<40x128xf32, #tpu.memory_space<hbm>>)
          tpu.yield
        }) : () -> ()
      } else {
      }
    } else {
    }
    %eq3A_5 = arith.constant 1 : i32
    %eq3A_6 = arith.cmpi eq, %arg0, %eq3A_5 : i32
    %convert_element_type3A_7 = arith.extui %eq3A_6 : i1 to i32
    %cond3A_8 = arith.constant 0 : i32
    %cond3A_9 = arith.cmpi ne, %convert_element_type3A_7, %cond3A_8 : i32
    scf.if %cond3A_9 {
      %broadcast_in_dim3A = arith.constant 0.000000e+00 : f32
      %broadcast_in_dim3A_10 = vector.broadcast %broadcast_in_dim3A : f32 to vector<16xf32>
      %scan3A = arith.constant 0 : i32
      %scan3A_11 = arith.constant 0 : i32
      %scan3A_12 = arith.constant 1000 : i32
      %scan3A_13 = arith.addi %scan3A_11, %scan3A_12 : i32
      %scan3A_14 = arith.constant 1 : i32
      %scan3A_15 = scf.for %scan3A_73 = %scan3A_11 to %scan3A_13 step %scan3A_14 iter_args(%scan3A_74 = %scan3A) -> (i32)  : i32 {
        %jit3A = arith.constant 8 : i32
        %div3A = arith.divsi %scan3A_73, %jit3A : i32
        %sign3A = arith.constant 0 : i32
        %sign3A_75 = arith.cmpi sgt, %scan3A_73, %sign3A : i32
        %sign3A_76 = arith.extui %sign3A_75 : i1 to i32
        %sign3A_77 = arith.constant 0 : i32
        %sign3A_78 = arith.cmpi slt, %scan3A_73, %sign3A_77 : i32
        %sign3A_79 = arith.extui %sign3A_78 : i1 to i32
        %sign3A_80 = arith.subi %sign3A_76, %sign3A_79 : i32
        %sign3A_81 = arith.constant 0 : i32
        %sign3A_82 = arith.cmpi sgt, %jit3A, %sign3A_81 : i32
        %sign3A_83 = arith.extui %sign3A_82 : i1 to i32
        %sign3A_84 = arith.constant 0 : i32
        %sign3A_85 = arith.cmpi slt, %jit3A, %sign3A_84 : i32
        %sign3A_86 = arith.extui %sign3A_85 : i1 to i32
        %sign3A_87 = arith.subi %sign3A_83, %sign3A_86 : i32
        %ne3A = arith.cmpi ne, %sign3A_80, %sign3A_87 : i32
        %rem3A = arith.remsi %scan3A_73, %jit3A : i32
        %ne3A_88 = arith.constant 0 : i32
        %ne3A_89 = arith.cmpi ne, %rem3A, %ne3A_88 : i32
        %and3A = arith.andi %ne3A, %ne3A_89 : i1
        %sub3A = arith.constant 1 : i32
        %sub3A_90 = arith.subi %div3A, %sub3A : i32
        %select_n3A = arith.select %and3A, %sub3A_90, %div3A : i32
        %jit3A_91 = arith.constant 8 : i32
        %eq3A_92 = arith.constant 0 : i32
        %eq3A_93 = arith.cmpi eq, %jit3A_91, %eq3A_92 : i32
        %jit3A_94 = arith.constant 1 : i32
        %select_n3A_95 = arith.select %eq3A_93, %jit3A_94, %jit3A_91 : i32
        %rem3A_96 = arith.remsi %scan3A_73, %select_n3A_95 : i32
        %ne3A_97 = arith.constant 0 : i32
        %ne3A_98 = arith.cmpi ne, %rem3A_96, %ne3A_97 : i32
        %lt3A_99 = arith.constant 0 : i32
        %lt3A_100 = arith.cmpi slt, %rem3A_96, %lt3A_99 : i32
        %lt3A_101 = arith.constant 0 : i32
        %lt3A_102 = arith.cmpi slt, %select_n3A_95, %lt3A_101 : i32
        %ne3A_103 = arith.xori %lt3A_100, %lt3A_102 : i1
        %and3A_104 = arith.andi %ne3A_103, %ne3A_98 : i1
        %add3A_105 = arith.addi %rem3A_96, %select_n3A_95 : i32
        %select_n3A_106 = arith.select %and3A_104, %add3A_105, %rem3A_96 : i32
        %mul3A_107 = arith.constant 16 : i32
        %mul3A_108 = arith.muli %select_n3A_106, %mul3A_107 : i32
        %swap3A = arith.index_cast %select_n3A : i32 to index
        %swap3A_109 = arith.index_cast %mul3A_108 : i32 to index
        %swap3A_110 = tpu.vector_load %arg10[%swap3A, %swap3A_109] {strides = array<i32>} : memref<125x128xf32, #tpu.memory_space<vmem>>, vector<1x16xf32>,
        %swap3A_111 = vector.shape_cast %swap3A_110 : vector<1x16xf32> to vector<16xf32>
        %swap3A_112 = vector.shape_cast %broadcast_in_dim3A_10 : vector<16xf32> to vector<1x16xf32>
        tpu.vector_store %arg10[%swap3A, %swap3A_109], %swap3A_112 {strides = array<i32>} : memref<125x128xf32, #tpu.memory_space<vmem>>, vector<1x16xf32>,
        %scan3A_113 = arith.constant 0 : i32
        scf.yield %scan3A_113 : i32
      }
      %scan3A_16 = arith.constant 1000 : i32
      %add3A = arith.constant 0 : i32
      %add3A_17 = arith.addi %mul3A_0, %add3A : i32
      "tpu.region"() ({
        %run_scoped3A = tpu.sem_alloc : memref<!tpu.dma_semaphore, #tpu.memory_space<semaphore_mem>>
        %dma_start3A = arith.constant 0 : i32
        %dma_start3A_73 = arith.constant 0 : i32
        %dma_start3A_74 = tpu.memref_slice %arg10[%dma_start3A, %dma_start3A_73] : memref<125x128xf32, #tpu.memory_space<vmem>> -> memref<120x128xf32, #tpu.memory_space<vmem>>
        %dma_start3A_75 = arith.constant 0 : i32
        %dma_start3A_76 = tpu.memref_slice %arg12[%add3A_17, %dma_start3A_75] : memref<10000x128xf32, #tpu.memory_space<vmem_shared>> -> memref<120x128xf32, #tpu.memory_space<vmem_shared>>
        %dma_start3A_77 = arith.constant 0 : i32
        %dma_start3A_78 = tpu.memref_slice %arg12[%add3A_17, %dma_start3A_77] : memref<10000x128xf32, #tpu.memory_space<vmem_shared>> -> memref<120x128xf32, #tpu.memory_space<vmem_shared>>
        %dma_start3A_79 = arith.constant 0 : i32
        %dma_start3A_80 = arith.constant 0 : i32
        %dma_start3A_81 = tpu.memref_slice %arg10[%dma_start3A_79, %dma_start3A_80] : memref<125x128xf32, #tpu.memory_space<vmem>> -> memref<120x128xf32, #tpu.memory_space<vmem>>
        tpu.enqueue_dma source(%dma_start3A_81 : memref<120x128xf32, #tpu.memory_space<vmem>>) target(%dma_start3A_78 : memref<120x128xf32, #tpu.memory_space<vmem_shared>>) target_semaphore(%run_scoped3A : memref<!tpu.dma_semaphore, #tpu.memory_space<semaphore_mem>>)
        %dma_wait3A = arith.constant 0 : i32
        %dma_wait3A_82 = arith.constant 0 : i32
        %dma_wait3A_83 = tpu.memref_slice %arg10[%dma_wait3A, %dma_wait3A_82] : memref<125x128xf32, #tpu.memory_space<vmem>> -> memref<120x128xf32, #tpu.memory_space<vmem>>
        %dma_wait3A_84 = arith.constant 0 : i32
        %dma_wait3A_85 = tpu.memref_slice %arg12[%add3A_17, %dma_wait3A_84] : memref<10000x128xf32, #tpu.memory_space<vmem_shared>> -> memref<120x128xf32, #tpu.memory_space<vmem_shared>>
        %dma_wait3A_86 = arith.constant 0 : i32
        %dma_wait3A_87 = tpu.memref_slice %arg12[%add3A_17, %dma_wait3A_86] : memref<10000x128xf32, #tpu.memory_space<vmem_shared>> -> memref<120x128xf32, #tpu.memory_space<vmem_shared>>
        %dma_wait3A_88 = arith.constant 0 : i32
        %dma_wait3A_89 = arith.constant 0 : i32
        %dma_wait3A_90 = tpu.memref_slice %arg10[%dma_wait3A_88, %dma_wait3A_89] : memref<125x128xf32, #tpu.memory_space<vmem>> -> memref<120x128xf32, #tpu.memory_space<vmem>>
        tpu.wait_dma2 semaphore(%run_scoped3A : memref<!tpu.dma_semaphore, #tpu.memory_space<semaphore_mem>>) src(%dma_wait3A_90 : memref<120x128xf32, #tpu.memory_space<vmem>>) dst(%dma_wait3A_87 : memref<120x128xf32, #tpu.memory_space<vmem_shared>>)
        tpu.yield
      }) : () -> ()
      %add3A_18 = arith.constant 120 : i32
      %add3A_19 = arith.addi %mul3A_0, %add3A_18 : i32
      "tpu.region"() ({
        %run_scoped3A = tpu.sem_alloc : memref<!tpu.dma_semaphore, #tpu.memory_space<semaphore_mem>>
        %dma_start3A = arith.constant 0 : i32
        %dma_start3A_73 = arith.constant 0 : i32
        %dma_start3A_74 = tpu.memref_slice %arg10[%dma_start3A, %dma_start3A_73] : memref<125x128xf32, #tpu.memory_space<vmem>> -> memref<120x128xf32, #tpu.memory_space<vmem>>
        %dma_start3A_75 = arith.constant 0 : i32
        %dma_start3A_76 = tpu.memref_slice %arg12[%add3A_19, %dma_start3A_75] : memref<10000x128xf32, #tpu.memory_space<vmem_shared>> -> memref<120x128xf32, #tpu.memory_space<vmem_shared>>
        %dma_start3A_77 = arith.constant 0 : i32
        %dma_start3A_78 = tpu.memref_slice %arg12[%add3A_19, %dma_start3A_77] : memref<10000x128xf32, #tpu.memory_space<vmem_shared>> -> memref<120x128xf32, #tpu.memory_space<vmem_shared>>
        %dma_start3A_79 = arith.constant 0 : i32
        %dma_start3A_80 = arith.constant 0 : i32
        %dma_start3A_81 = tpu.memref_slice %arg10[%dma_start3A_79, %dma_start3A_80] : memref<125x128xf32, #tpu.memory_space<vmem>> -> memref<120x128xf32, #tpu.memory_space<vmem>>
        tpu.enqueue_dma source(%dma_start3A_81 : memref<120x128xf32, #tpu.memory_space<vmem>>) target(%dma_start3A_78 : memref<120x128xf32, #tpu.memory_space<vmem_shared>>) target_semaphore(%run_scoped3A : memref<!tpu.dma_semaphore, #tpu.memory_space<semaphore_mem>>)
        %dma_wait3A = arith.constant 0 : i32
        %dma_wait3A_82 = arith.constant 0 : i32
        %dma_wait3A_83 = tpu.memref_slice %arg10[%dma_wait3A, %dma_wait3A_82] : memref<125x128xf32, #tpu.memory_space<vmem>> -> memref<120x128xf32, #tpu.memory_space<vmem>>
        %dma_wait3A_84 = arith.constant 0 : i32
        %dma_wait3A_85 = tpu.memref_slice %arg12[%add3A_19, %dma_wait3A_84] : memref<10000x128xf32, #tpu.memory_space<vmem_shared>> -> memref<120x128xf32, #tpu.memory_space<vmem_shared>>
        %dma_wait3A_86 = arith.constant 0 : i32
        %dma_wait3A_87 = tpu.memref_slice %arg12[%add3A_19, %dma_wait3A_86] : memref<10000x128xf32, #tpu.memory_space<vmem_shared>> -> memref<120x128xf32, #tpu.memory_space<vmem_shared>>
        %dma_wait3A_88 = arith.constant 0 : i32
        %dma_wait3A_89 = arith.constant 0 : i32
        %dma_wait3A_90 = tpu.memref_slice %arg10[%dma_wait3A_88, %dma_wait3A_89] : memref<125x128xf32, #tpu.memory_space<vmem>> -> memref<120x128xf32, #tpu.memory_space<vmem>>
        tpu.wait_dma2 semaphore(%run_scoped3A : memref<!tpu.dma_semaphore, #tpu.memory_space<semaphore_mem>>) src(%dma_wait3A_90 : memref<120x128xf32, #tpu.memory_space<vmem>>) dst(%dma_wait3A_87 : memref<120x128xf32, #tpu.memory_space<vmem_shared>>)
        tpu.yield
      }) : () -> ()
      %add3A_20 = arith.constant 240 : i32
      %add3A_21 = arith.addi %mul3A_0, %add3A_20 : i32
      "tpu.region"() ({
        %run_scoped3A = tpu.sem_alloc : memref<!tpu.dma_semaphore, #tpu.memory_space<semaphore_mem>>
        %dma_start3A = arith.constant 0 : i32
        %dma_start3A_73 = arith.constant 0 : i32
        %dma_start3A_74 = tpu.memref_slice %arg10[%dma_start3A, %dma_start3A_73] : memref<125x128xf32, #tpu.memory_space<vmem>> -> memref<120x128xf32, #tpu.memory_space<vmem>>
        %dma_start3A_75 = arith.constant 0 : i32
        %dma_start3A_76 = tpu.memref_slice %arg12[%add3A_21, %dma_start3A_75] : memref<10000x128xf32, #tpu.memory_space<vmem_shared>> -> memref<120x128xf32, #tpu.memory_space<vmem_shared>>
        %dma_start3A_77 = arith.constant 0 : i32
        %dma_start3A_78 = tpu.memref_slice %arg12[%add3A_21, %dma_start3A_77] : memref<10000x128xf32, #tpu.memory_space<vmem_shared>> -> memref<120x128xf32, #tpu.memory_space<vmem_shared>>
        %dma_start3A_79 = arith.constant 0 : i32
        %dma_start3A_80 = arith.constant 0 : i32
        %dma_start3A_81 = tpu.memref_slice %arg10[%dma_start3A_79, %dma_start3A_80] : memref<125x128xf32, #tpu.memory_space<vmem>> -> memref<120x128xf32, #tpu.memory_space<vmem>>
        tpu.enqueue_dma source(%dma_start3A_81 : memref<120x128xf32, #tpu.memory_space<vmem>>) target(%dma_start3A_78 : memref<120x128xf32, #tpu.memory_space<vmem_shared>>) target_semaphore(%run_scoped3A : memref<!tpu.dma_semaphore, #tpu.memory_space<semaphore_mem>>)
        %dma_wait3A = arith.constant 0 : i32
        %dma_wait3A_82 = arith.constant 0 : i32
        %dma_wait3A_83 = tpu.memref_slice %arg10[%dma_wait3A, %dma_wait3A_82] : memref<125x128xf32, #tpu.memory_space<vmem>> -> memref<120x128xf32, #tpu.memory_space<vmem>>
        %dma_wait3A_84 = arith.constant 0 : i32
        %dma_wait3A_85 = tpu.memref_slice %arg12[%add3A_21, %dma_wait3A_84] : memref<10000x128xf32, #tpu.memory_space<vmem_shared>> -> memref<120x128xf32, #tpu.memory_space<vmem_shared>>
        %dma_wait3A_86 = arith.constant 0 : i32
        %dma_wait3A_87 = tpu.memref_slice %arg12[%add3A_21, %dma_wait3A_86] : memref<10000x128xf32, #tpu.memory_space<vmem_shared>> -> memref<120x128xf32, #tpu.memory_space<vmem_shared>>
        %dma_wait3A_88 = arith.constant 0 : i32
        %dma_wait3A_89 = arith.constant 0 : i32
        %dma_wait3A_90 = tpu.memref_slice %arg10[%dma_wait3A_88, %dma_wait3A_89] : memref<125x128xf32, #tpu.memory_space<vmem>> -> memref<120x128xf32, #tpu.memory_space<vmem>>
        tpu.wait_dma2 semaphore(%run_scoped3A : memref<!tpu.dma_semaphore, #tpu.memory_space<semaphore_mem>>) src(%dma_wait3A_90 : memref<120x128xf32, #tpu.memory_space<vmem>>) dst(%dma_wait3A_87 : memref<120x128xf32, #tpu.memory_space<vmem_shared>>)
        tpu.yield
      }) : () -> ()
      %add3A_22 = arith.constant 360 : i32
      %add3A_23 = arith.addi %mul3A_0, %add3A_22 : i32
      "tpu.region"() ({
        %run_scoped3A = tpu.sem_alloc : memref<!tpu.dma_semaphore, #tpu.memory_space<semaphore_mem>>
        %dma_start3A = arith.constant 0 : i32
        %dma_start3A_73 = arith.constant 0 : i32
        %dma_start3A_74 = tpu.memref_slice %arg10[%dma_start3A, %dma_start3A_73] : memref<125x128xf32, #tpu.memory_space<vmem>> -> memref<120x128xf32, #tpu.memory_space<vmem>>
        %dma_start3A_75 = arith.constant 0 : i32
        %dma_start3A_76 = tpu.memref_slice %arg12[%add3A_23, %dma_start3A_75] : memref<10000x128xf32, #tpu.memory_space<vmem_shared>> -> memref<120x128xf32, #tpu.memory_space<vmem_shared>>
        %dma_start3A_77 = arith.constant 0 : i32
        %dma_start3A_78 = tpu.memref_slice %arg12[%add3A_23, %dma_start3A_77] : memref<10000x128xf32, #tpu.memory_space<vmem_shared>> -> memref<120x128xf32, #tpu.memory_space<vmem_shared>>
        %dma_start3A_79 = arith.constant 0 : i32
        %dma_start3A_80 = arith.constant 0 : i32
        %dma_start3A_81 = tpu.memref_slice %arg10[%dma_start3A_79, %dma_start3A_80] : memref<125x128xf32, #tpu.memory_space<vmem>> -> memref<120x128xf32, #tpu.memory_space<vmem>>
        tpu.enqueue_dma source(%dma_start3A_81 : memref<120x128xf32, #tpu.memory_space<vmem>>) target(%dma_start3A_78 : memref<120x128xf32, #tpu.memory_space<vmem_shared>>) target_semaphore(%run_scoped3A : memref<!tpu.dma_semaphore, #tpu.memory_space<semaphore_mem>>)
        %dma_wait3A = arith.constant 0 : i32
        %dma_wait3A_82 = arith.constant 0 : i32
        %dma_wait3A_83 = tpu.memref_slice %arg10[%dma_wait3A, %dma_wait3A_82] : memref<125x128xf32, #tpu.memory_space<vmem>> -> memref<120x128xf32, #tpu.memory_space<vmem>>
        %dma_wait3A_84 = arith.constant 0 : i32
        %dma_wait3A_85 = tpu.memref_slice %arg12[%add3A_23, %dma_wait3A_84] : memref<10000x128xf32, #tpu.memory_space<vmem_shared>> -> memref<120x128xf32, #tpu.memory_space<vmem_shared>>
        %dma_wait3A_86 = arith.constant 0 : i32
        %dma_wait3A_87 = tpu.memref_slice %arg12[%add3A_23, %dma_wait3A_86] : memref<10000x128xf32, #tpu.memory_space<vmem_shared>> -> memref<120x128xf32, #tpu.memory_space<vmem_shared>>
        %dma_wait3A_88 = arith.constant 0 : i32
        %dma_wait3A_89 = arith.constant 0 : i32
        %dma_wait3A_90 = tpu.memref_slice %arg10[%dma_wait3A_88, %dma_wait3A_89] : memref<125x128xf32, #tpu.memory_space<vmem>> -> memref<120x128xf32, #tpu.memory_space<vmem>>
        tpu.wait_dma2 semaphore(%run_scoped3A : memref<!tpu.dma_semaphore, #tpu.memory_space<semaphore_mem>>) src(%dma_wait3A_90 : memref<120x128xf32, #tpu.memory_space<vmem>>) dst(%dma_wait3A_87 : memref<120x128xf32, #tpu.memory_space<vmem_shared>>)
        tpu.yield
      }) : () -> ()
      %add3A_24 = arith.constant 480 : i32
      %add3A_25 = arith.addi %mul3A_0, %add3A_24 : i32
      "tpu.region"() ({
        %run_scoped3A = tpu.sem_alloc : memref<!tpu.dma_semaphore, #tpu.memory_space<semaphore_mem>>
        %dma_start3A = arith.constant 0 : i32
        %dma_start3A_73 = arith.constant 0 : i32
        %dma_start3A_74 = tpu.memref_slice %arg10[%dma_start3A, %dma_start3A_73] : memref<125x128xf32, #tpu.memory_space<vmem>> -> memref<120x128xf32, #tpu.memory_space<vmem>>
        %dma_start3A_75 = arith.constant 0 : i32
        %dma_start3A_76 = tpu.memref_slice %arg12[%add3A_25, %dma_start3A_75] : memref<10000x128xf32, #tpu.memory_space<vmem_shared>> -> memref<120x128xf32, #tpu.memory_space<vmem_shared>>
        %dma_start3A_77 = arith.constant 0 : i32
        %dma_start3A_78 = tpu.memref_slice %arg12[%add3A_25, %dma_start3A_77] : memref<10000x128xf32, #tpu.memory_space<vmem_shared>> -> memref<120x128xf32, #tpu.memory_space<vmem_shared>>
        %dma_start3A_79 = arith.constant 0 : i32
        %dma_start3A_80 = arith.constant 0 : i32
        %dma_start3A_81 = tpu.memref_slice %arg10[%dma_start3A_79, %dma_start3A_80] : memref<125x128xf32, #tpu.memory_space<vmem>> -> memref<120x128xf32, #tpu.memory_space<vmem>>
        tpu.enqueue_dma source(%dma_start3A_81 : memref<120x128xf32, #tpu.memory_space<vmem>>) target(%dma_start3A_78 : memref<120x128xf32, #tpu.memory_space<vmem_shared>>) target_semaphore(%run_scoped3A : memref<!tpu.dma_semaphore, #tpu.memory_space<semaphore_mem>>)
        %dma_wait3A = arith.constant 0 : i32
        %dma_wait3A_82 = arith.constant 0 : i32
        %dma_wait3A_83 = tpu.memref_slice %arg10[%dma_wait3A, %dma_wait3A_82] : memref<125x128xf32, #tpu.memory_space<vmem>> -> memref<120x128xf32, #tpu.memory_space<vmem>>
        %dma_wait3A_84 = arith.constant 0 : i32
        %dma_wait3A_85 = tpu.memref_slice %arg12[%add3A_25, %dma_wait3A_84] : memref<10000x128xf32, #tpu.memory_space<vmem_shared>> -> memref<120x128xf32, #tpu.memory_space<vmem_shared>>
        %dma_wait3A_86 = arith.constant 0 : i32
        %dma_wait3A_87 = tpu.memref_slice %arg12[%add3A_25, %dma_wait3A_86] : memref<10000x128xf32, #tpu.memory_space<vmem_shared>> -> memref<120x128xf32, #tpu.memory_space<vmem_shared>>
        %dma_wait3A_88 = arith.constant 0 : i32
        %dma_wait3A_89 = arith.constant 0 : i32
        %dma_wait3A_90 = tpu.memref_slice %arg10[%dma_wait3A_88, %dma_wait3A_89] : memref<125x128xf32, #tpu.memory_space<vmem>> -> memref<120x128xf32, #tpu.memory_space<vmem>>
        tpu.wait_dma2 semaphore(%run_scoped3A : memref<!tpu.dma_semaphore, #tpu.memory_space<semaphore_mem>>) src(%dma_wait3A_90 : memref<120x128xf32, #tpu.memory_space<vmem>>) dst(%dma_wait3A_87 : memref<120x128xf32, #tpu.memory_space<vmem_shared>>)
        tpu.yield
      }) : () -> ()
      %lt3A = arith.constant 15 : i32
      %lt3A_26 = arith.cmpi slt, %arg1, %lt3A : i32
      %convert_element_type3A_27 = arith.extui %lt3A_26 : i1 to i32
      %cond3A_28 = arith.constant 0 : i32
      %cond3A_29 = arith.cmpi ne, %convert_element_type3A_27, %cond3A_28 : i32
      scf.if %cond3A_29 {
        %add3A_73 = arith.constant 600 : i32
        %add3A_74 = arith.addi %mul3A_0, %add3A_73 : i32
        "tpu.region"() ({
          %run_scoped3A = tpu.sem_alloc : memref<!tpu.dma_semaphore, #tpu.memory_space<semaphore_mem>>
          %dma_start3A = arith.constant 0 : i32
          %dma_start3A_75 = arith.constant 0 : i32
          %dma_start3A_76 = tpu.memref_slice %arg10[%dma_start3A, %dma_start3A_75] : memref<125x128xf32, #tpu.memory_space<vmem>> -> memref<24x128xf32, #tpu.memory_space<vmem>>
          %dma_start3A_77 = arith.constant 0 : i32
          %dma_start3A_78 = tpu.memref_slice %arg12[%add3A_74, %dma_start3A_77] : memref<10000x128xf32, #tpu.memory_space<vmem_shared>> -> memref<24x128xf32, #tpu.memory_space<vmem_shared>>
          %dma_start3A_79 = arith.constant 0 : i32
          %dma_start3A_80 = tpu.memref_slice %arg12[%add3A_74, %dma_start3A_79] : memref<10000x128xf32, #tpu.memory_space<vmem_shared>> -> memref<24x128xf32, #tpu.memory_space<vmem_shared>>
          %dma_start3A_81 = arith.constant 0 : i32
          %dma_start3A_82 = arith.constant 0 : i32
          %dma_start3A_83 = tpu.memref_slice %arg10[%dma_start3A_81, %dma_start3A_82] : memref<125x128xf32, #tpu.memory_space<vmem>> -> memref<24x128xf32, #tpu.memory_space<vmem>>
          tpu.enqueue_dma source(%dma_start3A_83 : memref<24x128xf32, #tpu.memory_space<vmem>>) target(%dma_start3A_80 : memref<24x128xf32, #tpu.memory_space<vmem_shared>>) target_semaphore(%run_scoped3A : memref<!tpu.dma_semaphore, #tpu.memory_space<semaphore_mem>>)
          %dma_wait3A = arith.constant 0 : i32
          %dma_wait3A_84 = arith.constant 0 : i32
          %dma_wait3A_85 = tpu.memref_slice %arg10[%dma_wait3A, %dma_wait3A_84] : memref<125x128xf32, #tpu.memory_space<vmem>> -> memref<24x128xf32, #tpu.memory_space<vmem>>
          %dma_wait3A_86 = arith.constant 0 : i32
          %dma_wait3A_87 = tpu.memref_slice %arg12[%add3A_74, %dma_wait3A_86] : memref<10000x128xf32, #tpu.memory_space<vmem_shared>> -> memref<24x128xf32, #tpu.memory_space<vmem_shared>>
          %dma_wait3A_88 = arith.constant 0 : i32
          %dma_wait3A_89 = tpu.memref_slice %arg12[%add3A_74, %dma_wait3A_88] : memref<10000x128xf32, #tpu.memory_space<vmem_shared>> -> memref<24x128xf32, #tpu.memory_space<vmem_shared>>
          %dma_wait3A_90 = arith.constant 0 : i32
          %dma_wait3A_91 = arith.constant 0 : i32
          %dma_wait3A_92 = tpu.memref_slice %arg10[%dma_wait3A_90, %dma_wait3A_91] : memref<125x128xf32, #tpu.memory_space<vmem>> -> memref<24x128xf32, #tpu.memory_space<vmem>>
          tpu.wait_dma2 semaphore(%run_scoped3A : memref<!tpu.dma_semaphore, #tpu.memory_space<semaphore_mem>>) src(%dma_wait3A_92 : memref<24x128xf32, #tpu.memory_space<vmem>>) dst(%dma_wait3A_89 : memref<24x128xf32, #tpu.memory_space<vmem_shared>>)
          tpu.yield
        }) : () -> ()
      } else {
      }
      %eq3A_30 = arith.constant 15 : i32
      %eq3A_31 = arith.cmpi eq, %arg1, %eq3A_30 : i32
      %convert_element_type3A_32 = arith.extui %eq3A_31 : i1 to i32
      %cond3A_33 = arith.constant 0 : i32
      %cond3A_34 = arith.cmpi ne, %convert_element_type3A_32, %cond3A_33 : i32
      scf.if %cond3A_34 {
        %add3A_73 = arith.constant 600 : i32
        %add3A_74 = arith.addi %mul3A_0, %add3A_73 : i32
        "tpu.region"() ({
          %run_scoped3A = tpu.sem_alloc : memref<!tpu.dma_semaphore, #tpu.memory_space<semaphore_mem>>
          %dma_start3A = arith.constant 0 : i32
          %dma_start3A_75 = arith.constant 0 : i32
          %dma_start3A_76 = tpu.memref_slice %arg10[%dma_start3A, %dma_start3A_75] : memref<125x128xf32, #tpu.memory_space<vmem>> -> memref<40x128xf32, #tpu.memory_space<vmem>>
          %dma_start3A_77 = arith.constant 0 : i32
          %dma_start3A_78 = tpu.memref_slice %arg12[%add3A_74, %dma_start3A_77] : memref<10000x128xf32, #tpu.memory_space<vmem_shared>> -> memref<40x128xf32, #tpu.memory_space<vmem_shared>>
          %dma_start3A_79 = arith.constant 0 : i32
          %dma_start3A_80 = tpu.memref_slice %arg12[%add3A_74, %dma_start3A_79] : memref<10000x128xf32, #tpu.memory_space<vmem_shared>> -> memref<40x128xf32, #tpu.memory_space<vmem_shared>>
          %dma_start3A_81 = arith.constant 0 : i32
          %dma_start3A_82 = arith.constant 0 : i32
          %dma_start3A_83 = tpu.memref_slice %arg10[%dma_start3A_81, %dma_start3A_82] : memref<125x128xf32, #tpu.memory_space<vmem>> -> memref<40x128xf32, #tpu.memory_space<vmem>>
          tpu.enqueue_dma source(%dma_start3A_83 : memref<40x128xf32, #tpu.memory_space<vmem>>) target(%dma_start3A_80 : memref<40x128xf32, #tpu.memory_space<vmem_shared>>) target_semaphore(%run_scoped3A : memref<!tpu.dma_semaphore, #tpu.memory_space<semaphore_mem>>)
          %dma_wait3A = arith.constant 0 : i32
          %dma_wait3A_84 = arith.constant 0 : i32
          %dma_wait3A_85 = tpu.memref_slice %arg10[%dma_wait3A, %dma_wait3A_84] : memref<125x128xf32, #tpu.memory_space<vmem>> -> memref<40x128xf32, #tpu.memory_space<vmem>>
          %dma_wait3A_86 = arith.constant 0 : i32
          %dma_wait3A_87 = tpu.memref_slice %arg12[%add3A_74, %dma_wait3A_86] : memref<10000x128xf32, #tpu.memory_space<vmem_shared>> -> memref<40x128xf32, #tpu.memory_space<vmem_shared>>
          %dma_wait3A_88 = arith.constant 0 : i32
          %dma_wait3A_89 = tpu.memref_slice %arg12[%add3A_74, %dma_wait3A_88] : memref<10000x128xf32, #tpu.memory_space<vmem_shared>> -> memref<40x128xf32, #tpu.memory_space<vmem_shared>>
          %dma_wait3A_90 = arith.constant 0 : i32
          %dma_wait3A_91 = arith.constant 0 : i32
          %dma_wait3A_92 = tpu.memref_slice %arg10[%dma_wait3A_90, %dma_wait3A_91] : memref<125x128xf32, #tpu.memory_space<vmem>> -> memref<40x128xf32, #tpu.memory_space<vmem>>
          tpu.wait_dma2 semaphore(%run_scoped3A : memref<!tpu.dma_semaphore, #tpu.memory_space<semaphore_mem>>) src(%dma_wait3A_92 : memref<40x128xf32, #tpu.memory_space<vmem>>) dst(%dma_wait3A_89 : memref<40x128xf32, #tpu.memory_space<vmem_shared>>)
          tpu.yield
        }) : () -> ()
      } else {
      }
      %barrier3A = arith.constant 0 : index
      tpu.barrier barrier_id(%barrier3A)
      %scan3A_35 = arith.constant 0 : i32
      %scan3A_36 = arith.constant 0 : i32
      %scan3A_37 = arith.constant 5 : i32
      %scan3A_38 = arith.addi %scan3A_36, %scan3A_37 : i32
      %scan3A_39 = arith.constant 1 : i32
      %scan3A_40 = scf.for %scan3A_73 = %scan3A_36 to %scan3A_38 step %scan3A_39 iter_args(%scan3A_74 = %scan3A_35) -> (i32)  : i32 {
        %mul3A_75 = arith.constant 32 : i32
        %mul3A_76 = arith.muli %mul3A_75, %scan3A_73 : i32
        %add3A_77 = arith.addi %mul3A_2, %mul3A_76 : i32
        "tpu.region"() ({
          %run_scoped3A = tpu.sem_alloc : memref<!tpu.dma_semaphore, #tpu.memory_space<semaphore_mem>>
          %dma_start3A_143 = arith.constant 0 : i32
          %dma_start3A_144 = tpu.memref_slice %arg2[%add3A_77, %dma_start3A_143] : memref<2560x125xi32, #tpu.memory_space<hbm>> -> memref<32x125xi32, #tpu.memory_space<hbm>>
          %dma_start3A_145 = arith.constant 0 : i32
          %dma_start3A_146 = tpu.memref_slice %arg2[%add3A_77, %dma_start3A_145] : memref<2560x125xi32, #tpu.memory_space<hbm>> -> memref<32x125xi32, #tpu.memory_space<hbm>>
          tpu.enqueue_dma source(%dma_start3A_146 : memref<32x125xi32, #tpu.memory_space<hbm>>) target(%arg8 : memref<32x125xi32, #tpu.memory_space<vmem>>) target_semaphore(%run_scoped3A : memref<!tpu.dma_semaphore, #tpu.memory_space<semaphore_mem>>)
          %dma_wait3A_147 = arith.constant 0 : i32
          %dma_wait3A_148 = tpu.memref_slice %arg2[%add3A_77, %dma_wait3A_147] : memref<2560x125xi32, #tpu.memory_space<hbm>> -> memref<32x125xi32, #tpu.memory_space<hbm>>
          %dma_wait3A_149 = arith.constant 0 : i32
          %dma_wait3A_150 = tpu.memref_slice %arg2[%add3A_77, %dma_wait3A_149] : memref<2560x125xi32, #tpu.memory_space<hbm>> -> memref<32x125xi32, #tpu.memory_space<hbm>>
          tpu.wait_dma2 semaphore(%run_scoped3A : memref<!tpu.dma_semaphore, #tpu.memory_space<semaphore_mem>>) src(%dma_wait3A_150 : memref<32x125xi32, #tpu.memory_space<hbm>>) dst(%arg8 : memref<32x125xi32, #tpu.memory_space<vmem>>)
          tpu.yield
        }) : () -> ()
        %mul3A_78 = arith.constant 32 : i32
        %mul3A_79 = arith.muli %mul3A_78, %scan3A_73 : i32
        %add3A_80 = arith.addi %mul3A_2, %mul3A_79 : i32
        "tpu.region"() ({
          %run_scoped3A = tpu.sem_alloc : memref<!tpu.dma_semaphore, #tpu.memory_space<semaphore_mem>>
          %dma_start3A_143 = arith.constant 0 : i32
          %dma_start3A_144 = tpu.memref_slice %arg3[%add3A_80, %dma_start3A_143] : memref<2560x125xi32, #tpu.memory_space<hbm>> -> memref<32x125xi32, #tpu.memory_space<hbm>>
          %dma_start3A_145 = arith.constant 0 : i32
          %dma_start3A_146 = tpu.memref_slice %arg3[%add3A_80, %dma_start3A_145] : memref<2560x125xi32, #tpu.memory_space<hbm>> -> memref<32x125xi32, #tpu.memory_space<hbm>>
          tpu.enqueue_dma source(%dma_start3A_146 : memref<32x125xi32, #tpu.memory_space<hbm>>) target(%arg9 : memref<32x125xi32, #tpu.memory_space<vmem>>) target_semaphore(%run_scoped3A : memref<!tpu.dma_semaphore, #tpu.memory_space<semaphore_mem>>)
          %dma_wait3A_147 = arith.constant 0 : i32
          %dma_wait3A_148 = tpu.memref_slice %arg3[%add3A_80, %dma_wait3A_147] : memref<2560x125xi32, #tpu.memory_space<hbm>> -> memref<32x125xi32, #tpu.memory_space<hbm>>
          %dma_wait3A_149 = arith.constant 0 : i32
          %dma_wait3A_150 = tpu.memref_slice %arg3[%add3A_80, %dma_wait3A_149] : memref<2560x125xi32, #tpu.memory_space<hbm>> -> memref<32x125xi32, #tpu.memory_space<hbm>>
          tpu.wait_dma2 semaphore(%run_scoped3A : memref<!tpu.dma_semaphore, #tpu.memory_space<semaphore_mem>>) src(%dma_wait3A_150 : memref<32x125xi32, #tpu.memory_space<hbm>>) dst(%arg9 : memref<32x125xi32, #tpu.memory_space<vmem>>)
          tpu.yield
        }) : () -> ()
        %dma_start3A = arith.constant 0 : i32
        %dma_start3A_81 = arith.constant 0 : i32
        %dma_start3A_82 = tpu.memref_slice %arg8[%dma_start3A, %dma_start3A_81] : memref<32x125xi32, #tpu.memory_space<vmem>> -> memref<1x125xi32, #tpu.memory_space<vmem>>
        %dma_start3A_83 = tpu.memref_squeeze %dma_start3A_82 : memref<1x125xi32, #tpu.memory_space<vmem>> -> memref<125xi32, #tpu.memory_space<vmem>>
        %dma_start3A_84 = arith.constant 0 : i32
        %dma_start3A_85 = arith.constant 0 : i32
        %dma_start3A_86 = tpu.memref_slice %arg5[%dma_start3A_84, %dma_start3A_85] : memref<10000x128xf32, #tpu.memory_space<hbm>> -> memref<10000x128xf32, #tpu.memory_space<hbm>>
        tpu.enqueue_indirect_dma source(%dma_start3A_86 : memref<10000x128xf32, #tpu.memory_space<hbm>>) target(%arg10 : memref<125x128xf32, #tpu.memory_space<vmem>>) offsets(%dma_start3A_83 : memref<125xi32, #tpu.memory_space<vmem>>) semaphore(%arg13 : memref<!tpu.dma_semaphore, #tpu.memory_space<semaphore_mem>>)
        %dma_start3A_87 = arith.constant 1 : i32
        %dma_start3A_88 = arith.constant 0 : i32
        %dma_start3A_89 = tpu.memref_slice %arg8[%dma_start3A_87, %dma_start3A_88] : memref<32x125xi32, #tpu.memory_space<vmem>> -> memref<1x125xi32, #tpu.memory_space<vmem>>
        %dma_start3A_90 = tpu.memref_squeeze %dma_start3A_89 : memref<1x125xi32, #tpu.memory_space<vmem>> -> memref<125xi32, #tpu.memory_space<vmem>>
        %dma_start3A_91 = arith.constant 0 : i32
        %dma_start3A_92 = arith.constant 0 : i32
        %dma_start3A_93 = tpu.memref_slice %arg5[%dma_start3A_91, %dma_start3A_92] : memref<10000x128xf32, #tpu.memory_space<hbm>> -> memref<10000x128xf32, #tpu.memory_space<hbm>>
        tpu.enqueue_indirect_dma source(%dma_start3A_93 : memref<10000x128xf32, #tpu.memory_space<hbm>>) target(%arg11 : memref<125x128xf32, #tpu.memory_space<vmem>>) offsets(%dma_start3A_90 : memref<125xi32, #tpu.memory_space<vmem>>) semaphore(%arg14 : memref<!tpu.dma_semaphore, #tpu.memory_space<semaphore_mem>>)
        %dma_wait3A = arith.constant 0 : i32
        %dma_wait3A_94 = arith.constant 0 : i32
        %dma_wait3A_95 = tpu.memref_slice %arg8[%dma_wait3A, %dma_wait3A_94] : memref<32x125xi32, #tpu.memory_space<vmem>> -> memref<1x125xi32, #tpu.memory_space<vmem>>
        %dma_wait3A_96 = tpu.memref_squeeze %dma_wait3A_95 : memref<1x125xi32, #tpu.memory_space<vmem>> -> memref<125xi32, #tpu.memory_space<vmem>>
        %dma_wait3A_97 = arith.constant 0 : i32
        %dma_wait3A_98 = arith.constant 0 : i32
        %dma_wait3A_99 = tpu.memref_slice %arg5[%dma_wait3A_97, %dma_wait3A_98] : memref<10000x128xf32, #tpu.memory_space<hbm>> -> memref<10000x128xf32, #tpu.memory_space<hbm>>
        tpu.wait_indirect_dma semaphore(%arg13 : memref<!tpu.dma_semaphore, #tpu.memory_space<semaphore_mem>>) src(%dma_wait3A_99 : memref<10000x128xf32, #tpu.memory_space<hbm>>) dst(%arg10 : memref<125x128xf32, #tpu.memory_space<vmem>>)
        %dma_start3A_100 = arith.constant 0 : i32
        %dma_start3A_101 = arith.constant 0 : i32
        %dma_start3A_102 = tpu.memref_slice %arg9[%dma_start3A_100, %dma_start3A_101] : memref<32x125xi32, #tpu.memory_space<vmem>> -> memref<1x125xi32, #tpu.memory_space<vmem>>
        %dma_start3A_103 = tpu.memref_squeeze %dma_start3A_102 : memref<1x125xi32, #tpu.memory_space<vmem>> -> memref<125xi32, #tpu.memory_space<vmem>>
        %dma_start3A_104 = arith.constant 0 : i32
        %dma_start3A_105 = arith.constant 0 : i32
        %dma_start3A_106 = tpu.memref_slice %arg12[%dma_start3A_104, %dma_start3A_105] : memref<10000x128xf32, #tpu.memory_space<vmem_shared>> -> memref<10000x128xf32, #tpu.memory_space<vmem_shared>>
        tpu.enqueue_indirect_dma source(%arg10 : memref<125x128xf32, #tpu.memory_space<vmem>>) target(%dma_start3A_106 : memref<10000x128xf32, #tpu.memory_space<vmem_shared>>) offsets(%dma_start3A_103 : memref<125xi32, #tpu.memory_space<vmem>>) semaphore(%arg15 : memref<!tpu.dma_semaphore, #tpu.memory_space<semaphore_mem>>) {add = true}
        %scan3A_107 = arith.constant 0 : i32
        %scan3A_108 = arith.constant 1 : i32
        %scan3A_109 = arith.constant 15 : i32
        %scan3A_110 = arith.addi %scan3A_108, %scan3A_109 : i32
        %scan3A_111 = arith.constant 1 : i32
        %scan3A_112 = scf.for %scan3A_143 = %scan3A_108 to %scan3A_110 step %scan3A_111 iter_args(%scan3A_144 = %scan3A_107) -> (i32)  : i32 {
          %mul3A_145 = arith.constant 2 : i32
          %mul3A_146 = arith.muli %mul3A_145, %scan3A_143 : i32
          %dma_wait3A_147 = arith.constant 0 : i32
          %dma_wait3A_148 = arith.constant 0 : i32
          %dma_wait3A_149 = tpu.memref_slice %arg9[%dma_wait3A_147, %dma_wait3A_148] : memref<32x125xi32, #tpu.memory_space<vmem>> -> memref<1x125xi32, #tpu.memory_space<vmem>>
          %dma_wait3A_150 = tpu.memref_squeeze %dma_wait3A_149 : memref<1x125xi32, #tpu.memory_space<vmem>> -> memref<125xi32, #tpu.memory_space<vmem>>
          %dma_wait3A_151 = arith.constant 0 : i32
          %dma_wait3A_152 = arith.constant 0 : i32
          %dma_wait3A_153 = tpu.memref_slice %arg12[%dma_wait3A_151, %dma_wait3A_152] : memref<10000x128xf32, #tpu.memory_space<vmem_shared>> -> memref<10000x128xf32, #tpu.memory_space<vmem_shared>>
          tpu.wait_indirect_dma semaphore(%arg15 : memref<!tpu.dma_semaphore, #tpu.memory_space<semaphore_mem>>) src(%arg10 : memref<125x128xf32, #tpu.memory_space<vmem>>) dst(%dma_wait3A_153 : memref<10000x128xf32, #tpu.memory_space<vmem_shared>>)
          %dma_start3A_154 = arith.constant 0 : i32
          %dma_start3A_155 = tpu.memref_slice %arg8[%mul3A_146, %dma_start3A_154] : memref<32x125xi32, #tpu.memory_space<vmem>> -> memref<1x125xi32, #tpu.memory_space<vmem>>
          %dma_start3A_156 = tpu.memref_squeeze %dma_start3A_155 : memref<1x125xi32, #tpu.memory_space<vmem>> -> memref<125xi32, #tpu.memory_space<vmem>>
          %dma_start3A_157 = arith.constant 0 : i32
          %dma_start3A_158 = arith.constant 0 : i32
          %dma_start3A_159 = tpu.memref_slice %arg5[%dma_start3A_157, %dma_start3A_158] : memref<10000x128xf32, #tpu.memory_space<hbm>> -> memref<10000x128xf32, #tpu.memory_space<hbm>>
          tpu.enqueue_indirect_dma source(%dma_start3A_159 : memref<10000x128xf32, #tpu.memory_space<hbm>>) target(%arg10 : memref<125x128xf32, #tpu.memory_space<vmem>>) offsets(%dma_start3A_156 : memref<125xi32, #tpu.memory_space<vmem>>) semaphore(%arg13 : memref<!tpu.dma_semaphore, #tpu.memory_space<semaphore_mem>>)
          %dma_wait3A_160 = arith.constant 0 : i32
          %dma_wait3A_161 = arith.constant 0 : i32
          %dma_wait3A_162 = tpu.memref_slice %arg8[%dma_wait3A_160, %dma_wait3A_161] : memref<32x125xi32, #tpu.memory_space<vmem>> -> memref<1x125xi32, #tpu.memory_space<vmem>>
          %dma_wait3A_163 = tpu.memref_squeeze %dma_wait3A_162 : memref<1x125xi32, #tpu.memory_space<vmem>> -> memref<125xi32, #tpu.memory_space<vmem>>
          %dma_wait3A_164 = arith.constant 0 : i32
          %dma_wait3A_165 = arith.constant 0 : i32
          %dma_wait3A_166 = tpu.memref_slice %arg5[%dma_wait3A_164, %dma_wait3A_165] : memref<10000x128xf32, #tpu.memory_space<hbm>> -> memref<10000x128xf32, #tpu.memory_space<hbm>>
          tpu.wait_indirect_dma semaphore(%arg14 : memref<!tpu.dma_semaphore, #tpu.memory_space<semaphore_mem>>) src(%dma_wait3A_166 : memref<10000x128xf32, #tpu.memory_space<hbm>>) dst(%arg11 : memref<125x128xf32, #tpu.memory_space<vmem>>)
          %sub3A = arith.constant 1 : i32
          %sub3A_167 = arith.subi %mul3A_146, %sub3A : i32
          %dma_start3A_168 = arith.constant 0 : i32
          %dma_start3A_169 = tpu.memref_slice %arg9[%sub3A_167, %dma_start3A_168] : memref<32x125xi32, #tpu.memory_space<vmem>> -> memref<1x125xi32, #tpu.memory_space<vmem>>
          %dma_start3A_170 = tpu.memref_squeeze %dma_start3A_169 : memref<1x125xi32, #tpu.memory_space<vmem>> -> memref<125xi32, #tpu.memory_space<vmem>>
          %dma_start3A_171 = arith.constant 0 : i32
          %dma_start3A_172 = arith.constant 0 : i32
          %dma_start3A_173 = tpu.memref_slice %arg12[%dma_start3A_171, %dma_start3A_172] : memref<10000x128xf32, #tpu.memory_space<vmem_shared>> -> memref<10000x128xf32, #tpu.memory_space<vmem_shared>>
          tpu.enqueue_indirect_dma source(%arg11 : memref<125x128xf32, #tpu.memory_space<vmem>>) target(%dma_start3A_173 : memref<10000x128xf32, #tpu.memory_space<vmem_shared>>) offsets(%dma_start3A_170 : memref<125xi32, #tpu.memory_space<vmem>>) semaphore(%arg16 : memref<!tpu.dma_semaphore, #tpu.memory_space<semaphore_mem>>) {add = true}
          %dma_wait3A_174 = arith.constant 0 : i32
          %dma_wait3A_175 = arith.constant 0 : i32
          %dma_wait3A_176 = tpu.memref_slice %arg9[%dma_wait3A_174, %dma_wait3A_175] : memref<32x125xi32, #tpu.memory_space<vmem>> -> memref<1x125xi32, #tpu.memory_space<vmem>>
          %dma_wait3A_177 = tpu.memref_squeeze %dma_wait3A_176 : memref<1x125xi32, #tpu.memory_space<vmem>> -> memref<125xi32, #tpu.memory_space<vmem>>
          %dma_wait3A_178 = arith.constant 0 : i32
          %dma_wait3A_179 = arith.constant 0 : i32
          %dma_wait3A_180 = tpu.memref_slice %arg12[%dma_wait3A_178, %dma_wait3A_179] : memref<10000x128xf32, #tpu.memory_space<vmem_shared>> -> memref<10000x128xf32, #tpu.memory_space<vmem_shared>>
          tpu.wait_indirect_dma semaphore(%arg16 : memref<!tpu.dma_semaphore, #tpu.memory_space<semaphore_mem>>) src(%arg11 : memref<125x128xf32, #tpu.memory_space<vmem>>) dst(%dma_wait3A_180 : memref<10000x128xf32, #tpu.memory_space<vmem_shared>>)
          %add3A_181 = arith.constant 1 : i32
          %add3A_182 = arith.addi %mul3A_146, %add3A_181 : i32
          %dma_start3A_183 = arith.constant 0 : i32
          %dma_start3A_184 = tpu.memref_slice %arg8[%add3A_182, %dma_start3A_183] : memref<32x125xi32, #tpu.memory_space<vmem>> -> memref<1x125xi32, #tpu.memory_space<vmem>>
          %dma_start3A_185 = tpu.memref_squeeze %dma_start3A_184 : memref<1x125xi32, #tpu.memory_space<vmem>> -> memref<125xi32, #tpu.memory_space<vmem>>
          %dma_start3A_186 = arith.constant 0 : i32
          %dma_start3A_187 = arith.constant 0 : i32
          %dma_start3A_188 = tpu.memref_slice %arg5[%dma_start3A_186, %dma_start3A_187] : memref<10000x128xf32, #tpu.memory_space<hbm>> -> memref<10000x128xf32, #tpu.memory_space<hbm>>
          tpu.enqueue_indirect_dma source(%dma_start3A_188 : memref<10000x128xf32, #tpu.memory_space<hbm>>) target(%arg11 : memref<125x128xf32, #tpu.memory_space<vmem>>) offsets(%dma_start3A_185 : memref<125xi32, #tpu.memory_space<vmem>>) semaphore(%arg14 : memref<!tpu.dma_semaphore, #tpu.memory_space<semaphore_mem>>)
          %dma_wait3A_189 = arith.constant 0 : i32
          %dma_wait3A_190 = arith.constant 0 : i32
          %dma_wait3A_191 = tpu.memref_slice %arg8[%dma_wait3A_189, %dma_wait3A_190] : memref<32x125xi32, #tpu.memory_space<vmem>> -> memref<1x125xi32, #tpu.memory_space<vmem>>
          %dma_wait3A_192 = tpu.memref_squeeze %dma_wait3A_191 : memref<1x125xi32, #tpu.memory_space<vmem>> -> memref<125xi32, #tpu.memory_space<vmem>>
          %dma_wait3A_193 = arith.constant 0 : i32
          %dma_wait3A_194 = arith.constant 0 : i32
          %dma_wait3A_195 = tpu.memref_slice %arg5[%dma_wait3A_193, %dma_wait3A_194] : memref<10000x128xf32, #tpu.memory_space<hbm>> -> memref<10000x128xf32, #tpu.memory_space<hbm>>
          tpu.wait_indirect_dma semaphore(%arg13 : memref<!tpu.dma_semaphore, #tpu.memory_space<semaphore_mem>>) src(%dma_wait3A_195 : memref<10000x128xf32, #tpu.memory_space<hbm>>) dst(%arg10 : memref<125x128xf32, #tpu.memory_space<vmem>>)
          %dma_start3A_196 = arith.constant 0 : i32
          %dma_start3A_197 = tpu.memref_slice %arg9[%mul3A_146, %dma_start3A_196] : memref<32x125xi32, #tpu.memory_space<vmem>> -> memref<1x125xi32, #tpu.memory_space<vmem>>
          %dma_start3A_198 = tpu.memref_squeeze %dma_start3A_197 : memref<1x125xi32, #tpu.memory_space<vmem>> -> memref<125xi32, #tpu.memory_space<vmem>>
          %dma_start3A_199 = arith.constant 0 : i32
          %dma_start3A_200 = arith.constant 0 : i32
          %dma_start3A_201 = tpu.memref_slice %arg12[%dma_start3A_199, %dma_start3A_200] : memref<10000x128xf32, #tpu.memory_space<vmem_shared>> -> memref<10000x128xf32, #tpu.memory_space<vmem_shared>>
          tpu.enqueue_indirect_dma source(%arg10 : memref<125x128xf32, #tpu.memory_space<vmem>>) target(%dma_start3A_201 : memref<10000x128xf32, #tpu.memory_space<vmem_shared>>) offsets(%dma_start3A_198 : memref<125xi32, #tpu.memory_space<vmem>>) semaphore(%arg15 : memref<!tpu.dma_semaphore, #tpu.memory_space<semaphore_mem>>) {add = true}
          %scan3A_202 = arith.constant 0 : i32
          scf.yield %scan3A_202 : i32
        }
        %scan3A_113 = arith.constant 15 : i32
        %dma_wait3A_114 = arith.constant 0 : i32
        %dma_wait3A_115 = arith.constant 0 : i32
        %dma_wait3A_116 = tpu.memref_slice %arg8[%dma_wait3A_114, %dma_wait3A_115] : memref<32x125xi32, #tpu.memory_space<vmem>> -> memref<1x125xi32, #tpu.memory_space<vmem>>
        %dma_wait3A_117 = tpu.memref_squeeze %dma_wait3A_116 : memref<1x125xi32, #tpu.memory_space<vmem>> -> memref<125xi32, #tpu.memory_space<vmem>>
        %dma_wait3A_118 = arith.constant 0 : i32
        %dma_wait3A_119 = arith.constant 0 : i32
        %dma_wait3A_120 = tpu.memref_slice %arg5[%dma_wait3A_118, %dma_wait3A_119] : memref<10000x128xf32, #tpu.memory_space<hbm>> -> memref<10000x128xf32, #tpu.memory_space<hbm>>
        tpu.wait_indirect_dma semaphore(%arg14 : memref<!tpu.dma_semaphore, #tpu.memory_space<semaphore_mem>>) src(%dma_wait3A_120 : memref<10000x128xf32, #tpu.memory_space<hbm>>) dst(%arg11 : memref<125x128xf32, #tpu.memory_space<vmem>>)
        %dma_start3A_121 = arith.constant 31 : i32
        %dma_start3A_122 = arith.constant 0 : i32
        %dma_start3A_123 = tpu.memref_slice %arg9[%dma_start3A_121, %dma_start3A_122] : memref<32x125xi32, #tpu.memory_space<vmem>> -> memref<1x125xi32, #tpu.memory_space<vmem>>
        %dma_start3A_124 = tpu.memref_squeeze %dma_start3A_123 : memref<1x125xi32, #tpu.memory_space<vmem>> -> memref<125xi32, #tpu.memory_space<vmem>>
        %dma_start3A_125 = arith.constant 0 : i32
        %dma_start3A_126 = arith.constant 0 : i32
        %dma_start3A_127 = tpu.memref_slice %arg12[%dma_start3A_125, %dma_start3A_126] : memref<10000x128xf32, #tpu.memory_space<vmem_shared>> -> memref<10000x128xf32, #tpu.memory_space<vmem_shared>>
        tpu.enqueue_indirect_dma source(%arg11 : memref<125x128xf32, #tpu.memory_space<vmem>>) target(%dma_start3A_127 : memref<10000x128xf32, #tpu.memory_space<vmem_shared>>) offsets(%dma_start3A_124 : memref<125xi32, #tpu.memory_space<vmem>>) semaphore(%arg16 : memref<!tpu.dma_semaphore, #tpu.memory_space<semaphore_mem>>) {add = true}
        %dma_wait3A_128 = arith.constant 0 : i32
        %dma_wait3A_129 = arith.constant 0 : i32
        %dma_wait3A_130 = tpu.memref_slice %arg9[%dma_wait3A_128, %dma_wait3A_129] : memref<32x125xi32, #tpu.memory_space<vmem>> -> memref<1x125xi32, #tpu.memory_space<vmem>>
        %dma_wait3A_131 = tpu.memref_squeeze %dma_wait3A_130 : memref<1x125xi32, #tpu.memory_space<vmem>> -> memref<125xi32, #tpu.memory_space<vmem>>
        %dma_wait3A_132 = arith.constant 0 : i32
        %dma_wait3A_133 = arith.constant 0 : i32
        %dma_wait3A_134 = tpu.memref_slice %arg12[%dma_wait3A_132, %dma_wait3A_133] : memref<10000x128xf32, #tpu.memory_space<vmem_shared>> -> memref<10000x128xf32, #tpu.memory_space<vmem_shared>>
        tpu.wait_indirect_dma semaphore(%arg15 : memref<!tpu.dma_semaphore, #tpu.memory_space<semaphore_mem>>) src(%arg10 : memref<125x128xf32, #tpu.memory_space<vmem>>) dst(%dma_wait3A_134 : memref<10000x128xf32, #tpu.memory_space<vmem_shared>>)
        %dma_wait3A_135 = arith.constant 0 : i32
        %dma_wait3A_136 = arith.constant 0 : i32
        %dma_wait3A_137 = tpu.memref_slice %arg9[%dma_wait3A_135, %dma_wait3A_136] : memref<32x125xi32, #tpu.memory_space<vmem>> -> memref<1x125xi32, #tpu.memory_space<vmem>>
        %dma_wait3A_138 = tpu.memref_squeeze %dma_wait3A_137 : memref<1x125xi32, #tpu.memory_space<vmem>> -> memref<125xi32, #tpu.memory_space<vmem>>
        %dma_wait3A_139 = arith.constant 0 : i32
        %dma_wait3A_140 = arith.constant 0 : i32
        %dma_wait3A_141 = tpu.memref_slice %arg12[%dma_wait3A_139, %dma_wait3A_140] : memref<10000x128xf32, #tpu.memory_space<vmem_shared>> -> memref<10000x128xf32, #tpu.memory_space<vmem_shared>>
        tpu.wait_indirect_dma semaphore(%arg16 : memref<!tpu.dma_semaphore, #tpu.memory_space<semaphore_mem>>) src(%arg11 : memref<125x128xf32, #tpu.memory_space<vmem>>) dst(%dma_wait3A_141 : memref<10000x128xf32, #tpu.memory_space<vmem_shared>>)
        %scan3A_142 = arith.constant 0 : i32
        scf.yield %scan3A_142 : i32
      }
      %scan3A_41 = arith.constant 5 : i32
      %barrier3A_42 = arith.constant 0 : index
      tpu.barrier barrier_id(%barrier3A_42)
      %add3A_43 = arith.constant 0 : i32
      %add3A_44 = arith.addi %mul3A_0, %add3A_43 : i32
      %add3A_45 = arith.constant 0 : i32
      %add3A_46 = arith.addi %mul3A_0, %add3A_45 : i32
      "tpu.region"() ({
        %run_scoped3A = tpu.sem_alloc : memref<!tpu.dma_semaphore, #tpu.memory_space<semaphore_mem>>
        %dma_start3A = arith.constant 0 : i32
        %dma_start3A_73 = tpu.memref_slice %arg7[%add3A_46, %dma_start3A] : memref<10000x128xf32, #tpu.memory_space<hbm>> -> memref<120x128xf32, #tpu.memory_space<hbm>>
        %dma_start3A_74 = arith.constant 0 : i32
        %dma_start3A_75 = tpu.memref_slice %arg12[%add3A_44, %dma_start3A_74] : memref<10000x128xf32, #tpu.memory_space<vmem_shared>> -> memref<120x128xf32, #tpu.memory_space<vmem_shared>>
        tpu.enqueue_dma source(%dma_start3A_75 : memref<120x128xf32, #tpu.memory_space<vmem_shared>>) target(%dma_start3A_73 : memref<120x128xf32, #tpu.memory_space<hbm>>) target_semaphore(%run_scoped3A : memref<!tpu.dma_semaphore, #tpu.memory_space<semaphore_mem>>)
        %dma_wait3A = arith.constant 0 : i32
        %dma_wait3A_76 = tpu.memref_slice %arg7[%add3A_46, %dma_wait3A] : memref<10000x128xf32, #tpu.memory_space<hbm>> -> memref<120x128xf32, #tpu.memory_space<hbm>>
        %dma_wait3A_77 = arith.constant 0 : i32
        %dma_wait3A_78 = tpu.memref_slice %arg12[%add3A_44, %dma_wait3A_77] : memref<10000x128xf32, #tpu.memory_space<vmem_shared>> -> memref<120x128xf32, #tpu.memory_space<vmem_shared>>
        tpu.wait_dma2 semaphore(%run_scoped3A : memref<!tpu.dma_semaphore, #tpu.memory_space<semaphore_mem>>) src(%dma_wait3A_78 : memref<120x128xf32, #tpu.memory_space<vmem_shared>>) dst(%dma_wait3A_76 : memref<120x128xf32, #tpu.memory_space<hbm>>)
        tpu.yield
      }) : () -> ()
      %add3A_47 = arith.constant 120 : i32
      %add3A_48 = arith.addi %mul3A_0, %add3A_47 : i32
      %add3A_49 = arith.constant 120 : i32
      %add3A_50 = arith.addi %mul3A_0, %add3A_49 : i32
      "tpu.region"() ({
        %run_scoped3A = tpu.sem_alloc : memref<!tpu.dma_semaphore, #tpu.memory_space<semaphore_mem>>
        %dma_start3A = arith.constant 0 : i32
        %dma_start3A_73 = tpu.memref_slice %arg7[%add3A_50, %dma_start3A] : memref<10000x128xf32, #tpu.memory_space<hbm>> -> memref<120x128xf32, #tpu.memory_space<hbm>>
        %dma_start3A_74 = arith.constant 0 : i32
        %dma_start3A_75 = tpu.memref_slice %arg12[%add3A_48, %dma_start3A_74] : memref<10000x128xf32, #tpu.memory_space<vmem_shared>> -> memref<120x128xf32, #tpu.memory_space<vmem_shared>>
        tpu.enqueue_dma source(%dma_start3A_75 : memref<120x128xf32, #tpu.memory_space<vmem_shared>>) target(%dma_start3A_73 : memref<120x128xf32, #tpu.memory_space<hbm>>) target_semaphore(%run_scoped3A : memref<!tpu.dma_semaphore, #tpu.memory_space<semaphore_mem>>)
        %dma_wait3A = arith.constant 0 : i32
        %dma_wait3A_76 = tpu.memref_slice %arg7[%add3A_50, %dma_wait3A] : memref<10000x128xf32, #tpu.memory_space<hbm>> -> memref<120x128xf32, #tpu.memory_space<hbm>>
        %dma_wait3A_77 = arith.constant 0 : i32
        %dma_wait3A_78 = tpu.memref_slice %arg12[%add3A_48, %dma_wait3A_77] : memref<10000x128xf32, #tpu.memory_space<vmem_shared>> -> memref<120x128xf32, #tpu.memory_space<vmem_shared>>
        tpu.wait_dma2 semaphore(%run_scoped3A : memref<!tpu.dma_semaphore, #tpu.memory_space<semaphore_mem>>) src(%dma_wait3A_78 : memref<120x128xf32, #tpu.memory_space<vmem_shared>>) dst(%dma_wait3A_76 : memref<120x128xf32, #tpu.memory_space<hbm>>)
        tpu.yield
      }) : () -> ()
      %add3A_51 = arith.constant 240 : i32
      %add3A_52 = arith.addi %mul3A_0, %add3A_51 : i32
      %add3A_53 = arith.constant 240 : i32
      %add3A_54 = arith.addi %mul3A_0, %add3A_53 : i32
      "tpu.region"() ({
        %run_scoped3A = tpu.sem_alloc : memref<!tpu.dma_semaphore, #tpu.memory_space<semaphore_mem>>
        %dma_start3A = arith.constant 0 : i32
        %dma_start3A_73 = tpu.memref_slice %arg7[%add3A_54, %dma_start3A] : memref<10000x128xf32, #tpu.memory_space<hbm>> -> memref<120x128xf32, #tpu.memory_space<hbm>>
        %dma_start3A_74 = arith.constant 0 : i32
        %dma_start3A_75 = tpu.memref_slice %arg12[%add3A_52, %dma_start3A_74] : memref<10000x128xf32, #tpu.memory_space<vmem_shared>> -> memref<120x128xf32, #tpu.memory_space<vmem_shared>>
        tpu.enqueue_dma source(%dma_start3A_75 : memref<120x128xf32, #tpu.memory_space<vmem_shared>>) target(%dma_start3A_73 : memref<120x128xf32, #tpu.memory_space<hbm>>) target_semaphore(%run_scoped3A : memref<!tpu.dma_semaphore, #tpu.memory_space<semaphore_mem>>)
        %dma_wait3A = arith.constant 0 : i32
        %dma_wait3A_76 = tpu.memref_slice %arg7[%add3A_54, %dma_wait3A] : memref<10000x128xf32, #tpu.memory_space<hbm>> -> memref<120x128xf32, #tpu.memory_space<hbm>>
        %dma_wait3A_77 = arith.constant 0 : i32
        %dma_wait3A_78 = tpu.memref_slice %arg12[%add3A_52, %dma_wait3A_77] : memref<10000x128xf32, #tpu.memory_space<vmem_shared>> -> memref<120x128xf32, #tpu.memory_space<vmem_shared>>
        tpu.wait_dma2 semaphore(%run_scoped3A : memref<!tpu.dma_semaphore, #tpu.memory_space<semaphore_mem>>) src(%dma_wait3A_78 : memref<120x128xf32, #tpu.memory_space<vmem_shared>>) dst(%dma_wait3A_76 : memref<120x128xf32, #tpu.memory_space<hbm>>)
        tpu.yield
      }) : () -> ()
      %add3A_55 = arith.constant 360 : i32
      %add3A_56 = arith.addi %mul3A_0, %add3A_55 : i32
      %add3A_57 = arith.constant 360 : i32
      %add3A_58 = arith.addi %mul3A_0, %add3A_57 : i32
      "tpu.region"() ({
        %run_scoped3A = tpu.sem_alloc : memref<!tpu.dma_semaphore, #tpu.memory_space<semaphore_mem>>
        %dma_start3A = arith.constant 0 : i32
        %dma_start3A_73 = tpu.memref_slice %arg7[%add3A_58, %dma_start3A] : memref<10000x128xf32, #tpu.memory_space<hbm>> -> memref<120x128xf32, #tpu.memory_space<hbm>>
        %dma_start3A_74 = arith.constant 0 : i32
        %dma_start3A_75 = tpu.memref_slice %arg12[%add3A_56, %dma_start3A_74] : memref<10000x128xf32, #tpu.memory_space<vmem_shared>> -> memref<120x128xf32, #tpu.memory_space<vmem_shared>>
        tpu.enqueue_dma source(%dma_start3A_75 : memref<120x128xf32, #tpu.memory_space<vmem_shared>>) target(%dma_start3A_73 : memref<120x128xf32, #tpu.memory_space<hbm>>) target_semaphore(%run_scoped3A : memref<!tpu.dma_semaphore, #tpu.memory_space<semaphore_mem>>)
        %dma_wait3A = arith.constant 0 : i32
        %dma_wait3A_76 = tpu.memref_slice %arg7[%add3A_58, %dma_wait3A] : memref<10000x128xf32, #tpu.memory_space<hbm>> -> memref<120x128xf32, #tpu.memory_space<hbm>>
        %dma_wait3A_77 = arith.constant 0 : i32
        %dma_wait3A_78 = tpu.memref_slice %arg12[%add3A_56, %dma_wait3A_77] : memref<10000x128xf32, #tpu.memory_space<vmem_shared>> -> memref<120x128xf32, #tpu.memory_space<vmem_shared>>
        tpu.wait_dma2 semaphore(%run_scoped3A : memref<!tpu.dma_semaphore, #tpu.memory_space<semaphore_mem>>) src(%dma_wait3A_78 : memref<120x128xf32, #tpu.memory_space<vmem_shared>>) dst(%dma_wait3A_76 : memref<120x128xf32, #tpu.memory_space<hbm>>)
        tpu.yield
      }) : () -> ()
      %add3A_59 = arith.constant 480 : i32
      %add3A_60 = arith.addi %mul3A_0, %add3A_59 : i32
      %add3A_61 = arith.constant 480 : i32
      %add3A_62 = arith.addi %mul3A_0, %add3A_61 : i32
      "tpu.region"() ({
        %run_scoped3A = tpu.sem_alloc : memref<!tpu.dma_semaphore, #tpu.memory_space<semaphore_mem>>
        %dma_start3A = arith.constant 0 : i32
        %dma_start3A_73 = tpu.memref_slice %arg7[%add3A_62, %dma_start3A] : memref<10000x128xf32, #tpu.memory_space<hbm>> -> memref<120x128xf32, #tpu.memory_space<hbm>>
        %dma_start3A_74 = arith.constant 0 : i32
        %dma_start3A_75 = tpu.memref_slice %arg12[%add3A_60, %dma_start3A_74] : memref<10000x128xf32, #tpu.memory_space<vmem_shared>> -> memref<120x128xf32, #tpu.memory_space<vmem_shared>>
        tpu.enqueue_dma source(%dma_start3A_75 : memref<120x128xf32, #tpu.memory_space<vmem_shared>>) target(%dma_start3A_73 : memref<120x128xf32, #tpu.memory_space<hbm>>) target_semaphore(%run_scoped3A : memref<!tpu.dma_semaphore, #tpu.memory_space<semaphore_mem>>)
        %dma_wait3A = arith.constant 0 : i32
        %dma_wait3A_76 = tpu.memref_slice %arg7[%add3A_62, %dma_wait3A] : memref<10000x128xf32, #tpu.memory_space<hbm>> -> memref<120x128xf32, #tpu.memory_space<hbm>>
        %dma_wait3A_77 = arith.constant 0 : i32
        %dma_wait3A_78 = tpu.memref_slice %arg12[%add3A_60, %dma_wait3A_77] : memref<10000x128xf32, #tpu.memory_space<vmem_shared>> -> memref<120x128xf32, #tpu.memory_space<vmem_shared>>
        tpu.wait_dma2 semaphore(%run_scoped3A : memref<!tpu.dma_semaphore, #tpu.memory_space<semaphore_mem>>) src(%dma_wait3A_78 : memref<120x128xf32, #tpu.memory_space<vmem_shared>>) dst(%dma_wait3A_76 : memref<120x128xf32, #tpu.memory_space<hbm>>)
        tpu.yield
      }) : () -> ()
      %lt3A_63 = arith.constant 15 : i32
      %lt3A_64 = arith.cmpi slt, %arg1, %lt3A_63 : i32
      %convert_element_type3A_65 = arith.extui %lt3A_64 : i1 to i32
      %cond3A_66 = arith.constant 0 : i32
      %cond3A_67 = arith.cmpi ne, %convert_element_type3A_65, %cond3A_66 : i32
      scf.if %cond3A_67 {
        %add3A_73 = arith.constant 600 : i32
        %add3A_74 = arith.addi %mul3A_0, %add3A_73 : i32
        %add3A_75 = arith.constant 600 : i32
        %add3A_76 = arith.addi %mul3A_0, %add3A_75 : i32
        "tpu.region"() ({
          %run_scoped3A = tpu.sem_alloc : memref<!tpu.dma_semaphore, #tpu.memory_space<semaphore_mem>>
          %dma_start3A = arith.constant 0 : i32
          %dma_start3A_77 = tpu.memref_slice %arg7[%add3A_76, %dma_start3A] : memref<10000x128xf32, #tpu.memory_space<hbm>> -> memref<24x128xf32, #tpu.memory_space<hbm>>
          %dma_start3A_78 = arith.constant 0 : i32
          %dma_start3A_79 = tpu.memref_slice %arg12[%add3A_74, %dma_start3A_78] : memref<10000x128xf32, #tpu.memory_space<vmem_shared>> -> memref<24x128xf32, #tpu.memory_space<vmem_shared>>
          tpu.enqueue_dma source(%dma_start3A_79 : memref<24x128xf32, #tpu.memory_space<vmem_shared>>) target(%dma_start3A_77 : memref<24x128xf32, #tpu.memory_space<hbm>>) target_semaphore(%run_scoped3A : memref<!tpu.dma_semaphore, #tpu.memory_space<semaphore_mem>>)
          %dma_wait3A = arith.constant 0 : i32
          %dma_wait3A_80 = tpu.memref_slice %arg7[%add3A_76, %dma_wait3A] : memref<10000x128xf32, #tpu.memory_space<hbm>> -> memref<24x128xf32, #tpu.memory_space<hbm>>
          %dma_wait3A_81 = arith.constant 0 : i32
          %dma_wait3A_82 = tpu.memref_slice %arg12[%add3A_74, %dma_wait3A_81] : memref<10000x128xf32, #tpu.memory_space<vmem_shared>> -> memref<24x128xf32, #tpu.memory_space<vmem_shared>>
          tpu.wait_dma2 semaphore(%run_scoped3A : memref<!tpu.dma_semaphore, #tpu.memory_space<semaphore_mem>>) src(%dma_wait3A_82 : memref<24x128xf32, #tpu.memory_space<vmem_shared>>) dst(%dma_wait3A_80 : memref<24x128xf32, #tpu.memory_space<hbm>>)
          tpu.yield
        }) : () -> ()
      } else {
      }
      %eq3A_68 = arith.constant 15 : i32
      %eq3A_69 = arith.cmpi eq, %arg1, %eq3A_68 : i32
      %convert_element_type3A_70 = arith.extui %eq3A_69 : i1 to i32
      %cond3A_71 = arith.constant 0 : i32
      %cond3A_72 = arith.cmpi ne, %convert_element_type3A_70, %cond3A_71 : i32
      scf.if %cond3A_72 {
        %add3A_73 = arith.constant 600 : i32
        %add3A_74 = arith.addi %mul3A_0, %add3A_73 : i32
        %add3A_75 = arith.constant 600 : i32
        %add3A_76 = arith.addi %mul3A_0, %add3A_75 : i32
        "tpu.region"() ({
          %run_scoped3A = tpu.sem_alloc : memref<!tpu.dma_semaphore, #tpu.memory_space<semaphore_mem>>
          %dma_start3A = arith.constant 0 : i32
          %dma_start3A_77 = tpu.memref_slice %arg7[%add3A_76, %dma_start3A] : memref<10000x128xf32, #tpu.memory_space<hbm>> -> memref<40x128xf32, #tpu.memory_space<hbm>>
          %dma_start3A_78 = arith.constant 0 : i32
          %dma_start3A_79 = tpu.memref_slice %arg12[%add3A_74, %dma_start3A_78] : memref<10000x128xf32, #tpu.memory_space<vmem_shared>> -> memref<40x128xf32, #tpu.memory_space<vmem_shared>>
          tpu.enqueue_dma source(%dma_start3A_79 : memref<40x128xf32, #tpu.memory_space<vmem_shared>>) target(%dma_start3A_77 : memref<40x128xf32, #tpu.memory_space<hbm>>) target_semaphore(%run_scoped3A : memref<!tpu.dma_semaphore, #tpu.memory_space<semaphore_mem>>)
          %dma_wait3A = arith.constant 0 : i32
          %dma_wait3A_80 = tpu.memref_slice %arg7[%add3A_76, %dma_wait3A] : memref<10000x128xf32, #tpu.memory_space<hbm>> -> memref<40x128xf32, #tpu.memory_space<hbm>>
          %dma_wait3A_81 = arith.constant 0 : i32
          %dma_wait3A_82 = tpu.memref_slice %arg12[%add3A_74, %dma_wait3A_81] : memref<10000x128xf32, #tpu.memory_space<vmem_shared>> -> memref<40x128xf32, #tpu.memory_space<vmem_shared>>
          tpu.wait_dma2 semaphore(%run_scoped3A : memref<!tpu.dma_semaphore, #tpu.memory_space<semaphore_mem>>) src(%dma_wait3A_82 : memref<40x128xf32, #tpu.memory_space<vmem_shared>>) dst(%dma_wait3A_80 : memref<40x128xf32, #tpu.memory_space<hbm>>)
          tpu.yield
        }) : () -> ()
      } else {
      }
    } else {
    }
    return
  }
}

module attributes {stable_mosaic.version = 14 : i64} {
  func.func @_stage_b1_body(%arg0: i32, %arg1: memref<2000x128xf32, #tpu.memory_space<vmem>>, %arg2: memref<128x256xf32, #tpu.memory_space<vmem>>, %arg3: memref<1x256xf32, #tpu.memory_space<vmem>>, %arg4: memref<1xf32, #tpu.memory_space<smem>>, %arg5: memref<256x256xf32, #tpu.memory_space<vmem>>, %arg6: memref<2000x256xf32, #tpu.memory_space<vmem>>) attributes {dimension_semantics = [#tpu.dimension_semantics<arbitrary>], iteration_bounds = array<i64: 5>, scalar_prefetch = 0 : i64, scratch_operands = 0 : i64, tpu.core_type = #tpu.core_type<tc>, window_params = [{transform_indices = @transform_0, window_bounds = array<i64: 2000, 128>}, {pipeline_mode = #tpu.pipeline_mode<synchronous>, transform_indices = @transform_1, window_bounds = array<i64: 128, 256>}, {pipeline_mode = #tpu.pipeline_mode<synchronous>, transform_indices = @transform_2, window_bounds = array<i64: 1, 256>}, {transform_indices = @transform_3, window_bounds = array<i64: 1>}, {pipeline_mode = #tpu.pipeline_mode<synchronous>, transform_indices = @transform_4, window_bounds = array<i64: 256, 256>}, {transform_indices = @transform_5, window_bounds = array<i64: 2000, 256>}]} {
    %get3A = arith.constant 0 : index
    %get3A_0 = memref.load %arg4[%get3A] : memref<1xf32, #tpu.memory_space<smem>>
    %get3A_1 = arith.constant 0 : index
    %get3A_2 = arith.constant 0 : index
    %get3A_3 = vector.load %arg1[%get3A_1, %get3A_2] : memref<2000x128xf32, #tpu.memory_space<vmem>>, vector<2000x128xf32>
    %get3A_4 = arith.constant 0 : index
    %get3A_5 = arith.constant 0 : index
    %get3A_6 = vector.load %arg2[%get3A_4, %get3A_5] : memref<128x256xf32, #tpu.memory_space<vmem>>, vector<128x256xf32>
    %dot_general3A = arith.constant dense<0.000000e+00> : vector<2000x256xf32>
    %dot_general3A_7 = tpu.matmul %get3A_3, %get3A_6, %dot_general3A {dimension_numbers = #tpu.dot_dimension_numbers<[1], [0], [0], [1], [0, 0, 1, 1], [], []>, transpose_lhs_hint = false} : vector<2000x128xf32>, vector<128x256xf32>, vector<2000x256xf32> -> vector<2000x256xf32>
    %get3A_8 = arith.constant 0 : index
    %get3A_9 = arith.constant 0 : index
    %get3A_10 = vector.load %arg3[%get3A_8, %get3A_9] : memref<1x256xf32, #tpu.memory_space<vmem>>, vector<1x256xf32>
    %add3A = vector.broadcast %get3A_10 : vector<1x256xf32> to vector<2000x256xf32>
    %add3A_11 = arith.addf %dot_general3A_7, %add3A : vector<2000x256xf32>
    %ge3A = arith.constant 0.000000e+00 : f32
    %ge3A_12 = vector.broadcast %ge3A : f32 to vector<2000x256xf32>
    %ge3A_13 = arith.cmpf oge, %add3A_11, %ge3A_12 : vector<2000x256xf32>
    %mul3A = vector.broadcast %get3A_0 : f32 to vector<2000x256xf32>
    %mul3A_14 = arith.mulf %mul3A, %add3A_11 : vector<2000x256xf32>
    %select_n3A = arith.select %ge3A_13, %add3A_11, %mul3A_14 : vector<2000x256xi1>, vector<2000x256xf32>
    %get3A_15 = arith.constant 0 : index
    %get3A_16 = arith.constant 0 : index
    %get3A_17 = vector.load %arg5[%get3A_15, %get3A_16] : memref<256x256xf32, #tpu.memory_space<vmem>>, vector<256x256xf32>
    %dot_general3A_18 = arith.constant dense<0.000000e+00> : vector<2000x256xf32>
    %dot_general3A_19 = tpu.matmul %select_n3A, %get3A_17, %dot_general3A_18 {dimension_numbers = #tpu.dot_dimension_numbers<[1], [0], [0], [1], [0, 0, 1, 1], [], []>, transpose_lhs_hint = false} : vector<2000x256xf32>, vector<256x256xf32>, vector<2000x256xf32> -> vector<2000x256xf32>
    %swap3A = arith.constant 0 : index
    %swap3A_20 = arith.constant 0 : index
    %swap3A_21 = vector.load %arg6[%swap3A, %swap3A_20] : memref<2000x256xf32, #tpu.memory_space<vmem>>, vector<2000x256xf32>
    tpu.vector_store %arg6[%swap3A, %swap3A_20], %dot_general3A_19 {strides = array<i32>} : memref<2000x256xf32, #tpu.memory_space<vmem>>, vector<2000x256xf32>,
    return
  }
  func.func @transform_0(%arg0: i32) -> (i32, i32) {
    %c0_i32 = arith.constant 0 : i32
    %c0_i32_0 = arith.constant 0 : i32
    return %arg0, %c0_i32 : i32, i32
  }
  func.func @transform_1(%arg0: i32) -> (i32, i32) {
    %c0_i32 = arith.constant 0 : i32
    %c0_i32_0 = arith.constant 0 : i32
    %c0_i32_1 = arith.constant 0 : i32
    return %c0_i32, %c0_i32_0 : i32, i32
  }
  func.func @transform_2(%arg0: i32) -> (i32, i32) {
    %c0_i32 = arith.constant 0 : i32
    %c0_i32_0 = arith.constant 0 : i32
    %c0_i32_1 = arith.constant 0 : i32
    return %c0_i32, %c0_i32_0 : i32, i32
  }
  func.func @transform_3(%arg0: i32) -> i32 {
    %c0_i32 = arith.constant 0 : i32
    %c0_i32_0 = arith.constant 0 : i32
    return %c0_i32 : i32
  }
  func.func @transform_4(%arg0: i32) -> (i32, i32) {
    %c0_i32 = arith.constant 0 : i32
    %c0_i32_0 = arith.constant 0 : i32
    %c0_i32_1 = arith.constant 0 : i32
    return %c0_i32, %c0_i32_0 : i32, i32
  }
  func.func @transform_5(%arg0: i32) -> (i32, i32) {
    %c0_i32 = arith.constant 0 : i32
    %c0_i32_0 = arith.constant 0 : i32
    return %arg0, %c0_i32 : i32, i32
  }
}

module attributes {stable_mosaic.version = 14 : i64} {
  func.func @_stage_b2_body(%arg0: i32, %arg1: memref<2000x256xf32, #tpu.memory_space<vmem>>, %arg2: memref<2000x16xf32, #tpu.memory_space<vmem>>, %arg3: memref<2000x128xf32, #tpu.memory_space<vmem>>, %arg4: memref<2000x128xf32, #tpu.memory_space<vmem>>) attributes {dimension_semantics = [#tpu.dimension_semantics<arbitrary>], iteration_bounds = array<i64: 5>, scalar_prefetch = 0 : i64, scratch_operands = 0 : i64, tpu.core_type = #tpu.core_type<tc>, window_params = [{transform_indices = @transform_0, window_bounds = array<i64: 2000, 256>}, {transform_indices = @transform_1, window_bounds = array<i64: 2000, 16>}, {transform_indices = @transform_2, window_bounds = array<i64: 2000, 128>}, {transform_indices = @transform_3, window_bounds = array<i64: 2000, 128>}]} {
    %get3A = arith.constant 0 : index
    %get3A_0 = arith.constant 0 : index
    %get3A_1 = vector.load %arg2[%get3A, %get3A_0] : memref<2000x16xf32, #tpu.memory_space<vmem>>, vector<2000x1xf32>
    %add3A = arith.constant 1.000000e+00 : f32
    %add3A_2 = vector.broadcast %add3A : f32 to vector<2000x1xf32>
    %add3A_3 = arith.addf %get3A_1, %add3A_2 : vector<2000x1xf32>
    %rsqrt3A = math.rsqrt %add3A_3 : vector<2000x1xf32>
    %get3A_4 = arith.constant 0 : index
    %get3A_5 = arith.constant 0 : index
    %get3A_6 = vector.load %arg1[%get3A_4, %get3A_5] : memref<2000x256xf32, #tpu.memory_space<vmem>>, vector<2000x256xf32>
    %mul3A = vector.broadcast %rsqrt3A : vector<2000x1xf32> to vector<2000x256xf32>
    %mul3A_7 = arith.mulf %get3A_6, %mul3A : vector<2000x256xf32>
    %slice3A = vector.extract_strided_slice %mul3A_7 {offsets = [0, 0], sizes = [2000, 128], strides = [1, 1]} : vector<2000x256xf32> to vector<2000x128xf32>
    %swap3A = arith.constant 0 : index
    %swap3A_8 = arith.constant 0 : index
    %swap3A_9 = vector.load %arg3[%swap3A, %swap3A_8] : memref<2000x128xf32, #tpu.memory_space<vmem>>, vector<2000x128xf32>
    tpu.vector_store %arg3[%swap3A, %swap3A_8], %slice3A {strides = array<i32>} : memref<2000x128xf32, #tpu.memory_space<vmem>>, vector<2000x128xf32>,
    %slice3A_10 = vector.extract_strided_slice %mul3A_7 {offsets = [0, 128], sizes = [2000, 128], strides = [1, 1]} : vector<2000x256xf32> to vector<2000x128xf32>
    %swap3A_11 = arith.constant 0 : index
    %swap3A_12 = arith.constant 0 : index
    %swap3A_13 = vector.load %arg4[%swap3A_11, %swap3A_12] : memref<2000x128xf32, #tpu.memory_space<vmem>>, vector<2000x128xf32>
    tpu.vector_store %arg4[%swap3A_11, %swap3A_12], %slice3A_10 {strides = array<i32>} : memref<2000x128xf32, #tpu.memory_space<vmem>>, vector<2000x128xf32>,
    return
  }
  func.func @transform_0(%arg0: i32) -> (i32, i32) {
    %c0_i32 = arith.constant 0 : i32
    %c0_i32_0 = arith.constant 0 : i32
    return %arg0, %c0_i32 : i32, i32
  }
  func.func @transform_1(%arg0: i32) -> (i32, i32) {
    %c0_i32 = arith.constant 0 : i32
    %c0_i32_0 = arith.constant 0 : i32
    return %arg0, %c0_i32 : i32, i32
  }
  func.func @transform_2(%arg0: i32) -> (i32, i32) {
    %c0_i32 = arith.constant 0 : i32
    %c0_i32_0 = arith.constant 0 : i32
    return %arg0, %c0_i32 : i32, i32
  }
  func.func @transform_3(%arg0: i32) -> (i32, i32) {
    %c0_i32 = arith.constant 0 : i32
    %c0_i32_0 = arith.constant 0 : i32
    return %arg0, %c0_i32 : i32, i32
  }
}

module attributes {stable_mosaic.version = 14 : i64} {
  func.func @_stage_d_body(%arg0: i32, %arg1: memref<2000x128xf32, #tpu.memory_space<vmem>>, %arg2: memref<2000x128xf32, #tpu.memory_space<vmem>>, %arg3: memref<2000x256xf32, #tpu.memory_space<vmem>>, %arg4: memref<1x256xf32, #tpu.memory_space<vmem>>, %arg5: memref<1xf32, #tpu.memory_space<smem>>, %arg6: memref<256x256xf32, #tpu.memory_space<vmem>>, %arg7: memref<2000x16xf32, #tpu.memory_space<vmem>>, %arg8: memref<2000x256xf32, #tpu.memory_space<vmem>>, %arg9: memref<2000x128xf32, #tpu.memory_space<vmem>>, %arg10: memref<2000x128xf32, #tpu.memory_space<vmem>>) attributes {dimension_semantics = [#tpu.dimension_semantics<arbitrary>], iteration_bounds = array<i64: 5>, scalar_prefetch = 0 : i64, scratch_operands = 0 : i64, tpu.core_type = #tpu.core_type<tc>, window_params = [{transform_indices = @transform_0, window_bounds = array<i64: 2000, 128>}, {transform_indices = @transform_1, window_bounds = array<i64: 2000, 128>}, {transform_indices = @transform_2, window_bounds = array<i64: 2000, 256>}, {pipeline_mode = #tpu.pipeline_mode<synchronous>, transform_indices = @transform_3, window_bounds = array<i64: 1, 256>}, {transform_indices = @transform_4, window_bounds = array<i64: 1>}, {pipeline_mode = #tpu.pipeline_mode<synchronous>, transform_indices = @transform_5, window_bounds = array<i64: 256, 256>}, {transform_indices = @transform_6, window_bounds = array<i64: 2000, 16>}, {transform_indices = @transform_7, window_bounds = array<i64: 2000, 256>}, {transform_indices = @transform_8, window_bounds = array<i64: 2000, 128>}, {transform_indices = @transform_9, window_bounds = array<i64: 2000, 128>}]} {
    %get3A = arith.constant 0 : index
    %get3A_0 = memref.load %arg5[%get3A] : memref<1xf32, #tpu.memory_space<smem>>
    %get3A_1 = arith.constant 0 : index
    %get3A_2 = arith.constant 0 : index
    %get3A_3 = vector.load %arg7[%get3A_1, %get3A_2] : memref<2000x16xf32, #tpu.memory_space<vmem>>, vector<2000x1xf32>
    %add3A = arith.constant 1.000000e+00 : f32
    %add3A_4 = vector.broadcast %add3A : f32 to vector<2000x1xf32>
    %add3A_5 = arith.addf %get3A_3, %add3A_4 : vector<2000x1xf32>
    %rsqrt3A = math.rsqrt %add3A_5 : vector<2000x1xf32>
    %get3A_6 = arith.constant 0 : index
    %get3A_7 = arith.constant 0 : index
    %get3A_8 = vector.load %arg1[%get3A_6, %get3A_7] : memref<2000x128xf32, #tpu.memory_space<vmem>>, vector<2000x128xf32>
    %get3A_9 = arith.constant 0 : index
    %get3A_10 = arith.constant 0 : index
    %get3A_11 = vector.load %arg2[%get3A_9, %get3A_10] : memref<2000x128xf32, #tpu.memory_space<vmem>>, vector<2000x128xf32>
    %concatenate3A = tpu.concatenate %get3A_8, %get3A_11 in 1 : vector<2000x128xf32>, vector<2000x128xf32> -> vector<2000x256xf32>
    %mul3A = vector.broadcast %rsqrt3A : vector<2000x1xf32> to vector<2000x256xf32>
    %mul3A_12 = arith.mulf %concatenate3A, %mul3A : vector<2000x256xf32>
    %get3A_13 = arith.constant 0 : index
    %get3A_14 = arith.constant 0 : index
    %get3A_15 = vector.load %arg3[%get3A_13, %get3A_14] : memref<2000x256xf32, #tpu.memory_space<vmem>>, vector<2000x256xf32>
    %mul3A_16 = arith.mulf %rsqrt3A, %rsqrt3A : vector<2000x1xf32>
    %mul3A_17 = vector.broadcast %mul3A_16 : vector<2000x1xf32> to vector<2000x256xf32>
    %mul3A_18 = arith.mulf %get3A_15, %mul3A_17 : vector<2000x256xf32>
    %add3A_19 = arith.addf %mul3A_12, %mul3A_18 : vector<2000x256xf32>
    %get3A_20 = arith.constant 0 : index
    %get3A_21 = arith.constant 0 : index
    %get3A_22 = vector.load %arg4[%get3A_20, %get3A_21] : memref<1x256xf32, #tpu.memory_space<vmem>>, vector<1x256xf32>
    %add3A_23 = vector.broadcast %get3A_22 : vector<1x256xf32> to vector<2000x256xf32>
    %add3A_24 = arith.addf %add3A_19, %add3A_23 : vector<2000x256xf32>
    %ge3A = arith.constant 0.000000e+00 : f32
    %ge3A_25 = vector.broadcast %ge3A : f32 to vector<2000x256xf32>
    %ge3A_26 = arith.cmpf oge, %add3A_24, %ge3A_25 : vector<2000x256xf32>
    %mul3A_27 = vector.broadcast %get3A_0 : f32 to vector<2000x256xf32>
    %mul3A_28 = arith.mulf %mul3A_27, %add3A_24 : vector<2000x256xf32>
    %select_n3A = arith.select %ge3A_26, %add3A_24, %mul3A_28 : vector<2000x256xi1>, vector<2000x256xf32>
    %get3A_29 = arith.constant 0 : index
    %get3A_30 = arith.constant 0 : index
    %get3A_31 = vector.load %arg6[%get3A_29, %get3A_30] : memref<256x256xf32, #tpu.memory_space<vmem>>, vector<256x256xf32>
    %dot_general3A = arith.constant dense<0.000000e+00> : vector<2000x256xf32>
    %dot_general3A_32 = tpu.matmul %select_n3A, %get3A_31, %dot_general3A {dimension_numbers = #tpu.dot_dimension_numbers<[1], [0], [0], [1], [0, 0, 1, 1], [], []>, transpose_lhs_hint = false} : vector<2000x256xf32>, vector<256x256xf32>, vector<2000x256xf32> -> vector<2000x256xf32>
    %mul3A_33 = vector.broadcast %rsqrt3A : vector<2000x1xf32> to vector<2000x256xf32>
    %mul3A_34 = arith.mulf %dot_general3A_32, %mul3A_33 : vector<2000x256xf32>
    %swap3A = arith.constant 0 : index
    %swap3A_35 = arith.constant 0 : index
    %swap3A_36 = vector.load %arg8[%swap3A, %swap3A_35] : memref<2000x256xf32, #tpu.memory_space<vmem>>, vector<2000x256xf32>
    tpu.vector_store %arg8[%swap3A, %swap3A_35], %dot_general3A_32 {strides = array<i32>} : memref<2000x256xf32, #tpu.memory_space<vmem>>, vector<2000x256xf32>,
    %slice3A = vector.extract_strided_slice %mul3A_34 {offsets = [0, 0], sizes = [2000, 128], strides = [1, 1]} : vector<2000x256xf32> to vector<2000x128xf32>
    %swap3A_37 = arith.constant 0 : index
    %swap3A_38 = arith.constant 0 : index
    %swap3A_39 = vector.load %arg9[%swap3A_37, %swap3A_38] : memref<2000x128xf32, #tpu.memory_space<vmem>>, vector<2000x128xf32>
    tpu.vector_store %arg9[%swap3A_37, %swap3A_38], %slice3A {strides = array<i32>} : memref<2000x128xf32, #tpu.memory_space<vmem>>, vector<2000x128xf32>,
    %slice3A_40 = vector.extract_strided_slice %mul3A_34 {offsets = [0, 128], sizes = [2000, 128], strides = [1, 1]} : vector<2000x256xf32> to vector<2000x128xf32>
    %swap3A_41 = arith.constant 0 : index
    %swap3A_42 = arith.constant 0 : index
    %swap3A_43 = vector.load %arg10[%swap3A_41, %swap3A_42] : memref<2000x128xf32, #tpu.memory_space<vmem>>, vector<2000x128xf32>
    tpu.vector_store %arg10[%swap3A_41, %swap3A_42], %slice3A_40 {strides = array<i32>} : memref<2000x128xf32, #tpu.memory_space<vmem>>, vector<2000x128xf32>,
    return
  }
  func.func @transform_0(%arg0: i32) -> (i32, i32) {
    %c0_i32 = arith.constant 0 : i32
    %c0_i32_0 = arith.constant 0 : i32
    return %arg0, %c0_i32 : i32, i32
  }
  func.func @transform_1(%arg0: i32) -> (i32, i32) {
    %c0_i32 = arith.constant 0 : i32
    %c0_i32_0 = arith.constant 0 : i32
    return %arg0, %c0_i32 : i32, i32
  }
  func.func @transform_2(%arg0: i32) -> (i32, i32) {
    %c0_i32 = arith.constant 0 : i32
    %c0_i32_0 = arith.constant 0 : i32
    return %arg0, %c0_i32 : i32, i32
  }
  func.func @transform_3(%arg0: i32) -> (i32, i32) {
    %c0_i32 = arith.constant 0 : i32
    %c0_i32_0 = arith.constant 0 : i32
    %c0_i32_1 = arith.constant 0 : i32
    return %c0_i32, %c0_i32_0 : i32, i32
  }
  func.func @transform_4(%arg0: i32) -> i32 {
    %c0_i32 = arith.constant 0 : i32
    %c0_i32_0 = arith.constant 0 : i32
    return %c0_i32 : i32
  }
  func.func @transform_5(%arg0: i32) -> (i32, i32) {
    %c0_i32 = arith.constant 0 : i32
    %c0_i32_0 = arith.constant 0 : i32
    %c0_i32_1 = arith.constant 0 : i32
    return %c0_i32, %c0_i32_0 : i32, i32
  }
  func.func @transform_6(%arg0: i32) -> (i32, i32) {
    %c0_i32 = arith.constant 0 : i32
    %c0_i32_0 = arith.constant 0 : i32
    return %arg0, %c0_i32 : i32, i32
  }
  func.func @transform_7(%arg0: i32) -> (i32, i32) {
    %c0_i32 = arith.constant 0 : i32
    %c0_i32_0 = arith.constant 0 : i32
    return %arg0, %c0_i32 : i32, i32
  }
  func.func @transform_8(%arg0: i32) -> (i32, i32) {
    %c0_i32 = arith.constant 0 : i32
    %c0_i32_0 = arith.constant 0 : i32
    return %arg0, %c0_i32 : i32, i32
  }
  func.func @transform_9(%arg0: i32) -> (i32, i32) {
    %c0_i32 = arith.constant 0 : i32
    %c0_i32_0 = arith.constant 0 : i32
    return %arg0, %c0_i32 : i32, i32
  }
}

module attributes {stable_mosaic.version = 14 : i64} {
  func.func @_stage_f_body(%arg0: i32, %arg1: memref<2000x128xf32, #tpu.memory_space<vmem>>, %arg2: memref<2000x128xf32, #tpu.memory_space<vmem>>, %arg3: memref<2000x256xf32, #tpu.memory_space<vmem>>, %arg4: memref<1x256xf32, #tpu.memory_space<vmem>>, %arg5: memref<1xf32, #tpu.memory_space<smem>>, %arg6: memref<2000x16xf32, #tpu.memory_space<vmem>>, %arg7: memref<2000x256xf32, #tpu.memory_space<vmem>>) attributes {dimension_semantics = [#tpu.dimension_semantics<arbitrary>], iteration_bounds = array<i64: 5>, scalar_prefetch = 0 : i64, scratch_operands = 0 : i64, tpu.core_type = #tpu.core_type<tc>, window_params = [{transform_indices = @transform_0, window_bounds = array<i64: 2000, 128>}, {transform_indices = @transform_1, window_bounds = array<i64: 2000, 128>}, {transform_indices = @transform_2, window_bounds = array<i64: 2000, 256>}, {pipeline_mode = #tpu.pipeline_mode<synchronous>, transform_indices = @transform_3, window_bounds = array<i64: 1, 256>}, {transform_indices = @transform_4, window_bounds = array<i64: 1>}, {transform_indices = @transform_5, window_bounds = array<i64: 2000, 16>}, {transform_indices = @transform_6, window_bounds = array<i64: 2000, 256>}]} {
    %get3A = arith.constant 0 : index
    %get3A_0 = memref.load %arg5[%get3A] : memref<1xf32, #tpu.memory_space<smem>>
    %get3A_1 = arith.constant 0 : index
    %get3A_2 = arith.constant 0 : index
    %get3A_3 = vector.load %arg6[%get3A_1, %get3A_2] : memref<2000x16xf32, #tpu.memory_space<vmem>>, vector<2000x1xf32>
    %add3A = arith.constant 1.000000e+00 : f32
    %add3A_4 = vector.broadcast %add3A : f32 to vector<2000x1xf32>
    %add3A_5 = arith.addf %get3A_3, %add3A_4 : vector<2000x1xf32>
    %rsqrt3A = math.rsqrt %add3A_5 : vector<2000x1xf32>
    %get3A_6 = arith.constant 0 : index
    %get3A_7 = arith.constant 0 : index
    %get3A_8 = vector.load %arg1[%get3A_6, %get3A_7] : memref<2000x128xf32, #tpu.memory_space<vmem>>, vector<2000x128xf32>
    %get3A_9 = arith.constant 0 : index
    %get3A_10 = arith.constant 0 : index
    %get3A_11 = vector.load %arg2[%get3A_9, %get3A_10] : memref<2000x128xf32, #tpu.memory_space<vmem>>, vector<2000x128xf32>
    %concatenate3A = tpu.concatenate %get3A_8, %get3A_11 in 1 : vector<2000x128xf32>, vector<2000x128xf32> -> vector<2000x256xf32>
    %mul3A = vector.broadcast %rsqrt3A : vector<2000x1xf32> to vector<2000x256xf32>
    %mul3A_12 = arith.mulf %concatenate3A, %mul3A : vector<2000x256xf32>
    %get3A_13 = arith.constant 0 : index
    %get3A_14 = arith.constant 0 : index
    %get3A_15 = vector.load %arg3[%get3A_13, %get3A_14] : memref<2000x256xf32, #tpu.memory_space<vmem>>, vector<2000x256xf32>
    %mul3A_16 = arith.mulf %rsqrt3A, %rsqrt3A : vector<2000x1xf32>
    %mul3A_17 = vector.broadcast %mul3A_16 : vector<2000x1xf32> to vector<2000x256xf32>
    %mul3A_18 = arith.mulf %get3A_15, %mul3A_17 : vector<2000x256xf32>
    %add3A_19 = arith.addf %mul3A_12, %mul3A_18 : vector<2000x256xf32>
    %get3A_20 = arith.constant 0 : index
    %get3A_21 = arith.constant 0 : index
    %get3A_22 = vector.load %arg4[%get3A_20, %get3A_21] : memref<1x256xf32, #tpu.memory_space<vmem>>, vector<1x256xf32>
    %add3A_23 = vector.broadcast %get3A_22 : vector<1x256xf32> to vector<2000x256xf32>
    %add3A_24 = arith.addf %add3A_19, %add3A_23 : vector<2000x256xf32>
    %ge3A = arith.constant 0.000000e+00 : f32
    %ge3A_25 = vector.broadcast %ge3A : f32 to vector<2000x256xf32>
    %ge3A_26 = arith.cmpf oge, %add3A_24, %ge3A_25 : vector<2000x256xf32>
    %mul3A_27 = vector.broadcast %get3A_0 : f32 to vector<2000x256xf32>
    %mul3A_28 = arith.mulf %mul3A_27, %add3A_24 : vector<2000x256xf32>
    %select_n3A = arith.select %ge3A_26, %add3A_24, %mul3A_28 : vector<2000x256xi1>, vector<2000x256xf32>
    %swap3A = arith.constant 0 : index
    %swap3A_29 = arith.constant 0 : index
    %swap3A_30 = vector.load %arg7[%swap3A, %swap3A_29] : memref<2000x256xf32, #tpu.memory_space<vmem>>, vector<2000x256xf32>
    tpu.vector_store %arg7[%swap3A, %swap3A_29], %select_n3A {strides = array<i32>} : memref<2000x256xf32, #tpu.memory_space<vmem>>, vector<2000x256xf32>,
    return
  }
  func.func @transform_0(%arg0: i32) -> (i32, i32) {
    %c0_i32 = arith.constant 0 : i32
    %c0_i32_0 = arith.constant 0 : i32
    return %arg0, %c0_i32 : i32, i32
  }
  func.func @transform_1(%arg0: i32) -> (i32, i32) {
    %c0_i32 = arith.constant 0 : i32
    %c0_i32_0 = arith.constant 0 : i32
    return %arg0, %c0_i32 : i32, i32
  }
  func.func @transform_2(%arg0: i32) -> (i32, i32) {
    %c0_i32 = arith.constant 0 : i32
    %c0_i32_0 = arith.constant 0 : i32
    return %arg0, %c0_i32 : i32, i32
  }
  func.func @transform_3(%arg0: i32) -> (i32, i32) {
    %c0_i32 = arith.constant 0 : i32
    %c0_i32_0 = arith.constant 0 : i32
    %c0_i32_1 = arith.constant 0 : i32
    return %c0_i32, %c0_i32_0 : i32, i32
  }
  func.func @transform_4(%arg0: i32) -> i32 {
    %c0_i32 = arith.constant 0 : i32
    %c0_i32_0 = arith.constant 0 : i32
    return %c0_i32 : i32
  }
  func.func @transform_5(%arg0: i32) -> (i32, i32) {
    %c0_i32 = arith.constant 0 : i32
    %c0_i32_0 = arith.constant 0 : i32
    return %arg0, %c0_i32 : i32, i32
  }
  func.func @transform_6(%arg0: i32) -> (i32, i32) {
    %c0_i32 = arith.constant 0 : i32
    %c0_i32_0 = arith.constant 0 : i32
    return %arg0, %c0_i32 : i32, i32
  }
}

</mosaic_0001>

<sc_bundles>
// kernel: kernel.12.cloned.1.call-start
scs
__scs_entry_jumppad:
0x0: {  	(pc) =	sbr.rel $0x88, $3  }
0x1: {  	(tag) =	ssettag $0x0;
	lr =	simm.s32 $0x1  }
0x2: {  	[smem:$0x3F98] =	sst lr;
	_ =	strace $0xD0000000  }
0x3: {  	_ = 	snop  }
0x4: {  	_ = 	snop  }
0x5: {  	_ = 	snop  }
0x6: {  	_ = 	snop  }
0x7: {  	_ = 	snop  }
__scs_overlays_trampoline_lowered:
0x8: {  	[smem:$0x3FA7] =	sst s0  }
0x9: {  	[smem:$0x3FA8] =	sst s1  }
0xa: {  	[smem:$0x3FA9] =	sst s2  }
0xb: {  	[smem:$0x3FAA] =	sst s3  }
0xc: {  	[smem:$0x3FAB] =	sst s4  }
0xd: {  	[smem:$0x3FAC] =	sst s5  }
0xe: {  	[smem:$0x3FAD] =	sst s6  }
0xf: {  	[smem:$0x3FAE] =	sst s7  }
0x10: {  	[smem:$0x3FAF] =	sst s8  }
0x11: {  	[smem:$0x3FB0] =	sst s9;
	s0 =	simm.s32 @!p0 $0x0  }
0x12: {  	s1 =	sld [smem:$0x3F96];
	s0 =	simm.s32 @p0 $0x1  }
0x13: {  	[smem:$0x3FB1] =	sst s0;
	s0 =	simm.s32 @!p1 $0x0  }
0x14: {  	s2 =	sld [smem:$0x3F95];
	s0 =	simm.s32 @p1 $0x1  }
0x15: {  	[smem:$0x3FB2] =	sst s0;
	s0 =	simm.s32 @!p2 $0x0  }
0x16: {  	s3 =	sld [smem:$0x3FDB];
	s0 =	simm.s32 @p2 $0x1  }
0x17: {  	s4 =	simm.s32 $0x1BF5;
	[smem:$0x3FB4] =	sst s0  }
0x18: {  	s0 =	sld [smem:$0x3F97];
	_ =	swait.ge [sflag:s4], $0x0  }
0x19: {  	s7 =	sld [smem:$0x3F98]  }
0x1a: {  	s8 =	sadd.s32 $0xFFFFE003, lr  }
0x1b: {  	s9 =	sadd.s32 $0xFFFFFEF7, lr;
	s5 =	simm.s32 $0xFFFFFFFF;
	p2 =	slt.u32 s8, $0xFFFFF086  }
0x1c: {  	p1 =	slt.u32 s9, $0xF7A;
	s5 =	simm.s32 @!p2 $0x0  }
0x1d: {  	s5 =	simm.s32 @p1 $0x1;
	p0 =	seq.s32 s7, s2  }
0x1e: {  	s7 =	smul.u32 @!p0 $0xF7A, s2;
	p2 =	seq.s32 @!p0 s5, $0x0  }
0x1f: {  	s9 =	smul.u32 $0xF7A, s1;
	s8 =	simm.s32 @!p0 $0x1BF5;
	p2 =	por !p2, p0  }
0x20: {  	[sflag:s8] =	ssyncset.s32 @!p0 $0xFFFFF086;
	s6 =	sadd.s32 @!p0 s3, s7;
	s7 =	simm.s32 @!p0 $0x108  }
0x21: {  	s3 =	sadd.s32 s3, s9;
	s6 =	sadd.s32 @!p0 $0x88, s6;
	s7 =	simm.s32 @p2 $0x1082  }
0x22: {  	[simem:s7], [sflag:s8] =	dma.local @!p0 [hbm:s6], $0xF7A  }
0x23: {  	s9 =	sor.u32 $0xD0000000, s2;
	s6 =	simm.s32 $0x108;
	_ =	swait.ge @!p0 [sflag:s8], $0x0  }
0x24: {  	s3 =	sadd.s32 $0x88, s3;
	s6 =	simm.s32 @!p1 $0x1082;
	[sflag:s4] =	ssyncset.s32 $0xFFFFF086  }
0x25: {  	[simem:s6], [sflag:s4] =	dma.local [hbm:s3], $0xF7A  }
0x26: {  	[smem:$0x3F98] =	sst s1;
	(tag) =	ssettag s2;
	_ =	strace s9  }
0x27: {  	s1 =	sld [smem:$0x3FA8]  }
0x28: {  	s2 =	sld [smem:$0x3FA9]  }
0x29: {  	s4 =	sld [smem:$0x3FAB]  }
0x2a: {  	p0 =	seq.s32 s5, $0x0;
	s5 =	sld [smem:$0x3FAC]  }
0x2b: {  	s6 =	sld [smem:$0x3FAD]  }
0x2c: {  	s7 =	sld [smem:$0x3FAE]  }
0x2d: {  	s3 =	simm.s32 $0x108;
	s8 =	sld [smem:$0x3FAF]  }
0x2e: {  	s3 =	simm.s32 @!p0 $0x1082;
	s9 =	sld [smem:$0x3FB0]  }
0x2f: {  	lr =	sadd.s32 s0, s3;
	s0 =	sld [smem:$0x3FA7]  }
0x30: {  	s3 =	sld [smem:$0x3FAA]  }
0x31: {  	[smem:$0x3FB3] =	sst s10  }
0x32: {  	s10 =	sld [smem:$0x3FB1];
	_ =	sdelay $0x3  }
0x33: {  	p0 =	seq.s32 s10, $0x1;
	s10 =	sld [smem:$0x3FB3];
	_ =	sdelay $0x3  }
0x34: {  	[smem:$0x3FB3] =	sst s10  }
0x35: {  	s10 =	sld [smem:$0x3FB2];
	_ =	sdelay $0x3  }
0x36: {  	p1 =	seq.s32 s10, $0x1;
	s10 =	sld [smem:$0x3FB3];
	_ =	sdelay $0x3  }
0x37: {  	[smem:$0x3FB3] =	sst s10  }
0x38: {  	s10 =	sld [smem:$0x3FB4]  }
0x39: {  	_ = 	snop;
	(pc) =	sbr.ind lr, $3  }
0x3a: {  	_ = 	snop  }
0x3b: {  	_ = 	snop  }
0x3c: {  	p2 =	seq.s32 s10, $0x1;
	s10 =	sld [smem:$0x3FB3]  }
0x3d: {  	_ =	shalt  }
0x3e: {  	_ =	shalt  }
0x3f: {  	_ =	shalt  }
0x40: {  	_ =	shalt  }
0x41: {  	_ =	shalt  }
0x42: {  	_ =	shalt  }
0x43: {  	_ =	shalt  }
0x44: {  	_ =	shalt  }
0x45: {  	_ =	shalt  }
0x46: {  	_ =	shalt  }
0x47: {  	_ =	shalt  }
0x48: {  	_ =	shalt  }
0x49: {  	_ =	shalt  }
0x4a: {  	_ =	shalt  }
0x4b: {  	_ =	shalt  }
0x4c: {  	_ =	shalt  }
0x4d: {  	_ =	shalt  }
0x4e: {  	_ =	shalt  }
0x4f: {  	_ =	shalt  }
0x50: {  	_ =	shalt  }
0x51: {  	_ =	shalt  }
0x52: {  	_ =	shalt  }
0x53: {  	_ =	shalt  }
0x54: {  	_ =	shalt  }
0x55: {  	_ =	shalt  }
0x56: {  	_ =	shalt  }
0x57: {  	_ =	shalt  }
0x58: {  	_ =	shalt  }
0x59: {  	_ =	shalt  }
0x5a: {  	_ =	shalt  }
0x5b: {  	_ =	shalt  }
0x5c: {  	_ =	shalt  }
0x5d: {  	_ =	shalt  }
0x5e: {  	_ =	shalt  }
0x5f: {  	_ =	shalt  }
0x60: {  	_ =	shalt  }
0x61: {  	_ =	shalt  }
0x62: {  	_ =	shalt  }
0x63: {  	_ =	shalt  }
0x64: {  	_ =	shalt  }
0x65: {  	_ =	shalt  }
0x66: {  	_ =	shalt  }
0x67: {  	_ =	shalt  }
0x68: {  	_ =	shalt  }
0x69: {  	_ =	shalt  }
0x6a: {  	_ =	shalt  }
0x6b: {  	_ =	shalt  }
0x6c: {  	_ =	shalt  }
0x6d: {  	_ =	shalt  }
0x6e: {  	_ =	shalt  }
0x6f: {  	_ =	shalt  }
0x70: {  	_ =	shalt  }
0x71: {  	_ =	shalt  }
0x72: {  	_ =	shalt  }
0x73: {  	_ =	shalt  }
0x74: {  	_ =	shalt  }
0x75: {  	_ =	shalt  }
0x76: {  	_ =	shalt  }
0x77: {  	_ =	shalt  }
0x78: {  	_ =	shalt  }
0x79: {  	_ =	shalt  }
0x7a: {  	_ =	shalt  }
0x7b: {  	_ =	shalt  }
0x7c: {  	_ =	shalt  }
0x7d: {  	_ =	shalt  }
0x7e: {  	_ =	shalt  }
0x7f: {  	_ =	shalt  }
0x80: {  	_ =	shalt  }
0x81: {  	_ =	shalt  }
0x82: {  	_ =	shalt  }
0x83: {  	_ =	shalt  }
0x84: {  	_ =	shalt  }
0x85: {  	_ =	shalt  }
0x86: {  	_ =	shalt  }
0x87: {  	_ =	shalt  }
.Lfunc_end0:
.L_simem_size_0:
called_computation.1_lowered:
.L_overlay_start_0:
0x88: {  	s2 =	sld [smem:$0x3FD9]  }
0x89: {  	s3 =	sld [smem:$0x3FFE];
	_ =	sdelay $0x1  }
0x8a: {  	s1 =	srdreg.scid  }
0x8b: {  	s0 =	sand.u32 $0x1, s1  }
0x8c: {  	s16 =	sshll.u32 s0, $0xA;
	s2 =	sadd.s32 s3, s2  }
0x8d: {  	s2 =	sadd.s32 s2, s16  }
0x8e: {  	[smem:$0x3FBF] =	sst s2  }
0x8f: {  	_ = 	snop  }
0x90: {  	(tm) =	ssettm $0x1  }
0x91: {  	s17 =	sld [smem:$0x3FFB];
	_ =	sdelay $0x3  }
0x92: {  	_ =	strace s17  }
0x93: {  	s2 =	sld [smem:$0x3FFC];
	_ =	sdelay $0x3  }
0x94: {  	_ =	strace s2  }
0x95: {  	s2 =	sld [smem:$0x3FFD];
	_ =	sdelay $0x3  }
0x96: {  	_ =	strace s2  }
0x97: {  	_ =	strace $0x8FFFFFFF  }
0x98: {  	s18 =	sld [smem:$0x3FDB];
	_ =	sdelay $0x1  }
0x99: {  	s19 =	simm.s32 $_scs_section_size  }
0x9a: {  	s4 =	simm.s32 $_size__tile_overlayer_lowered;
	s5 =	simm.s32 $_tile_overlayer_lowered  }
0x9b: {  	s22 =	simm.s32 $0x1BFF;
	s21 =	sshll.u32 s5, $0x1;
	s2 =	sadd.s32 s19, s18  }
0x9c: {  	s6 =	simm.s32 $0x0;
	s20 =	sshll.u32 s4, $0x1;
	s4 =	sadd.s32 s21, s2  }
0x9d: {  	[timem:s6], [sflag:s22] =	dma.local [hbm:s4], s20  }
0x9e: {  	_ =	swait.ge [sflag:s22], s20  }
0x9f: {  	s3 =	ssub.s32 $0x0, s20;
	[sflag:s22] =	ssyncset.done $0x0  }
0xa0: {  	[sflag:s22] =	ssyncadd.s32 s3;
	_ =	sdelay $0x1  }
0xa1: {  	s23 =	simm.s32 $0x1B8B  }
0xa2: {  	_ =	swait.ge [sflag:s23], $0x1  }
0xa3: {  	[sflag:s23] =	ssyncset.done $0x0  }
0xa4: {  	s25 =	simm.s32 $0x1B8E;
	s24 =	sld [smem:$0x3FFE];
	[sflag:s23] =	ssyncadd.s32 $0xFFFFFFFF  }
0xa5: {  	s26 =	simm.s32 $execute0_lowered;
	[smem:$0x3FD2] =	sst s25  }
0xa6: {  	s4 =	sshll.u32 s26, $0x1;
	_ =	strace $0x80000049;
	[dreg:$0x1] =	wrdreg $0xFFFFFFFF  }
0xa7: {  	s28 =	simm.s32 $_size_execute0_lowered;
	s2 =	sadd.s32 s2, s4;
	[dreg:$0x0] =	wrdreg $0x0  }
0xa8: {  	s4 =	sshll.u32 s28, $0x1;
	[dreg:$0x2] =	wrdreg s2  }
0xa9: {  	[dreg:$0x3] =	wrdreg s4  }
0xaa: {  	[dreg:$0x4] =	wrdreg $0xC0  }
0xab: {  	_ =	task [dreg:s6], $0x5FFFF  }
0xac: {  	[dreg:$0x1] =	wrdreg $0xFFFFFFFF  }
0xad: {  	[dreg:$0x0] =	wrdreg $0x60  }
0xae: {  	[dreg:$0x2] =	wrdreg s24  }
0xaf: {  	[dreg:$0x3] =	wrdreg $0xA0000  }
0xb0: {  	[dreg:$0x4] =	wrdreg $0x9  }
0xb1: {  	_ =	task.clear_ibuf [dreg:s6], $0x5FFFF;
	_ =	strace $0x90000049  }
0xb2: {  	s29 =	simm.s32 $0x9;
	_ =	strace $0x8000004B  }
0xb3: {  	_ =	swait.ge [sflag:s29], $0x1  }
0xb4: {  	[sflag:s29] =	ssyncadd.s32 $0xFFFFFFFF  }
0xb5: {  	_ =	strace $0x9000004B  }
0xb6: {  	_ =	sfence  }
0xb7: {  	s30 =	sld [smem:$0x0];
	_ =	sdelay $0x2  }
0xb8: {  	s31 =	sshll.u32 s1, $0xD;
	s1 =	sshrl.u32 s1, $0x2  }
0xb9: {  	s3 =	sand.u32 $0x4000, s31;
	s1 =	sadd.s32 s1, s30  }
0xba: {  	s0 =	sor.u32 s3, s0;
	s1 =	sshll.u32 s1, $0x11  }
0xbb: {  	s0 =	sor.u32 s1, s0  }
0xbc: {  	s0 =	sadd.s32 $0x8F2B, s0  }
0xbd: {  	[sflag:s0] =	ssyncadd.remote.s32 $0x1  }
0xbe: {  	_ =	sfence.sel $0xFFFF  }
0xbf: {  	[dreg:$0x0] =	wrdreg $0xFFFFFFFF;
	(pc) =	sbr.abs _section_cstart, $3  }
0xc0: {  	[dreg:$0x1] =	wrdreg $0xFFFFFFFF  }
0xc1: {  	_ =	task.clear_ibuf [dreg:s6], $0x2FFFF;
	_ =	strace $0x9FFFFFFF  }
0xc2: {  	(tm) =	ssettm $0x7FFFFFFF  }
0xc3: {  	_ =	shalt  }
tec
execute0_lowered:
.L_overlay_start_1:
0x0: {  	(tag) =	ssettag $0x1  }
0x1: {  	s0 =	rddreg [dreg:$0x0]  }
0x2: {  	s1 =	rddreg [dreg:$0x1]  }
0x3: {  	s2 =	simm.s32 $0x0;
	s3 =	srdreg.scid;
	s23 =	stileid.u32  }
0x4: {  	[smem:$0x7FF] =	sst s2;
	s4 =	sadd.s32 $0x35400, s0;
	s9 =	smul.u32 $0x270, s23  }
0x5: {  	s3 =	sand.u32 $0x1, s3;
	s5 =	sadd.s32 $0x8D800, s0;
	s24 =	smul.u32 $0x4E000, s23  }
0x6: {  	s7 =	sadd.s32 $0xB4A00, s0;
	s11 =	smul.u32 $0x2700, s23;
	p1 =	seq.s32 s23, $0xF  }
0x7: {  	s31 =	sadd.s32 $0x137400, s1;
	_ =	strace $0x8000004A;
	s6 =	ssub.s32 $0x2, s3  }
0x8: {  	p0 =	seq.s32 s3, $0x1;
	s8 =	sshrl.u32 s6, $0x1;
	s25 =	sadd.s32 $0x78, s9  }
0x9: {  	s10 =	sadd.s32 $0xF0, s9;
	s12 =	sadd.s32 $0x168, s9;
	s13 =	sadd.s32 $0x1E0, s9  }
0xa: {  	s15 =	sadd.s32 s5, s11;
	s9 =	sadd.s32 $0x258, s9;
	s11 =	sadd.s32 s7, s11  }
0xb: {  	s3 =	sshrl.u32 s24, $0x2;
	s6 =	ssub.s32 s6, s8;
	s14 =	sshll.u32 s25, $0x4  }
0xc: {  	[dreg:$0x3] =	wrdreg s15;
	s28 =	sshll.u32 s10, $0x4;
	s29 =	sshll.u32 s12, $0x4  }
0xd: {  	s30 =	sshll.u32 s13, $0x4;
	s18 =	sshll.u32 s9, $0x4;
	[dreg:$0x9] =	wrdreg s11  }
0xe: {  	s20 =	sshll.u32 s25, $0x7;
	s21 =	sshll.u32 s10, $0x7;
	s22 =	sshll.u32 s12, $0x7  }
0xf: {  	s24 =	sshll.u32 s13, $0x7;
	s25 =	sshll.u32 s9, $0x7;
	s26 =	sadd.s32 s5, s14  }
0x10: {  	s8 =	simm.s32 $0x7D;
	s16 =	sadd.s32 s5, s28;
	[dreg:$0x4] =	wrdreg s26  }
0x11: {  	s9 =	simm.s32 $0x80;
	s17 =	sadd.s32 s5, s29;
	[dreg:$0x5] =	wrdreg s16  }
0x12: {  	s10 =	simm.s32 $0x6000;
	s19 =	sadd.s32 s5, s30;
	[dreg:$0x6] =	wrdreg s17  }
0x13: {  	s11 =	simm.s32 $0x1;
	s5 =	sadd.s32 s5, s18;
	[dreg:$0x7] =	wrdreg s19  }
0x14: {  	s12 =	simm.s32 $0x3;
	s14 =	sadd.s32 s7, s14;
	[dreg:$0x8] =	wrdreg s5  }
0x15: {  	s13 =	simm.s32 $0x2;
	s15 =	sadd.s32 s7, s28;
	[dreg:$0xa] =	wrdreg s14  }
0x16: {  	s28 =	sadd.s32 $0xB4680, s0;
	[dreg:$0xb] =	wrdreg s15;
	s16 =	sadd.s32 s7, s29  }
0x17: {  	s17 =	sadd.s32 s7, s30;
	s19 =	sadd.s32 s7, s18;
	s18 =	sadd.s32 s3, s1  }
0x18: {  	s26 =	sadd.s32 s25, s1;
	s25 =	sadd.s32 $0x66600, s0;
	[dreg:$0x10] =	wrdreg s28  }
0x19: {  	s29 =	smax.u32 s6, $0x1;
	s5 =	simm.s32 $0x2000;
	[dreg:$0xc] =	wrdreg s16  }
0x1a: {  	s6 =	simm.s32 $0x5;
	s7 =	simm.s32 $0x1000;
	[dreg:$0xd] =	wrdreg s17  }
0x1b: {  	s14 =	simm.s32 $0x4;
	[dreg:$0xe] =	wrdreg s19;
	s17 =	sadd.s32 $0x4000, s0  }
.Ltmp0:
0x1c: {  	s19 =	sadd.s32 s20, s1;
	s20 =	sadd.s32 s21, s1;
	(pc) =	sbr.rel .LBB2_1-.Ltmp0, $4  }
0x1d: {  	s21 =	sadd.s32 s22, s1;
	s22 =	sadd.s32 s24, s1;
	[dreg:$0xf] =	wrdreg s26  }
0x1e: {  	s24 =	sadd.s32 $0x3F400, s0;
	s0 =	sadd.s32 $0xDB880, s0;
	[dreg:$0x12] =	wrdreg s29  }
0x1f: {  	s15 =	simm.s32 $0x1F80;
	s30 =	sadd.s32 $0x12C00, s18;
	[dreg:$0x11] =	wrdreg s0  }
0x20: {  	v0 =	vimm.f32 $0.0e+00;
	s16 =	simm.s32 $0x0;
	[dreg:$0x13] =	wrdreg s30;
	s0 =	smul.u32 $0x5000, s23  }
.LBB2_14:
0x21: {  	s16 =	sadd.s32 $0x1, s16;
	s3 =	rddreg [dreg:$0x12]  }
0x22: {  	p2 =	sne.s32 s16, s3  }
.Ltmp1:
0x23: {  	_ = 	snop;
	(pc) =	sbr.rel @!p2 .LBB2_15-.Ltmp1, $1  }
0x24: {  	_ =	sdelay $0x3  }
.LBB2_1:
.Ltmp2:
0x25: {  	(pc) =	sbr.rel @!p0 .LBB2_2-.Ltmp2, $4  }
0x26: {  	_ = 	snop  }
0x27: {  	s28 =	sshrl.u32 @p1 s31, $0x3;
	s3 =	rddreg [dreg:$0xf];
	s30 =	sand.u32 $0xFE00, s2  }
0x28: {  	s23 =	sand.u32 $0x70, s2;
	s26 =	sshrl.u32 @!p1 s3, $0x3;
	s29 =	sshrl.u32 s30, $0x2  }
0x29: {  	s3 =	simm.s32 $0x40;
	s29 =	sor.u32 s23, s29;
	s23 =	simm.s32 $0x0  }
.LBB2_8:
0x2a: {  	p2 =	sne.s32 s3, $0xF9C0  }
0x2b: {  	[tilespmem:s29+$0x2000] =	vst v0;
	s23 =	sadd.s32 $0x10, s23;
	s29 =	smov.u32 s3;
	s3 =	sadd.s32 $0x40, s3  }
.Ltmp3:
0x2c: {  	(pc) =	sbr.rel @p2 .LBB2_8-.Ltmp3, $4  }
0x2d: {  	_ = 	snop  }
0x2e: {  	s29 =	sand.u32 $0xFE00, s29  }
0x2f: {  	s30 =	sand.u32 $0x70, s23;
	s29 =	sshrl.u32 s29, $0x2  }
0x30: {  	s29 =	sor.u32 s30, s29  }
0x31: {  	[tilespmem:s29+$0x2000] =	vst v0  }
0x32: {  	[spmem:s18] =	stream.linear.scatter [tilespmem:s5], [sflag:$0x5], $0x3C00, $0x38;
	[tilespmem:$0x1D880] =	vst v63  }
0x33: {  	_ =	swait.ge [sflag:s6], $0x3C00  }
0x34: {  	[sflag:s6] =	ssyncset.done $0x0  }
0x35: {  	[sflag:s6] =	ssyncadd.s32 $0xFFFFC400  }
0x36: {  	[spmem:s19] =	stream.linear.scatter [tilespmem:s5], [sflag:$0x5], $0x3C00, $0x38;
	[tilespmem:$0x1D880] =	vst v63  }
0x37: {  	_ =	swait.ge [sflag:s6], $0x3C00  }
0x38: {  	[sflag:s6] =	ssyncset.done $0x0  }
0x39: {  	[sflag:s6] =	ssyncadd.s32 $0xFFFFC400  }
0x3a: {  	[spmem:s20] =	stream.linear.scatter [tilespmem:s5], [sflag:$0x5], $0x3C00, $0x38;
	[tilespmem:$0x1D880] =	vst v63  }
0x3b: {  	_ =	swait.ge [sflag:s6], $0x3C00  }
0x3c: {  	[sflag:s6] =	ssyncset.done $0x0  }
0x3d: {  	[sflag:s6] =	ssyncadd.s32 $0xFFFFC400  }
0x3e: {  	[spmem:s21] =	stream.linear.scatter [tilespmem:s5], [sflag:$0x5], $0x3C00, $0x38;
	[tilespmem:$0x1D880] =	vst v63  }
0x3f: {  	_ =	swait.ge [sflag:s6], $0x3C00  }
0x40: {  	[sflag:s6] =	ssyncset.done $0x0  }
0x41: {  	[sflag:s6] =	ssyncadd.s32 $0xFFFFC400  }
0x42: {  	[spmem:s22] =	stream.linear.scatter [tilespmem:s5], [sflag:$0x5], $0x3C00, $0x38;
	[tilespmem:$0x1D880] =	vst v63  }
0x43: {  	_ =	swait.ge [sflag:s6], $0x3C00  }
0x44: {  	[sflag:s6] =	ssyncset.done $0x0  }
0x45: {  	s3 =	simm.s32 @p1 $0x2000;
	[sflag:s6] =	ssyncadd.s32 $0xFFFFC400  }
0x46: {  	[spmem:s31] =	stream.linear.scatter @p1 [tilespmem:s3], [sflag:$0x5], $0x1400, $0x38;
	[tilespmem:$0x1D880] =	vst v63  }
0x47: {  	s3 =	simm.s32 @p1 $0x5  }
0x48: {  	_ =	swait.ge @p1 [sflag:s3], $0x1400  }
0x49: {  	[sflag:s3] =	ssyncset.done @p1 $0x0  }
0x4a: {  	s23 =	rddreg [dreg:$0x13];
	[sflag:s3] =	ssyncadd.s32 @p1 $0xFFFFEC00;
	s3 =	simm.s32 @!p1 $0x2000  }
0x4b: {  	[spmem:s23] =	stream.linear.scatter @!p1 [tilespmem:s3], [sflag:$0x5], $0xC00, $0x38;
	[tilespmem:$0x1D880] =	vst v63  }
0x4c: {  	s3 =	simm.s32 @!p1 $0x5  }
0x4d: {  	_ =	swait.ge @!p1 [sflag:s3], $0xC00  }
0x4e: {  	[sflag:s3] =	ssyncset.done @!p1 $0x0  }
0x4f: {  	[sflag:s3] =	ssyncadd.s32 @!p1 $0xFFFFF400  }
0x50: {  	s3 =	simm.s32 $0x0;
	[bflag:$0x0] =	sbarrier.arrive $0xFFFF  }
.LBB2_10:
0x51: {  	s23 =	sshll.u32 s3, $0xC  }
0x52: {  	s23 =	sadd.s32 s0, s23  }
0x53: {  	s23 =	sshrl.u32 s23, $0x3  }
0x54: {  	s29 =	sadd.s32 s4, s23  }
0x55: {  	[tilespmem:s2], [sflag:$0x5] =	stream.linear.gather [hbm4b:s29+s2], $0x1000, $0x38;
	[tilespmem:$0x1D880] =	vst v63  }
0x56: {  	_ =	swait.ge [sflag:s6], $0x1000  }
0x57: {  	[sflag:s6] =	ssyncset.done $0x0  }
0x58: {  	s23 =	sadd.s32 s17, s23;
	[sflag:s6] =	ssyncadd.s32 $0xFFFFF000  }
0x59: {  	[tilespmem:s7], [sflag:$0x5] =	stream.linear.gather [hbm4b:s23+s2], $0x1000, $0x38;
	[tilespmem:$0x1D880] =	vst v63  }
0x5a: {  	_ =	swait.ge [sflag:s6], $0x1000  }
0x5b: {  	[sflag:s6] =	ssyncset.done $0x0  }
0x5c: {  	[sflag:s6] =	ssyncadd.s32 $0xFFFFF000  }
0x5d: {  	[tilespmem:s5], [sflag:$0x1] =	stream.indirect.gather [hbm4b:s25+s8], $0x80, s2, s8, $0xb8;
	[tilespmem:$0x1D880] =	vst v63  }
0x5e: {  	_ = 	snop  }
0x5f: {  	[tilespmem:s10], [sflag:$0x2] =	stream.indirect.gather [hbm4b:s25+s8], $0x80, s9, s8, $0xb8;
	[tilespmem:$0x1D880] =	vst v63  }
0x60: {  	_ =	swait.ge [sflag:s11], $0x3E80  }
0x61: {  	[sflag:s11] =	ssyncset.done $0x0  }
0x62: {  	[sflag:s11] =	ssyncadd.s32 $0xFFFFC180  }
0x63: {  	[spmem:s1] =	stream.indirect.scatter.add.f32 [tilespmem:s5], [sflag:$0x3], $0x80, s7, s8, $0xb8;
	[tilespmem:$0x1D880] =	vst v63  }
0x64: {  	_ =	swait.ge [sflag:s12], $0x3E80  }
0x65: {  	[sflag:s12] =	ssyncset.done $0x0  }
0x66: {  	s30 =	simm.s32 $0x100;
	[sflag:s12] =	ssyncadd.s32 $0xFFFFC180  }
0x67: {  	[tilespmem:s5], [sflag:$0x1] =	stream.indirect.gather [hbm4b:s25+s8], $0x80, s30, s8, $0xb8;
	[tilespmem:$0x1D880] =	vst v63  }
0x68: {  	_ =	swait.ge [sflag:s13], $0x3E80  }
0x69: {  	[sflag:s13] =	ssyncset.done $0x0  }
0x6a: {  	s30 =	simm.s32 $0x1080;
	[sflag:s13] =	ssyncadd.s32 $0xFFFFC180  }
0x6b: {  	[spmem:s1] =	stream.indirect.scatter.add.f32 [tilespmem:s10], [sflag:$0x4], $0x80, s30, s8, $0xb8;
	[tilespmem:$0x1D880] =	vst v63  }
0x6c: {  	_ =	swait.ge [sflag:s14], $0x3E80  }
0x6d: {  	[sflag:s14] =	ssyncset.done $0x0  }
0x6e: {  	s30 =	simm.s32 $0x180;
	[sflag:s14] =	ssyncadd.s32 $0xFFFFC180  }
0x6f: {  	[tilespmem:s10], [sflag:$0x2] =	stream.indirect.gather [hbm4b:s25+s8], $0x80, s30, s8, $0xb8;
	[tilespmem:$0x1D880] =	vst v63  }
0x70: {  	_ =	swait.ge [sflag:s11], $0x3E80  }
0x71: {  	[sflag:s11] =	ssyncset.done $0x0  }
0x72: {  	s29 =	simm.s32 $0x1100;
	s23 =	simm.s32 $0xFFFFC800;
	[sflag:s11] =	ssyncadd.s32 $0xFFFFC180  }
.LBB2_11:
0x73: {  	[spmem:s1] =	stream.indirect.scatter.add.f32 [tilespmem:s5], [sflag:$0x3], $0x80, s29, s8, $0xb8;
	[tilespmem:$0x1D880] =	vst v63  }
0x74: {  	s29 =	smov.u32 s23  }
0x75: {  	p2 =	sne.s32 s23, $0xFFFFFC00;
	s23 =	sadd.s32 $0x400, s23;
	_ =	swait.ge [sflag:s12], $0x3E80  }
0x76: {  	s29 =	sshra.s32 s29, $0x2;
	[sflag:s12] =	ssyncset.done $0x0  }
0x77: {  	s30 =	sadd.s32 $0x1000, s29;
	[sflag:s12] =	ssyncadd.s32 $0xFFFFC180  }
0x78: {  	[tilespmem:s5], [sflag:$0x1] =	stream.indirect.gather [hbm4b:s25+s8], $0x80, s30, s8, $0xb8;
	[tilespmem:$0x1D880] =	vst v63  }
0x79: {  	_ =	swait.ge [sflag:s13], $0x3E80  }
0x7a: {  	[sflag:s13] =	ssyncset.done $0x0  }
0x7b: {  	s30 =	sadd.s32 $0x1F80, s29;
	[sflag:s13] =	ssyncadd.s32 $0xFFFFC180  }
0x7c: {  	[spmem:s1] =	stream.indirect.scatter.add.f32 [tilespmem:s10], [sflag:$0x4], $0x80, s30, s8, $0xb8;
	[tilespmem:$0x1D880] =	vst v63  }
0x7d: {  	_ =	swait.ge [sflag:s14], $0x3E80  }
0x7e: {  	[sflag:s14] =	ssyncset.done $0x0  }
.Ltmp4:
0x7f: {  	s30 =	sadd.s32 $0x1080, s29;
	[sflag:s14] =	ssyncadd.s32 $0xFFFFC180;
	(pc) =	sbr.rel @p2 .LBB2_11-.Ltmp4, $4  }
0x80: {  	[tilespmem:s10], [sflag:$0x2] =	stream.indirect.gather [hbm4b:s25+s8], $0x80, s30, s8, $0xb8;
	[tilespmem:$0x1D880] =	vst v63  }
0x81: {  	_ =	swait.ge [sflag:s11], $0x3E80  }
0x82: {  	[sflag:s11] =	ssyncset.done $0x0  }
0x83: {  	s29 =	sadd.s32 $0x2000, s29;
	[sflag:s11] =	ssyncadd.s32 $0xFFFFC180  }
0x84: {  	[spmem:s1] =	stream.indirect.scatter.add.f32 [tilespmem:s5], [sflag:$0x3], $0x80, s29, s8, $0xb8;
	[tilespmem:$0x1D880] =	vst v63  }
0x85: {  	_ =	swait.ge [sflag:s13], $0x3E80  }
0x86: {  	[sflag:s13] =	ssyncset.done $0x0  }
0x87: {  	s3 =	sadd.s32 $0x1, s3;
	[sflag:s13] =	ssyncadd.s32 $0xFFFFC180  }
0x88: {  	[spmem:s1] =	stream.indirect.scatter.add.f32 [tilespmem:s10], [sflag:$0x4], $0x80, s15, s8, $0xb8;
	[tilespmem:$0x1D880] =	vst v63  }
0x89: {  	p2 =	sne.s32 s3, $0x5;
	_ =	swait.ge [sflag:s12], $0x3E80  }
.Ltmp5:
0x8a: {  	[sflag:s12] =	ssyncset.done $0x0;
	(pc) =	sbr.rel @p2 .LBB2_10-.Ltmp5, $4  }
0x8b: {  	[sflag:s12] =	ssyncadd.s32 $0xFFFFC180  }
0x8c: {  	_ =	swait.ge [sflag:s14], $0x3E80  }
0x8d: {  	[sflag:s14] =	ssyncset.done $0x0  }
0x8e: {  	[sflag:s14] =	ssyncadd.s32 $0xFFFFC180  }
0x8f: {  	s3 =	stileid.u32  }
0x90: {  	[bflag:$0x0] =	sbarrier.arrive $0xFFFF;
	s3 =	sshll.u32 s3, $0x6  }
0x91: {  	s23 =	sshrl.u32 s18, $0x3;
	s29 =	rddreg [dreg:$0x9];
	s3 =	sor.u32 $0x1C05, s3  }
0x92: {  	[hbm:s29], [sflag:s3] =	dma.local [spmem:s23], $0x780  }
0x93: {  	_ =	swait.ge [sflag:s6], $0x780  }
0x94: {  	[sflag:s6] =	ssyncset.done $0x0  }
0x95: {  	s23 =	sshrl.u32 s19, $0x3;
	s30 =	rddreg [dreg:$0xa];
	[sflag:s6] =	ssyncadd.s32 $0xFFFFF880  }
0x96: {  	[hbm:s30], [sflag:s3] =	dma.local [spmem:s23], $0x780  }
0x97: {  	_ =	swait.ge [sflag:s6], $0x780  }
0x98: {  	[sflag:s6] =	ssyncset.done $0x0  }
0x99: {  	s23 =	sshrl.u32 s20, $0x3;
	s30 =	rddreg [dreg:$0xb];
	[sflag:s6] =	ssyncadd.s32 $0xFFFFF880  }
0x9a: {  	[hbm:s30], [sflag:s3] =	dma.local [spmem:s23], $0x780  }
0x9b: {  	_ =	swait.ge [sflag:s6], $0x780  }
0x9c: {  	[sflag:s6] =	ssyncset.done $0x0  }
0x9d: {  	s23 =	sshrl.u32 s21, $0x3;
	s30 =	rddreg [dreg:$0xc];
	[sflag:s6] =	ssyncadd.s32 $0xFFFFF880  }
0x9e: {  	[hbm:s30], [sflag:s3] =	dma.local [spmem:s23], $0x780  }
0x9f: {  	_ =	swait.ge [sflag:s6], $0x780  }
0xa0: {  	[sflag:s6] =	ssyncset.done $0x0  }
0xa1: {  	s23 =	sshrl.u32 s22, $0x3;
	s30 =	rddreg [dreg:$0xd];
	[sflag:s6] =	ssyncadd.s32 $0xFFFFF880  }
0xa2: {  	[hbm:s30], [sflag:s3] =	dma.local [spmem:s23], $0x780  }
0xa3: {  	_ =	swait.ge [sflag:s6], $0x780  }
0xa4: {  	[sflag:s6] =	ssyncset.done $0x0  }
0xa5: {  	s23 =	rddreg [dreg:$0x11];
	[sflag:s6] =	ssyncadd.s32 $0xFFFFF880  }
0xa6: {  	[hbm:s23], [sflag:s3] =	dma.local @p1 [spmem:s28], $0x280  }
0xa7: {  	s23 =	simm.s32 @p1 $0x5  }
0xa8: {  	_ =	swait.ge @p1 [sflag:s23], $0x280  }
0xa9: {  	[sflag:s23] =	ssyncset.done @p1 $0x0  }
0xaa: {  	[sflag:s23] =	ssyncadd.s32 @p1 $0xFFFFFD80;
	s23 =	rddreg [dreg:$0xe]  }
0xab: {  	[hbm:s23], [sflag:s3] =	dma.local @!p1 [spmem:s26], $0x180  }
.Ltmp6:
0xac: {  	_ = 	snop;
	(pc) =	sbr.rel .LBB2_14-.Ltmp6, $4  }
0xad: {  	s3 =	simm.s32 @!p1 $0x5  }
0xae: {  	_ =	swait.ge @!p1 [sflag:s3], $0x180  }
0xaf: {  	[sflag:s3] =	ssyncset.done @!p1 $0x0  }
0xb0: {  	[sflag:s3] =	ssyncadd.s32 @!p1 $0xFFFFFE80  }
.LBB2_2:
0xb1: {  	p2 =	sne.s32 s3, $0xF9C0  }
0xb2: {  	[tilespmem:s29+$0x2000] =	vst v0;
	s23 =	sadd.s32 $0x10, s23;
	s29 =	smov.u32 s3;
	s3 =	sadd.s32 $0x40, s3  }
.Ltmp7:
0xb3: {  	(pc) =	sbr.rel @p2 .LBB2_2-.Ltmp7, $4  }
0xb4: {  	_ = 	snop  }
0xb5: {  	s29 =	sand.u32 $0xFE00, s29  }
0xb6: {  	s30 =	sand.u32 $0x70, s23;
	s29 =	sshrl.u32 s29, $0x2  }
0xb7: {  	s29 =	sor.u32 s30, s29  }
0xb8: {  	[tilespmem:s29+$0x2000] =	vst v0  }
0xb9: {  	[spmem:s18] =	stream.linear.scatter [tilespmem:s5], [sflag:$0x5], $0x3C00, $0x38;
	[tilespmem:$0x1D880] =	vst v63  }
0xba: {  	_ =	swait.ge [sflag:s6], $0x3C00  }
0xbb: {  	[sflag:s6] =	ssyncset.done $0x0  }
0xbc: {  	[sflag:s6] =	ssyncadd.s32 $0xFFFFC400  }
0xbd: {  	[spmem:s19] =	stream.linear.scatter [tilespmem:s5], [sflag:$0x5], $0x3C00, $0x38;
	[tilespmem:$0x1D880] =	vst v63  }
0xbe: {  	_ =	swait.ge [sflag:s6], $0x3C00  }
0xbf: {  	[sflag:s6] =	ssyncset.done $0x0  }
0xc0: {  	[sflag:s6] =	ssyncadd.s32 $0xFFFFC400  }
0xc1: {  	[spmem:s20] =	stream.linear.scatter [tilespmem:s5], [sflag:$0x5], $0x3C00, $0x38;
	[tilespmem:$0x1D880] =	vst v63  }
0xc2: {  	_ =	swait.ge [sflag:s6], $0x3C00  }
0xc3: {  	[sflag:s6] =	ssyncset.done $0x0  }
0xc4: {  	[sflag:s6] =	ssyncadd.s32 $0xFFFFC400  }
0xc5: {  	[spmem:s21] =	stream.linear.scatter [tilespmem:s5], [sflag:$0x5], $0x3C00, $0x38;
	[tilespmem:$0x1D880] =	vst v63  }
0xc6: {  	_ =	swait.ge [sflag:s6], $0x3C00  }
0xc7: {  	[sflag:s6] =	ssyncset.done $0x0  }
0xc8: {  	[sflag:s6] =	ssyncadd.s32 $0xFFFFC400  }
0xc9: {  	[spmem:s22] =	stream.linear.scatter [tilespmem:s5], [sflag:$0x5], $0x3C00, $0x38;
	[tilespmem:$0x1D880] =	vst v63  }
0xca: {  	_ =	swait.ge [sflag:s6], $0x3C00  }
0xcb: {  	[sflag:s6] =	ssyncset.done $0x0  }
0xcc: {  	s3 =	simm.s32 @p1 $0x2000;
	[sflag:s6] =	ssyncadd.s32 $0xFFFFC400  }
0xcd: {  	[spmem:s31] =	stream.linear.scatter @p1 [tilespmem:s3], [sflag:$0x5], $0x1400, $0x38;
	[tilespmem:$0x1D880] =	vst v63  }
0xce: {  	s3 =	simm.s32 @p1 $0x5  }
0xcf: {  	_ =	swait.ge @p1 [sflag:s3], $0x1400  }
0xd0: {  	[sflag:s3] =	ssyncset.done @p1 $0x0  }
0xd1: {  	s23 =	rddreg [dreg:$0x13];
	[sflag:s3] =	ssyncadd.s32 @p1 $0xFFFFEC00;
	s3 =	simm.s32 @!p1 $0x2000  }
0xd2: {  	[spmem:s23] =	stream.linear.scatter @!p1 [tilespmem:s3], [sflag:$0x5], $0xC00, $0x38;
	[tilespmem:$0x1D880] =	vst v63  }
0xd3: {  	s3 =	simm.s32 @!p1 $0x5  }
0xd4: {  	_ =	swait.ge @!p1 [sflag:s3], $0xC00  }
0xd5: {  	[sflag:s3] =	ssyncset.done @!p1 $0x0  }
0xd6: {  	[sflag:s3] =	ssyncadd.s32 @!p1 $0xFFFFF400  }
0xd7: {  	s3 =	simm.s32 $0x0;
	[bflag:$0x0] =	sbarrier.arrive $0xFFFF  }
.LBB2_4:
0xd8: {  	s23 =	sshll.u32 s3, $0xC  }
0xd9: {  	s23 =	sadd.s32 s0, s23  }
0xda: {  	s23 =	sshrl.u32 s23, $0x3  }
0xdb: {  	s29 =	sadd.s32 s4, s23  }
0xdc: {  	[tilespmem:s2], [sflag:$0x5] =	stream.linear.gather [hbm4b:s29+s2], $0x1000, $0x38;
	[tilespmem:$0x1D880] =	vst v63  }
0xdd: {  	_ =	swait.ge [sflag:s6], $0x1000  }
0xde: {  	[sflag:s6] =	ssyncset.done $0x0  }
0xdf: {  	s23 =	sadd.s32 s17, s23;
	[sflag:s6] =	ssyncadd.s32 $0xFFFFF000  }
0xe0: {  	[tilespmem:s7], [sflag:$0x5] =	stream.linear.gather [hbm4b:s23+s2], $0x1000, $0x38;
	[tilespmem:$0x1D880] =	vst v63  }
0xe1: {  	_ =	swait.ge [sflag:s6], $0x1000  }
0xe2: {  	[sflag:s6] =	ssyncset.done $0x0  }
0xe3: {  	[sflag:s6] =	ssyncadd.s32 $0xFFFFF000  }
0xe4: {  	[tilespmem:s5], [sflag:$0x1] =	stream.indirect.gather [hbm4b:s24+s8], $0x80, s2, s8, $0xb8;
	[tilespmem:$0x1D880] =	vst v63  }
0xe5: {  	_ = 	snop  }
0xe6: {  	[tilespmem:s10], [sflag:$0x2] =	stream.indirect.gather [hbm4b:s24+s8], $0x80, s9, s8, $0xb8;
	[tilespmem:$0x1D880] =	vst v63  }
0xe7: {  	_ =	swait.ge [sflag:s11], $0x3E80  }
0xe8: {  	[sflag:s11] =	ssyncset.done $0x0  }
0xe9: {  	[sflag:s11] =	ssyncadd.s32 $0xFFFFC180  }
0xea: {  	[spmem:s1] =	stream.indirect.scatter.add.f32 [tilespmem:s5], [sflag:$0x3], $0x80, s7, s8, $0xb8;
	[tilespmem:$0x1D880] =	vst v63  }
0xeb: {  	_ =	swait.ge [sflag:s12], $0x3E80  }
0xec: {  	[sflag:s12] =	ssyncset.done $0x0  }
0xed: {  	s30 =	simm.s32 $0x100;
	[sflag:s12] =	ssyncadd.s32 $0xFFFFC180  }
0xee: {  	[tilespmem:s5], [sflag:$0x1] =	stream.indirect.gather [hbm4b:s24+s8], $0x80, s30, s8, $0xb8;
	[tilespmem:$0x1D880] =	vst v63  }
0xef: {  	_ =	swait.ge [sflag:s13], $0x3E80  }
0xf0: {  	[sflag:s13] =	ssyncset.done $0x0  }
0xf1: {  	s30 =	simm.s32 $0x1080;
	[sflag:s13] =	ssyncadd.s32 $0xFFFFC180  }
0xf2: {  	[spmem:s1] =	stream.indirect.scatter.add.f32 [tilespmem:s10], [sflag:$0x4], $0x80, s30, s8, $0xb8;
	[tilespmem:$0x1D880] =	vst v63  }
0xf3: {  	_ =	swait.ge [sflag:s14], $0x3E80  }
0xf4: {  	[sflag:s14] =	ssyncset.done $0x0  }
0xf5: {  	s30 =	simm.s32 $0x180;
	[sflag:s14] =	ssyncadd.s32 $0xFFFFC180  }
0xf6: {  	[tilespmem:s10], [sflag:$0x2] =	stream.indirect.gather [hbm4b:s24+s8], $0x80, s30, s8, $0xb8;
	[tilespmem:$0x1D880] =	vst v63  }
0xf7: {  	_ =	swait.ge [sflag:s11], $0x3E80  }
0xf8: {  	[sflag:s11] =	ssyncset.done $0x0  }
0xf9: {  	s29 =	simm.s32 $0x1100;
	s23 =	simm.s32 $0xFFFFC800;
	[sflag:s11] =	ssyncadd.s32 $0xFFFFC180  }
.LBB2_5:
0xfa: {  	[spmem:s1] =	stream.indirect.scatter.add.f32 [tilespmem:s5], [sflag:$0x3], $0x80, s29, s8, $0xb8;
	[tilespmem:$0x1D880] =	vst v63  }
0xfb: {  	s29 =	smov.u32 s23  }
0xfc: {  	p2 =	sne.s32 s23, $0xFFFFFC00;
	s23 =	sadd.s32 $0x400, s23;
	_ =	swait.ge [sflag:s12], $0x3E80  }
0xfd: {  	s29 =	sshra.s32 s29, $0x2;
	[sflag:s12] =	ssyncset.done $0x0  }
0xfe: {  	s30 =	sadd.s32 $0x1000, s29;
	[sflag:s12] =	ssyncadd.s32 $0xFFFFC180  }
0xff: {  	[tilespmem:s5], [sflag:$0x1] =	stream.indirect.gather [hbm4b:s24+s8], $0x80, s30, s8, $0xb8;
	[tilespmem:$0x1D880] =	vst v63  }
0x100: {  	_ =	swait.ge [sflag:s13], $0x3E80  }
0x101: {  	[sflag:s13] =	ssyncset.done $0x0  }
0x102: {  	s30 =	sadd.s32 $0x1F80, s29;
	[sflag:s13] =	ssyncadd.s32 $0xFFFFC180  }
0x103: {  	[spmem:s1] =	stream.indirect.scatter.add.f32 [tilespmem:s10], [sflag:$0x4], $0x80, s30, s8, $0xb8;
	[tilespmem:$0x1D880] =	vst v63  }
0x104: {  	_ =	swait.ge [sflag:s14], $0x3E80  }
0x105: {  	[sflag:s14] =	ssyncset.done $0x0  }
.Ltmp8:
0x106: {  	s30 =	sadd.s32 $0x1080, s29;
	[sflag:s14] =	ssyncadd.s32 $0xFFFFC180;
	(pc) =	sbr.rel @p2 .LBB2_5-.Ltmp8, $4  }
0x107: {  	[tilespmem:s10], [sflag:$0x2] =	stream.indirect.gather [hbm4b:s24+s8], $0x80, s30, s8, $0xb8;
	[tilespmem:$0x1D880] =	vst v63  }
0x108: {  	_ =	swait.ge [sflag:s11], $0x3E80  }
0x109: {  	[sflag:s11] =	ssyncset.done $0x0  }
0x10a: {  	s29 =	sadd.s32 $0x2000, s29;
	[sflag:s11] =	ssyncadd.s32 $0xFFFFC180  }
0x10b: {  	[spmem:s1] =	stream.indirect.scatter.add.f32 [tilespmem:s5], [sflag:$0x3], $0x80, s29, s8, $0xb8;
	[tilespmem:$0x1D880] =	vst v63  }
0x10c: {  	_ =	swait.ge [sflag:s13], $0x3E80  }
0x10d: {  	[sflag:s13] =	ssyncset.done $0x0  }
0x10e: {  	s3 =	sadd.s32 $0x1, s3;
	[sflag:s13] =	ssyncadd.s32 $0xFFFFC180  }
0x10f: {  	[spmem:s1] =	stream.indirect.scatter.add.f32 [tilespmem:s10], [sflag:$0x4], $0x80, s15, s8, $0xb8;
	[tilespmem:$0x1D880] =	vst v63  }
0x110: {  	p2 =	sne.s32 s3, $0x5;
	_ =	swait.ge [sflag:s12], $0x3E80  }
.Ltmp9:
0x111: {  	[sflag:s12] =	ssyncset.done $0x0;
	(pc) =	sbr.rel @p2 .LBB2_4-.Ltmp9, $4  }
0x112: {  	[sflag:s12] =	ssyncadd.s32 $0xFFFFC180  }
0x113: {  	_ =	swait.ge [sflag:s14], $0x3E80  }
0x114: {  	[sflag:s14] =	ssyncset.done $0x0  }
0x115: {  	[sflag:s14] =	ssyncadd.s32 $0xFFFFC180  }
0x116: {  	s3 =	stileid.u32  }
0x117: {  	[bflag:$0x0] =	sbarrier.arrive $0xFFFF;
	s3 =	sshll.u32 s3, $0x6  }
0x118: {  	s23 =	sshrl.u32 s18, $0x3;
	s29 =	rddreg [dreg:$0x3];
	s3 =	sor.u32 $0x1C05, s3  }
0x119: {  	[hbm:s29], [sflag:s3] =	dma.local [spmem:s23], $0x780  }
0x11a: {  	_ =	swait.ge [sflag:s6], $0x780  }
0x11b: {  	[sflag:s6] =	ssyncset.done $0x0  }
0x11c: {  	s23 =	sshrl.u32 s19, $0x3;
	s30 =	rddreg [dreg:$0x4];
	[sflag:s6] =	ssyncadd.s32 $0xFFFFF880  }
0x11d: {  	[hbm:s30], [sflag:s3] =	dma.local [spmem:s23], $0x780  }
0x11e: {  	_ =	swait.ge [sflag:s6], $0x780  }
0x11f: {  	[sflag:s6] =	ssyncset.done $0x0  }
0x120: {  	s23 =	sshrl.u32 s20, $0x3;
	s30 =	rddreg [dreg:$0x5];
	[sflag:s6] =	ssyncadd.s32 $0xFFFFF880  }
0x121: {  	[hbm:s30], [sflag:s3] =	dma.local [spmem:s23], $0x780  }
0x122: {  	_ =	swait.ge [sflag:s6], $0x780  }
0x123: {  	[sflag:s6] =	ssyncset.done $0x0  }
0x124: {  	s23 =	sshrl.u32 s21, $0x3;
	s30 =	rddreg [dreg:$0x6];
	[sflag:s6] =	ssyncadd.s32 $0xFFFFF880  }
0x125: {  	[hbm:s30], [sflag:s3] =	dma.local [spmem:s23], $0x780  }
0x126: {  	_ =	swait.ge [sflag:s6], $0x780  }
0x127: {  	[sflag:s6] =	ssyncset.done $0x0  }
0x128: {  	s23 =	sshrl.u32 s22, $0x3;
	s30 =	rddreg [dreg:$0x7];
	[sflag:s6] =	ssyncadd.s32 $0xFFFFF880  }
0x129: {  	[hbm:s30], [sflag:s3] =	dma.local [spmem:s23], $0x780  }
0x12a: {  	_ =	swait.ge [sflag:s6], $0x780  }
0x12b: {  	[sflag:s6] =	ssyncset.done $0x0  }
0x12c: {  	s23 =	rddreg [dreg:$0x10];
	[sflag:s6] =	ssyncadd.s32 $0xFFFFF880  }
0x12d: {  	[hbm:s23], [sflag:s3] =	dma.local @p1 [spmem:s28], $0x280  }
0x12e: {  	s23 =	simm.s32 @p1 $0x5  }
0x12f: {  	_ =	swait.ge @p1 [sflag:s23], $0x280  }
0x130: {  	[sflag:s23] =	ssyncset.done @p1 $0x0  }
0x131: {  	[sflag:s23] =	ssyncadd.s32 @p1 $0xFFFFFD80;
	s23 =	rddreg [dreg:$0x8]  }
0x132: {  	[hbm:s23], [sflag:s3] =	dma.local @!p1 [spmem:s26], $0x180  }
.Ltmp10:
0x133: {  	_ = 	snop;
	(pc) =	sbr.rel .LBB2_14-.Ltmp10, $4  }
0x134: {  	s3 =	simm.s32 @!p1 $0x5  }
0x135: {  	_ =	swait.ge @!p1 [sflag:s3], $0x180  }
0x136: {  	[sflag:s3] =	ssyncset.done @!p1 $0x0  }
0x137: {  	[sflag:s3] =	ssyncadd.s32 @!p1 $0xFFFFFE80  }
.LBB2_15:
0x138: {  	_ =	sfence.sel $0x180000  }
0x139: {  	[bflag:$0x0] =	sbarrier.arrive $0xFFFF  }
0x13a: {  	_ =	strace $0x9000004A  }
0x13b: {  	s0 =	stileid.u32;
	[bflag:$0x2] =	sbarrier.arrive $0xFFFF  }
0x13c: {  	p0 =	sne.s32 s0, $0x0;
	s0 =	rddreg [dreg:$0x2]  }
0x13d: {  	s0 =	sadd.s32 @!p0 $0x100000, s0  }
0x13e: {  	[sflag:s0] =	ssyncadd.tile.s32 @!p0 $0x1;
	_ =	shalt  }
.Lfunc_end2:
_tile_overlayer_lowered:
.L_overlay_start_2:
0x13f: {  	(tag) =	ssettag $0x2  }
0x140: {  	s0 =	rddreg [dreg:$0x0];
	s2 =	stileid.u32  }
0x141: {  	s1 =	rddreg [dreg:$0x1];
	p0 =	sne.s32 s2, $0x0  }
0x142: {  	s3 =	rddreg [dreg:$0x2];
	[bflag:$0x3] =	sbarrier.arrive $0xFFFF;
	s2 =	simm.s32 @!p0 $0x1C05  }
0x143: {  	[timem:s3], [sflag:s2] =	dma.local @!p0 [hbm:s0], s1  }
0x144: {  	s0 =	simm.s32 @!p0 $0x5  }
0x145: {  	_ =	swait.ge @!p0 [sflag:s0], s1  }
0x146: {  	s1 =	ssub.s32 @!p0 $0x0, s1;
	[sflag:s0] =	ssyncset.done @!p0 $0x0  }
0x147: {  	[sflag:s0] =	ssyncadd.s32 @!p0 s1  }
0x148: {  	[bflag:$0x3] =	sbarrier.arrive $0xFFFF  }
0x149: {  	_ =	shalt  }

// kernel: kernel.15.cloned.1.call-start
scs
__scs_entry_jumppad:
0x0: {  	(pc) =	sbr.rel $0x88, $3  }
0x1: {  	(tag) =	ssettag $0x0;
	lr =	simm.s32 $0x1  }
0x2: {  	[smem:$0x3F98] =	sst lr;
	_ =	strace $0xD0000000  }
0x3: {  	_ = 	snop  }
0x4: {  	_ = 	snop  }
0x5: {  	_ = 	snop  }
0x6: {  	_ = 	snop  }
0x7: {  	_ = 	snop  }
__scs_overlays_trampoline_lowered:
0x8: {  	[smem:$0x3FA7] =	sst s0  }
0x9: {  	[smem:$0x3FA8] =	sst s1  }
0xa: {  	[smem:$0x3FA9] =	sst s2  }
0xb: {  	[smem:$0x3FAA] =	sst s3  }
0xc: {  	[smem:$0x3FAB] =	sst s4  }
0xd: {  	[smem:$0x3FAC] =	sst s5  }
0xe: {  	[smem:$0x3FAD] =	sst s6  }
0xf: {  	[smem:$0x3FAE] =	sst s7  }
0x10: {  	[smem:$0x3FAF] =	sst s8  }
0x11: {  	[smem:$0x3FB0] =	sst s9;
	s0 =	simm.s32 @!p0 $0x0  }
0x12: {  	s1 =	sld [smem:$0x3F96];
	s0 =	simm.s32 @p0 $0x1  }
0x13: {  	[smem:$0x3FB1] =	sst s0;
	s0 =	simm.s32 @!p1 $0x0  }
0x14: {  	s2 =	sld [smem:$0x3F95];
	s0 =	simm.s32 @p1 $0x1  }
0x15: {  	[smem:$0x3FB2] =	sst s0;
	s0 =	simm.s32 @!p2 $0x0  }
0x16: {  	s3 =	sld [smem:$0x3FDB];
	s0 =	simm.s32 @p2 $0x1  }
0x17: {  	s4 =	simm.s32 $0x1BF5;
	[smem:$0x3FB4] =	sst s0  }
0x18: {  	s0 =	sld [smem:$0x3F97];
	_ =	swait.ge [sflag:s4], $0x0  }
0x19: {  	s7 =	sld [smem:$0x3F98]  }
0x1a: {  	s8 =	sadd.s32 $0xFFFFE003, lr  }
0x1b: {  	s9 =	sadd.s32 $0xFFFFFEF7, lr;
	s5 =	simm.s32 $0xFFFFFFFF;
	p2 =	slt.u32 s8, $0xFFFFF086  }
0x1c: {  	p1 =	slt.u32 s9, $0xF7A;
	s5 =	simm.s32 @!p2 $0x0  }
0x1d: {  	s5 =	simm.s32 @p1 $0x1;
	p0 =	seq.s32 s7, s2  }
0x1e: {  	s7 =	smul.u32 @!p0 $0xF7A, s2;
	p2 =	seq.s32 @!p0 s5, $0x0  }
0x1f: {  	s9 =	smul.u32 $0xF7A, s1;
	s8 =	simm.s32 @!p0 $0x1BF5;
	p2 =	por !p2, p0  }
0x20: {  	[sflag:s8] =	ssyncset.s32 @!p0 $0xFFFFF086;
	s6 =	sadd.s32 @!p0 s3, s7;
	s7 =	simm.s32 @!p0 $0x108  }
0x21: {  	s3 =	sadd.s32 s3, s9;
	s6 =	sadd.s32 @!p0 $0x88, s6;
	s7 =	simm.s32 @p2 $0x1082  }
0x22: {  	[simem:s7], [sflag:s8] =	dma.local @!p0 [hbm:s6], $0xF7A  }
0x23: {  	s9 =	sor.u32 $0xD0000000, s2;
	s6 =	simm.s32 $0x108;
	_ =	swait.ge @!p0 [sflag:s8], $0x0  }
0x24: {  	s3 =	sadd.s32 $0x88, s3;
	s6 =	simm.s32 @!p1 $0x1082;
	[sflag:s4] =	ssyncset.s32 $0xFFFFF086  }
0x25: {  	[simem:s6], [sflag:s4] =	dma.local [hbm:s3], $0xF7A  }
0x26: {  	[smem:$0x3F98] =	sst s1;
	(tag) =	ssettag s2;
	_ =	strace s9  }
0x27: {  	s1 =	sld [smem:$0x3FA8]  }
0x28: {  	s2 =	sld [smem:$0x3FA9]  }
0x29: {  	s4 =	sld [smem:$0x3FAB]  }
0x2a: {  	p0 =	seq.s32 s5, $0x0;
	s5 =	sld [smem:$0x3FAC]  }
0x2b: {  	s6 =	sld [smem:$0x3FAD]  }
0x2c: {  	s7 =	sld [smem:$0x3FAE]  }
0x2d: {  	s3 =	simm.s32 $0x108;
	s8 =	sld [smem:$0x3FAF]  }
0x2e: {  	s3 =	simm.s32 @!p0 $0x1082;
	s9 =	sld [smem:$0x3FB0]  }
0x2f: {  	lr =	sadd.s32 s0, s3;
	s0 =	sld [smem:$0x3FA7]  }
0x30: {  	s3 =	sld [smem:$0x3FAA]  }
0x31: {  	[smem:$0x3FB3] =	sst s10  }
0x32: {  	s10 =	sld [smem:$0x3FB1];
	_ =	sdelay $0x3  }
0x33: {  	p0 =	seq.s32 s10, $0x1;
	s10 =	sld [smem:$0x3FB3];
	_ =	sdelay $0x3  }
0x34: {  	[smem:$0x3FB3] =	sst s10  }
0x35: {  	s10 =	sld [smem:$0x3FB2];
	_ =	sdelay $0x3  }
0x36: {  	p1 =	seq.s32 s10, $0x1;
	s10 =	sld [smem:$0x3FB3];
	_ =	sdelay $0x3  }
0x37: {  	[smem:$0x3FB3] =	sst s10  }
0x38: {  	s10 =	sld [smem:$0x3FB4]  }
0x39: {  	_ = 	snop;
	(pc) =	sbr.ind lr, $3  }
0x3a: {  	_ = 	snop  }
0x3b: {  	_ = 	snop  }
0x3c: {  	p2 =	seq.s32 s10, $0x1;
	s10 =	sld [smem:$0x3FB3]  }
0x3d: {  	_ =	shalt  }
0x3e: {  	_ =	shalt  }
0x3f: {  	_ =	shalt  }
0x40: {  	_ =	shalt  }
0x41: {  	_ =	shalt  }
0x42: {  	_ =	shalt  }
0x43: {  	_ =	shalt  }
0x44: {  	_ =	shalt  }
0x45: {  	_ =	shalt  }
0x46: {  	_ =	shalt  }
0x47: {  	_ =	shalt  }
0x48: {  	_ =	shalt  }
0x49: {  	_ =	shalt  }
0x4a: {  	_ =	shalt  }
0x4b: {  	_ =	shalt  }
0x4c: {  	_ =	shalt  }
0x4d: {  	_ =	shalt  }
0x4e: {  	_ =	shalt  }
0x4f: {  	_ =	shalt  }
0x50: {  	_ =	shalt  }
0x51: {  	_ =	shalt  }
0x52: {  	_ =	shalt  }
0x53: {  	_ =	shalt  }
0x54: {  	_ =	shalt  }
0x55: {  	_ =	shalt  }
0x56: {  	_ =	shalt  }
0x57: {  	_ =	shalt  }
0x58: {  	_ =	shalt  }
0x59: {  	_ =	shalt  }
0x5a: {  	_ =	shalt  }
0x5b: {  	_ =	shalt  }
0x5c: {  	_ =	shalt  }
0x5d: {  	_ =	shalt  }
0x5e: {  	_ =	shalt  }
0x5f: {  	_ =	shalt  }
0x60: {  	_ =	shalt  }
0x61: {  	_ =	shalt  }
0x62: {  	_ =	shalt  }
0x63: {  	_ =	shalt  }
0x64: {  	_ =	shalt  }
0x65: {  	_ =	shalt  }
0x66: {  	_ =	shalt  }
0x67: {  	_ =	shalt  }
0x68: {  	_ =	shalt  }
0x69: {  	_ =	shalt  }
0x6a: {  	_ =	shalt  }
0x6b: {  	_ =	shalt  }
0x6c: {  	_ =	shalt  }
0x6d: {  	_ =	shalt  }
0x6e: {  	_ =	shalt  }
0x6f: {  	_ =	shalt  }
0x70: {  	_ =	shalt  }
0x71: {  	_ =	shalt  }
0x72: {  	_ =	shalt  }
0x73: {  	_ =	shalt  }
0x74: {  	_ =	shalt  }
0x75: {  	_ =	shalt  }
0x76: {  	_ =	shalt  }
0x77: {  	_ =	shalt  }
0x78: {  	_ =	shalt  }
0x79: {  	_ =	shalt  }
0x7a: {  	_ =	shalt  }
0x7b: {  	_ =	shalt  }
0x7c: {  	_ =	shalt  }
0x7d: {  	_ =	shalt  }
0x7e: {  	_ =	shalt  }
0x7f: {  	_ =	shalt  }
0x80: {  	_ =	shalt  }
0x81: {  	_ =	shalt  }
0x82: {  	_ =	shalt  }
0x83: {  	_ =	shalt  }
0x84: {  	_ =	shalt  }
0x85: {  	_ =	shalt  }
0x86: {  	_ =	shalt  }
0x87: {  	_ =	shalt  }
.Lfunc_end0:
.L_simem_size_0:
called_computation.2_lowered:
.L_overlay_start_0:
0x88: {  	s2 =	sld [smem:$0x3FD9]  }
0x89: {  	s3 =	sld [smem:$0x3FFE];
	_ =	sdelay $0x1  }
0x8a: {  	s1 =	srdreg.scid  }
0x8b: {  	s0 =	sand.u32 $0x1, s1  }
0x8c: {  	s17 =	sshll.u32 s0, $0xA;
	s2 =	sadd.s32 s3, s2  }
0x8d: {  	s2 =	sadd.s32 s2, s17  }
0x8e: {  	[smem:$0x3FBF] =	sst s2  }
0x8f: {  	_ = 	snop  }
0x90: {  	s2 =	sld [smem:$0x3FD0];
	(tm) =	ssettm $0x1  }
0x91: {  	s18 =	sld [smem:$0x3FFB];
	_ =	sdelay $0x3  }
0x92: {  	_ =	strace s18  }
0x93: {  	s3 =	sld [smem:$0x3FFC];
	_ =	sdelay $0x3  }
0x94: {  	_ =	strace s3  }
0x95: {  	s3 =	sld [smem:$0x3FFD];
	_ =	sdelay $0x3  }
0x96: {  	_ =	strace s3  }
0x97: {  	_ =	strace $0x8FFFFFFF  }
0x98: {  	s19 =	sld [smem:$0x3FDB];
	_ =	sdelay $0x1  }
0x99: {  	s4 =	simm.s32 $_scs_section_size  }
0x9a: {  	s5 =	simm.s32 $_size__tile_overlayer_lowered;
	s6 =	simm.s32 $_tile_overlayer_lowered  }
0x9b: {  	s22 =	simm.s32 $0x1BFF;
	s21 =	sshll.u32 s6, $0x1;
	s3 =	sadd.s32 s4, s19  }
0x9c: {  	s7 =	simm.s32 $0x0;
	s20 =	sshll.u32 s5, $0x1;
	s5 =	sadd.s32 s21, s3  }
0x9d: {  	[timem:s7], [sflag:s22] =	dma.local [hbm:s5], s20  }
0x9e: {  	_ =	swait.ge [sflag:s22], s20  }
0x9f: {  	s4 =	ssub.s32 $0x0, s20;
	[sflag:s22] =	ssyncset.done $0x0  }
0xa0: {  	[sflag:s22] =	ssyncadd.s32 s4;
	_ =	sdelay $0x1  }
0xa1: {  	s23 =	simm.s32 $0x1B8B  }
0xa2: {  	_ =	swait.ge [sflag:s23], $0x1  }
0xa3: {  	[sflag:s23] =	ssyncset.done $0x0  }
0xa4: {  	s25 =	simm.s32 $0x1B8E;
	s24 =	sld [smem:$0x3FFE];
	[sflag:s23] =	ssyncadd.s32 $0xFFFFFFFF  }
0xa5: {  	s26 =	simm.s32 $execute0_lowered;
	[smem:$0x3FD2] =	sst s25  }
0xa6: {  	s5 =	sshll.u32 s26, $0x1;
	_ =	strace $0x8000004C;
	[dreg:$0x1] =	wrdreg $0xFFFFFFFF  }
0xa7: {  	s28 =	simm.s32 $_size_execute0_lowered;
	s3 =	sadd.s32 s3, s5;
	[dreg:$0x0] =	wrdreg $0x0  }
0xa8: {  	s5 =	sshll.u32 s28, $0x1;
	[dreg:$0x2] =	wrdreg s3  }
0xa9: {  	[dreg:$0x3] =	wrdreg s5  }
0xaa: {  	[dreg:$0x4] =	wrdreg $0xC0  }
0xab: {  	_ =	task [dreg:s7], $0x5FFFF  }
0xac: {  	[dreg:$0x1] =	wrdreg $0xFFFFFFFF  }
0xad: {  	[dreg:$0x0] =	wrdreg $0x60  }
0xae: {  	[dreg:$0x2] =	wrdreg s24  }
0xaf: {  	[dreg:$0x3] =	wrdreg s2  }
0xb0: {  	[dreg:$0x4] =	wrdreg $0xA0000  }
0xb1: {  	[dreg:$0x5] =	wrdreg $0x9  }
0xb2: {  	_ =	task.clear_ibuf [dreg:s7], $0x6FFFF;
	_ =	strace $0x9000004C  }
0xb3: {  	s29 =	simm.s32 $0x9;
	_ =	strace $0x8000004E  }
0xb4: {  	_ =	swait.ge [sflag:s29], $0x1  }
0xb5: {  	[sflag:s29] =	ssyncadd.s32 $0xFFFFFFFF  }
0xb6: {  	_ =	strace $0x9000004E  }
0xb7: {  	_ =	sfence  }
0xb8: {  	s30 =	sld [smem:$0x0];
	_ =	sdelay $0x2  }
0xb9: {  	s31 =	sshll.u32 s1, $0xD;
	s1 =	sshrl.u32 s1, $0x2  }
0xba: {  	s3 =	sand.u32 $0x4000, s31;
	s1 =	sadd.s32 s1, s30  }
0xbb: {  	s0 =	sor.u32 s3, s0;
	s1 =	sshll.u32 s1, $0x11  }
0xbc: {  	s0 =	sor.u32 s1, s0  }
0xbd: {  	s0 =	sadd.s32 $0x8F2B, s0  }
0xbe: {  	[sflag:s0] =	ssyncadd.remote.s32 $0x1  }
0xbf: {  	_ =	sfence.sel $0xFFFF  }
0xc0: {  	[dreg:$0x0] =	wrdreg $0xFFFFFFFF;
	(pc) =	sbr.abs _section_cstart, $3  }
0xc1: {  	[dreg:$0x1] =	wrdreg $0xFFFFFFFF  }
0xc2: {  	_ =	task.clear_ibuf [dreg:s7], $0x2FFFF;
	_ =	strace $0x9FFFFFFF  }
0xc3: {  	(tm) =	ssettm $0x7FFFFFFF  }
tec
execute0_lowered:
.L_overlay_start_1:
0x0: {  	(tag) =	ssettag $0x1  }
0x1: {  	s0 =	rddreg [dreg:$0x0]  }
0x2: {  	s1 =	rddreg [dreg:$0x1]  }
0x3: {  	s2 =	rddreg [dreg:$0x2]  }
0x4: {  	s3 =	simm.s32 $0x0;
	s4 =	srdreg.scid;
	s23 =	stileid.u32  }
0x5: {  	[smem:$0x7FF] =	sst s3;
	s9 =	smul.u32 $0x270, s23  }
0x6: {  	s4 =	sand.u32 $0x1, s4;
	s5 =	sadd.s32 $0xB4800, s0;
	s24 =	smul.u32 $0x4E000, s23  }
0x7: {  	s7 =	sadd.s32 $0xDBA00, s0;
	s11 =	smul.u32 $0x2700, s23;
	p1 =	seq.s32 s23, $0xF  }
0x8: {  	s31 =	sadd.s32 $0x137400, s2;
	_ =	strace $0x8000004D;
	s6 =	ssub.s32 $0x2, s4  }
0x9: {  	p0 =	seq.s32 s4, $0x1;
	s8 =	sshrl.u32 s6, $0x1;
	s25 =	sadd.s32 $0x78, s9  }
0xa: {  	s10 =	sadd.s32 $0xF0, s9;
	s12 =	sadd.s32 $0x168, s9;
	s13 =	sadd.s32 $0x1E0, s9  }
0xb: {  	s15 =	sadd.s32 s5, s11;
	s9 =	sadd.s32 $0x258, s9;
	s11 =	sadd.s32 s7, s11  }
0xc: {  	s4 =	sshrl.u32 s24, $0x2;
	s6 =	ssub.s32 s6, s8;
	s14 =	sshll.u32 s25, $0x4  }
0xd: {  	[dreg:$0x4] =	wrdreg s15;
	s28 =	sshll.u32 s10, $0x4;
	s29 =	sshll.u32 s12, $0x4  }
0xe: {  	s30 =	sshll.u32 s13, $0x4;
	s18 =	sshll.u32 s9, $0x4;
	[dreg:$0xa] =	wrdreg s11  }
0xf: {  	s20 =	sshll.u32 s25, $0x7;
	s21 =	sshll.u32 s10, $0x7;
	s22 =	sshll.u32 s12, $0x7  }
0x10: {  	s24 =	sshll.u32 s13, $0x7;
	s25 =	sshll.u32 s9, $0x7;
	s26 =	sadd.s32 s5, s14  }
0x11: {  	s8 =	simm.s32 $0x7D;
	s16 =	sadd.s32 s5, s28;
	[dreg:$0x5] =	wrdreg s26  }
0x12: {  	s9 =	simm.s32 $0x80;
	s17 =	sadd.s32 s5, s29;
	[dreg:$0x6] =	wrdreg s16  }
0x13: {  	s10 =	simm.s32 $0x6000;
	s19 =	sadd.s32 s5, s30;
	[dreg:$0x7] =	wrdreg s17  }
0x14: {  	s11 =	simm.s32 $0x1;
	s5 =	sadd.s32 s5, s18;
	[dreg:$0x8] =	wrdreg s19  }
0x15: {  	s12 =	simm.s32 $0x3;
	s14 =	sadd.s32 s7, s14;
	[dreg:$0x9] =	wrdreg s5  }
0x16: {  	s13 =	simm.s32 $0x2;
	s15 =	sadd.s32 s7, s28;
	[dreg:$0xb] =	wrdreg s14  }
0x17: {  	s28 =	sadd.s32 $0xDB680, s0;
	[dreg:$0xc] =	wrdreg s15;
	s16 =	sadd.s32 s7, s29  }
0x18: {  	s17 =	sadd.s32 s7, s30;
	s19 =	sadd.s32 s7, s18;
	s18 =	sadd.s32 s4, s2  }
0x19: {  	s26 =	sadd.s32 s25, s2;
	s25 =	sadd.s32 $0x8D600, s0;
	[dreg:$0x11] =	wrdreg s28  }
0x1a: {  	s29 =	smax.u32 s6, $0x1;
	s5 =	simm.s32 $0x2000;
	[dreg:$0xd] =	wrdreg s16  }
0x1b: {  	s6 =	simm.s32 $0x5;
	s7 =	simm.s32 $0x1000;
	[dreg:$0xe] =	wrdreg s17  }
0x1c: {  	s14 =	simm.s32 $0x4;
	[dreg:$0xf] =	wrdreg s19;
	s17 =	sadd.s32 $0x35400, s0  }
.Ltmp0:
0x1d: {  	s19 =	sadd.s32 s20, s2;
	s20 =	sadd.s32 s21, s2;
	(pc) =	sbr.rel .LBB2_1-.Ltmp0, $4  }
0x1e: {  	s21 =	sadd.s32 s22, s2;
	s22 =	sadd.s32 s24, s2;
	[dreg:$0x10] =	wrdreg s26  }
0x1f: {  	s24 =	sadd.s32 $0x4000, s0;
	s0 =	sadd.s32 $0x102880, s0;
	[dreg:$0x13] =	wrdreg s29  }
0x20: {  	s15 =	simm.s32 $0x1F80;
	s30 =	sadd.s32 $0x12C00, s18;
	[dreg:$0x12] =	wrdreg s0  }
0x21: {  	v0 =	vimm.f32 $0.0e+00;
	s16 =	simm.s32 $0x0;
	[dreg:$0x14] =	wrdreg s30;
	s0 =	smul.u32 $0x5000, s23  }
.LBB2_14:
0x22: {  	s16 =	sadd.s32 $0x1, s16;
	s4 =	rddreg [dreg:$0x13]  }
0x23: {  	p2 =	sne.s32 s16, s4  }
.Ltmp1:
0x24: {  	_ = 	snop;
	(pc) =	sbr.rel @!p2 .LBB2_15-.Ltmp1, $1  }
0x25: {  	_ =	sdelay $0x3  }
.LBB2_1:
.Ltmp2:
0x26: {  	(pc) =	sbr.rel @!p0 .LBB2_2-.Ltmp2, $4  }
0x27: {  	_ = 	snop  }
0x28: {  	s28 =	sshrl.u32 @p1 s31, $0x3;
	s4 =	rddreg [dreg:$0x10];
	s30 =	sand.u32 $0xFE00, s3  }
0x29: {  	s23 =	sand.u32 $0x70, s3;
	s26 =	sshrl.u32 @!p1 s4, $0x3;
	s29 =	sshrl.u32 s30, $0x2  }
0x2a: {  	s4 =	simm.s32 $0x40;
	s29 =	sor.u32 s23, s29;
	s23 =	simm.s32 $0x0  }
.LBB2_8:
0x2b: {  	p2 =	sne.s32 s4, $0xF9C0  }
0x2c: {  	[tilespmem:s29+$0x2000] =	vst v0;
	s23 =	sadd.s32 $0x10, s23;
	s29 =	smov.u32 s4;
	s4 =	sadd.s32 $0x40, s4  }
.Ltmp3:
0x2d: {  	(pc) =	sbr.rel @p2 .LBB2_8-.Ltmp3, $4  }
0x2e: {  	_ = 	snop  }
0x2f: {  	s29 =	sand.u32 $0xFE00, s29  }
0x30: {  	s30 =	sand.u32 $0x70, s23;
	s29 =	sshrl.u32 s29, $0x2  }
0x31: {  	s29 =	sor.u32 s30, s29  }
0x32: {  	[tilespmem:s29+$0x2000] =	vst v0  }
0x33: {  	[spmem:s18] =	stream.linear.scatter [tilespmem:s5], [sflag:$0x5], $0x3C00, $0x38;
	[tilespmem:$0x1D880] =	vst v63  }
0x34: {  	_ =	swait.ge [sflag:s6], $0x3C00  }
0x35: {  	[sflag:s6] =	ssyncset.done $0x0  }
0x36: {  	[sflag:s6] =	ssyncadd.s32 $0xFFFFC400  }
0x37: {  	[spmem:s19] =	stream.linear.scatter [tilespmem:s5], [sflag:$0x5], $0x3C00, $0x38;
	[tilespmem:$0x1D880] =	vst v63  }
0x38: {  	_ =	swait.ge [sflag:s6], $0x3C00  }
0x39: {  	[sflag:s6] =	ssyncset.done $0x0  }
0x3a: {  	[sflag:s6] =	ssyncadd.s32 $0xFFFFC400  }
0x3b: {  	[spmem:s20] =	stream.linear.scatter [tilespmem:s5], [sflag:$0x5], $0x3C00, $0x38;
	[tilespmem:$0x1D880] =	vst v63  }
0x3c: {  	_ =	swait.ge [sflag:s6], $0x3C00  }
0x3d: {  	[sflag:s6] =	ssyncset.done $0x0  }
0x3e: {  	[sflag:s6] =	ssyncadd.s32 $0xFFFFC400  }
0x3f: {  	[spmem:s21] =	stream.linear.scatter [tilespmem:s5], [sflag:$0x5], $0x3C00, $0x38;
	[tilespmem:$0x1D880] =	vst v63  }
0x40: {  	_ =	swait.ge [sflag:s6], $0x3C00  }
0x41: {  	[sflag:s6] =	ssyncset.done $0x0  }
0x42: {  	[sflag:s6] =	ssyncadd.s32 $0xFFFFC400  }
0x43: {  	[spmem:s22] =	stream.linear.scatter [tilespmem:s5], [sflag:$0x5], $0x3C00, $0x38;
	[tilespmem:$0x1D880] =	vst v63  }
0x44: {  	_ =	swait.ge [sflag:s6], $0x3C00  }
0x45: {  	[sflag:s6] =	ssyncset.done $0x0  }
0x46: {  	s4 =	simm.s32 @p1 $0x2000;
	[sflag:s6] =	ssyncadd.s32 $0xFFFFC400  }
0x47: {  	[spmem:s31] =	stream.linear.scatter @p1 [tilespmem:s4], [sflag:$0x5], $0x1400, $0x38;
	[tilespmem:$0x1D880] =	vst v63  }
0x48: {  	s4 =	simm.s32 @p1 $0x5  }
0x49: {  	_ =	swait.ge @p1 [sflag:s4], $0x1400  }
0x4a: {  	[sflag:s4] =	ssyncset.done @p1 $0x0  }
0x4b: {  	s23 =	rddreg [dreg:$0x14];
	[sflag:s4] =	ssyncadd.s32 @p1 $0xFFFFEC00;
	s4 =	simm.s32 @!p1 $0x2000  }
0x4c: {  	[spmem:s23] =	stream.linear.scatter @!p1 [tilespmem:s4], [sflag:$0x5], $0xC00, $0x38;
	[tilespmem:$0x1D880] =	vst v63  }
0x4d: {  	s4 =	simm.s32 @!p1 $0x5  }
0x4e: {  	_ =	swait.ge @!p1 [sflag:s4], $0xC00  }
0x4f: {  	[sflag:s4] =	ssyncset.done @!p1 $0x0  }
0x50: {  	[sflag:s4] =	ssyncadd.s32 @!p1 $0xFFFFF400  }
0x51: {  	s4 =	simm.s32 $0x0;
	[bflag:$0x0] =	sbarrier.arrive $0xFFFF  }
.LBB2_10:
0x52: {  	s23 =	sshll.u32 s4, $0xC  }
0x53: {  	s23 =	sadd.s32 s0, s23  }
0x54: {  	s23 =	sshrl.u32 s23, $0x3  }
0x55: {  	s29 =	sadd.s32 s17, s23  }
0x56: {  	[tilespmem:s3], [sflag:$0x5] =	stream.linear.gather [hbm4b:s29+s3], $0x1000, $0x38;
	[tilespmem:$0x1D880] =	vst v63  }
0x57: {  	_ =	swait.ge [sflag:s6], $0x1000  }
0x58: {  	[sflag:s6] =	ssyncset.done $0x0  }
0x59: {  	s23 =	sadd.s32 s24, s23;
	[sflag:s6] =	ssyncadd.s32 $0xFFFFF000  }
0x5a: {  	[tilespmem:s7], [sflag:$0x5] =	stream.linear.gather [hbm4b:s23+s3], $0x1000, $0x38;
	[tilespmem:$0x1D880] =	vst v63  }
0x5b: {  	_ =	swait.ge [sflag:s6], $0x1000  }
0x5c: {  	[sflag:s6] =	ssyncset.done $0x0  }
0x5d: {  	[sflag:s6] =	ssyncadd.s32 $0xFFFFF000  }
0x5e: {  	[tilespmem:s5], [sflag:$0x1] =	stream.indirect.gather [hbm4b:s25+s8], $0x80, s3, s8, $0xb8;
	[tilespmem:$0x1D880] =	vst v63  }
0x5f: {  	_ = 	snop  }
0x60: {  	[tilespmem:s10], [sflag:$0x2] =	stream.indirect.gather [hbm4b:s25+s8], $0x80, s9, s8, $0xb8;
	[tilespmem:$0x1D880] =	vst v63  }
0x61: {  	_ =	swait.ge [sflag:s11], $0x3E80  }
0x62: {  	[sflag:s11] =	ssyncset.done $0x0  }
0x63: {  	[sflag:s11] =	ssyncadd.s32 $0xFFFFC180  }
0x64: {  	[spmem:s2] =	stream.indirect.scatter.add.f32 [tilespmem:s5], [sflag:$0x3], $0x80, s7, s8, $0xb8;
	[tilespmem:$0x1D880] =	vst v63  }
0x65: {  	_ =	swait.ge [sflag:s12], $0x3E80  }
0x66: {  	[sflag:s12] =	ssyncset.done $0x0  }
0x67: {  	s30 =	simm.s32 $0x100;
	[sflag:s12] =	ssyncadd.s32 $0xFFFFC180  }
0x68: {  	[tilespmem:s5], [sflag:$0x1] =	stream.indirect.gather [hbm4b:s25+s8], $0x80, s30, s8, $0xb8;
	[tilespmem:$0x1D880] =	vst v63  }
0x69: {  	_ =	swait.ge [sflag:s13], $0x3E80  }
0x6a: {  	[sflag:s13] =	ssyncset.done $0x0  }
0x6b: {  	s30 =	simm.s32 $0x1080;
	[sflag:s13] =	ssyncadd.s32 $0xFFFFC180  }
0x6c: {  	[spmem:s2] =	stream.indirect.scatter.add.f32 [tilespmem:s10], [sflag:$0x4], $0x80, s30, s8, $0xb8;
	[tilespmem:$0x1D880] =	vst v63  }
0x6d: {  	_ =	swait.ge [sflag:s14], $0x3E80  }
0x6e: {  	[sflag:s14] =	ssyncset.done $0x0  }
0x6f: {  	s30 =	simm.s32 $0x180;
	[sflag:s14] =	ssyncadd.s32 $0xFFFFC180  }
0x70: {  	[tilespmem:s10], [sflag:$0x2] =	stream.indirect.gather [hbm4b:s25+s8], $0x80, s30, s8, $0xb8;
	[tilespmem:$0x1D880] =	vst v63  }
0x71: {  	_ =	swait.ge [sflag:s11], $0x3E80  }
0x72: {  	[sflag:s11] =	ssyncset.done $0x0  }
0x73: {  	s29 =	simm.s32 $0x1100;
	s23 =	simm.s32 $0xFFFFC800;
	[sflag:s11] =	ssyncadd.s32 $0xFFFFC180  }
.LBB2_11:
0x74: {  	[spmem:s2] =	stream.indirect.scatter.add.f32 [tilespmem:s5], [sflag:$0x3], $0x80, s29, s8, $0xb8;
	[tilespmem:$0x1D880] =	vst v63  }
0x75: {  	s29 =	smov.u32 s23  }
0x76: {  	p2 =	sne.s32 s23, $0xFFFFFC00;
	s23 =	sadd.s32 $0x400, s23;
	_ =	swait.ge [sflag:s12], $0x3E80  }
0x77: {  	s29 =	sshra.s32 s29, $0x2;
	[sflag:s12] =	ssyncset.done $0x0  }
0x78: {  	s30 =	sadd.s32 $0x1000, s29;
	[sflag:s12] =	ssyncadd.s32 $0xFFFFC180  }
0x79: {  	[tilespmem:s5], [sflag:$0x1] =	stream.indirect.gather [hbm4b:s25+s8], $0x80, s30, s8, $0xb8;
	[tilespmem:$0x1D880] =	vst v63  }
0x7a: {  	_ =	swait.ge [sflag:s13], $0x3E80  }
0x7b: {  	[sflag:s13] =	ssyncset.done $0x0  }
0x7c: {  	s30 =	sadd.s32 $0x1F80, s29;
	[sflag:s13] =	ssyncadd.s32 $0xFFFFC180  }
0x7d: {  	[spmem:s2] =	stream.indirect.scatter.add.f32 [tilespmem:s10], [sflag:$0x4], $0x80, s30, s8, $0xb8;
	[tilespmem:$0x1D880] =	vst v63  }
0x7e: {  	_ =	swait.ge [sflag:s14], $0x3E80  }
0x7f: {  	[sflag:s14] =	ssyncset.done $0x0  }
.Ltmp4:
0x80: {  	s30 =	sadd.s32 $0x1080, s29;
	[sflag:s14] =	ssyncadd.s32 $0xFFFFC180;
	(pc) =	sbr.rel @p2 .LBB2_11-.Ltmp4, $4  }
0x81: {  	[tilespmem:s10], [sflag:$0x2] =	stream.indirect.gather [hbm4b:s25+s8], $0x80, s30, s8, $0xb8;
	[tilespmem:$0x1D880] =	vst v63  }
0x82: {  	_ =	swait.ge [sflag:s11], $0x3E80  }
0x83: {  	[sflag:s11] =	ssyncset.done $0x0  }
0x84: {  	s29 =	sadd.s32 $0x2000, s29;
	[sflag:s11] =	ssyncadd.s32 $0xFFFFC180  }
0x85: {  	[spmem:s2] =	stream.indirect.scatter.add.f32 [tilespmem:s5], [sflag:$0x3], $0x80, s29, s8, $0xb8;
	[tilespmem:$0x1D880] =	vst v63  }
0x86: {  	_ =	swait.ge [sflag:s13], $0x3E80  }
0x87: {  	[sflag:s13] =	ssyncset.done $0x0  }
0x88: {  	s4 =	sadd.s32 $0x1, s4;
	[sflag:s13] =	ssyncadd.s32 $0xFFFFC180  }
0x89: {  	[spmem:s2] =	stream.indirect.scatter.add.f32 [tilespmem:s10], [sflag:$0x4], $0x80, s15, s8, $0xb8;
	[tilespmem:$0x1D880] =	vst v63  }
0x8a: {  	p2 =	sne.s32 s4, $0x5;
	_ =	swait.ge [sflag:s12], $0x3E80  }
.Ltmp5:
0x8b: {  	[sflag:s12] =	ssyncset.done $0x0;
	(pc) =	sbr.rel @p2 .LBB2_10-.Ltmp5, $4  }
0x8c: {  	[sflag:s12] =	ssyncadd.s32 $0xFFFFC180  }
0x8d: {  	_ =	swait.ge [sflag:s14], $0x3E80  }
0x8e: {  	[sflag:s14] =	ssyncset.done $0x0  }
0x8f: {  	[sflag:s14] =	ssyncadd.s32 $0xFFFFC180  }
0x90: {  	s4 =	stileid.u32  }
0x91: {  	[bflag:$0x0] =	sbarrier.arrive $0xFFFF;
	s4 =	sshll.u32 s4, $0x6  }
0x92: {  	s23 =	sshrl.u32 s18, $0x3;
	s29 =	rddreg [dreg:$0xa];
	s4 =	sor.u32 $0x1C05, s4  }
0x93: {  	[hbm:s29], [sflag:s4] =	dma.local [spmem:s23], $0x780  }
0x94: {  	_ =	swait.ge [sflag:s6], $0x780  }
0x95: {  	[sflag:s6] =	ssyncset.done $0x0  }
0x96: {  	s23 =	sshrl.u32 s19, $0x3;
	s30 =	rddreg [dreg:$0xb];
	[sflag:s6] =	ssyncadd.s32 $0xFFFFF880  }
0x97: {  	[hbm:s30], [sflag:s4] =	dma.local [spmem:s23], $0x780  }
0x98: {  	_ =	swait.ge [sflag:s6], $0x780  }
0x99: {  	[sflag:s6] =	ssyncset.done $0x0  }
0x9a: {  	s23 =	sshrl.u32 s20, $0x3;
	s30 =	rddreg [dreg:$0xc];
	[sflag:s6] =	ssyncadd.s32 $0xFFFFF880  }
0x9b: {  	[hbm:s30], [sflag:s4] =	dma.local [spmem:s23], $0x780  }
0x9c: {  	_ =	swait.ge [sflag:s6], $0x780  }
0x9d: {  	[sflag:s6] =	ssyncset.done $0x0  }
0x9e: {  	s23 =	sshrl.u32 s21, $0x3;
	s30 =	rddreg [dreg:$0xd];
	[sflag:s6] =	ssyncadd.s32 $0xFFFFF880  }
0x9f: {  	[hbm:s30], [sflag:s4] =	dma.local [spmem:s23], $0x780  }
0xa0: {  	_ =	swait.ge [sflag:s6], $0x780  }
0xa1: {  	[sflag:s6] =	ssyncset.done $0x0  }
0xa2: {  	s23 =	sshrl.u32 s22, $0x3;
	s30 =	rddreg [dreg:$0xe];
	[sflag:s6] =	ssyncadd.s32 $0xFFFFF880  }
0xa3: {  	[hbm:s30], [sflag:s4] =	dma.local [spmem:s23], $0x780  }
0xa4: {  	_ =	swait.ge [sflag:s6], $0x780  }
0xa5: {  	[sflag:s6] =	ssyncset.done $0x0  }
0xa6: {  	s23 =	rddreg [dreg:$0x12];
	[sflag:s6] =	ssyncadd.s32 $0xFFFFF880  }
0xa7: {  	[hbm:s23], [sflag:s4] =	dma.local @p1 [spmem:s28], $0x280  }
0xa8: {  	s23 =	simm.s32 @p1 $0x5  }
0xa9: {  	_ =	swait.ge @p1 [sflag:s23], $0x280  }
0xaa: {  	[sflag:s23] =	ssyncset.done @p1 $0x0  }
0xab: {  	[sflag:s23] =	ssyncadd.s32 @p1 $0xFFFFFD80;
	s23 =	rddreg [dreg:$0xf]  }
0xac: {  	[hbm:s23], [sflag:s4] =	dma.local @!p1 [spmem:s26], $0x180  }
.Ltmp6:
0xad: {  	_ = 	snop;
	(pc) =	sbr.rel .LBB2_14-.Ltmp6, $4  }
0xae: {  	s4 =	simm.s32 @!p1 $0x5  }
0xaf: {  	_ =	swait.ge @!p1 [sflag:s4], $0x180  }
0xb0: {  	[sflag:s4] =	ssyncset.done @!p1 $0x0  }
0xb1: {  	[sflag:s4] =	ssyncadd.s32 @!p1 $0xFFFFFE80  }
.LBB2_2:
0xb2: {  	p2 =	sne.s32 s4, $0xF9C0  }
0xb3: {  	[tilespmem:s29+$0x2000] =	vst v0;
	s23 =	sadd.s32 $0x10, s23;
	s29 =	smov.u32 s4;
	s4 =	sadd.s32 $0x40, s4  }
.Ltmp7:
0xb4: {  	(pc) =	sbr.rel @p2 .LBB2_2-.Ltmp7, $4  }
0xb5: {  	_ = 	snop  }
0xb6: {  	s29 =	sand.u32 $0xFE00, s29  }
0xb7: {  	s30 =	sand.u32 $0x70, s23;
	s29 =	sshrl.u32 s29, $0x2  }
0xb8: {  	s29 =	sor.u32 s30, s29  }
0xb9: {  	[tilespmem:s29+$0x2000] =	vst v0  }
0xba: {  	[spmem:s18] =	stream.linear.scatter [tilespmem:s5], [sflag:$0x5], $0x3C00, $0x38;
	[tilespmem:$0x1D880] =	vst v63  }
0xbb: {  	_ =	swait.ge [sflag:s6], $0x3C00  }
0xbc: {  	[sflag:s6] =	ssyncset.done $0x0  }
0xbd: {  	[sflag:s6] =	ssyncadd.s32 $0xFFFFC400  }
0xbe: {  	[spmem:s19] =	stream.linear.scatter [tilespmem:s5], [sflag:$0x5], $0x3C00, $0x38;
	[tilespmem:$0x1D880] =	vst v63  }
0xbf: {  	_ =	swait.ge [sflag:s6], $0x3C00  }
0xc0: {  	[sflag:s6] =	ssyncset.done $0x0  }
0xc1: {  	[sflag:s6] =	ssyncadd.s32 $0xFFFFC400  }
0xc2: {  	[spmem:s20] =	stream.linear.scatter [tilespmem:s5], [sflag:$0x5], $0x3C00, $0x38;
	[tilespmem:$0x1D880] =	vst v63  }
0xc3: {  	_ =	swait.ge [sflag:s6], $0x3C00  }
0xc4: {  	[sflag:s6] =	ssyncset.done $0x0  }
0xc5: {  	[sflag:s6] =	ssyncadd.s32 $0xFFFFC400  }
0xc6: {  	[spmem:s21] =	stream.linear.scatter [tilespmem:s5], [sflag:$0x5], $0x3C00, $0x38;
	[tilespmem:$0x1D880] =	vst v63  }
0xc7: {  	_ =	swait.ge [sflag:s6], $0x3C00  }
0xc8: {  	[sflag:s6] =	ssyncset.done $0x0  }
0xc9: {  	[sflag:s6] =	ssyncadd.s32 $0xFFFFC400  }
0xca: {  	[spmem:s22] =	stream.linear.scatter [tilespmem:s5], [sflag:$0x5], $0x3C00, $0x38;
	[tilespmem:$0x1D880] =	vst v63  }
0xcb: {  	_ =	swait.ge [sflag:s6], $0x3C00  }
0xcc: {  	[sflag:s6] =	ssyncset.done $0x0  }
0xcd: {  	s4 =	simm.s32 @p1 $0x2000;
	[sflag:s6] =	ssyncadd.s32 $0xFFFFC400  }
0xce: {  	[spmem:s31] =	stream.linear.scatter @p1 [tilespmem:s4], [sflag:$0x5], $0x1400, $0x38;
	[tilespmem:$0x1D880] =	vst v63  }
0xcf: {  	s4 =	simm.s32 @p1 $0x5  }
0xd0: {  	_ =	swait.ge @p1 [sflag:s4], $0x1400  }
0xd1: {  	[sflag:s4] =	ssyncset.done @p1 $0x0  }
0xd2: {  	s23 =	rddreg [dreg:$0x14];
	[sflag:s4] =	ssyncadd.s32 @p1 $0xFFFFEC00;
	s4 =	simm.s32 @!p1 $0x2000  }
0xd3: {  	[spmem:s23] =	stream.linear.scatter @!p1 [tilespmem:s4], [sflag:$0x5], $0xC00, $0x38;
	[tilespmem:$0x1D880] =	vst v63  }
0xd4: {  	s4 =	simm.s32 @!p1 $0x5  }
0xd5: {  	_ =	swait.ge @!p1 [sflag:s4], $0xC00  }
0xd6: {  	[sflag:s4] =	ssyncset.done @!p1 $0x0  }
0xd7: {  	[sflag:s4] =	ssyncadd.s32 @!p1 $0xFFFFF400  }
0xd8: {  	s4 =	simm.s32 $0x0;
	[bflag:$0x0] =	sbarrier.arrive $0xFFFF  }
.LBB2_4:
0xd9: {  	s23 =	sshll.u32 s4, $0xC  }
0xda: {  	s23 =	sadd.s32 s0, s23  }
0xdb: {  	s23 =	sshrl.u32 s23, $0x3  }
0xdc: {  	s29 =	sadd.s32 s17, s23  }
0xdd: {  	[tilespmem:s3], [sflag:$0x5] =	stream.linear.gather [hbm4b:s29+s3], $0x1000, $0x38;
	[tilespmem:$0x1D880] =	vst v63  }
0xde: {  	_ =	swait.ge [sflag:s6], $0x1000  }
0xdf: {  	[sflag:s6] =	ssyncset.done $0x0  }
0xe0: {  	s23 =	sadd.s32 s24, s23;
	[sflag:s6] =	ssyncadd.s32 $0xFFFFF000  }
0xe1: {  	[tilespmem:s7], [sflag:$0x5] =	stream.linear.gather [hbm4b:s23+s3], $0x1000, $0x38;
	[tilespmem:$0x1D880] =	vst v63  }
0xe2: {  	_ =	swait.ge [sflag:s6], $0x1000  }
0xe3: {  	[sflag:s6] =	ssyncset.done $0x0  }
0xe4: {  	[sflag:s6] =	ssyncadd.s32 $0xFFFFF000  }
0xe5: {  	[tilespmem:s5], [sflag:$0x1] =	stream.indirect.gather [hbm4b:s1+s8], $0x80, s3, s8, $0xb8;
	[tilespmem:$0x1D880] =	vst v63  }
0xe6: {  	_ = 	snop  }
0xe7: {  	[tilespmem:s10], [sflag:$0x2] =	stream.indirect.gather [hbm4b:s1+s8], $0x80, s9, s8, $0xb8;
	[tilespmem:$0x1D880] =	vst v63  }
0xe8: {  	_ =	swait.ge [sflag:s11], $0x3E80  }
0xe9: {  	[sflag:s11] =	ssyncset.done $0x0  }
0xea: {  	[sflag:s11] =	ssyncadd.s32 $0xFFFFC180  }
0xeb: {  	[spmem:s2] =	stream.indirect.scatter.add.f32 [tilespmem:s5], [sflag:$0x3], $0x80, s7, s8, $0xb8;
	[tilespmem:$0x1D880] =	vst v63  }
0xec: {  	_ =	swait.ge [sflag:s12], $0x3E80  }
0xed: {  	[sflag:s12] =	ssyncset.done $0x0  }
0xee: {  	s30 =	simm.s32 $0x100;
	[sflag:s12] =	ssyncadd.s32 $0xFFFFC180  }
0xef: {  	[tilespmem:s5], [sflag:$0x1] =	stream.indirect.gather [hbm4b:s1+s8], $0x80, s30, s8, $0xb8;
	[tilespmem:$0x1D880] =	vst v63  }
0xf0: {  	_ =	swait.ge [sflag:s13], $0x3E80  }
0xf1: {  	[sflag:s13] =	ssyncset.done $0x0  }
0xf2: {  	s30 =	simm.s32 $0x1080;
	[sflag:s13] =	ssyncadd.s32 $0xFFFFC180  }
0xf3: {  	[spmem:s2] =	stream.indirect.scatter.add.f32 [tilespmem:s10], [sflag:$0x4], $0x80, s30, s8, $0xb8;
	[tilespmem:$0x1D880] =	vst v63  }
0xf4: {  	_ =	swait.ge [sflag:s14], $0x3E80  }
0xf5: {  	[sflag:s14] =	ssyncset.done $0x0  }
0xf6: {  	s30 =	simm.s32 $0x180;
	[sflag:s14] =	ssyncadd.s32 $0xFFFFC180  }
0xf7: {  	[tilespmem:s10], [sflag:$0x2] =	stream.indirect.gather [hbm4b:s1+s8], $0x80, s30, s8, $0xb8;
	[tilespmem:$0x1D880] =	vst v63  }
0xf8: {  	_ =	swait.ge [sflag:s11], $0x3E80  }
0xf9: {  	[sflag:s11] =	ssyncset.done $0x0  }
0xfa: {  	s29 =	simm.s32 $0x1100;
	s23 =	simm.s32 $0xFFFFC800;
	[sflag:s11] =	ssyncadd.s32 $0xFFFFC180  }
.LBB2_5:
0xfb: {  	[spmem:s2] =	stream.indirect.scatter.add.f32 [tilespmem:s5], [sflag:$0x3], $0x80, s29, s8, $0xb8;
	[tilespmem:$0x1D880] =	vst v63  }
0xfc: {  	s29 =	smov.u32 s23  }
0xfd: {  	p2 =	sne.s32 s23, $0xFFFFFC00;
	s23 =	sadd.s32 $0x400, s23;
	_ =	swait.ge [sflag:s12], $0x3E80  }
0xfe: {  	s29 =	sshra.s32 s29, $0x2;
	[sflag:s12] =	ssyncset.done $0x0  }
0xff: {  	s30 =	sadd.s32 $0x1000, s29;
	[sflag:s12] =	ssyncadd.s32 $0xFFFFC180  }
0x100: {  	[tilespmem:s5], [sflag:$0x1] =	stream.indirect.gather [hbm4b:s1+s8], $0x80, s30, s8, $0xb8;
	[tilespmem:$0x1D880] =	vst v63  }
0x101: {  	_ =	swait.ge [sflag:s13], $0x3E80  }
0x102: {  	[sflag:s13] =	ssyncset.done $0x0  }
0x103: {  	s30 =	sadd.s32 $0x1F80, s29;
	[sflag:s13] =	ssyncadd.s32 $0xFFFFC180  }
0x104: {  	[spmem:s2] =	stream.indirect.scatter.add.f32 [tilespmem:s10], [sflag:$0x4], $0x80, s30, s8, $0xb8;
	[tilespmem:$0x1D880] =	vst v63  }
0x105: {  	_ =	swait.ge [sflag:s14], $0x3E80  }
0x106: {  	[sflag:s14] =	ssyncset.done $0x0  }
.Ltmp8:
0x107: {  	s30 =	sadd.s32 $0x1080, s29;
	[sflag:s14] =	ssyncadd.s32 $0xFFFFC180;
	(pc) =	sbr.rel @p2 .LBB2_5-.Ltmp8, $4  }
0x108: {  	[tilespmem:s10], [sflag:$0x2] =	stream.indirect.gather [hbm4b:s1+s8], $0x80, s30, s8, $0xb8;
	[tilespmem:$0x1D880] =	vst v63  }
0x109: {  	_ =	swait.ge [sflag:s11], $0x3E80  }
0x10a: {  	[sflag:s11] =	ssyncset.done $0x0  }
0x10b: {  	s29 =	sadd.s32 $0x2000, s29;
	[sflag:s11] =	ssyncadd.s32 $0xFFFFC180  }
0x10c: {  	[spmem:s2] =	stream.indirect.scatter.add.f32 [tilespmem:s5], [sflag:$0x3], $0x80, s29, s8, $0xb8;
	[tilespmem:$0x1D880] =	vst v63  }
0x10d: {  	_ =	swait.ge [sflag:s13], $0x3E80  }
0x10e: {  	[sflag:s13] =	ssyncset.done $0x0  }
0x10f: {  	s4 =	sadd.s32 $0x1, s4;
	[sflag:s13] =	ssyncadd.s32 $0xFFFFC180  }
0x110: {  	[spmem:s2] =	stream.indirect.scatter.add.f32 [tilespmem:s10], [sflag:$0x4], $0x80, s15, s8, $0xb8;
	[tilespmem:$0x1D880] =	vst v63  }
0x111: {  	p2 =	sne.s32 s4, $0x5;
	_ =	swait.ge [sflag:s12], $0x3E80  }
.Ltmp9:
0x112: {  	[sflag:s12] =	ssyncset.done $0x0;
	(pc) =	sbr.rel @p2 .LBB2_4-.Ltmp9, $4  }
0x113: {  	[sflag:s12] =	ssyncadd.s32 $0xFFFFC180  }
0x114: {  	_ =	swait.ge [sflag:s14], $0x3E80  }
0x115: {  	[sflag:s14] =	ssyncset.done $0x0  }
0x116: {  	[sflag:s14] =	ssyncadd.s32 $0xFFFFC180  }
0x117: {  	s4 =	stileid.u32  }
0x118: {  	[bflag:$0x0] =	sbarrier.arrive $0xFFFF;
	s4 =	sshll.u32 s4, $0x6  }
0x119: {  	s23 =	sshrl.u32 s18, $0x3;
	s29 =	rddreg [dreg:$0x4];
	s4 =	sor.u32 $0x1C05, s4  }
0x11a: {  	[hbm:s29], [sflag:s4] =	dma.local [spmem:s23], $0x780  }
0x11b: {  	_ =	swait.ge [sflag:s6], $0x780  }
0x11c: {  	[sflag:s6] =	ssyncset.done $0x0  }
0x11d: {  	s23 =	sshrl.u32 s19, $0x3;
	s30 =	rddreg [dreg:$0x5];
	[sflag:s6] =	ssyncadd.s32 $0xFFFFF880  }
0x11e: {  	[hbm:s30], [sflag:s4] =	dma.local [spmem:s23], $0x780  }
0x11f: {  	_ =	swait.ge [sflag:s6], $0x780  }
0x120: {  	[sflag:s6] =	ssyncset.done $0x0  }
0x121: {  	s23 =	sshrl.u32 s20, $0x3;
	s30 =	rddreg [dreg:$0x6];
	[sflag:s6] =	ssyncadd.s32 $0xFFFFF880  }
0x122: {  	[hbm:s30], [sflag:s4] =	dma.local [spmem:s23], $0x780  }
0x123: {  	_ =	swait.ge [sflag:s6], $0x780  }
0x124: {  	[sflag:s6] =	ssyncset.done $0x0  }
0x125: {  	s23 =	sshrl.u32 s21, $0x3;
	s30 =	rddreg [dreg:$0x7];
	[sflag:s6] =	ssyncadd.s32 $0xFFFFF880  }
0x126: {  	[hbm:s30], [sflag:s4] =	dma.local [spmem:s23], $0x780  }
0x127: {  	_ =	swait.ge [sflag:s6], $0x780  }
0x128: {  	[sflag:s6] =	ssyncset.done $0x0  }
0x129: {  	s23 =	sshrl.u32 s22, $0x3;
	s30 =	rddreg [dreg:$0x8];
	[sflag:s6] =	ssyncadd.s32 $0xFFFFF880  }
0x12a: {  	[hbm:s30], [sflag:s4] =	dma.local [spmem:s23], $0x780  }
0x12b: {  	_ =	swait.ge [sflag:s6], $0x780  }
0x12c: {  	[sflag:s6] =	ssyncset.done $0x0  }
0x12d: {  	s23 =	rddreg [dreg:$0x11];
	[sflag:s6] =	ssyncadd.s32 $0xFFFFF880  }
0x12e: {  	[hbm:s23], [sflag:s4] =	dma.local @p1 [spmem:s28], $0x280  }
0x12f: {  	s23 =	simm.s32 @p1 $0x5  }
0x130: {  	_ =	swait.ge @p1 [sflag:s23], $0x280  }
0x131: {  	[sflag:s23] =	ssyncset.done @p1 $0x0  }
0x132: {  	[sflag:s23] =	ssyncadd.s32 @p1 $0xFFFFFD80;
	s23 =	rddreg [dreg:$0x9]  }
0x133: {  	[hbm:s23], [sflag:s4] =	dma.local @!p1 [spmem:s26], $0x180  }
.Ltmp10:
0x134: {  	_ = 	snop;
	(pc) =	sbr.rel .LBB2_14-.Ltmp10, $4  }
0x135: {  	s4 =	simm.s32 @!p1 $0x5  }
0x136: {  	_ =	swait.ge @!p1 [sflag:s4], $0x180  }
0x137: {  	[sflag:s4] =	ssyncset.done @!p1 $0x0  }
0x138: {  	[sflag:s4] =	ssyncadd.s32 @!p1 $0xFFFFFE80  }
.LBB2_15:
0x139: {  	_ =	sfence.sel $0x180000  }
0x13a: {  	[bflag:$0x0] =	sbarrier.arrive $0xFFFF  }
0x13b: {  	_ =	strace $0x9000004D  }
0x13c: {  	s0 =	stileid.u32;
	[bflag:$0x2] =	sbarrier.arrive $0xFFFF  }
0x13d: {  	p0 =	sne.s32 s0, $0x0;
	s0 =	rddreg [dreg:$0x3]  }
0x13e: {  	s0 =	sadd.s32 @!p0 $0x100000, s0  }
0x13f: {  	[sflag:s0] =	ssyncadd.tile.s32 @!p0 $0x1;
	_ =	shalt  }
.Lfunc_end2:
_tile_overlayer_lowered:
.L_overlay_start_2:
0x140: {  	(tag) =	ssettag $0x2  }
0x141: {  	s0 =	rddreg [dreg:$0x0];
	s2 =	stileid.u32  }
0x142: {  	s1 =	rddreg [dreg:$0x1];
	p0 =	sne.s32 s2, $0x0  }
0x143: {  	s3 =	rddreg [dreg:$0x2];
	[bflag:$0x3] =	sbarrier.arrive $0xFFFF;
	s2 =	simm.s32 @!p0 $0x1C05  }
0x144: {  	[timem:s3], [sflag:s2] =	dma.local @!p0 [hbm:s0], s1  }
0x145: {  	s0 =	simm.s32 @!p0 $0x5  }
0x146: {  	_ =	swait.ge @!p0 [sflag:s0], s1  }
0x147: {  	s1 =	ssub.s32 @!p0 $0x0, s1;
	[sflag:s0] =	ssyncset.done @!p0 $0x0  }
0x148: {  	[sflag:s0] =	ssyncadd.s32 @!p0 s1  }
0x149: {  	[bflag:$0x3] =	sbarrier.arrive $0xFFFF  }
0x14a: {  	_ =	shalt  }

// kernel: kernel.9.cloned.1.call-start
scs
__scs_entry_jumppad:
0x0: {  	(pc) =	sbr.rel $0x88, $3  }
0x1: {  	(tag) =	ssettag $0x0;
	lr =	simm.s32 $0x1  }
0x2: {  	[smem:$0x3F98] =	sst lr;
	_ =	strace $0xD0000000  }
0x3: {  	_ = 	snop  }
0x4: {  	_ = 	snop  }
0x5: {  	_ = 	snop  }
0x6: {  	_ = 	snop  }
0x7: {  	_ = 	snop  }
__scs_overlays_trampoline_lowered:
0x8: {  	[smem:$0x3FA7] =	sst s0  }
0x9: {  	[smem:$0x3FA8] =	sst s1  }
0xa: {  	[smem:$0x3FA9] =	sst s2  }
0xb: {  	[smem:$0x3FAA] =	sst s3  }
0xc: {  	[smem:$0x3FAB] =	sst s4  }
0xd: {  	[smem:$0x3FAC] =	sst s5  }
0xe: {  	[smem:$0x3FAD] =	sst s6  }
0xf: {  	[smem:$0x3FAE] =	sst s7  }
0x10: {  	[smem:$0x3FAF] =	sst s8  }
0x11: {  	[smem:$0x3FB0] =	sst s9;
	s0 =	simm.s32 @!p0 $0x0  }
0x12: {  	s1 =	sld [smem:$0x3F96];
	s0 =	simm.s32 @p0 $0x1  }
0x13: {  	[smem:$0x3FB1] =	sst s0;
	s0 =	simm.s32 @!p1 $0x0  }
0x14: {  	s2 =	sld [smem:$0x3F95];
	s0 =	simm.s32 @p1 $0x1  }
0x15: {  	[smem:$0x3FB2] =	sst s0;
	s0 =	simm.s32 @!p2 $0x0  }
0x16: {  	s3 =	sld [smem:$0x3FDB];
	s0 =	simm.s32 @p2 $0x1  }
0x17: {  	s4 =	simm.s32 $0x1BF5;
	[smem:$0x3FB4] =	sst s0  }
0x18: {  	s0 =	sld [smem:$0x3F97];
	_ =	swait.ge [sflag:s4], $0x0  }
0x19: {  	s7 =	sld [smem:$0x3F98]  }
0x1a: {  	s8 =	sadd.s32 $0xFFFFE003, lr  }
0x1b: {  	s9 =	sadd.s32 $0xFFFFFEF7, lr;
	s5 =	simm.s32 $0xFFFFFFFF;
	p2 =	slt.u32 s8, $0xFFFFF086  }
0x1c: {  	p1 =	slt.u32 s9, $0xF7A;
	s5 =	simm.s32 @!p2 $0x0  }
0x1d: {  	s5 =	simm.s32 @p1 $0x1;
	p0 =	seq.s32 s7, s2  }
0x1e: {  	s7 =	smul.u32 @!p0 $0xF7A, s2;
	p2 =	seq.s32 @!p0 s5, $0x0  }
0x1f: {  	s9 =	smul.u32 $0xF7A, s1;
	s8 =	simm.s32 @!p0 $0x1BF5;
	p2 =	por !p2, p0  }
0x20: {  	[sflag:s8] =	ssyncset.s32 @!p0 $0xFFFFF086;
	s6 =	sadd.s32 @!p0 s3, s7;
	s7 =	simm.s32 @!p0 $0x108  }
0x21: {  	s3 =	sadd.s32 s3, s9;
	s6 =	sadd.s32 @!p0 $0x88, s6;
	s7 =	simm.s32 @p2 $0x1082  }
0x22: {  	[simem:s7], [sflag:s8] =	dma.local @!p0 [hbm:s6], $0xF7A  }
0x23: {  	s9 =	sor.u32 $0xD0000000, s2;
	s6 =	simm.s32 $0x108;
	_ =	swait.ge @!p0 [sflag:s8], $0x0  }
0x24: {  	s3 =	sadd.s32 $0x88, s3;
	s6 =	simm.s32 @!p1 $0x1082;
	[sflag:s4] =	ssyncset.s32 $0xFFFFF086  }
0x25: {  	[simem:s6], [sflag:s4] =	dma.local [hbm:s3], $0xF7A  }
0x26: {  	[smem:$0x3F98] =	sst s1;
	(tag) =	ssettag s2;
	_ =	strace s9  }
0x27: {  	s1 =	sld [smem:$0x3FA8]  }
0x28: {  	s2 =	sld [smem:$0x3FA9]  }
0x29: {  	s4 =	sld [smem:$0x3FAB]  }
0x2a: {  	p0 =	seq.s32 s5, $0x0;
	s5 =	sld [smem:$0x3FAC]  }
0x2b: {  	s6 =	sld [smem:$0x3FAD]  }
0x2c: {  	s7 =	sld [smem:$0x3FAE]  }
0x2d: {  	s3 =	simm.s32 $0x108;
	s8 =	sld [smem:$0x3FAF]  }
0x2e: {  	s3 =	simm.s32 @!p0 $0x1082;
	s9 =	sld [smem:$0x3FB0]  }
0x2f: {  	lr =	sadd.s32 s0, s3;
	s0 =	sld [smem:$0x3FA7]  }
0x30: {  	s3 =	sld [smem:$0x3FAA]  }
0x31: {  	[smem:$0x3FB3] =	sst s10  }
0x32: {  	s10 =	sld [smem:$0x3FB1];
	_ =	sdelay $0x3  }
0x33: {  	p0 =	seq.s32 s10, $0x1;
	s10 =	sld [smem:$0x3FB3];
	_ =	sdelay $0x3  }
0x34: {  	[smem:$0x3FB3] =	sst s10  }
0x35: {  	s10 =	sld [smem:$0x3FB2];
	_ =	sdelay $0x3  }
0x36: {  	p1 =	seq.s32 s10, $0x1;
	s10 =	sld [smem:$0x3FB3];
	_ =	sdelay $0x3  }
0x37: {  	[smem:$0x3FB3] =	sst s10  }
0x38: {  	s10 =	sld [smem:$0x3FB4]  }
0x39: {  	_ = 	snop;
	(pc) =	sbr.ind lr, $3  }
0x3a: {  	_ = 	snop  }
0x3b: {  	_ = 	snop  }
0x3c: {  	p2 =	seq.s32 s10, $0x1;
	s10 =	sld [smem:$0x3FB3]  }
0x3d: {  	_ =	shalt  }
0x3e: {  	_ =	shalt  }
0x3f: {  	_ =	shalt  }
0x40: {  	_ =	shalt  }
0x41: {  	_ =	shalt  }
0x42: {  	_ =	shalt  }
0x43: {  	_ =	shalt  }
0x44: {  	_ =	shalt  }
0x45: {  	_ =	shalt  }
0x46: {  	_ =	shalt  }
0x47: {  	_ =	shalt  }
0x48: {  	_ =	shalt  }
0x49: {  	_ =	shalt  }
0x4a: {  	_ =	shalt  }
0x4b: {  	_ =	shalt  }
0x4c: {  	_ =	shalt  }
0x4d: {  	_ =	shalt  }
0x4e: {  	_ =	shalt  }
0x4f: {  	_ =	shalt  }
0x50: {  	_ =	shalt  }
0x51: {  	_ =	shalt  }
0x52: {  	_ =	shalt  }
0x53: {  	_ =	shalt  }
0x54: {  	_ =	shalt  }
0x55: {  	_ =	shalt  }
0x56: {  	_ =	shalt  }
0x57: {  	_ =	shalt  }
0x58: {  	_ =	shalt  }
0x59: {  	_ =	shalt  }
0x5a: {  	_ =	shalt  }
0x5b: {  	_ =	shalt  }
0x5c: {  	_ =	shalt  }
0x5d: {  	_ =	shalt  }
0x5e: {  	_ =	shalt  }
0x5f: {  	_ =	shalt  }
0x60: {  	_ =	shalt  }
0x61: {  	_ =	shalt  }
0x62: {  	_ =	shalt  }
0x63: {  	_ =	shalt  }
0x64: {  	_ =	shalt  }
0x65: {  	_ =	shalt  }
0x66: {  	_ =	shalt  }
0x67: {  	_ =	shalt  }
0x68: {  	_ =	shalt  }
0x69: {  	_ =	shalt  }
0x6a: {  	_ =	shalt  }
0x6b: {  	_ =	shalt  }
0x6c: {  	_ =	shalt  }
0x6d: {  	_ =	shalt  }
0x6e: {  	_ =	shalt  }
0x6f: {  	_ =	shalt  }
0x70: {  	_ =	shalt  }
0x71: {  	_ =	shalt  }
0x72: {  	_ =	shalt  }
0x73: {  	_ =	shalt  }
0x74: {  	_ =	shalt  }
0x75: {  	_ =	shalt  }
0x76: {  	_ =	shalt  }
0x77: {  	_ =	shalt  }
0x78: {  	_ =	shalt  }
0x79: {  	_ =	shalt  }
0x7a: {  	_ =	shalt  }
0x7b: {  	_ =	shalt  }
0x7c: {  	_ =	shalt  }
0x7d: {  	_ =	shalt  }
0x7e: {  	_ =	shalt  }
0x7f: {  	_ =	shalt  }
0x80: {  	_ =	shalt  }
0x81: {  	_ =	shalt  }
0x82: {  	_ =	shalt  }
0x83: {  	_ =	shalt  }
0x84: {  	_ =	shalt  }
0x85: {  	_ =	shalt  }
0x86: {  	_ =	shalt  }
0x87: {  	_ =	shalt  }
.Lfunc_end0:
.L_simem_size_0:
called_computation_lowered:
.L_overlay_start_0:
0x88: {  	s2 =	sld [smem:$0x3FD9]  }
0x89: {  	s3 =	sld [smem:$0x3FFE];
	_ =	sdelay $0x1  }
0x8a: {  	s1 =	srdreg.scid  }
0x8b: {  	s0 =	sand.u32 $0x1, s1  }
0x8c: {  	s16 =	sshll.u32 s0, $0xA;
	s2 =	sadd.s32 s3, s2  }
0x8d: {  	s2 =	sadd.s32 s2, s16  }
0x8e: {  	[smem:$0x3FBF] =	sst s2  }
0x8f: {  	_ = 	snop  }
0x90: {  	(tm) =	ssettm $0x1  }
0x91: {  	s17 =	sld [smem:$0x3FFB];
	_ =	sdelay $0x3  }
0x92: {  	_ =	strace s17  }
0x93: {  	s2 =	sld [smem:$0x3FFC];
	_ =	sdelay $0x3  }
0x94: {  	_ =	strace s2  }
0x95: {  	s2 =	sld [smem:$0x3FFD];
	_ =	sdelay $0x3  }
0x96: {  	_ =	strace s2  }
0x97: {  	_ =	strace $0x8FFFFFFF  }
0x98: {  	s18 =	sld [smem:$0x3FDB];
	_ =	sdelay $0x1  }
0x99: {  	s19 =	simm.s32 $_scs_section_size  }
0x9a: {  	s4 =	simm.s32 $_size__tile_overlayer_lowered;
	s5 =	simm.s32 $_tile_overlayer_lowered  }
0x9b: {  	s22 =	simm.s32 $0x1BFF;
	s21 =	sshll.u32 s5, $0x1;
	s2 =	sadd.s32 s19, s18  }
0x9c: {  	s6 =	simm.s32 $0x0;
	s20 =	sshll.u32 s4, $0x1;
	s4 =	sadd.s32 s21, s2  }
0x9d: {  	[timem:s6], [sflag:s22] =	dma.local [hbm:s4], s20  }
0x9e: {  	_ =	swait.ge [sflag:s22], s20  }
0x9f: {  	s3 =	ssub.s32 $0x0, s20;
	[sflag:s22] =	ssyncset.done $0x0  }
0xa0: {  	[sflag:s22] =	ssyncadd.s32 s3;
	_ =	sdelay $0x1  }
0xa1: {  	s23 =	simm.s32 $0x1B8B  }
0xa2: {  	_ =	swait.ge [sflag:s23], $0x1  }
0xa3: {  	[sflag:s23] =	ssyncset.done $0x0  }
0xa4: {  	s25 =	simm.s32 $0x1B8E;
	s24 =	sld [smem:$0x3FFE];
	[sflag:s23] =	ssyncadd.s32 $0xFFFFFFFF  }
0xa5: {  	s26 =	simm.s32 $execute0_lowered;
	[smem:$0x3FD2] =	sst s25  }
0xa6: {  	s4 =	sshll.u32 s26, $0x1;
	_ =	strace $0x80000046;
	[dreg:$0x1] =	wrdreg $0xFFFFFFFF  }
0xa7: {  	s28 =	simm.s32 $_size_execute0_lowered;
	s2 =	sadd.s32 s2, s4;
	[dreg:$0x0] =	wrdreg $0x0  }
0xa8: {  	s4 =	sshll.u32 s28, $0x1;
	[dreg:$0x2] =	wrdreg s2  }
0xa9: {  	[dreg:$0x3] =	wrdreg s4  }
0xaa: {  	[dreg:$0x4] =	wrdreg $0xC0  }
0xab: {  	_ =	task [dreg:s6], $0x5FFFF  }
0xac: {  	[dreg:$0x1] =	wrdreg $0xFFFFFFFF  }
0xad: {  	[dreg:$0x0] =	wrdreg $0x60  }
0xae: {  	[dreg:$0x2] =	wrdreg s24  }
0xaf: {  	[dreg:$0x3] =	wrdreg $0x90000  }
0xb0: {  	[dreg:$0x4] =	wrdreg $0x9  }
0xb1: {  	_ =	task.clear_ibuf [dreg:s6], $0x5FFFF;
	_ =	strace $0x90000046  }
0xb2: {  	s29 =	simm.s32 $0x9;
	_ =	strace $0x80000048  }
0xb3: {  	_ =	swait.ge [sflag:s29], $0x1  }
0xb4: {  	[sflag:s29] =	ssyncadd.s32 $0xFFFFFFFF  }
0xb5: {  	_ =	strace $0x90000048  }
0xb6: {  	_ =	sfence  }
0xb7: {  	s30 =	sld [smem:$0x0];
	_ =	sdelay $0x2  }
0xb8: {  	s31 =	sshll.u32 s1, $0xD;
	s1 =	sshrl.u32 s1, $0x2  }
0xb9: {  	s3 =	sand.u32 $0x4000, s31;
	s1 =	sadd.s32 s1, s30  }
0xba: {  	s0 =	sor.u32 s3, s0;
	s1 =	sshll.u32 s1, $0x11  }
0xbb: {  	s0 =	sor.u32 s1, s0  }
0xbc: {  	s0 =	sadd.s32 $0x8F2B, s0  }
0xbd: {  	[sflag:s0] =	ssyncadd.remote.s32 $0x1  }
0xbe: {  	_ =	sfence.sel $0xFFFF  }
0xbf: {  	[dreg:$0x0] =	wrdreg $0xFFFFFFFF;
	(pc) =	sbr.abs _section_cstart, $3  }
0xc0: {  	[dreg:$0x1] =	wrdreg $0xFFFFFFFF  }
0xc1: {  	_ =	task.clear_ibuf [dreg:s6], $0x2FFFF;
	_ =	strace $0x9FFFFFFF  }
0xc2: {  	(tm) =	ssettm $0x7FFFFFFF  }
0xc3: {  	_ =	shalt  }
tec
execute0_lowered:
.L_overlay_start_1:
0x0: {  	(tag) =	ssettag $0x1  }
0x1: {  	s18 =	rddreg [dreg:$0x0]  }
0x2: {  	s2 =	rddreg [dreg:$0x1];
	s1 =	stileid.u32  }
0x3: {  	s0 =	rddreg [dreg:$0x2];
	s3 =	simm.s32 $0x0;
	s5 =	smul.u32 $0xA00, s1  }
0x4: {  	s4 =	srdreg.scid;
	s23 =	simm.s32 $0x7D;
	s15 =	smul.u32 $0x270, s1  }
0x5: {  	[smem:$0x7FF] =	sst s3;
	s21 =	sand.u32 $0x1, s4;
	s7 =	smul.u32 $0x4E000, s1  }
0x6: {  	s17 =	sadd.s32 $0xE000, s18;
	s13 =	smul.u32 $0x2700, s1;
	s11 =	sadd.s32 $0x137400, s2  }
0x7: {  	p0 =	seq.s32 s1, $0xF;
	_ =	strace $0x80000047;
	s4 =	ssub.s32 $0x2, s21  }
0x8: {  	p1 =	sne.s32 s21, $0x0;
	s21 =	simm.s32 $0x3;
	s5 =	sadd.s32 s5, s18  }
0x9: {  	s6 =	sshrl.u32 s4, $0x1;
	s12 =	sadd.s32 $0x78, s15;
	s24 =	sshrl.u32 s7, $0x2  }
0xa: {  	s14 =	sadd.s32 $0xF0, s15;
	s16 =	sadd.s32 $0x168, s15;
	s20 =	sadd.s32 $0x1E0, s15  }
0xb: {  	s28 =	sadd.s32 $0x258, s15;
	s18 =	sadd.s32 $0x34E80, s18;
	p3 =	seq.s32 @!p1 s1, $0xF  }
0xc: {  	s19 =	ssub.s32 s4, s6;
	s4 =	sadd.s32 $0x4000, s5;
	s25 =	sshll.u32 s12, $0x7  }
0xd: {  	s5 =	sadd.s32 s24, s2;
	s26 =	sshll.u32 s14, $0x7;
	s8 =	sshll.u32 s16, $0x7  }
0xe: {  	s9 =	sshll.u32 s20, $0x7;
	s22 =	sshll.u32 s12, $0x4;
	s12 =	sadd.s32 s17, s13  }
0xf: {  	s14 =	sshll.u32 s14, $0x4;
	s16 =	sshll.u32 s16, $0x4;
	s29 =	sshll.u32 s20, $0x4  }
0x10: {  	s30 =	sshll.u32 s28, $0x7;
	s31 =	sshll.u32 s28, $0x4;
	s20 =	simm.s32 $0x5000  }
0x11: {  	s24 =	simm.s32 $0x2;
	p2 =	por p3, p1;
	p3 =	por !p3, p1  }
0x12: {  	s6 =	sadd.s32 s25, s2;
	s7 =	sadd.s32 s26, s2;
	s8 =	sadd.s32 s8, s2  }
0x13: {  	s9 =	sadd.s32 s9, s2;
	s10 =	sadd.s32 $0x12C00, s5;
	s13 =	sadd.s32 s17, s22  }
0x14: {  	s14 =	sadd.s32 s17, s14;
	s15 =	sadd.s32 s17, s16;
	s16 =	sadd.s32 s17, s29  }
0x15: {  	s25 =	sadd.s32 s30, s2;
	s17 =	sadd.s32 s17, s31;
	s19 =	smax.u32 s19, $0x1  }
0x16: {  	v0 =	vimm.f32 $0.0e+00;
	v1 =	vimm.f32 $1.000000000e+00;
	s22 =	simm.s32 $0x1;
	s26 =	simm.s32 $0x0;
	s25 =	sshrl.u32 @!p2 s25, $0x3  }
.LBB2_1:
0x17: {  	[tilespmem:s3], [sflag:$0x1] =	stream.linear.gather [hbm4b:s4+s3], $0x5000, $0x38;
	[tilespmem:$0xB710] =	vst v63  }
0x18: {  	s28 =	simm.s32 $0x200;
	s29 =	simm.s32 $0x0  }
.LBB2_2:
0x19: {  	p4 =	sne.s32 s28, $0xF800;
	[tilespmem:s29+$0x5000] =	vst v0;
	s29 =	smov.u32 s28;
	s28 =	sadd.s32 $0x200, s28  }
.Ltmp0:
0x1a: {  	(pc) =	sbr.rel @p4 .LBB2_2-.Ltmp0, $2  }
0x1b: {  	_ =	sdelay $0x2  }
0x1c: {  	s29 =	sshra.s32 s29, $0x2  }
0x1d: {  	[tilespmem:s29+$0x5000] =	vst v0  }
0x1e: {  	[spmem:s5] =	stream.linear.scatter [tilespmem:s20], [sflag:$0x3], $0x3C00, $0x38;
	[tilespmem:$0xB710] =	vst v63  }
0x1f: {  	_ =	swait.ge [sflag:s21], $0x3C00  }
0x20: {  	[sflag:s21] =	ssyncset.done $0x0  }
0x21: {  	[sflag:s21] =	ssyncadd.s32 $0xFFFFC400  }
0x22: {  	[spmem:s6] =	stream.linear.scatter [tilespmem:s20], [sflag:$0x3], $0x3C00, $0x38;
	[tilespmem:$0xB710] =	vst v63  }
0x23: {  	_ =	swait.ge [sflag:s21], $0x3C00  }
0x24: {  	[sflag:s21] =	ssyncset.done $0x0  }
0x25: {  	[sflag:s21] =	ssyncadd.s32 $0xFFFFC400  }
0x26: {  	[spmem:s7] =	stream.linear.scatter [tilespmem:s20], [sflag:$0x3], $0x3C00, $0x38;
	[tilespmem:$0xB710] =	vst v63  }
0x27: {  	_ =	swait.ge [sflag:s21], $0x3C00  }
0x28: {  	[sflag:s21] =	ssyncset.done $0x0  }
0x29: {  	[sflag:s21] =	ssyncadd.s32 $0xFFFFC400  }
0x2a: {  	[spmem:s8] =	stream.linear.scatter [tilespmem:s20], [sflag:$0x3], $0x3C00, $0x38;
	[tilespmem:$0xB710] =	vst v63  }
0x2b: {  	_ =	swait.ge [sflag:s21], $0x3C00  }
0x2c: {  	[sflag:s21] =	ssyncset.done $0x0  }
0x2d: {  	[sflag:s21] =	ssyncadd.s32 $0xFFFFC400  }
0x2e: {  	[spmem:s9] =	stream.linear.scatter [tilespmem:s20], [sflag:$0x3], $0x3C00, $0x38;
	[tilespmem:$0xB710] =	vst v63  }
0x2f: {  	_ =	swait.ge [sflag:s21], $0x3C00  }
0x30: {  	[sflag:s21] =	ssyncset.done $0x0  }
0x31: {  	s28 =	simm.s32 @p0 $0x5000;
	[sflag:s21] =	ssyncadd.s32 $0xFFFFC400  }
0x32: {  	[spmem:s11] =	stream.linear.scatter @p0 [tilespmem:s28], [sflag:$0x3], $0x1400, $0x38;
	[tilespmem:$0xB710] =	vst v63  }
0x33: {  	s28 =	simm.s32 @p0 $0x3  }
0x34: {  	_ =	swait.ge @p0 [sflag:s28], $0x1400  }
0x35: {  	[sflag:s28] =	ssyncset.done @p0 $0x0  }
0x36: {  	[sflag:s28] =	ssyncadd.s32 @p0 $0xFFFFEC00;
	s28 =	simm.s32 @!p0 $0x5000  }
0x37: {  	[spmem:s10] =	stream.linear.scatter @!p0 [tilespmem:s28], [sflag:$0x3], $0xC00, $0x38;
	[tilespmem:$0xB710] =	vst v63  }
0x38: {  	s28 =	simm.s32 @!p0 $0x3  }
0x39: {  	_ =	swait.ge @!p0 [sflag:s28], $0xC00  }
0x3a: {  	[sflag:s28] =	ssyncset.done @!p0 $0x0  }
0x3b: {  	s29 =	simm.s32 $0x0;
	[sflag:s28] =	ssyncadd.s32 @!p0 $0xFFFFF400;
	s28 =	simm.s32 $0x200  }
.LBB2_4:
0x3c: {  	p4 =	sne.s32 s28, $0xF800;
	[tilespmem:s29+$0x5000] =	vst v1;
	s29 =	smov.u32 s28;
	s28 =	sadd.s32 $0x200, s28  }
.Ltmp1:
0x3d: {  	(pc) =	sbr.rel @p4 .LBB2_4-.Ltmp1, $2  }
0x3e: {  	_ =	sdelay $0x2  }
0x3f: {  	s29 =	sshra.s32 s29, $0x2  }
0x40: {  	[tilespmem:s29+$0x5000] =	vst v1  }
0x41: {  	_ =	swait.ge [sflag:s22], $0x5000  }
0x42: {  	[sflag:s22] =	ssyncset.done $0x0  }
0x43: {  	[sflag:s22] =	ssyncadd.s32 $0xFFFFB000  }
0x44: {  	s28 =	simm.s32 $0x0;
	[bflag:$0x0] =	sbarrier.arrive $0xFFFF  }
0x45: {  	[spmem:s2] =	stream.indirect.scatter.add.f32 [tilespmem:s20], [sflag:$0x2], $0x10, s28, s23, $0xb8;
	[tilespmem:$0xB710] =	vst v63  }
0x46: {  	s28 =	simm.s32 $0x80  }
0x47: {  	[spmem:s2] =	stream.indirect.scatter.add.f32 [tilespmem:s20], [sflag:$0x2], $0x10, s28, s23, $0xb8;
	[tilespmem:$0xB710] =	vst v63  }
0x48: {  	s28 =	simm.s32 $0x100  }
0x49: {  	[spmem:s2] =	stream.indirect.scatter.add.f32 [tilespmem:s20], [sflag:$0x2], $0x10, s28, s23, $0xb8;
	[tilespmem:$0xB710] =	vst v63  }
0x4a: {  	s28 =	simm.s32 $0x180  }
0x4b: {  	[spmem:s2] =	stream.indirect.scatter.add.f32 [tilespmem:s20], [sflag:$0x2], $0x10, s28, s23, $0xb8;
	[tilespmem:$0xB710] =	vst v63  }
0x4c: {  	s28 =	simm.s32 $0x200  }
0x4d: {  	[spmem:s2] =	stream.indirect.scatter.add.f32 [tilespmem:s20], [sflag:$0x2], $0x10, s28, s23, $0xb8;
	[tilespmem:$0xB710] =	vst v63  }
0x4e: {  	s28 =	simm.s32 $0x280  }
0x4f: {  	[spmem:s2] =	stream.indirect.scatter.add.f32 [tilespmem:s20], [sflag:$0x2], $0x10, s28, s23, $0xb8;
	[tilespmem:$0xB710] =	vst v63  }
0x50: {  	s28 =	simm.s32 $0x300  }
0x51: {  	[spmem:s2] =	stream.indirect.scatter.add.f32 [tilespmem:s20], [sflag:$0x2], $0x10, s28, s23, $0xb8;
	[tilespmem:$0xB710] =	vst v63  }
0x52: {  	s28 =	simm.s32 $0x380  }
0x53: {  	[spmem:s2] =	stream.indirect.scatter.add.f32 [tilespmem:s20], [sflag:$0x2], $0x10, s28, s23, $0xb8;
	[tilespmem:$0xB710] =	vst v63  }
0x54: {  	_ =	swait.ge [sflag:s24], $0x7D0  }
0x55: {  	[sflag:s24] =	ssyncset.done $0x0  }
0x56: {  	[sflag:s24] =	ssyncadd.s32 $0xFFFFF830  }
0x57: {  	_ =	swait.ge [sflag:s24], $0x7D0  }
0x58: {  	[sflag:s24] =	ssyncset.done $0x0  }
0x59: {  	[sflag:s24] =	ssyncadd.s32 $0xFFFFF830  }
0x5a: {  	_ =	swait.ge [sflag:s24], $0x7D0  }
0x5b: {  	[sflag:s24] =	ssyncset.done $0x0  }
0x5c: {  	[sflag:s24] =	ssyncadd.s32 $0xFFFFF830  }
0x5d: {  	_ =	swait.ge [sflag:s24], $0x7D0  }
0x5e: {  	[sflag:s24] =	ssyncset.done $0x0  }
0x5f: {  	[sflag:s24] =	ssyncadd.s32 $0xFFFFF830  }
0x60: {  	_ =	swait.ge [sflag:s24], $0x7D0  }
0x61: {  	[sflag:s24] =	ssyncset.done $0x0  }
0x62: {  	[sflag:s24] =	ssyncadd.s32 $0xFFFFF830  }
0x63: {  	_ =	swait.ge [sflag:s24], $0x7D0  }
0x64: {  	[sflag:s24] =	ssyncset.done $0x0  }
0x65: {  	[sflag:s24] =	ssyncadd.s32 $0xFFFFF830  }
0x66: {  	_ =	swait.ge [sflag:s24], $0x7D0  }
0x67: {  	[sflag:s24] =	ssyncset.done $0x0  }
0x68: {  	[sflag:s24] =	ssyncadd.s32 $0xFFFFF830  }
0x69: {  	_ =	swait.ge [sflag:s24], $0x7D0  }
0x6a: {  	s30 =	simm.s32 $0x2000;
	s28 =	simm.s32 $0x1000;
	[sflag:s24] =	ssyncset.done $0x0  }
.LBB2_6:
0x6b: {  	s31 =	sshra.s32 s28, $0x2  }
0x6c: {  	[sflag:s24] =	ssyncadd.s32 $0xFFFFF830;
	s28 =	smov.u32 s30;
	s29 =	sadd.s32 $0x1000, s30  }
0x6d: {  	[spmem:s2] =	stream.indirect.scatter.add.f32 [tilespmem:s20], [sflag:$0x2], $0x10, s31, s23, $0xb8;
	[tilespmem:$0xB710] =	vst v63  }
0x6e: {  	p4 =	sne.s32 s30, $0x13000;
	s30 =	sadd.s32 $0x80, s31  }
0x6f: {  	[spmem:s2] =	stream.indirect.scatter.add.f32 [tilespmem:s20], [sflag:$0x2], $0x10, s30, s23, $0xb8;
	[tilespmem:$0xB710] =	vst v63  }
0x70: {  	s30 =	sadd.s32 $0x100, s31  }
0x71: {  	[spmem:s2] =	stream.indirect.scatter.add.f32 [tilespmem:s20], [sflag:$0x2], $0x10, s30, s23, $0xb8;
	[tilespmem:$0xB710] =	vst v63  }
0x72: {  	s30 =	sadd.s32 $0x180, s31  }
0x73: {  	[spmem:s2] =	stream.indirect.scatter.add.f32 [tilespmem:s20], [sflag:$0x2], $0x10, s30, s23, $0xb8;
	[tilespmem:$0xB710] =	vst v63  }
0x74: {  	s30 =	sadd.s32 $0x200, s31  }
0x75: {  	[spmem:s2] =	stream.indirect.scatter.add.f32 [tilespmem:s20], [sflag:$0x2], $0x10, s30, s23, $0xb8;
	[tilespmem:$0xB710] =	vst v63  }
0x76: {  	s30 =	sadd.s32 $0x280, s31  }
0x77: {  	[spmem:s2] =	stream.indirect.scatter.add.f32 [tilespmem:s20], [sflag:$0x2], $0x10, s30, s23, $0xb8;
	[tilespmem:$0xB710] =	vst v63  }
0x78: {  	s30 =	sadd.s32 $0x300, s31  }
0x79: {  	[spmem:s2] =	stream.indirect.scatter.add.f32 [tilespmem:s20], [sflag:$0x2], $0x10, s30, s23, $0xb8;
	[tilespmem:$0xB710] =	vst v63  }
0x7a: {  	s30 =	sadd.s32 $0x380, s31  }
0x7b: {  	[spmem:s2] =	stream.indirect.scatter.add.f32 [tilespmem:s20], [sflag:$0x2], $0x10, s30, s23, $0xb8;
	[tilespmem:$0xB710] =	vst v63  }
0x7c: {  	_ =	swait.ge [sflag:s24], $0x7D0  }
0x7d: {  	[sflag:s24] =	ssyncset.done $0x0  }
0x7e: {  	[sflag:s24] =	ssyncadd.s32 $0xFFFFF830  }
0x7f: {  	_ =	swait.ge [sflag:s24], $0x7D0  }
0x80: {  	[sflag:s24] =	ssyncset.done $0x0  }
0x81: {  	[sflag:s24] =	ssyncadd.s32 $0xFFFFF830  }
0x82: {  	_ =	swait.ge [sflag:s24], $0x7D0  }
0x83: {  	[sflag:s24] =	ssyncset.done $0x0  }
0x84: {  	[sflag:s24] =	ssyncadd.s32 $0xFFFFF830  }
0x85: {  	_ =	swait.ge [sflag:s24], $0x7D0  }
0x86: {  	[sflag:s24] =	ssyncset.done $0x0  }
0x87: {  	[sflag:s24] =	ssyncadd.s32 $0xFFFFF830  }
0x88: {  	_ =	swait.ge [sflag:s24], $0x7D0  }
0x89: {  	[sflag:s24] =	ssyncset.done $0x0  }
0x8a: {  	[sflag:s24] =	ssyncadd.s32 $0xFFFFF830  }
0x8b: {  	_ =	swait.ge [sflag:s24], $0x7D0  }
0x8c: {  	[sflag:s24] =	ssyncset.done $0x0  }
0x8d: {  	[sflag:s24] =	ssyncadd.s32 $0xFFFFF830  }
.Ltmp2:
0x8e: {  	_ =	swait.ge [sflag:s24], $0x7D0;
	(pc) =	sbr.rel @p4 .LBB2_6-.Ltmp2, $4  }
0x8f: {  	[sflag:s24] =	ssyncset.done $0x0  }
0x90: {  	[sflag:s24] =	ssyncadd.s32 $0xFFFFF830  }
0x91: {  	_ =	swait.ge [sflag:s24], $0x7D0  }
0x92: {  	s30 =	smov.u32 s29;
	[sflag:s24] =	ssyncset.done $0x0  }
0x93: {  	s28 =	sshra.s32 s28, $0x2;
	[sflag:s24] =	ssyncadd.s32 $0xFFFFF830  }
0x94: {  	[spmem:s2] =	stream.indirect.scatter.add.f32 [tilespmem:s20], [sflag:$0x2], $0x10, s28, s23, $0xb8;
	[tilespmem:$0xB710] =	vst v63  }
0x95: {  	s29 =	sadd.s32 $0x80, s28  }
0x96: {  	[spmem:s2] =	stream.indirect.scatter.add.f32 [tilespmem:s20], [sflag:$0x2], $0x10, s29, s23, $0xb8;
	[tilespmem:$0xB710] =	vst v63  }
0x97: {  	s31 =	sadd.s32 $0x100, s28  }
0x98: {  	[spmem:s2] =	stream.indirect.scatter.add.f32 [tilespmem:s20], [sflag:$0x2], $0x10, s31, s23, $0xb8;
	[tilespmem:$0xB710] =	vst v63  }
0x99: {  	s30 =	sadd.s32 $0x180, s28  }
0x9a: {  	[spmem:s2] =	stream.indirect.scatter.add.f32 [tilespmem:s20], [sflag:$0x2], $0x10, s30, s23, $0xb8;
	[tilespmem:$0xB710] =	vst v63  }
0x9b: {  	s31 =	sadd.s32 $0x200, s28  }
0x9c: {  	[spmem:s2] =	stream.indirect.scatter.add.f32 [tilespmem:s20], [sflag:$0x2], $0x10, s31, s23, $0xb8;
	[tilespmem:$0xB710] =	vst v63  }
0x9d: {  	s30 =	sadd.s32 $0x280, s28  }
0x9e: {  	[spmem:s2] =	stream.indirect.scatter.add.f32 [tilespmem:s20], [sflag:$0x2], $0x10, s30, s23, $0xb8;
	[tilespmem:$0xB710] =	vst v63  }
0x9f: {  	s31 =	sadd.s32 $0x300, s28  }
0xa0: {  	[spmem:s2] =	stream.indirect.scatter.add.f32 [tilespmem:s20], [sflag:$0x2], $0x10, s31, s23, $0xb8;
	[tilespmem:$0xB710] =	vst v63  }
0xa1: {  	s28 =	sadd.s32 $0x380, s28  }
0xa2: {  	[spmem:s2] =	stream.indirect.scatter.add.f32 [tilespmem:s20], [sflag:$0x2], $0x10, s28, s23, $0xb8;
	[tilespmem:$0xB710] =	vst v63  }
0xa3: {  	_ =	swait.ge [sflag:s24], $0x7D0  }
0xa4: {  	[sflag:s24] =	ssyncset.done $0x0  }
0xa5: {  	[sflag:s24] =	ssyncadd.s32 $0xFFFFF830  }
0xa6: {  	_ =	swait.ge [sflag:s24], $0x7D0  }
0xa7: {  	[sflag:s24] =	ssyncset.done $0x0  }
0xa8: {  	[sflag:s24] =	ssyncadd.s32 $0xFFFFF830  }
0xa9: {  	_ =	swait.ge [sflag:s24], $0x7D0  }
0xaa: {  	[sflag:s24] =	ssyncset.done $0x0  }
0xab: {  	[sflag:s24] =	ssyncadd.s32 $0xFFFFF830  }
0xac: {  	_ =	swait.ge [sflag:s24], $0x7D0  }
0xad: {  	[sflag:s24] =	ssyncset.done $0x0  }
0xae: {  	[sflag:s24] =	ssyncadd.s32 $0xFFFFF830  }
0xaf: {  	_ =	swait.ge [sflag:s24], $0x7D0  }
0xb0: {  	[sflag:s24] =	ssyncset.done $0x0  }
0xb1: {  	[sflag:s24] =	ssyncadd.s32 $0xFFFFF830  }
0xb2: {  	_ =	swait.ge [sflag:s24], $0x7D0  }
0xb3: {  	[sflag:s24] =	ssyncset.done $0x0  }
0xb4: {  	[sflag:s24] =	ssyncadd.s32 $0xFFFFF830  }
0xb5: {  	_ =	swait.ge [sflag:s24], $0x7D0  }
0xb6: {  	[sflag:s24] =	ssyncset.done $0x0  }
0xb7: {  	[sflag:s24] =	ssyncadd.s32 $0xFFFFF830  }
0xb8: {  	_ =	swait.ge [sflag:s24], $0x7D0  }
0xb9: {  	[sflag:s24] =	ssyncset.done $0x0  }
0xba: {  	s28 =	sshll.u32 @!p1 s1, $0x6;
	[sflag:s24] =	ssyncadd.s32 $0xFFFFF830  }
0xbb: {  	s29 =	sshrl.u32 @!p1 s5, $0x3;
	s28 =	sor.u32 @!p1 $0x1C03, s28;
	[bflag:$0x0] =	sbarrier.arrive $0xFFFF  }
0xbc: {  	[hbm:s12], [sflag:s28] =	dma.local @!p1 [spmem:s29], $0x780  }
0xbd: {  	s29 =	simm.s32 @!p1 $0x3  }
0xbe: {  	_ =	swait.ge @!p1 [sflag:s29], $0x780  }
0xbf: {  	[sflag:s29] =	ssyncset.done @!p1 $0x0  }
0xc0: {  	s30 =	sshrl.u32 @!p1 s6, $0x3;
	[sflag:s29] =	ssyncadd.s32 @!p1 $0xFFFFF880  }
0xc1: {  	[hbm:s13], [sflag:s28] =	dma.local @!p1 [spmem:s30], $0x780  }
0xc2: {  	_ =	swait.ge @!p1 [sflag:s29], $0x780  }
0xc3: {  	[sflag:s29] =	ssyncset.done @!p1 $0x0  }
0xc4: {  	s30 =	sshrl.u32 @!p1 s7, $0x3;
	[sflag:s29] =	ssyncadd.s32 @!p1 $0xFFFFF880  }
0xc5: {  	[hbm:s14], [sflag:s28] =	dma.local @!p1 [spmem:s30], $0x780  }
0xc6: {  	_ =	swait.ge @!p1 [sflag:s29], $0x780  }
0xc7: {  	[sflag:s29] =	ssyncset.done @!p1 $0x0  }
0xc8: {  	s30 =	sshrl.u32 @!p1 s8, $0x3;
	[sflag:s29] =	ssyncadd.s32 @!p1 $0xFFFFF880  }
0xc9: {  	[hbm:s15], [sflag:s28] =	dma.local @!p1 [spmem:s30], $0x780  }
0xca: {  	_ =	swait.ge @!p1 [sflag:s29], $0x780  }
0xcb: {  	[sflag:s29] =	ssyncset.done @!p1 $0x0  }
0xcc: {  	s30 =	sshrl.u32 @!p1 s9, $0x3;
	[sflag:s29] =	ssyncadd.s32 @!p1 $0xFFFFF880  }
0xcd: {  	[hbm:s16], [sflag:s28] =	dma.local @!p1 [spmem:s30], $0x780  }
0xce: {  	_ =	swait.ge @!p1 [sflag:s29], $0x780  }
0xcf: {  	[sflag:s29] =	ssyncset.done @!p1 $0x0  }
0xd0: {  	[sflag:s29] =	ssyncadd.s32 @!p1 $0xFFFFF880;
	s29 =	sshrl.u32 @!p3 s11, $0x3  }
0xd1: {  	[hbm:s18], [sflag:s28] =	dma.local @!p3 [spmem:s29], $0x280  }
0xd2: {  	s29 =	simm.s32 @!p3 $0x3  }
0xd3: {  	_ =	swait.ge @!p3 [sflag:s29], $0x280  }
0xd4: {  	s26 =	sadd.s32 $0x1, s26;
	[sflag:s29] =	ssyncset.done @!p3 $0x0  }
0xd5: {  	p4 =	sne.s32 s26, s19;
	[sflag:s29] =	ssyncadd.s32 @!p3 $0xFFFFFD80  }
0xd6: {  	[hbm:s17], [sflag:s28] =	dma.local @!p2 [spmem:s25], $0x180  }
.Ltmp3:
0xd7: {  	_ = 	snop;
	(pc) =	sbr.rel @p4 .LBB2_1-.Ltmp3, $4  }
0xd8: {  	s28 =	simm.s32 @!p2 $0x3  }
0xd9: {  	_ =	swait.ge @!p2 [sflag:s28], $0x180  }
0xda: {  	[sflag:s28] =	ssyncset.done @!p2 $0x0  }
0xdb: {  	[sflag:s28] =	ssyncadd.s32 @!p2 $0xFFFFFE80  }
0xdc: {  	_ =	sfence.sel $0x180000  }
0xdd: {  	[bflag:$0x0] =	sbarrier.arrive $0xFFFF  }
0xde: {  	p0 =	sne.s32 s1, $0x0;
	_ =	strace $0x90000047  }
0xdf: {  	s0 =	sadd.s32 @!p0 $0x100000, s0;
	[bflag:$0x2] =	sbarrier.arrive $0xFFFF  }
0xe0: {  	[sflag:s0] =	ssyncadd.tile.s32 @!p0 $0x1;
	_ =	shalt  }
.Lfunc_end2:
_tile_overlayer_lowered:
.L_overlay_start_2:
0xe1: {  	(tag) =	ssettag $0x2  }
0xe2: {  	s0 =	rddreg [dreg:$0x0];
	s2 =	stileid.u32  }
0xe3: {  	s1 =	rddreg [dreg:$0x1];
	p0 =	sne.s32 s2, $0x0  }
0xe4: {  	s3 =	rddreg [dreg:$0x2];
	[bflag:$0x3] =	sbarrier.arrive $0xFFFF;
	s2 =	simm.s32 @!p0 $0x1C03  }
0xe5: {  	[timem:s3], [sflag:s2] =	dma.local @!p0 [hbm:s0], s1  }
0xe6: {  	s0 =	simm.s32 @!p0 $0x3  }
0xe7: {  	_ =	swait.ge @!p0 [sflag:s0], s1  }
0xe8: {  	s1 =	ssub.s32 @!p0 $0x0, s1;
	[sflag:s0] =	ssyncset.done @!p0 $0x0  }
0xe9: {  	[sflag:s0] =	ssyncadd.s32 @!p0 s1  }
0xea: {  	[bflag:$0x3] =	sbarrier.arrive $0xFFFF  }
0xeb: {  	_ =	shalt  }

</sc_bundles>
